<compile_context>
chip_gen: v7x
topology: tpu7x:2x2x1
jax: 0.10.2.dev20260603
libtpu: 0.0.44.dev20260713+nightly
codegen_flags: <defaults>
</compile_context>

<pallas_src>
import functools

import jax
import jax.numpy as jnp
from jax import lax
from jax.experimental import pallas as pl
from jax.experimental.pallas import tpu as pltpu
import jax.experimental.pallas.tpu_sc as plsc

_N = 50000
_E = 800000
_S = 500
_G = 50
_D = 64
_H = 32

_NP = 51200
_TRASH = _NP
_SPROWS = _NP + 16
_ZROWS = _NP // 16

_CHUNK = 128
_GRP = 3
_GEDGE = _GRP * _CHUNK
_GPT = 132
_EPAD = 16 * _GPT * _GEDGE
_ECHUNKROWS = _EPAD // _CHUNK

_CW = 8
_GPT0 = _EPAD // (32 * _GEDGE)

_PBLK = 64
_PPT = _NP // 32


def _sigmoid(x):
    return 1.0 / (1.0 + jnp.exp(-x))


def _elu(x):
    return jnp.where(x > 0, x, jnp.exp(jnp.minimum(x, 0.0)) - 1.0)



_TBLK = 2048
_TGRID = _NP // _TBLK


def _gru0_body(acca_ref, accb_ref, z_ref, e_ref, wm00, wm01, *refs):
    ws = [r[...] for r in refs[:12]]
    w0, w1 = refs[12], refs[13]
    x_out, ma_out, mb_out = refs[14], refs[15], refs[16]
    acc = acca_ref[...] + accb_ref[...]
    cnt = acc[:, 0:1]
    sz = acc[:, 1:2]
    e = e_ref[...]
    dot = functools.partial(jnp.dot, preferred_element_type=jnp.float32)
    m0v = dot(e, wm00[...])
    m1v = dot(e, wm01[...])
    a = (cnt - sz) * m0v + sz * m1v
    h = jnp.broadcast_to(e, a.shape)
    x = _gru_core(a, h, ws)
    x_out[...] = x
    m0 = dot(x, w0[...])
    m1 = dot(x, w1[...])
    m = jnp.where(z_ref[...] == 1, m1, m0)
    ma_out[...] = m[:, 0:_H]
    mb_out[...] = m[:, _H:_D]


def _gru0_call(acca, accb, z_p, node_emb, wm00, wm01, ws, w0, w1):
    return pl.pallas_call(
        _gru0_body,
        grid=(_TGRID,),
        in_specs=[
            pl.BlockSpec((_TBLK, _CW), _ROW),
            pl.BlockSpec((_TBLK, _CW), _ROW),
            pl.BlockSpec((_TBLK, 1), _ROW),
            pl.BlockSpec((1, _D), _FIX),
            pl.BlockSpec((_D, _D), _FIX),
            pl.BlockSpec((_D, _D), _FIX),
            *_WSPECS,
            pl.BlockSpec((_D, _D), _FIX),
            pl.BlockSpec((_D, _D), _FIX),
        ],
        out_specs=[
            pl.BlockSpec((_TBLK, _D), _ROW),
            pl.BlockSpec((_TBLK, _H), _ROW),
            pl.BlockSpec((_TBLK, _H), _ROW),
        ],
        out_shape=[jax.ShapeDtypeStruct((_NP, _D), jnp.float32),
                   jax.ShapeDtypeStruct((_NP, _H), jnp.float32),
                   jax.ShapeDtypeStruct((_NP, _H), jnp.float32)],
    )(acca, accb, z_p, node_emb, wm00, wm01, *ws, w0, w1)


def _gru_core(a, h, ws):
    wir, wiz, win, whr, whz, whn, bir, biz, bin_, bhr, bhz, bhn = ws
    dot = functools.partial(jnp.dot, preferred_element_type=jnp.float32)
    r = _sigmoid(dot(a, wir) + bir + dot(h, whr) + bhr)
    zg = _sigmoid(dot(a, wiz) + biz + dot(h, whz) + bhz)
    n = jnp.tanh(dot(a, win) + bin_ + r * (dot(h, whn) + bhn))
    return (1.0 - zg) * n + zg * h


def _gru_core2(aa, ab, h, ws):
    (wira, wirb, wiza, wizb, wina, winb,
     whr, whz, whn, bir, biz, bin_, bhr, bhz, bhn) = ws
    dot = functools.partial(jnp.dot, preferred_element_type=jnp.float32)
    r = _sigmoid(dot(aa, wira) + dot(ab, wirb) + bir + dot(h, whr) + bhr)
    zg = _sigmoid(dot(aa, wiza) + dot(ab, wizb) + biz + dot(h, whz) + bhz)
    n = jnp.tanh(dot(aa, wina) + dot(ab, winb) + bin_
                 + r * (dot(h, whn) + bhn))
    return (1.0 - zg) * n + zg * h


def _gru_msg_body(agga_ref, aggb_ref, x_ref, z_ref, *refs):
    ws = [r[...] for r in refs[:15]]
    w0, w1 = refs[15], refs[16]
    x_out, ma_out, mb_out = refs[17], refs[18], refs[19]
    x = _gru_core2(agga_ref[...], aggb_ref[...], x_ref[...], ws)
    x_out[...] = x
    dot = functools.partial(jnp.dot, preferred_element_type=jnp.float32)
    m0 = dot(x, w0[...])
    m1 = dot(x, w1[...])
    m = jnp.where(z_ref[...] == 1, m1, m0)
    ma_out[...] = m[:, 0:_H]
    mb_out[...] = m[:, _H:_D]


def _gru_final_body(agga_ref, aggb_ref, x_ref, *refs):
    ws = [r[...] for r in refs[:15]]
    x_out = refs[15]
    x_out[...] = _gru_core2(agga_ref[...], aggb_ref[...], x_ref[...], ws)


def _split_gru_weights(W_ih_l, W_hh_l, b_ih_l, b_hh_l, split_rows=False):
    out = []
    for k in range(3):
        w = W_ih_l[:, k * _D:(k + 1) * _D]
        if split_rows:
            out += [w[0:_H], w[_H:_D]]
        else:
            out += [w]
    out += [W_hh_l[:, k * _D:(k + 1) * _D] for k in range(3)]
    for b in (b_ih_l, b_hh_l):
        out += [b[0:_D].reshape(1, _D), b[_D:2 * _D].reshape(1, _D),
                b[2 * _D:3 * _D].reshape(1, _D)]
    return out


_ROW = lambda i: (i, 0)
_FIX = lambda i: (0, 0)
_WSPECS = ([pl.BlockSpec((_D, _D), _FIX)] * 6
           + [pl.BlockSpec((1, _D), _FIX)] * 6)
_WSPECS2 = ([pl.BlockSpec((_H, _D), _FIX)] * 6
            + [pl.BlockSpec((_D, _D), _FIX)] * 3
            + [pl.BlockSpec((1, _D), _FIX)] * 6)


def _gru_msg_call(agga, aggb, x, z_p, ws, w0, w1):
    return pl.pallas_call(
        _gru_msg_body,
        grid=(_TGRID,),
        in_specs=[
            pl.BlockSpec((_TBLK, _H), _ROW),
            pl.BlockSpec((_TBLK, _H), _ROW),
            pl.BlockSpec((_TBLK, _D), _ROW),
            pl.BlockSpec((_TBLK, 1), _ROW),
            *_WSPECS2,
            pl.BlockSpec((_D, _D), _FIX),
            pl.BlockSpec((_D, _D), _FIX),
        ],
        out_specs=[
            pl.BlockSpec((_TBLK, _D), _ROW),
            pl.BlockSpec((_TBLK, _H), _ROW),
            pl.BlockSpec((_TBLK, _H), _ROW),
        ],
        out_shape=[jax.ShapeDtypeStruct((_NP, _D), jnp.float32),
                   jax.ShapeDtypeStruct((_NP, _H), jnp.float32),
                   jax.ShapeDtypeStruct((_NP, _H), jnp.float32)],
    )(agga, aggb, x, z_p, *ws, w0, w1)


def _gru_final_call(agga, aggb, x, ws):
    return pl.pallas_call(
        _gru_final_body,
        grid=(_TGRID,),
        in_specs=[
            pl.BlockSpec((_TBLK, _H), _ROW),
            pl.BlockSpec((_TBLK, _H), _ROW),
            pl.BlockSpec((_TBLK, _D), _ROW),
            *_WSPECS2,
        ],
        out_specs=pl.BlockSpec((_TBLK, _D), _ROW),
        out_shape=jax.ShapeDtypeStruct((_NP, _D), jnp.float32),
    )(agga, aggb, x, *ws)


def _mlp_body(pool_ref, w1, b1, w2, b2, w3, b3, out_ref):
    p = pool_ref[...]
    x = p[0:64, :] + p[64:128, :]
    dot = functools.partial(jnp.dot, preferred_element_type=jnp.float32)
    h = _elu(dot(x, w1[...]) + b1[...])
    h = _elu(dot(h, w2[...]) + b2[...])
    y = dot(h, w3[...]) + b3[...]
    out_ref[...] = y[0:_G, :]


def _mlp_call(pool2, fc1_w, fc1_b, fc2_w, fc2_b, fc3_w, fc3_b):
    return pl.pallas_call(
        _mlp_body,
        out_shape=jax.ShapeDtypeStruct((_G, 1), jnp.float32),
    )(pool2, fc1_w, fc1_b.reshape(1, 32), fc2_w, fc2_b.reshape(1, 16),
      fc3_w, fc3_b.reshape(1, 1))



def _agg_body(ma_hbm, mb_hbm, srcp_hbm, ldst_hbm, zeros_hbm,
              outa_hbm, outb_hbm,
              sidx0, sidx1, didx0, didx1, rows0, rows1, acc_sh,
              gsem0, gsem1, ssem0, ssem1):
    c = lax.axis_index("c")
    t = lax.axis_index("s")
    sidx = (sidx0, sidx1)
    didx = (didx0, didx1)
    rows = (rows0, rows1)
    gsem = (gsem0, gsem1)
    ssem = (ssem0, ssem1)

    pltpu.sync_copy(zeros_hbm, acc_sh.at[pl.ds(t * _ZROWS, _ZROWS)])

    @pl.when(t == 0)
    def _():
        pltpu.sync_copy(zeros_hbm.at[pl.ds(0, 16)], acc_sh.at[pl.ds(_NP, 16)])

    plsc.subcore_barrier()

    row0 = t * (_GPT * _GRP)

    def load_idx(g, b):
        e0 = (row0 + g * _GRP) * _CHUNK
        pltpu.sync_copy(srcp_hbm.at[pl.ds(e0, _GEDGE)], sidx[b])
        pltpu.sync_copy(ldst_hbm.at[pl.ds(e0, _GEDGE)], didx[b])

    def fire_gathers(b):
        @pl.when(c == 0)
        def _():
            pltpu.async_copy(ma_hbm.at[sidx[b]], rows[b], gsem[b])

        @pl.when(c == 1)
        def _():
            pltpu.async_copy(mb_hbm.at[sidx[b]], rows[b], gsem[b])

    def fire_scatters(b):
        pltpu.async_copy(rows[b], acc_sh.at[didx[b]], ssem[b], add=True)

    def drain(sem, b):
        pltpu.make_async_copy(ma_hbm.at[pl.ds(0, _GEDGE)], rows[b], sem).wait()

    load_idx(0, 0)
    fire_gathers(0)

    def pair_body(p, carry):
        for b in (0, 1):
            g = 2 * p + b
            drain(gsem[b], b)
            fire_scatters(b)

            @pl.when(g > 0)
            def _():
                drain(ssem[1 - b], 1 - b)

            @pl.when(g + 1 < _GPT)
            def _():
                load_idx(g + 1, 1 - b)
                fire_gathers(1 - b)
        return carry

    lax.fori_loop(0, _GPT // 2, pair_body, 0)
    drain(ssem[(_GPT - 1) % 2], (_GPT - 1) % 2)

    plsc.subcore_barrier()
    sl = pl.ds(t * _ZROWS, _ZROWS)

    @pl.when(c == 0)
    def _():
        pltpu.sync_copy(acc_sh.at[sl], outa_hbm.at[sl])

    @pl.when(c == 1)
    def _():
        pltpu.sync_copy(acc_sh.at[sl], outb_hbm.at[sl])


def _agg_call(ma, mb, srcp2, ldst2, zeros_agg):
    mesh = plsc.VectorSubcoreMesh(core_axis_name="c", subcore_axis_name="s")
    f = pl.kernel(
        _agg_body,
        out_type=[jax.ShapeDtypeStruct((_NP, _H), jnp.float32),
                  jax.ShapeDtypeStruct((_NP, _H), jnp.float32)],
        mesh=mesh,
        compiler_params=pltpu.CompilerParams(use_tc_tiling_on_sc=False),
        scratch_types=[
            pltpu.VMEM((_GEDGE,), jnp.int32),
            pltpu.VMEM((_GEDGE,), jnp.int32),
            pltpu.VMEM((_GEDGE,), jnp.int32),
            pltpu.VMEM((_GEDGE,), jnp.int32),
            pltpu.VMEM((_GEDGE, _H), jnp.float32),
            pltpu.VMEM((_GEDGE, _H), jnp.float32),
            pltpu.VMEM_SHARED((_SPROWS, _H), jnp.float32),
            pltpu.SemaphoreType.DMA,
            pltpu.SemaphoreType.DMA,
            pltpu.SemaphoreType.DMA,
            pltpu.SemaphoreType.DMA,
        ],
    )
    return f(ma, mb, srcp2, ldst2, zeros_agg)



def _cnt_body(zt_hbm, srcp_hbm, ldst_hbm, zeros_hbm, outa_hbm, outb_hbm,
              sidx0, sidx1, didx0, didx1, rows0, rows1, acc_sh,
              gsem0, gsem1, ssem0, ssem1):
    c = lax.axis_index("c")
    t = lax.axis_index("s")
    sidx = (sidx0, sidx1)
    didx = (didx0, didx1)
    rows = (rows0, rows1)
    gsem = (gsem0, gsem1)
    ssem = (ssem0, ssem1)

    pltpu.sync_copy(zeros_hbm, acc_sh.at[pl.ds(t * _ZROWS, _ZROWS)])

    @pl.when(t == 0)
    def _():
        pltpu.sync_copy(zeros_hbm.at[pl.ds(0, 16)], acc_sh.at[pl.ds(_NP, 16)])

    plsc.subcore_barrier()

    base0 = (c * 16 + t) * (_GPT0 * _GEDGE)

    def load_idx(g, b):
        e0 = base0 + g * _GEDGE
        pltpu.sync_copy(srcp_hbm.at[pl.ds(e0, _GEDGE)], sidx[b])
        pltpu.sync_copy(ldst_hbm.at[pl.ds(e0, _GEDGE)], didx[b])

    def fire_gathers(b):
        pltpu.async_copy(zt_hbm.at[sidx[b]], rows[b], gsem[b])

    def fire_scatters(b):
        pltpu.async_copy(rows[b], acc_sh.at[didx[b]], ssem[b], add=True)

    def drain(sem, b):
        pltpu.make_async_copy(zt_hbm.at[pl.ds(0, _GEDGE)], rows[b], sem).wait()

    load_idx(0, 0)
    fire_gathers(0)

    def pair_body(p, carry):
        for b in (0, 1):
            g = 2 * p + b
            drain(gsem[b], b)
            fire_scatters(b)

            @pl.when(g > 0)
            def _():
                drain(ssem[1 - b], 1 - b)

            @pl.when(g + 1 < _GPT0)
            def _():
                load_idx(g + 1, 1 - b)
                fire_gathers(1 - b)
        return carry

    lax.fori_loop(0, _GPT0 // 2, pair_body, 0)
    drain(ssem[(_GPT0 - 1) % 2], (_GPT0 - 1) % 2)

    plsc.subcore_barrier()
    sl = pl.ds(t * _ZROWS, _ZROWS)

    @pl.when(c == 0)
    def _():
        pltpu.sync_copy(acc_sh.at[sl], outa_hbm.at[sl])

    @pl.when(c == 1)
    def _():
        pltpu.sync_copy(acc_sh.at[sl], outb_hbm.at[sl])


def _cnt_call(zt, srcp2, ldst2, zeros_cnt):
    mesh = plsc.VectorSubcoreMesh(core_axis_name="c", subcore_axis_name="s")
    f = pl.kernel(
        _cnt_body,
        out_type=[jax.ShapeDtypeStruct((_NP, _CW), jnp.float32),
                  jax.ShapeDtypeStruct((_NP, _CW), jnp.float32)],
        mesh=mesh,
        compiler_params=pltpu.CompilerParams(use_tc_tiling_on_sc=False),
        scratch_types=[
            pltpu.VMEM((_GEDGE,), jnp.int32),
            pltpu.VMEM((_GEDGE,), jnp.int32),
            pltpu.VMEM((_GEDGE,), jnp.int32),
            pltpu.VMEM((_GEDGE,), jnp.int32),
            pltpu.VMEM((_GEDGE, _CW), jnp.float32),
            pltpu.VMEM((_GEDGE, _CW), jnp.float32),
            pltpu.VMEM_SHARED((_SPROWS, _CW), jnp.float32),
            pltpu.SemaphoreType.DMA,
            pltpu.SemaphoreType.DMA,
            pltpu.SemaphoreType.DMA,
            pltpu.SemaphoreType.DMA,
        ],
    )
    return f(zt, srcp2, ldst2, zeros_cnt)



def _pool_body(x_hbm, n2s_hbm, s2g_hbm, zeros_hbm, out_hbm,
               s2g_v, nidx_v, gidx_v, rows_v, acc_sh, sem):
    c = lax.axis_index("c")
    t = lax.axis_index("s")

    @pl.when(t == 0)
    def _():
        pltpu.sync_copy(zeros_hbm, acc_sh)

    pltpu.sync_copy(s2g_hbm, s2g_v)
    plsc.subcore_barrier()
    w = c * 16 + t
    base0 = w * _PPT

    def body(i, carry):
        base = base0 + i * _PBLK
        pltpu.sync_copy(x_hbm.at[pl.ds(base, _PBLK)], rows_v)
        pltpu.sync_copy(n2s_hbm.at[pl.ds(base, _PBLK)], nidx_v)
        for j in range(_PBLK // 16):
            sg = nidx_v[pl.ds(j * 16, 16)]
            gidx_v[pl.ds(j * 16, 16)] = plsc.load_gather(s2g_v, [sg])
        pltpu.sync_copy(rows_v, acc_sh.at[gidx_v], add=True)
        return carry

    lax.fori_loop(0, _PPT // _PBLK, body, 0)
    plsc.subcore_barrier()

    @pl.when(t == 0)
    def _():
        pltpu.sync_copy(acc_sh, out_hbm.at[pl.ds(c * 64, 64)])


def _pool_call(x5, n2s_p, s2g_p, zeros_pool):
    mesh = plsc.VectorSubcoreMesh(core_axis_name="c", subcore_axis_name="s")
    f = pl.kernel(
        _pool_body,
        out_type=jax.ShapeDtypeStruct((128, _D), jnp.float32),
        mesh=mesh,
        compiler_params=pltpu.CompilerParams(use_tc_tiling_on_sc=False,
                                             needs_layout_passes=False),
        scratch_types=[
            pltpu.VMEM((512,), jnp.int32),
            pltpu.VMEM((_PBLK,), jnp.int32),
            pltpu.VMEM((_PBLK,), jnp.int32),
            pltpu.VMEM((_PBLK, _D), jnp.float32),
            pltpu.VMEM_SHARED((64, _D), jnp.float32),
            pltpu.SemaphoreType.DMA,
        ],
    )
    return f(x5, n2s_p, s2g_p, zeros_pool)



def kernel(z, edge_index, node_to_subgraph, subgraph_to_graph, node_emb, Wm,
           W_ih, W_hh, b_ih, b_hh, fc1_w, fc1_b, fc2_w, fc2_b, fc3_w, fc3_b):
    L = Wm.shape[0]
    npad = _NP - _N
    z_p = jnp.concatenate(
        [z.astype(jnp.int32), jnp.zeros((npad,), jnp.int32)]).reshape(_NP, 1)
    n2s_p = jnp.concatenate(
        [node_to_subgraph.astype(jnp.int32), jnp.full((npad,), _S, jnp.int32)])
    s2g_p = jnp.concatenate(
        [subgraph_to_graph.astype(jnp.int32), jnp.full((12,), 63, jnp.int32)])
    zeros_agg = jnp.zeros((_ZROWS, _H), jnp.float32)
    zeros_cnt = jnp.zeros((_ZROWS, _CW), jnp.float32)
    zeros_pool = jnp.zeros((64, _D), jnp.float32)
    zt = jnp.concatenate(
        [jnp.ones((_NP, 1), jnp.float32), z_p.astype(jnp.float32),
         jnp.zeros((_NP, _CW - 2), jnp.float32)], axis=1)

    epad = _EPAD - _E
    srcp2 = jnp.concatenate(
        [edge_index[0].astype(jnp.int32), jnp.zeros((epad,), jnp.int32)])
    ldst2 = jnp.concatenate(
        [edge_index[1].astype(jnp.int32), jnp.full((epad,), _TRASH, jnp.int32)])

    acca, accb = _cnt_call(zt, srcp2, ldst2, zeros_cnt)
    ws0 = _split_gru_weights(W_ih[0], W_hh[0], b_ih[0], b_hh[0])
    x, ma, mb = _gru0_call(acca, accb, z_p, node_emb, Wm[0, 0], Wm[0, 1],
                           ws0, Wm[1, 0], Wm[1, 1])
    for l in range(1, L):
        agga, aggb = _agg_call(ma, mb, srcp2, ldst2, zeros_agg)
        ws = _split_gru_weights(W_ih[l], W_hh[l], b_ih[l], b_hh[l],
                                split_rows=True)
        if l + 1 < L:
            x, ma, mb = _gru_msg_call(agga, aggb, x, z_p, ws,
                                      Wm[l + 1, 0], Wm[l + 1, 1])
        else:
            x = _gru_final_call(agga, aggb, x, ws)

    pool2 = _pool_call(x, n2s_p, s2g_p, zeros_pool)
    return _mlp_call(pool2, fc1_w, fc1_b, fc2_w, fc2_b, fc3_w, fc3_b)

# --- scband reference (transcript-rebuilt; emitter-appended) ---
"""Pipeline reference for scband-idgnn-69028714381399 (READ-ONLY COPY).

The authoritative reference and input builder live on the scoring server;
editing this copy changes nothing except your own understanding.
"""

import jax, jax.numpy as jnp
import numpy as np

N = 50000
E = 800000
S = 500
G = 50
D = 64
L = 5


def setup_inputs(seed: int = 0) -> dict:
    key = jax.random.key(seed)
    ks = jax.random.split(key, 16)
    z = jax.random.randint(ks[0], (N,), 0, 2)
    edge_index = jax.random.randint(ks[1], (2, E), 0, N)
    node_to_subgraph = jnp.sort(jax.random.randint(ks[2], (N,), 0, S))
    subgraph_to_graph = jnp.sort(jax.random.randint(ks[3], (S,), 0, G))
    node_emb = jax.random.normal(ks[4], (1, D), dtype=jnp.float32) * 0.1
    Wm = jax.random.normal(ks[5], (L, 2, D, D), dtype=jnp.float32) * 0.05
    W_ih = jax.random.normal(ks[6], (L, D, 3 * D), dtype=jnp.float32) * 0.05
    W_hh = jax.random.normal(ks[7], (L, D, 3 * D), dtype=jnp.float32) * 0.05
    b_ih = jnp.zeros((L, 3 * D), dtype=jnp.float32)
    b_hh = jnp.zeros((L, 3 * D), dtype=jnp.float32)
    fc1_w = jax.random.normal(ks[8], (D, 32), dtype=jnp.float32) * 0.05
    fc1_b = jnp.zeros((32,), dtype=jnp.float32)
    fc2_w = jax.random.normal(ks[9], (32, 16), dtype=jnp.float32) * 0.05
    fc2_b = jnp.zeros((16,), dtype=jnp.float32)
    fc3_w = jax.random.normal(ks[10], (16, 1), dtype=jnp.float32) * 0.05
    fc3_b = jnp.zeros((1,), dtype=jnp.float32)
    return {"z": z, "edge_index": edge_index, "node_to_subgraph": node_to_subgraph,
            "subgraph_to_graph": subgraph_to_graph, "node_emb": node_emb, "Wm": Wm,
            "W_ih": W_ih, "W_hh": W_hh, "b_ih": b_ih, "b_hh": b_hh,
            "fc1_w": fc1_w, "fc1_b": fc1_b, "fc2_w": fc2_w, "fc2_b": fc2_b,
            "fc3_w": fc3_w, "fc3_b": fc3_b}


def _gru(m, h, wih, whh, bih, bhh):
    gi = m @ wih + bih
    gh = h @ whh + bhh
    i_r, i_z, i_n = jnp.split(gi, 3, axis=1)
    h_r, h_z, h_n = jnp.split(gh, 3, axis=1)
    r = jax.nn.sigmoid(i_r + h_r)
    zg = jax.nn.sigmoid(i_z + h_z)
    n = jnp.tanh(i_n + r * h_n)
    return (1.0 - zg) * n + zg * h


def reference(z, edge_index, node_to_subgraph, subgraph_to_graph, node_emb, Wm,
              W_ih, W_hh, b_ih, b_hh, fc1_w, fc1_b, fc2_w, fc2_b, fc3_w, fc3_b):
    # x = node_embedding(zeros_like(z))  -> every node gets row 0 of the table
    x = jnp.take(node_emb, jnp.zeros_like(z), axis=0)
    src = edge_index[0]
    dst = edge_index[1]
    zf = (z == 1)[:, None]
    for l in range(L):
        # hetero gated graph conv: message weight selected by identity label z
        m0 = x @ Wm[l, 0]
        m1 = x @ Wm[l, 1]
        m = jnp.where(zf, m1, m0)
        msgs = jnp.take(m, src, axis=0)
        agg = jax.ops.segment_sum(msgs, dst, num_segments=N)
        x = _gru(agg, x, W_ih[l], W_hh[l], b_ih[l], b_hh[l])
    # global_add_pool over subgraphs, then over graphs (y_ndim == 1)
    x = jax.ops.segment_sum(x, node_to_subgraph, num_segments=S)
    x = jax.ops.segment_sum(x, subgraph_to_graph, num_segments=G)
    x = jax.nn.elu(x @ fc1_w + fc1_b)
    x = jax.nn.elu(x @ fc2_w + fc2_b)
    x = x @ fc3_w + fc3_b
    return x

if __name__ == "__main__":
    import jax
    _d = setup_inputs()
    print(jax.jit(kernel)(*tuple(_d.values())))

</pallas_src>

<mosaic_0001>
#map = affine_map<(d0, d1) -> (0, 0)>
#map1 = affine_map<(d0, d1) -> (0)>
module attributes {stable_mosaic.version = 14 : i64} {
  func.func @_agg_body(%arg0: i32, %arg1: i32, %arg2: memref<51200x32xf32, #tpu.memory_space<hbm>>, %arg3: memref<51200x32xf32, #tpu.memory_space<hbm>>, %arg4: memref<811008xi32, #tpu.memory_space<hbm>>, %arg5: memref<811008xi32, #tpu.memory_space<hbm>>, %arg6: memref<3200x32xf32, #tpu.memory_space<hbm>>, %arg7: memref<51200x32xf32, #tpu.memory_space<hbm>>, %arg8: memref<51200x32xf32, #tpu.memory_space<hbm>>, %arg9: memref<384xi32, #tpu.memory_space<vmem>>, %arg10: memref<384xi32, #tpu.memory_space<vmem>>, %arg11: memref<384xi32, #tpu.memory_space<vmem>>, %arg12: memref<384xi32, #tpu.memory_space<vmem>>, %arg13: memref<384x32xf32, #tpu.memory_space<vmem>>, %arg14: memref<384x32xf32, #tpu.memory_space<vmem>>, %arg15: memref<51216x32xf32, #tpu.memory_space<vmem_shared>>, %arg16: memref<!tpu.dma_semaphore, #tpu.memory_space<semaphore_mem>>, %arg17: memref<!tpu.dma_semaphore, #tpu.memory_space<semaphore_mem>>, %arg18: memref<!tpu.dma_semaphore, #tpu.memory_space<semaphore_mem>>, %arg19: memref<!tpu.dma_semaphore, #tpu.memory_space<semaphore_mem>>) attributes {dimension_semantics = [#tpu.dimension_semantics<core_parallel>, #tpu.dimension_semantics<subcore_parallel>], iteration_bounds = array<i64: 2, 16>, scalar_prefetch = 0 : i64, scratch_operands = 11 : i64, tpu.core_type = #tpu.core_type<sc_vector_subcore>, window_params = [{transform_indices = #map}, {transform_indices = #map}, {transform_indices = #map1}, {transform_indices = #map1}, {transform_indices = #map}, {transform_indices = #map}, {transform_indices = #map}]} {
    %mul3A = arith.constant 3200 : i32
    %mul3A_0 = arith.muli %arg1, %mul3A : i32
    "tpu.region"() ({
      %run_scoped3A = tpu.sem_alloc : memref<!tpu.dma_semaphore, #tpu.memory_space<semaphore_mem>>
      %dma_start3A = arith.constant 0 : i32
      %dma_start3A_41 = tpu.memref_slice %arg15[%mul3A_0, %dma_start3A] : memref<51216x32xf32, #tpu.memory_space<vmem_shared>> -> memref<3200x32xf32, #tpu.memory_space<vmem_shared>>
      tpu.enqueue_dma source(%arg6 : memref<3200x32xf32, #tpu.memory_space<hbm>>) target(%dma_start3A_41 : memref<3200x32xf32, #tpu.memory_space<vmem_shared>>) target_semaphore(%run_scoped3A : memref<!tpu.dma_semaphore, #tpu.memory_space<semaphore_mem>>)
      %dma_wait3A_42 = arith.constant 0 : i32
      %dma_wait3A_43 = tpu.memref_slice %arg15[%mul3A_0, %dma_wait3A_42] : memref<51216x32xf32, #tpu.memory_space<vmem_shared>> -> memref<3200x32xf32, #tpu.memory_space<vmem_shared>>
      tpu.wait_dma2 semaphore(%run_scoped3A : memref<!tpu.dma_semaphore, #tpu.memory_space<semaphore_mem>>) src(%arg6 : memref<3200x32xf32, #tpu.memory_space<hbm>>) dst(%dma_wait3A_43 : memref<3200x32xf32, #tpu.memory_space<vmem_shared>>)
      tpu.yield
    }) : () -> ()
    %eq3A = arith.constant 0 : i32
    %eq3A_1 = arith.cmpi eq, %arg1, %eq3A : i32
    %convert_element_type3A = arith.extui %eq3A_1 : i1 to i32
    %cond3A = arith.constant 0 : i32
    %cond3A_2 = arith.cmpi ne, %convert_element_type3A, %cond3A : i32
    scf.if %cond3A_2 {
      "tpu.region"() ({
        %run_scoped3A = tpu.sem_alloc : memref<!tpu.dma_semaphore, #tpu.memory_space<semaphore_mem>>
        %dma_start3A = arith.constant 51200 : i32
        %dma_start3A_41 = arith.constant 0 : i32
        %dma_start3A_42 = tpu.memref_slice %arg15[%dma_start3A, %dma_start3A_41] : memref<51216x32xf32, #tpu.memory_space<vmem_shared>> -> memref<16x32xf32, #tpu.memory_space<vmem_shared>>
        %dma_start3A_43 = arith.constant 0 : i32
        %dma_start3A_44 = arith.constant 0 : i32
        %dma_start3A_45 = tpu.memref_slice %arg6[%dma_start3A_43, %dma_start3A_44] : memref<3200x32xf32, #tpu.memory_space<hbm>> -> memref<16x32xf32, #tpu.memory_space<hbm>>
        tpu.enqueue_dma source(%dma_start3A_45 : memref<16x32xf32, #tpu.memory_space<hbm>>) target(%dma_start3A_42 : memref<16x32xf32, #tpu.memory_space<vmem_shared>>) target_semaphore(%run_scoped3A : memref<!tpu.dma_semaphore, #tpu.memory_space<semaphore_mem>>)
        %dma_wait3A_46 = arith.constant 51200 : i32
        %dma_wait3A_47 = arith.constant 0 : i32
        %dma_wait3A_48 = tpu.memref_slice %arg15[%dma_wait3A_46, %dma_wait3A_47] : memref<51216x32xf32, #tpu.memory_space<vmem_shared>> -> memref<16x32xf32, #tpu.memory_space<vmem_shared>>
        %dma_wait3A_49 = arith.constant 0 : i32
        %dma_wait3A_50 = arith.constant 0 : i32
        %dma_wait3A_51 = tpu.memref_slice %arg6[%dma_wait3A_49, %dma_wait3A_50] : memref<3200x32xf32, #tpu.memory_space<hbm>> -> memref<16x32xf32, #tpu.memory_space<hbm>>
        tpu.wait_dma2 semaphore(%run_scoped3A : memref<!tpu.dma_semaphore, #tpu.memory_space<semaphore_mem>>) src(%dma_wait3A_51 : memref<16x32xf32, #tpu.memory_space<hbm>>) dst(%dma_wait3A_48 : memref<16x32xf32, #tpu.memory_space<vmem_shared>>)
        tpu.yield
      }) : () -> ()
    } else {
    }
    %barrier3A = arith.constant 0 : index
    tpu.barrier barrier_id(%barrier3A)
    %mul3A_3 = arith.constant 396 : i32
    %mul3A_4 = arith.muli %arg1, %mul3A_3 : i32
    %add3A = arith.constant 0 : i32
    %add3A_5 = arith.addi %mul3A_4, %add3A : i32
    %mul3A_6 = arith.constant 128 : i32
    %mul3A_7 = arith.muli %add3A_5, %mul3A_6 : i32
    "tpu.region"() ({
      %run_scoped3A = tpu.sem_alloc : memref<!tpu.dma_semaphore, #tpu.memory_space<semaphore_mem>>
      %dma_start3A = tpu.memref_slice %arg4[%mul3A_7] : memref<811008xi32, #tpu.memory_space<hbm>> -> memref<384xi32, #tpu.memory_space<hbm>>
      %dma_start3A_41 = tpu.memref_slice %arg4[%mul3A_7] : memref<811008xi32, #tpu.memory_space<hbm>> -> memref<384xi32, #tpu.memory_space<hbm>>
      tpu.enqueue_dma source(%dma_start3A_41 : memref<384xi32, #tpu.memory_space<hbm>>) target(%arg9 : memref<384xi32, #tpu.memory_space<vmem>>) target_semaphore(%run_scoped3A : memref<!tpu.dma_semaphore, #tpu.memory_space<semaphore_mem>>)
      %dma_wait3A_42 = tpu.memref_slice %arg4[%mul3A_7] : memref<811008xi32, #tpu.memory_space<hbm>> -> memref<384xi32, #tpu.memory_space<hbm>>
      %dma_wait3A_43 = tpu.memref_slice %arg4[%mul3A_7] : memref<811008xi32, #tpu.memory_space<hbm>> -> memref<384xi32, #tpu.memory_space<hbm>>
      tpu.wait_dma2 semaphore(%run_scoped3A : memref<!tpu.dma_semaphore, #tpu.memory_space<semaphore_mem>>) src(%dma_wait3A_43 : memref<384xi32, #tpu.memory_space<hbm>>) dst(%arg9 : memref<384xi32, #tpu.memory_space<vmem>>)
      tpu.yield
    }) : () -> ()
    "tpu.region"() ({
      %run_scoped3A = tpu.sem_alloc : memref<!tpu.dma_semaphore, #tpu.memory_space<semaphore_mem>>
      %dma_start3A = tpu.memref_slice %arg5[%mul3A_7] : memref<811008xi32, #tpu.memory_space<hbm>> -> memref<384xi32, #tpu.memory_space<hbm>>
      %dma_start3A_41 = tpu.memref_slice %arg5[%mul3A_7] : memref<811008xi32, #tpu.memory_space<hbm>> -> memref<384xi32, #tpu.memory_space<hbm>>
      tpu.enqueue_dma source(%dma_start3A_41 : memref<384xi32, #tpu.memory_space<hbm>>) target(%arg11 : memref<384xi32, #tpu.memory_space<vmem>>) target_semaphore(%run_scoped3A : memref<!tpu.dma_semaphore, #tpu.memory_space<semaphore_mem>>)
      %dma_wait3A_42 = tpu.memref_slice %arg5[%mul3A_7] : memref<811008xi32, #tpu.memory_space<hbm>> -> memref<384xi32, #tpu.memory_space<hbm>>
      %dma_wait3A_43 = tpu.memref_slice %arg5[%mul3A_7] : memref<811008xi32, #tpu.memory_space<hbm>> -> memref<384xi32, #tpu.memory_space<hbm>>
      tpu.wait_dma2 semaphore(%run_scoped3A : memref<!tpu.dma_semaphore, #tpu.memory_space<semaphore_mem>>) src(%dma_wait3A_43 : memref<384xi32, #tpu.memory_space<hbm>>) dst(%arg11 : memref<384xi32, #tpu.memory_space<vmem>>)
      tpu.yield
    }) : () -> ()
    %eq3A_8 = arith.constant 0 : i32
    %eq3A_9 = arith.cmpi eq, %arg0, %eq3A_8 : i32
    %convert_element_type3A_10 = arith.extui %eq3A_9 : i1 to i32
    %cond3A_11 = arith.constant 0 : i32
    %cond3A_12 = arith.cmpi ne, %convert_element_type3A_10, %cond3A_11 : i32
    scf.if %cond3A_12 {
      %dma_start3A = arith.constant 0 : i32
      %dma_start3A_41 = arith.constant 0 : i32
      %dma_start3A_42 = tpu.memref_slice %arg2[%dma_start3A, %dma_start3A_41] : memref<51200x32xf32, #tpu.memory_space<hbm>> -> memref<51200x32xf32, #tpu.memory_space<hbm>>
      tpu.enqueue_indirect_dma source(%dma_start3A_42 : memref<51200x32xf32, #tpu.memory_space<hbm>>) target(%arg13 : memref<384x32xf32, #tpu.memory_space<vmem>>) offsets(%arg9 : memref<384xi32, #tpu.memory_space<vmem>>) semaphore(%arg16 : memref<!tpu.dma_semaphore, #tpu.memory_space<semaphore_mem>>)
    } else {
    }
    %eq3A_13 = arith.constant 1 : i32
    %eq3A_14 = arith.cmpi eq, %arg0, %eq3A_13 : i32
    %convert_element_type3A_15 = arith.extui %eq3A_14 : i1 to i32
    %cond3A_16 = arith.constant 0 : i32
    %cond3A_17 = arith.cmpi ne, %convert_element_type3A_15, %cond3A_16 : i32
    scf.if %cond3A_17 {
      %dma_start3A = arith.constant 0 : i32
      %dma_start3A_41 = arith.constant 0 : i32
      %dma_start3A_42 = tpu.memref_slice %arg3[%dma_start3A, %dma_start3A_41] : memref<51200x32xf32, #tpu.memory_space<hbm>> -> memref<51200x32xf32, #tpu.memory_space<hbm>>
      tpu.enqueue_indirect_dma source(%dma_start3A_42 : memref<51200x32xf32, #tpu.memory_space<hbm>>) target(%arg13 : memref<384x32xf32, #tpu.memory_space<vmem>>) offsets(%arg9 : memref<384xi32, #tpu.memory_space<vmem>>) semaphore(%arg16 : memref<!tpu.dma_semaphore, #tpu.memory_space<semaphore_mem>>)
    } else {
    }
    %scan3A = arith.constant 0 : i32
    %scan3A_18 = arith.constant 0 : i32
    %scan3A_19 = arith.constant 66 : i32
    %scan3A_20 = arith.addi %scan3A_18, %scan3A_19 : i32
    %scan3A_21 = arith.constant 1 : i32
    scf.for %scan3A_41 = %scan3A_18 to %scan3A_20 step %scan3A_21  : i32 {
      %mul3A_42 = arith.constant 2 : i32
      %mul3A_43 = arith.muli %mul3A_42, %scan3A_41 : i32
      %add3A_44 = arith.constant 0 : i32
      %add3A_45 = arith.addi %mul3A_43, %add3A_44 : i32
      %dma_wait3A_46 = arith.constant 0 : i32
      %dma_wait3A_47 = arith.constant 0 : i32
      %dma_wait3A_48 = tpu.memref_slice %arg2[%dma_wait3A_46, %dma_wait3A_47] : memref<51200x32xf32, #tpu.memory_space<hbm>> -> memref<384x32xf32, #tpu.memory_space<hbm>>
      %dma_wait3A_49 = arith.constant 0 : i32
      %dma_wait3A_50 = arith.constant 0 : i32
      %dma_wait3A_51 = tpu.memref_slice %arg2[%dma_wait3A_49, %dma_wait3A_50] : memref<51200x32xf32, #tpu.memory_space<hbm>> -> memref<384x32xf32, #tpu.memory_space<hbm>>
      tpu.wait_dma2 semaphore(%arg16 : memref<!tpu.dma_semaphore, #tpu.memory_space<semaphore_mem>>) src(%dma_wait3A_51 : memref<384x32xf32, #tpu.memory_space<hbm>>) dst(%arg13 : memref<384x32xf32, #tpu.memory_space<vmem>>)
      %dma_start3A = arith.constant 0 : i32
      %dma_start3A_52 = arith.constant 0 : i32
      %dma_start3A_53 = tpu.memref_slice %arg15[%dma_start3A, %dma_start3A_52] : memref<51216x32xf32, #tpu.memory_space<vmem_shared>> -> memref<51216x32xf32, #tpu.memory_space<vmem_shared>>
      tpu.enqueue_indirect_dma source(%arg13 : memref<384x32xf32, #tpu.memory_space<vmem>>) target(%dma_start3A_53 : memref<51216x32xf32, #tpu.memory_space<vmem_shared>>) offsets(%arg11 : memref<384xi32, #tpu.memory_space<vmem>>) semaphore(%arg18 : memref<!tpu.dma_semaphore, #tpu.memory_space<semaphore_mem>>) {add = true}
      %gt3A = arith.constant 0 : i32
      %gt3A_54 = arith.cmpi sgt, %add3A_45, %gt3A : i32
      %convert_element_type3A_55 = arith.extui %gt3A_54 : i1 to i32
      %cond3A_56 = arith.constant 0 : i32
      %cond3A_57 = arith.cmpi ne, %convert_element_type3A_55, %cond3A_56 : i32
      scf.if %cond3A_57 {
        %dma_wait3A_89 = arith.constant 0 : i32
        %dma_wait3A_90 = arith.constant 0 : i32
        %dma_wait3A_91 = tpu.memref_slice %arg2[%dma_wait3A_89, %dma_wait3A_90] : memref<51200x32xf32, #tpu.memory_space<hbm>> -> memref<384x32xf32, #tpu.memory_space<hbm>>
        %dma_wait3A_92 = arith.constant 0 : i32
        %dma_wait3A_93 = arith.constant 0 : i32
        %dma_wait3A_94 = tpu.memref_slice %arg2[%dma_wait3A_92, %dma_wait3A_93] : memref<51200x32xf32, #tpu.memory_space<hbm>> -> memref<384x32xf32, #tpu.memory_space<hbm>>
        tpu.wait_dma2 semaphore(%arg19 : memref<!tpu.dma_semaphore, #tpu.memory_space<semaphore_mem>>) src(%dma_wait3A_94 : memref<384x32xf32, #tpu.memory_space<hbm>>) dst(%arg14 : memref<384x32xf32, #tpu.memory_space<vmem>>)
      } else {
      }
      %add3A_58 = arith.constant 1 : i32
      %add3A_59 = arith.addi %add3A_45, %add3A_58 : i32
      %lt3A = arith.constant 132 : i32
      %lt3A_60 = arith.cmpi slt, %add3A_59, %lt3A : i32
      %convert_element_type3A_61 = arith.extui %lt3A_60 : i1 to i32
      %cond3A_62 = arith.constant 0 : i32
      %cond3A_63 = arith.cmpi ne, %convert_element_type3A_61, %cond3A_62 : i32
      scf.if %cond3A_63 {
        %add3A_89 = arith.constant 1 : i32
        %add3A_90 = arith.addi %add3A_45, %add3A_89 : i32
        %mul3A_91 = arith.constant 3 : i32
        %mul3A_92 = arith.muli %add3A_90, %mul3A_91 : i32
        %add3A_93 = arith.addi %mul3A_4, %mul3A_92 : i32
        %mul3A_94 = arith.constant 128 : i32
        %mul3A_95 = arith.muli %add3A_93, %mul3A_94 : i32
        "tpu.region"() ({
          %run_scoped3A = tpu.sem_alloc : memref<!tpu.dma_semaphore, #tpu.memory_space<semaphore_mem>>
          %dma_start3A_106 = tpu.memref_slice %arg4[%mul3A_95] : memref<811008xi32, #tpu.memory_space<hbm>> -> memref<384xi32, #tpu.memory_space<hbm>>
          %dma_start3A_107 = tpu.memref_slice %arg4[%mul3A_95] : memref<811008xi32, #tpu.memory_space<hbm>> -> memref<384xi32, #tpu.memory_space<hbm>>
          tpu.enqueue_dma source(%dma_start3A_107 : memref<384xi32, #tpu.memory_space<hbm>>) target(%arg10 : memref<384xi32, #tpu.memory_space<vmem>>) target_semaphore(%run_scoped3A : memref<!tpu.dma_semaphore, #tpu.memory_space<semaphore_mem>>)
          %dma_wait3A_108 = tpu.memref_slice %arg4[%mul3A_95] : memref<811008xi32, #tpu.memory_space<hbm>> -> memref<384xi32, #tpu.memory_space<hbm>>
          %dma_wait3A_109 = tpu.memref_slice %arg4[%mul3A_95] : memref<811008xi32, #tpu.memory_space<hbm>> -> memref<384xi32, #tpu.memory_space<hbm>>
          tpu.wait_dma2 semaphore(%run_scoped3A : memref<!tpu.dma_semaphore, #tpu.memory_space<semaphore_mem>>) src(%dma_wait3A_109 : memref<384xi32, #tpu.memory_space<hbm>>) dst(%arg10 : memref<384xi32, #tpu.memory_space<vmem>>)
          tpu.yield
        }) : () -> ()
        "tpu.region"() ({
          %run_scoped3A = tpu.sem_alloc : memref<!tpu.dma_semaphore, #tpu.memory_space<semaphore_mem>>
          %dma_start3A_106 = tpu.memref_slice %arg5[%mul3A_95] : memref<811008xi32, #tpu.memory_space<hbm>> -> memref<384xi32, #tpu.memory_space<hbm>>
          %dma_start3A_107 = tpu.memref_slice %arg5[%mul3A_95] : memref<811008xi32, #tpu.memory_space<hbm>> -> memref<384xi32, #tpu.memory_space<hbm>>
          tpu.enqueue_dma source(%dma_start3A_107 : memref<384xi32, #tpu.memory_space<hbm>>) target(%arg12 : memref<384xi32, #tpu.memory_space<vmem>>) target_semaphore(%run_scoped3A : memref<!tpu.dma_semaphore, #tpu.memory_space<semaphore_mem>>)
          %dma_wait3A_108 = tpu.memref_slice %arg5[%mul3A_95] : memref<811008xi32, #tpu.memory_space<hbm>> -> memref<384xi32, #tpu.memory_space<hbm>>
          %dma_wait3A_109 = tpu.memref_slice %arg5[%mul3A_95] : memref<811008xi32, #tpu.memory_space<hbm>> -> memref<384xi32, #tpu.memory_space<hbm>>
          tpu.wait_dma2 semaphore(%run_scoped3A : memref<!tpu.dma_semaphore, #tpu.memory_space<semaphore_mem>>) src(%dma_wait3A_109 : memref<384xi32, #tpu.memory_space<hbm>>) dst(%arg12 : memref<384xi32, #tpu.memory_space<vmem>>)
          tpu.yield
        }) : () -> ()
        %eq3A_96 = arith.constant 0 : i32
        %eq3A_97 = arith.cmpi eq, %arg0, %eq3A_96 : i32
        %convert_element_type3A_98 = arith.extui %eq3A_97 : i1 to i32
        %cond3A_99 = arith.constant 0 : i32
        %cond3A_100 = arith.cmpi ne, %convert_element_type3A_98, %cond3A_99 : i32
        scf.if %cond3A_100 {
          %dma_start3A_106 = arith.constant 0 : i32
          %dma_start3A_107 = arith.constant 0 : i32
          %dma_start3A_108 = tpu.memref_slice %arg2[%dma_start3A_106, %dma_start3A_107] : memref<51200x32xf32, #tpu.memory_space<hbm>> -> memref<51200x32xf32, #tpu.memory_space<hbm>>
          tpu.enqueue_indirect_dma source(%dma_start3A_108 : memref<51200x32xf32, #tpu.memory_space<hbm>>) target(%arg14 : memref<384x32xf32, #tpu.memory_space<vmem>>) offsets(%arg10 : memref<384xi32, #tpu.memory_space<vmem>>) semaphore(%arg17 : memref<!tpu.dma_semaphore, #tpu.memory_space<semaphore_mem>>)
        } else {
        }
        %eq3A_101 = arith.constant 1 : i32
        %eq3A_102 = arith.cmpi eq, %arg0, %eq3A_101 : i32
        %convert_element_type3A_103 = arith.extui %eq3A_102 : i1 to i32
        %cond3A_104 = arith.constant 0 : i32
        %cond3A_105 = arith.cmpi ne, %convert_element_type3A_103, %cond3A_104 : i32
        scf.if %cond3A_105 {
          %dma_start3A_106 = arith.constant 0 : i32
          %dma_start3A_107 = arith.constant 0 : i32
          %dma_start3A_108 = tpu.memref_slice %arg3[%dma_start3A_106, %dma_start3A_107] : memref<51200x32xf32, #tpu.memory_space<hbm>> -> memref<51200x32xf32, #tpu.memory_space<hbm>>
          tpu.enqueue_indirect_dma source(%dma_start3A_108 : memref<51200x32xf32, #tpu.memory_space<hbm>>) target(%arg14 : memref<384x32xf32, #tpu.memory_space<vmem>>) offsets(%arg10 : memref<384xi32, #tpu.memory_space<vmem>>) semaphore(%arg17 : memref<!tpu.dma_semaphore, #tpu.memory_space<semaphore_mem>>)
        } else {
        }
      } else {
      }
      %mul3A_64 = arith.constant 2 : i32
      %mul3A_65 = arith.muli %mul3A_64, %scan3A_41 : i32
      %add3A_66 = arith.constant 1 : i32
      %add3A_67 = arith.addi %mul3A_65, %add3A_66 : i32
      %dma_wait3A_68 = arith.constant 0 : i32
      %dma_wait3A_69 = arith.constant 0 : i32
      %dma_wait3A_70 = tpu.memref_slice %arg2[%dma_wait3A_68, %dma_wait3A_69] : memref<51200x32xf32, #tpu.memory_space<hbm>> -> memref<384x32xf32, #tpu.memory_space<hbm>>
      %dma_wait3A_71 = arith.constant 0 : i32
      %dma_wait3A_72 = arith.constant 0 : i32
      %dma_wait3A_73 = tpu.memref_slice %arg2[%dma_wait3A_71, %dma_wait3A_72] : memref<51200x32xf32, #tpu.memory_space<hbm>> -> memref<384x32xf32, #tpu.memory_space<hbm>>
      tpu.wait_dma2 semaphore(%arg17 : memref<!tpu.dma_semaphore, #tpu.memory_space<semaphore_mem>>) src(%dma_wait3A_73 : memref<384x32xf32, #tpu.memory_space<hbm>>) dst(%arg14 : memref<384x32xf32, #tpu.memory_space<vmem>>)
      %dma_start3A_74 = arith.constant 0 : i32
      %dma_start3A_75 = arith.constant 0 : i32
      %dma_start3A_76 = tpu.memref_slice %arg15[%dma_start3A_74, %dma_start3A_75] : memref<51216x32xf32, #tpu.memory_space<vmem_shared>> -> memref<51216x32xf32, #tpu.memory_space<vmem_shared>>
      tpu.enqueue_indirect_dma source(%arg14 : memref<384x32xf32, #tpu.memory_space<vmem>>) target(%dma_start3A_76 : memref<51216x32xf32, #tpu.memory_space<vmem_shared>>) offsets(%arg12 : memref<384xi32, #tpu.memory_space<vmem>>) semaphore(%arg19 : memref<!tpu.dma_semaphore, #tpu.memory_space<semaphore_mem>>) {add = true}
      %gt3A_77 = arith.constant 0 : i32
      %gt3A_78 = arith.cmpi sgt, %add3A_67, %gt3A_77 : i32
      %convert_element_type3A_79 = arith.extui %gt3A_78 : i1 to i32
      %cond3A_80 = arith.constant 0 : i32
      %cond3A_81 = arith.cmpi ne, %convert_element_type3A_79, %cond3A_80 : i32
      scf.if %cond3A_81 {
        %dma_wait3A_89 = arith.constant 0 : i32
        %dma_wait3A_90 = arith.constant 0 : i32
        %dma_wait3A_91 = tpu.memref_slice %arg2[%dma_wait3A_89, %dma_wait3A_90] : memref<51200x32xf32, #tpu.memory_space<hbm>> -> memref<384x32xf32, #tpu.memory_space<hbm>>
        %dma_wait3A_92 = arith.constant 0 : i32
        %dma_wait3A_93 = arith.constant 0 : i32
        %dma_wait3A_94 = tpu.memref_slice %arg2[%dma_wait3A_92, %dma_wait3A_93] : memref<51200x32xf32, #tpu.memory_space<hbm>> -> memref<384x32xf32, #tpu.memory_space<hbm>>
        tpu.wait_dma2 semaphore(%arg18 : memref<!tpu.dma_semaphore, #tpu.memory_space<semaphore_mem>>) src(%dma_wait3A_94 : memref<384x32xf32, #tpu.memory_space<hbm>>) dst(%arg13 : memref<384x32xf32, #tpu.memory_space<vmem>>)
      } else {
      }
      %add3A_82 = arith.constant 1 : i32
      %add3A_83 = arith.addi %add3A_67, %add3A_82 : i32
      %lt3A_84 = arith.constant 132 : i32
      %lt3A_85 = arith.cmpi slt, %add3A_83, %lt3A_84 : i32
      %convert_element_type3A_86 = arith.extui %lt3A_85 : i1 to i32
      %cond3A_87 = arith.constant 0 : i32
      %cond3A_88 = arith.cmpi ne, %convert_element_type3A_86, %cond3A_87 : i32
      scf.if %cond3A_88 {
        %add3A_89 = arith.constant 1 : i32
        %add3A_90 = arith.addi %add3A_67, %add3A_89 : i32
        %mul3A_91 = arith.constant 3 : i32
        %mul3A_92 = arith.muli %add3A_90, %mul3A_91 : i32
        %add3A_93 = arith.addi %mul3A_4, %mul3A_92 : i32
        %mul3A_94 = arith.constant 128 : i32
        %mul3A_95 = arith.muli %add3A_93, %mul3A_94 : i32
        "tpu.region"() ({
          %run_scoped3A = tpu.sem_alloc : memref<!tpu.dma_semaphore, #tpu.memory_space<semaphore_mem>>
          %dma_start3A_106 = tpu.memref_slice %arg4[%mul3A_95] : memref<811008xi32, #tpu.memory_space<hbm>> -> memref<384xi32, #tpu.memory_space<hbm>>
          %dma_start3A_107 = tpu.memref_slice %arg4[%mul3A_95] : memref<811008xi32, #tpu.memory_space<hbm>> -> memref<384xi32, #tpu.memory_space<hbm>>
          tpu.enqueue_dma source(%dma_start3A_107 : memref<384xi32, #tpu.memory_space<hbm>>) target(%arg9 : memref<384xi32, #tpu.memory_space<vmem>>) target_semaphore(%run_scoped3A : memref<!tpu.dma_semaphore, #tpu.memory_space<semaphore_mem>>)
          %dma_wait3A_108 = tpu.memref_slice %arg4[%mul3A_95] : memref<811008xi32, #tpu.memory_space<hbm>> -> memref<384xi32, #tpu.memory_space<hbm>>
          %dma_wait3A_109 = tpu.memref_slice %arg4[%mul3A_95] : memref<811008xi32, #tpu.memory_space<hbm>> -> memref<384xi32, #tpu.memory_space<hbm>>
          tpu.wait_dma2 semaphore(%run_scoped3A : memref<!tpu.dma_semaphore, #tpu.memory_space<semaphore_mem>>) src(%dma_wait3A_109 : memref<384xi32, #tpu.memory_space<hbm>>) dst(%arg9 : memref<384xi32, #tpu.memory_space<vmem>>)
          tpu.yield
        }) : () -> ()
        "tpu.region"() ({
          %run_scoped3A = tpu.sem_alloc : memref<!tpu.dma_semaphore, #tpu.memory_space<semaphore_mem>>
          %dma_start3A_106 = tpu.memref_slice %arg5[%mul3A_95] : memref<811008xi32, #tpu.memory_space<hbm>> -> memref<384xi32, #tpu.memory_space<hbm>>
          %dma_start3A_107 = tpu.memref_slice %arg5[%mul3A_95] : memref<811008xi32, #tpu.memory_space<hbm>> -> memref<384xi32, #tpu.memory_space<hbm>>
          tpu.enqueue_dma source(%dma_start3A_107 : memref<384xi32, #tpu.memory_space<hbm>>) target(%arg11 : memref<384xi32, #tpu.memory_space<vmem>>) target_semaphore(%run_scoped3A : memref<!tpu.dma_semaphore, #tpu.memory_space<semaphore_mem>>)
          %dma_wait3A_108 = tpu.memref_slice %arg5[%mul3A_95] : memref<811008xi32, #tpu.memory_space<hbm>> -> memref<384xi32, #tpu.memory_space<hbm>>
          %dma_wait3A_109 = tpu.memref_slice %arg5[%mul3A_95] : memref<811008xi32, #tpu.memory_space<hbm>> -> memref<384xi32, #tpu.memory_space<hbm>>
          tpu.wait_dma2 semaphore(%run_scoped3A : memref<!tpu.dma_semaphore, #tpu.memory_space<semaphore_mem>>) src(%dma_wait3A_109 : memref<384xi32, #tpu.memory_space<hbm>>) dst(%arg11 : memref<384xi32, #tpu.memory_space<vmem>>)
          tpu.yield
        }) : () -> ()
        %eq3A_96 = arith.constant 0 : i32
        %eq3A_97 = arith.cmpi eq, %arg0, %eq3A_96 : i32
        %convert_element_type3A_98 = arith.extui %eq3A_97 : i1 to i32
        %cond3A_99 = arith.constant 0 : i32
        %cond3A_100 = arith.cmpi ne, %convert_element_type3A_98, %cond3A_99 : i32
        scf.if %cond3A_100 {
          %dma_start3A_106 = arith.constant 0 : i32
          %dma_start3A_107 = arith.constant 0 : i32
          %dma_start3A_108 = tpu.memref_slice %arg2[%dma_start3A_106, %dma_start3A_107] : memref<51200x32xf32, #tpu.memory_space<hbm>> -> memref<51200x32xf32, #tpu.memory_space<hbm>>
          tpu.enqueue_indirect_dma source(%dma_start3A_108 : memref<51200x32xf32, #tpu.memory_space<hbm>>) target(%arg13 : memref<384x32xf32, #tpu.memory_space<vmem>>) offsets(%arg9 : memref<384xi32, #tpu.memory_space<vmem>>) semaphore(%arg16 : memref<!tpu.dma_semaphore, #tpu.memory_space<semaphore_mem>>)
        } else {
        }
        %eq3A_101 = arith.constant 1 : i32
        %eq3A_102 = arith.cmpi eq, %arg0, %eq3A_101 : i32
        %convert_element_type3A_103 = arith.extui %eq3A_102 : i1 to i32
        %cond3A_104 = arith.constant 0 : i32
        %cond3A_105 = arith.cmpi ne, %convert_element_type3A_103, %cond3A_104 : i32
        scf.if %cond3A_105 {
          %dma_start3A_106 = arith.constant 0 : i32
          %dma_start3A_107 = arith.constant 0 : i32
          %dma_start3A_108 = tpu.memref_slice %arg3[%dma_start3A_106, %dma_start3A_107] : memref<51200x32xf32, #tpu.memory_space<hbm>> -> memref<51200x32xf32, #tpu.memory_space<hbm>>
          tpu.enqueue_indirect_dma source(%dma_start3A_108 : memref<51200x32xf32, #tpu.memory_space<hbm>>) target(%arg13 : memref<384x32xf32, #tpu.memory_space<vmem>>) offsets(%arg9 : memref<384xi32, #tpu.memory_space<vmem>>) semaphore(%arg16 : memref<!tpu.dma_semaphore, #tpu.memory_space<semaphore_mem>>)
        } else {
        }
      } else {
      }
    }
    %scan3A_22 = arith.constant 66 : i32
    %dma_wait3A = arith.constant 0 : i32
    %dma_wait3A_23 = arith.constant 0 : i32
    %dma_wait3A_24 = tpu.memref_slice %arg2[%dma_wait3A, %dma_wait3A_23] : memref<51200x32xf32, #tpu.memory_space<hbm>> -> memref<384x32xf32, #tpu.memory_space<hbm>>
    %dma_wait3A_25 = arith.constant 0 : i32
    %dma_wait3A_26 = arith.constant 0 : i32
    %dma_wait3A_27 = tpu.memref_slice %arg2[%dma_wait3A_25, %dma_wait3A_26] : memref<51200x32xf32, #tpu.memory_space<hbm>> -> memref<384x32xf32, #tpu.memory_space<hbm>>
    tpu.wait_dma2 semaphore(%arg19 : memref<!tpu.dma_semaphore, #tpu.memory_space<semaphore_mem>>) src(%dma_wait3A_27 : memref<384x32xf32, #tpu.memory_space<hbm>>) dst(%arg14 : memref<384x32xf32, #tpu.memory_space<vmem>>)
    %barrier3A_28 = arith.constant 0 : index
    tpu.barrier barrier_id(%barrier3A_28)
    %mul3A_29 = arith.constant 3200 : i32
    %mul3A_30 = arith.muli %arg1, %mul3A_29 : i32
    %eq3A_31 = arith.constant 0 : i32
    %eq3A_32 = arith.cmpi eq, %arg0, %eq3A_31 : i32
    %convert_element_type3A_33 = arith.extui %eq3A_32 : i1 to i32
    %cond3A_34 = arith.constant 0 : i32
    %cond3A_35 = arith.cmpi ne, %convert_element_type3A_33, %cond3A_34 : i32
    scf.if %cond3A_35 {
      "tpu.region"() ({
        %run_scoped3A = tpu.sem_alloc : memref<!tpu.dma_semaphore, #tpu.memory_space<semaphore_mem>>
        %dma_start3A = arith.constant 0 : i32
        %dma_start3A_41 = tpu.memref_slice %arg7[%mul3A_30, %dma_start3A] : memref<51200x32xf32, #tpu.memory_space<hbm>> -> memref<3200x32xf32, #tpu.memory_space<hbm>>
        %dma_start3A_42 = arith.constant 0 : i32
        %dma_start3A_43 = tpu.memref_slice %arg15[%mul3A_30, %dma_start3A_42] : memref<51216x32xf32, #tpu.memory_space<vmem_shared>> -> memref<3200x32xf32, #tpu.memory_space<vmem_shared>>
        tpu.enqueue_dma source(%dma_start3A_43 : memref<3200x32xf32, #tpu.memory_space<vmem_shared>>) target(%dma_start3A_41 : memref<3200x32xf32, #tpu.memory_space<hbm>>) target_semaphore(%run_scoped3A : memref<!tpu.dma_semaphore, #tpu.memory_space<semaphore_mem>>)
        %dma_wait3A_44 = arith.constant 0 : i32
        %dma_wait3A_45 = tpu.memref_slice %arg7[%mul3A_30, %dma_wait3A_44] : memref<51200x32xf32, #tpu.memory_space<hbm>> -> memref<3200x32xf32, #tpu.memory_space<hbm>>
        %dma_wait3A_46 = arith.constant 0 : i32
        %dma_wait3A_47 = tpu.memref_slice %arg15[%mul3A_30, %dma_wait3A_46] : memref<51216x32xf32, #tpu.memory_space<vmem_shared>> -> memref<3200x32xf32, #tpu.memory_space<vmem_shared>>
        tpu.wait_dma2 semaphore(%run_scoped3A : memref<!tpu.dma_semaphore, #tpu.memory_space<semaphore_mem>>) src(%dma_wait3A_47 : memref<3200x32xf32, #tpu.memory_space<vmem_shared>>) dst(%dma_wait3A_45 : memref<3200x32xf32, #tpu.memory_space<hbm>>)
        tpu.yield
      }) : () -> ()
    } else {
    }
    %eq3A_36 = arith.constant 1 : i32
    %eq3A_37 = arith.cmpi eq, %arg0, %eq3A_36 : i32
    %convert_element_type3A_38 = arith.extui %eq3A_37 : i1 to i32
    %cond3A_39 = arith.constant 0 : i32
    %cond3A_40 = arith.cmpi ne, %convert_element_type3A_38, %cond3A_39 : i32
    scf.if %cond3A_40 {
      "tpu.region"() ({
        %run_scoped3A = tpu.sem_alloc : memref<!tpu.dma_semaphore, #tpu.memory_space<semaphore_mem>>
        %dma_start3A = arith.constant 0 : i32
        %dma_start3A_41 = tpu.memref_slice %arg8[%mul3A_30, %dma_start3A] : memref<51200x32xf32, #tpu.memory_space<hbm>> -> memref<3200x32xf32, #tpu.memory_space<hbm>>
        %dma_start3A_42 = arith.constant 0 : i32
        %dma_start3A_43 = tpu.memref_slice %arg15[%mul3A_30, %dma_start3A_42] : memref<51216x32xf32, #tpu.memory_space<vmem_shared>> -> memref<3200x32xf32, #tpu.memory_space<vmem_shared>>
        tpu.enqueue_dma source(%dma_start3A_43 : memref<3200x32xf32, #tpu.memory_space<vmem_shared>>) target(%dma_start3A_41 : memref<3200x32xf32, #tpu.memory_space<hbm>>) target_semaphore(%run_scoped3A : memref<!tpu.dma_semaphore, #tpu.memory_space<semaphore_mem>>)
        %dma_wait3A_44 = arith.constant 0 : i32
        %dma_wait3A_45 = tpu.memref_slice %arg8[%mul3A_30, %dma_wait3A_44] : memref<51200x32xf32, #tpu.memory_space<hbm>> -> memref<3200x32xf32, #tpu.memory_space<hbm>>
        %dma_wait3A_46 = arith.constant 0 : i32
        %dma_wait3A_47 = tpu.memref_slice %arg15[%mul3A_30, %dma_wait3A_46] : memref<51216x32xf32, #tpu.memory_space<vmem_shared>> -> memref<3200x32xf32, #tpu.memory_space<vmem_shared>>
        tpu.wait_dma2 semaphore(%run_scoped3A : memref<!tpu.dma_semaphore, #tpu.memory_space<semaphore_mem>>) src(%dma_wait3A_47 : memref<3200x32xf32, #tpu.memory_space<vmem_shared>>) dst(%dma_wait3A_45 : memref<3200x32xf32, #tpu.memory_space<hbm>>)
        tpu.yield
      }) : () -> ()
    } else {
    }
    return
  }
}

#map = affine_map<(d0, d1) -> (0, 0)>
#map1 = affine_map<(d0, d1) -> (0)>
module attributes {stable_mosaic.version = 14 : i64} {
  func.func @_agg_body(%arg0: i32, %arg1: i32, %arg2: memref<51200x32xf32, #tpu.memory_space<hbm>>, %arg3: memref<51200x32xf32, #tpu.memory_space<hbm>>, %arg4: memref<811008xi32, #tpu.memory_space<hbm>>, %arg5: memref<811008xi32, #tpu.memory_space<hbm>>, %arg6: memref<3200x32xf32, #tpu.memory_space<hbm>>, %arg7: memref<51200x32xf32, #tpu.memory_space<hbm>>, %arg8: memref<51200x32xf32, #tpu.memory_space<hbm>>, %arg9: memref<384xi32, #tpu.memory_space<vmem>>, %arg10: memref<384xi32, #tpu.memory_space<vmem>>, %arg11: memref<384xi32, #tpu.memory_space<vmem>>, %arg12: memref<384xi32, #tpu.memory_space<vmem>>, %arg13: memref<384x32xf32, #tpu.memory_space<vmem>>, %arg14: memref<384x32xf32, #tpu.memory_space<vmem>>, %arg15: memref<51216x32xf32, #tpu.memory_space<vmem_shared>>, %arg16: memref<!tpu.dma_semaphore, #tpu.memory_space<semaphore_mem>>, %arg17: memref<!tpu.dma_semaphore, #tpu.memory_space<semaphore_mem>>, %arg18: memref<!tpu.dma_semaphore, #tpu.memory_space<semaphore_mem>>, %arg19: memref<!tpu.dma_semaphore, #tpu.memory_space<semaphore_mem>>) attributes {dimension_semantics = [#tpu.dimension_semantics<core_parallel>, #tpu.dimension_semantics<subcore_parallel>], iteration_bounds = array<i64: 2, 16>, scalar_prefetch = 0 : i64, scratch_operands = 11 : i64, tpu.core_type = #tpu.core_type<sc_vector_subcore>, window_params = [{transform_indices = #map}, {transform_indices = #map}, {transform_indices = #map1}, {transform_indices = #map1}, {transform_indices = #map}, {transform_indices = #map}, {transform_indices = #map}]} {
    %mul3A = arith.constant 3200 : i32
    %mul3A_0 = arith.muli %arg1, %mul3A : i32
    "tpu.region"() ({
      %run_scoped3A = tpu.sem_alloc : memref<!tpu.dma_semaphore, #tpu.memory_space<semaphore_mem>>
      %dma_start3A = arith.constant 0 : i32
      %dma_start3A_41 = tpu.memref_slice %arg15[%mul3A_0, %dma_start3A] : memref<51216x32xf32, #tpu.memory_space<vmem_shared>> -> memref<3200x32xf32, #tpu.memory_space<vmem_shared>>
      tpu.enqueue_dma source(%arg6 : memref<3200x32xf32, #tpu.memory_space<hbm>>) target(%dma_start3A_41 : memref<3200x32xf32, #tpu.memory_space<vmem_shared>>) target_semaphore(%run_scoped3A : memref<!tpu.dma_semaphore, #tpu.memory_space<semaphore_mem>>)
      %dma_wait3A_42 = arith.constant 0 : i32
      %dma_wait3A_43 = tpu.memref_slice %arg15[%mul3A_0, %dma_wait3A_42] : memref<51216x32xf32, #tpu.memory_space<vmem_shared>> -> memref<3200x32xf32, #tpu.memory_space<vmem_shared>>
      tpu.wait_dma2 semaphore(%run_scoped3A : memref<!tpu.dma_semaphore, #tpu.memory_space<semaphore_mem>>) src(%arg6 : memref<3200x32xf32, #tpu.memory_space<hbm>>) dst(%dma_wait3A_43 : memref<3200x32xf32, #tpu.memory_space<vmem_shared>>)
      tpu.yield
    }) : () -> ()
    %eq3A = arith.constant 0 : i32
    %eq3A_1 = arith.cmpi eq, %arg1, %eq3A : i32
    %convert_element_type3A = arith.extui %eq3A_1 : i1 to i32
    %cond3A = arith.constant 0 : i32
    %cond3A_2 = arith.cmpi ne, %convert_element_type3A, %cond3A : i32
    scf.if %cond3A_2 {
      "tpu.region"() ({
        %run_scoped3A = tpu.sem_alloc : memref<!tpu.dma_semaphore, #tpu.memory_space<semaphore_mem>>
        %dma_start3A = arith.constant 51200 : i32
        %dma_start3A_41 = arith.constant 0 : i32
        %dma_start3A_42 = tpu.memref_slice %arg15[%dma_start3A, %dma_start3A_41] : memref<51216x32xf32, #tpu.memory_space<vmem_shared>> -> memref<16x32xf32, #tpu.memory_space<vmem_shared>>
        %dma_start3A_43 = arith.constant 0 : i32
        %dma_start3A_44 = arith.constant 0 : i32
        %dma_start3A_45 = tpu.memref_slice %arg6[%dma_start3A_43, %dma_start3A_44] : memref<3200x32xf32, #tpu.memory_space<hbm>> -> memref<16x32xf32, #tpu.memory_space<hbm>>
        tpu.enqueue_dma source(%dma_start3A_45 : memref<16x32xf32, #tpu.memory_space<hbm>>) target(%dma_start3A_42 : memref<16x32xf32, #tpu.memory_space<vmem_shared>>) target_semaphore(%run_scoped3A : memref<!tpu.dma_semaphore, #tpu.memory_space<semaphore_mem>>)
        %dma_wait3A_46 = arith.constant 51200 : i32
        %dma_wait3A_47 = arith.constant 0 : i32
        %dma_wait3A_48 = tpu.memref_slice %arg15[%dma_wait3A_46, %dma_wait3A_47] : memref<51216x32xf32, #tpu.memory_space<vmem_shared>> -> memref<16x32xf32, #tpu.memory_space<vmem_shared>>
        %dma_wait3A_49 = arith.constant 0 : i32
        %dma_wait3A_50 = arith.constant 0 : i32
        %dma_wait3A_51 = tpu.memref_slice %arg6[%dma_wait3A_49, %dma_wait3A_50] : memref<3200x32xf32, #tpu.memory_space<hbm>> -> memref<16x32xf32, #tpu.memory_space<hbm>>
        tpu.wait_dma2 semaphore(%run_scoped3A : memref<!tpu.dma_semaphore, #tpu.memory_space<semaphore_mem>>) src(%dma_wait3A_51 : memref<16x32xf32, #tpu.memory_space<hbm>>) dst(%dma_wait3A_48 : memref<16x32xf32, #tpu.memory_space<vmem_shared>>)
        tpu.yield
      }) : () -> ()
    } else {
    }
    %barrier3A = arith.constant 0 : index
    tpu.barrier barrier_id(%barrier3A)
    %mul3A_3 = arith.constant 396 : i32
    %mul3A_4 = arith.muli %arg1, %mul3A_3 : i32
    %add3A = arith.constant 0 : i32
    %add3A_5 = arith.addi %mul3A_4, %add3A : i32
    %mul3A_6 = arith.constant 128 : i32
    %mul3A_7 = arith.muli %add3A_5, %mul3A_6 : i32
    "tpu.region"() ({
      %run_scoped3A = tpu.sem_alloc : memref<!tpu.dma_semaphore, #tpu.memory_space<semaphore_mem>>
      %dma_start3A = tpu.memref_slice %arg4[%mul3A_7] : memref<811008xi32, #tpu.memory_space<hbm>> -> memref<384xi32, #tpu.memory_space<hbm>>
      %dma_start3A_41 = tpu.memref_slice %arg4[%mul3A_7] : memref<811008xi32, #tpu.memory_space<hbm>> -> memref<384xi32, #tpu.memory_space<hbm>>
      tpu.enqueue_dma source(%dma_start3A_41 : memref<384xi32, #tpu.memory_space<hbm>>) target(%arg9 : memref<384xi32, #tpu.memory_space<vmem>>) target_semaphore(%run_scoped3A : memref<!tpu.dma_semaphore, #tpu.memory_space<semaphore_mem>>)
      %dma_wait3A_42 = tpu.memref_slice %arg4[%mul3A_7] : memref<811008xi32, #tpu.memory_space<hbm>> -> memref<384xi32, #tpu.memory_space<hbm>>
      %dma_wait3A_43 = tpu.memref_slice %arg4[%mul3A_7] : memref<811008xi32, #tpu.memory_space<hbm>> -> memref<384xi32, #tpu.memory_space<hbm>>
      tpu.wait_dma2 semaphore(%run_scoped3A : memref<!tpu.dma_semaphore, #tpu.memory_space<semaphore_mem>>) src(%dma_wait3A_43 : memref<384xi32, #tpu.memory_space<hbm>>) dst(%arg9 : memref<384xi32, #tpu.memory_space<vmem>>)
      tpu.yield
    }) : () -> ()
    "tpu.region"() ({
      %run_scoped3A = tpu.sem_alloc : memref<!tpu.dma_semaphore, #tpu.memory_space<semaphore_mem>>
      %dma_start3A = tpu.memref_slice %arg5[%mul3A_7] : memref<811008xi32, #tpu.memory_space<hbm>> -> memref<384xi32, #tpu.memory_space<hbm>>
      %dma_start3A_41 = tpu.memref_slice %arg5[%mul3A_7] : memref<811008xi32, #tpu.memory_space<hbm>> -> memref<384xi32, #tpu.memory_space<hbm>>
      tpu.enqueue_dma source(%dma_start3A_41 : memref<384xi32, #tpu.memory_space<hbm>>) target(%arg11 : memref<384xi32, #tpu.memory_space<vmem>>) target_semaphore(%run_scoped3A : memref<!tpu.dma_semaphore, #tpu.memory_space<semaphore_mem>>)
      %dma_wait3A_42 = tpu.memref_slice %arg5[%mul3A_7] : memref<811008xi32, #tpu.memory_space<hbm>> -> memref<384xi32, #tpu.memory_space<hbm>>
      %dma_wait3A_43 = tpu.memref_slice %arg5[%mul3A_7] : memref<811008xi32, #tpu.memory_space<hbm>> -> memref<384xi32, #tpu.memory_space<hbm>>
      tpu.wait_dma2 semaphore(%run_scoped3A : memref<!tpu.dma_semaphore, #tpu.memory_space<semaphore_mem>>) src(%dma_wait3A_43 : memref<384xi32, #tpu.memory_space<hbm>>) dst(%arg11 : memref<384xi32, #tpu.memory_space<vmem>>)
      tpu.yield
    }) : () -> ()
    %eq3A_8 = arith.constant 0 : i32
    %eq3A_9 = arith.cmpi eq, %arg0, %eq3A_8 : i32
    %convert_element_type3A_10 = arith.extui %eq3A_9 : i1 to i32
    %cond3A_11 = arith.constant 0 : i32
    %cond3A_12 = arith.cmpi ne, %convert_element_type3A_10, %cond3A_11 : i32
    scf.if %cond3A_12 {
      %dma_start3A = arith.constant 0 : i32
      %dma_start3A_41 = arith.constant 0 : i32
      %dma_start3A_42 = tpu.memref_slice %arg2[%dma_start3A, %dma_start3A_41] : memref<51200x32xf32, #tpu.memory_space<hbm>> -> memref<51200x32xf32, #tpu.memory_space<hbm>>
      tpu.enqueue_indirect_dma source(%dma_start3A_42 : memref<51200x32xf32, #tpu.memory_space<hbm>>) target(%arg13 : memref<384x32xf32, #tpu.memory_space<vmem>>) offsets(%arg9 : memref<384xi32, #tpu.memory_space<vmem>>) semaphore(%arg16 : memref<!tpu.dma_semaphore, #tpu.memory_space<semaphore_mem>>)
    } else {
    }
    %eq3A_13 = arith.constant 1 : i32
    %eq3A_14 = arith.cmpi eq, %arg0, %eq3A_13 : i32
    %convert_element_type3A_15 = arith.extui %eq3A_14 : i1 to i32
    %cond3A_16 = arith.constant 0 : i32
    %cond3A_17 = arith.cmpi ne, %convert_element_type3A_15, %cond3A_16 : i32
    scf.if %cond3A_17 {
      %dma_start3A = arith.constant 0 : i32
      %dma_start3A_41 = arith.constant 0 : i32
      %dma_start3A_42 = tpu.memref_slice %arg3[%dma_start3A, %dma_start3A_41] : memref<51200x32xf32, #tpu.memory_space<hbm>> -> memref<51200x32xf32, #tpu.memory_space<hbm>>
      tpu.enqueue_indirect_dma source(%dma_start3A_42 : memref<51200x32xf32, #tpu.memory_space<hbm>>) target(%arg13 : memref<384x32xf32, #tpu.memory_space<vmem>>) offsets(%arg9 : memref<384xi32, #tpu.memory_space<vmem>>) semaphore(%arg16 : memref<!tpu.dma_semaphore, #tpu.memory_space<semaphore_mem>>)
    } else {
    }
    %scan3A = arith.constant 0 : i32
    %scan3A_18 = arith.constant 0 : i32
    %scan3A_19 = arith.constant 66 : i32
    %scan3A_20 = arith.addi %scan3A_18, %scan3A_19 : i32
    %scan3A_21 = arith.constant 1 : i32
    scf.for %scan3A_41 = %scan3A_18 to %scan3A_20 step %scan3A_21  : i32 {
      %mul3A_42 = arith.constant 2 : i32
      %mul3A_43 = arith.muli %mul3A_42, %scan3A_41 : i32
      %add3A_44 = arith.constant 0 : i32
      %add3A_45 = arith.addi %mul3A_43, %add3A_44 : i32
      %dma_wait3A_46 = arith.constant 0 : i32
      %dma_wait3A_47 = arith.constant 0 : i32
      %dma_wait3A_48 = tpu.memref_slice %arg2[%dma_wait3A_46, %dma_wait3A_47] : memref<51200x32xf32, #tpu.memory_space<hbm>> -> memref<384x32xf32, #tpu.memory_space<hbm>>
      %dma_wait3A_49 = arith.constant 0 : i32
      %dma_wait3A_50 = arith.constant 0 : i32
      %dma_wait3A_51 = tpu.memref_slice %arg2[%dma_wait3A_49, %dma_wait3A_50] : memref<51200x32xf32, #tpu.memory_space<hbm>> -> memref<384x32xf32, #tpu.memory_space<hbm>>
      tpu.wait_dma2 semaphore(%arg16 : memref<!tpu.dma_semaphore, #tpu.memory_space<semaphore_mem>>) src(%dma_wait3A_51 : memref<384x32xf32, #tpu.memory_space<hbm>>) dst(%arg13 : memref<384x32xf32, #tpu.memory_space<vmem>>)
      %dma_start3A = arith.constant 0 : i32
      %dma_start3A_52 = arith.constant 0 : i32
      %dma_start3A_53 = tpu.memref_slice %arg15[%dma_start3A, %dma_start3A_52] : memref<51216x32xf32, #tpu.memory_space<vmem_shared>> -> memref<51216x32xf32, #tpu.memory_space<vmem_shared>>
      tpu.enqueue_indirect_dma source(%arg13 : memref<384x32xf32, #tpu.memory_space<vmem>>) target(%dma_start3A_53 : memref<51216x32xf32, #tpu.memory_space<vmem_shared>>) offsets(%arg11 : memref<384xi32, #tpu.memory_space<vmem>>) semaphore(%arg18 : memref<!tpu.dma_semaphore, #tpu.memory_space<semaphore_mem>>) {add = true}
      %gt3A = arith.constant 0 : i32
      %gt3A_54 = arith.cmpi sgt, %add3A_45, %gt3A : i32
      %convert_element_type3A_55 = arith.extui %gt3A_54 : i1 to i32
      %cond3A_56 = arith.constant 0 : i32
      %cond3A_57 = arith.cmpi ne, %convert_element_type3A_55, %cond3A_56 : i32
      scf.if %cond3A_57 {
        %dma_wait3A_89 = arith.constant 0 : i32
        %dma_wait3A_90 = arith.constant 0 : i32
        %dma_wait3A_91 = tpu.memref_slice %arg2[%dma_wait3A_89, %dma_wait3A_90] : memref<51200x32xf32, #tpu.memory_space<hbm>> -> memref<384x32xf32, #tpu.memory_space<hbm>>
        %dma_wait3A_92 = arith.constant 0 : i32
        %dma_wait3A_93 = arith.constant 0 : i32
        %dma_wait3A_94 = tpu.memref_slice %arg2[%dma_wait3A_92, %dma_wait3A_93] : memref<51200x32xf32, #tpu.memory_space<hbm>> -> memref<384x32xf32, #tpu.memory_space<hbm>>
        tpu.wait_dma2 semaphore(%arg19 : memref<!tpu.dma_semaphore, #tpu.memory_space<semaphore_mem>>) src(%dma_wait3A_94 : memref<384x32xf32, #tpu.memory_space<hbm>>) dst(%arg14 : memref<384x32xf32, #tpu.memory_space<vmem>>)
      } else {
      }
      %add3A_58 = arith.constant 1 : i32
      %add3A_59 = arith.addi %add3A_45, %add3A_58 : i32
      %lt3A = arith.constant 132 : i32
      %lt3A_60 = arith.cmpi slt, %add3A_59, %lt3A : i32
      %convert_element_type3A_61 = arith.extui %lt3A_60 : i1 to i32
      %cond3A_62 = arith.constant 0 : i32
      %cond3A_63 = arith.cmpi ne, %convert_element_type3A_61, %cond3A_62 : i32
      scf.if %cond3A_63 {
        %add3A_89 = arith.constant 1 : i32
        %add3A_90 = arith.addi %add3A_45, %add3A_89 : i32
        %mul3A_91 = arith.constant 3 : i32
        %mul3A_92 = arith.muli %add3A_90, %mul3A_91 : i32
        %add3A_93 = arith.addi %mul3A_4, %mul3A_92 : i32
        %mul3A_94 = arith.constant 128 : i32
        %mul3A_95 = arith.muli %add3A_93, %mul3A_94 : i32
        "tpu.region"() ({
          %run_scoped3A = tpu.sem_alloc : memref<!tpu.dma_semaphore, #tpu.memory_space<semaphore_mem>>
          %dma_start3A_106 = tpu.memref_slice %arg4[%mul3A_95] : memref<811008xi32, #tpu.memory_space<hbm>> -> memref<384xi32, #tpu.memory_space<hbm>>
          %dma_start3A_107 = tpu.memref_slice %arg4[%mul3A_95] : memref<811008xi32, #tpu.memory_space<hbm>> -> memref<384xi32, #tpu.memory_space<hbm>>
          tpu.enqueue_dma source(%dma_start3A_107 : memref<384xi32, #tpu.memory_space<hbm>>) target(%arg10 : memref<384xi32, #tpu.memory_space<vmem>>) target_semaphore(%run_scoped3A : memref<!tpu.dma_semaphore, #tpu.memory_space<semaphore_mem>>)
          %dma_wait3A_108 = tpu.memref_slice %arg4[%mul3A_95] : memref<811008xi32, #tpu.memory_space<hbm>> -> memref<384xi32, #tpu.memory_space<hbm>>
          %dma_wait3A_109 = tpu.memref_slice %arg4[%mul3A_95] : memref<811008xi32, #tpu.memory_space<hbm>> -> memref<384xi32, #tpu.memory_space<hbm>>
          tpu.wait_dma2 semaphore(%run_scoped3A : memref<!tpu.dma_semaphore, #tpu.memory_space<semaphore_mem>>) src(%dma_wait3A_109 : memref<384xi32, #tpu.memory_space<hbm>>) dst(%arg10 : memref<384xi32, #tpu.memory_space<vmem>>)
          tpu.yield
        }) : () -> ()
        "tpu.region"() ({
          %run_scoped3A = tpu.sem_alloc : memref<!tpu.dma_semaphore, #tpu.memory_space<semaphore_mem>>
          %dma_start3A_106 = tpu.memref_slice %arg5[%mul3A_95] : memref<811008xi32, #tpu.memory_space<hbm>> -> memref<384xi32, #tpu.memory_space<hbm>>
          %dma_start3A_107 = tpu.memref_slice %arg5[%mul3A_95] : memref<811008xi32, #tpu.memory_space<hbm>> -> memref<384xi32, #tpu.memory_space<hbm>>
          tpu.enqueue_dma source(%dma_start3A_107 : memref<384xi32, #tpu.memory_space<hbm>>) target(%arg12 : memref<384xi32, #tpu.memory_space<vmem>>) target_semaphore(%run_scoped3A : memref<!tpu.dma_semaphore, #tpu.memory_space<semaphore_mem>>)
          %dma_wait3A_108 = tpu.memref_slice %arg5[%mul3A_95] : memref<811008xi32, #tpu.memory_space<hbm>> -> memref<384xi32, #tpu.memory_space<hbm>>
          %dma_wait3A_109 = tpu.memref_slice %arg5[%mul3A_95] : memref<811008xi32, #tpu.memory_space<hbm>> -> memref<384xi32, #tpu.memory_space<hbm>>
          tpu.wait_dma2 semaphore(%run_scoped3A : memref<!tpu.dma_semaphore, #tpu.memory_space<semaphore_mem>>) src(%dma_wait3A_109 : memref<384xi32, #tpu.memory_space<hbm>>) dst(%arg12 : memref<384xi32, #tpu.memory_space<vmem>>)
          tpu.yield
        }) : () -> ()
        %eq3A_96 = arith.constant 0 : i32
        %eq3A_97 = arith.cmpi eq, %arg0, %eq3A_96 : i32
        %convert_element_type3A_98 = arith.extui %eq3A_97 : i1 to i32
        %cond3A_99 = arith.constant 0 : i32
        %cond3A_100 = arith.cmpi ne, %convert_element_type3A_98, %cond3A_99 : i32
        scf.if %cond3A_100 {
          %dma_start3A_106 = arith.constant 0 : i32
          %dma_start3A_107 = arith.constant 0 : i32
          %dma_start3A_108 = tpu.memref_slice %arg2[%dma_start3A_106, %dma_start3A_107] : memref<51200x32xf32, #tpu.memory_space<hbm>> -> memref<51200x32xf32, #tpu.memory_space<hbm>>
          tpu.enqueue_indirect_dma source(%dma_start3A_108 : memref<51200x32xf32, #tpu.memory_space<hbm>>) target(%arg14 : memref<384x32xf32, #tpu.memory_space<vmem>>) offsets(%arg10 : memref<384xi32, #tpu.memory_space<vmem>>) semaphore(%arg17 : memref<!tpu.dma_semaphore, #tpu.memory_space<semaphore_mem>>)
        } else {
        }
        %eq3A_101 = arith.constant 1 : i32
        %eq3A_102 = arith.cmpi eq, %arg0, %eq3A_101 : i32
        %convert_element_type3A_103 = arith.extui %eq3A_102 : i1 to i32
        %cond3A_104 = arith.constant 0 : i32
        %cond3A_105 = arith.cmpi ne, %convert_element_type3A_103, %cond3A_104 : i32
        scf.if %cond3A_105 {
          %dma_start3A_106 = arith.constant 0 : i32
          %dma_start3A_107 = arith.constant 0 : i32
          %dma_start3A_108 = tpu.memref_slice %arg3[%dma_start3A_106, %dma_start3A_107] : memref<51200x32xf32, #tpu.memory_space<hbm>> -> memref<51200x32xf32, #tpu.memory_space<hbm>>
          tpu.enqueue_indirect_dma source(%dma_start3A_108 : memref<51200x32xf32, #tpu.memory_space<hbm>>) target(%arg14 : memref<384x32xf32, #tpu.memory_space<vmem>>) offsets(%arg10 : memref<384xi32, #tpu.memory_space<vmem>>) semaphore(%arg17 : memref<!tpu.dma_semaphore, #tpu.memory_space<semaphore_mem>>)
        } else {
        }
      } else {
      }
      %mul3A_64 = arith.constant 2 : i32
      %mul3A_65 = arith.muli %mul3A_64, %scan3A_41 : i32
      %add3A_66 = arith.constant 1 : i32
      %add3A_67 = arith.addi %mul3A_65, %add3A_66 : i32
      %dma_wait3A_68 = arith.constant 0 : i32
      %dma_wait3A_69 = arith.constant 0 : i32
      %dma_wait3A_70 = tpu.memref_slice %arg2[%dma_wait3A_68, %dma_wait3A_69] : memref<51200x32xf32, #tpu.memory_space<hbm>> -> memref<384x32xf32, #tpu.memory_space<hbm>>
      %dma_wait3A_71 = arith.constant 0 : i32
      %dma_wait3A_72 = arith.constant 0 : i32
      %dma_wait3A_73 = tpu.memref_slice %arg2[%dma_wait3A_71, %dma_wait3A_72] : memref<51200x32xf32, #tpu.memory_space<hbm>> -> memref<384x32xf32, #tpu.memory_space<hbm>>
      tpu.wait_dma2 semaphore(%arg17 : memref<!tpu.dma_semaphore, #tpu.memory_space<semaphore_mem>>) src(%dma_wait3A_73 : memref<384x32xf32, #tpu.memory_space<hbm>>) dst(%arg14 : memref<384x32xf32, #tpu.memory_space<vmem>>)
      %dma_start3A_74 = arith.constant 0 : i32
      %dma_start3A_75 = arith.constant 0 : i32
      %dma_start3A_76 = tpu.memref_slice %arg15[%dma_start3A_74, %dma_start3A_75] : memref<51216x32xf32, #tpu.memory_space<vmem_shared>> -> memref<51216x32xf32, #tpu.memory_space<vmem_shared>>
      tpu.enqueue_indirect_dma source(%arg14 : memref<384x32xf32, #tpu.memory_space<vmem>>) target(%dma_start3A_76 : memref<51216x32xf32, #tpu.memory_space<vmem_shared>>) offsets(%arg12 : memref<384xi32, #tpu.memory_space<vmem>>) semaphore(%arg19 : memref<!tpu.dma_semaphore, #tpu.memory_space<semaphore_mem>>) {add = true}
      %gt3A_77 = arith.constant 0 : i32
      %gt3A_78 = arith.cmpi sgt, %add3A_67, %gt3A_77 : i32
      %convert_element_type3A_79 = arith.extui %gt3A_78 : i1 to i32
      %cond3A_80 = arith.constant 0 : i32
      %cond3A_81 = arith.cmpi ne, %convert_element_type3A_79, %cond3A_80 : i32
      scf.if %cond3A_81 {
        %dma_wait3A_89 = arith.constant 0 : i32
        %dma_wait3A_90 = arith.constant 0 : i32
        %dma_wait3A_91 = tpu.memref_slice %arg2[%dma_wait3A_89, %dma_wait3A_90] : memref<51200x32xf32, #tpu.memory_space<hbm>> -> memref<384x32xf32, #tpu.memory_space<hbm>>
        %dma_wait3A_92 = arith.constant 0 : i32
        %dma_wait3A_93 = arith.constant 0 : i32
        %dma_wait3A_94 = tpu.memref_slice %arg2[%dma_wait3A_92, %dma_wait3A_93] : memref<51200x32xf32, #tpu.memory_space<hbm>> -> memref<384x32xf32, #tpu.memory_space<hbm>>
        tpu.wait_dma2 semaphore(%arg18 : memref<!tpu.dma_semaphore, #tpu.memory_space<semaphore_mem>>) src(%dma_wait3A_94 : memref<384x32xf32, #tpu.memory_space<hbm>>) dst(%arg13 : memref<384x32xf32, #tpu.memory_space<vmem>>)
      } else {
      }
      %add3A_82 = arith.constant 1 : i32
      %add3A_83 = arith.addi %add3A_67, %add3A_82 : i32
      %lt3A_84 = arith.constant 132 : i32
      %lt3A_85 = arith.cmpi slt, %add3A_83, %lt3A_84 : i32
      %convert_element_type3A_86 = arith.extui %lt3A_85 : i1 to i32
      %cond3A_87 = arith.constant 0 : i32
      %cond3A_88 = arith.cmpi ne, %convert_element_type3A_86, %cond3A_87 : i32
      scf.if %cond3A_88 {
        %add3A_89 = arith.constant 1 : i32
        %add3A_90 = arith.addi %add3A_67, %add3A_89 : i32
        %mul3A_91 = arith.constant 3 : i32
        %mul3A_92 = arith.muli %add3A_90, %mul3A_91 : i32
        %add3A_93 = arith.addi %mul3A_4, %mul3A_92 : i32
        %mul3A_94 = arith.constant 128 : i32
        %mul3A_95 = arith.muli %add3A_93, %mul3A_94 : i32
        "tpu.region"() ({
          %run_scoped3A = tpu.sem_alloc : memref<!tpu.dma_semaphore, #tpu.memory_space<semaphore_mem>>
          %dma_start3A_106 = tpu.memref_slice %arg4[%mul3A_95] : memref<811008xi32, #tpu.memory_space<hbm>> -> memref<384xi32, #tpu.memory_space<hbm>>
          %dma_start3A_107 = tpu.memref_slice %arg4[%mul3A_95] : memref<811008xi32, #tpu.memory_space<hbm>> -> memref<384xi32, #tpu.memory_space<hbm>>
          tpu.enqueue_dma source(%dma_start3A_107 : memref<384xi32, #tpu.memory_space<hbm>>) target(%arg9 : memref<384xi32, #tpu.memory_space<vmem>>) target_semaphore(%run_scoped3A : memref<!tpu.dma_semaphore, #tpu.memory_space<semaphore_mem>>)
          %dma_wait3A_108 = tpu.memref_slice %arg4[%mul3A_95] : memref<811008xi32, #tpu.memory_space<hbm>> -> memref<384xi32, #tpu.memory_space<hbm>>
          %dma_wait3A_109 = tpu.memref_slice %arg4[%mul3A_95] : memref<811008xi32, #tpu.memory_space<hbm>> -> memref<384xi32, #tpu.memory_space<hbm>>
          tpu.wait_dma2 semaphore(%run_scoped3A : memref<!tpu.dma_semaphore, #tpu.memory_space<semaphore_mem>>) src(%dma_wait3A_109 : memref<384xi32, #tpu.memory_space<hbm>>) dst(%arg9 : memref<384xi32, #tpu.memory_space<vmem>>)
          tpu.yield
        }) : () -> ()
        "tpu.region"() ({
          %run_scoped3A = tpu.sem_alloc : memref<!tpu.dma_semaphore, #tpu.memory_space<semaphore_mem>>
          %dma_start3A_106 = tpu.memref_slice %arg5[%mul3A_95] : memref<811008xi32, #tpu.memory_space<hbm>> -> memref<384xi32, #tpu.memory_space<hbm>>
          %dma_start3A_107 = tpu.memref_slice %arg5[%mul3A_95] : memref<811008xi32, #tpu.memory_space<hbm>> -> memref<384xi32, #tpu.memory_space<hbm>>
          tpu.enqueue_dma source(%dma_start3A_107 : memref<384xi32, #tpu.memory_space<hbm>>) target(%arg11 : memref<384xi32, #tpu.memory_space<vmem>>) target_semaphore(%run_scoped3A : memref<!tpu.dma_semaphore, #tpu.memory_space<semaphore_mem>>)
          %dma_wait3A_108 = tpu.memref_slice %arg5[%mul3A_95] : memref<811008xi32, #tpu.memory_space<hbm>> -> memref<384xi32, #tpu.memory_space<hbm>>
          %dma_wait3A_109 = tpu.memref_slice %arg5[%mul3A_95] : memref<811008xi32, #tpu.memory_space<hbm>> -> memref<384xi32, #tpu.memory_space<hbm>>
          tpu.wait_dma2 semaphore(%run_scoped3A : memref<!tpu.dma_semaphore, #tpu.memory_space<semaphore_mem>>) src(%dma_wait3A_109 : memref<384xi32, #tpu.memory_space<hbm>>) dst(%arg11 : memref<384xi32, #tpu.memory_space<vmem>>)
          tpu.yield
        }) : () -> ()
        %eq3A_96 = arith.constant 0 : i32
        %eq3A_97 = arith.cmpi eq, %arg0, %eq3A_96 : i32
        %convert_element_type3A_98 = arith.extui %eq3A_97 : i1 to i32
        %cond3A_99 = arith.constant 0 : i32
        %cond3A_100 = arith.cmpi ne, %convert_element_type3A_98, %cond3A_99 : i32
        scf.if %cond3A_100 {
          %dma_start3A_106 = arith.constant 0 : i32
          %dma_start3A_107 = arith.constant 0 : i32
          %dma_start3A_108 = tpu.memref_slice %arg2[%dma_start3A_106, %dma_start3A_107] : memref<51200x32xf32, #tpu.memory_space<hbm>> -> memref<51200x32xf32, #tpu.memory_space<hbm>>
          tpu.enqueue_indirect_dma source(%dma_start3A_108 : memref<51200x32xf32, #tpu.memory_space<hbm>>) target(%arg13 : memref<384x32xf32, #tpu.memory_space<vmem>>) offsets(%arg9 : memref<384xi32, #tpu.memory_space<vmem>>) semaphore(%arg16 : memref<!tpu.dma_semaphore, #tpu.memory_space<semaphore_mem>>)
        } else {
        }
        %eq3A_101 = arith.constant 1 : i32
        %eq3A_102 = arith.cmpi eq, %arg0, %eq3A_101 : i32
        %convert_element_type3A_103 = arith.extui %eq3A_102 : i1 to i32
        %cond3A_104 = arith.constant 0 : i32
        %cond3A_105 = arith.cmpi ne, %convert_element_type3A_103, %cond3A_104 : i32
        scf.if %cond3A_105 {
          %dma_start3A_106 = arith.constant 0 : i32
          %dma_start3A_107 = arith.constant 0 : i32
          %dma_start3A_108 = tpu.memref_slice %arg3[%dma_start3A_106, %dma_start3A_107] : memref<51200x32xf32, #tpu.memory_space<hbm>> -> memref<51200x32xf32, #tpu.memory_space<hbm>>
          tpu.enqueue_indirect_dma source(%dma_start3A_108 : memref<51200x32xf32, #tpu.memory_space<hbm>>) target(%arg13 : memref<384x32xf32, #tpu.memory_space<vmem>>) offsets(%arg9 : memref<384xi32, #tpu.memory_space<vmem>>) semaphore(%arg16 : memref<!tpu.dma_semaphore, #tpu.memory_space<semaphore_mem>>)
        } else {
        }
      } else {
      }
    }
    %scan3A_22 = arith.constant 66 : i32
    %dma_wait3A = arith.constant 0 : i32
    %dma_wait3A_23 = arith.constant 0 : i32
    %dma_wait3A_24 = tpu.memref_slice %arg2[%dma_wait3A, %dma_wait3A_23] : memref<51200x32xf32, #tpu.memory_space<hbm>> -> memref<384x32xf32, #tpu.memory_space<hbm>>
    %dma_wait3A_25 = arith.constant 0 : i32
    %dma_wait3A_26 = arith.constant 0 : i32
    %dma_wait3A_27 = tpu.memref_slice %arg2[%dma_wait3A_25, %dma_wait3A_26] : memref<51200x32xf32, #tpu.memory_space<hbm>> -> memref<384x32xf32, #tpu.memory_space<hbm>>
    tpu.wait_dma2 semaphore(%arg19 : memref<!tpu.dma_semaphore, #tpu.memory_space<semaphore_mem>>) src(%dma_wait3A_27 : memref<384x32xf32, #tpu.memory_space<hbm>>) dst(%arg14 : memref<384x32xf32, #tpu.memory_space<vmem>>)
    %barrier3A_28 = arith.constant 0 : index
    tpu.barrier barrier_id(%barrier3A_28)
    %mul3A_29 = arith.constant 3200 : i32
    %mul3A_30 = arith.muli %arg1, %mul3A_29 : i32
    %eq3A_31 = arith.constant 0 : i32
    %eq3A_32 = arith.cmpi eq, %arg0, %eq3A_31 : i32
    %convert_element_type3A_33 = arith.extui %eq3A_32 : i1 to i32
    %cond3A_34 = arith.constant 0 : i32
    %cond3A_35 = arith.cmpi ne, %convert_element_type3A_33, %cond3A_34 : i32
    scf.if %cond3A_35 {
      "tpu.region"() ({
        %run_scoped3A = tpu.sem_alloc : memref<!tpu.dma_semaphore, #tpu.memory_space<semaphore_mem>>
        %dma_start3A = arith.constant 0 : i32
        %dma_start3A_41 = tpu.memref_slice %arg7[%mul3A_30, %dma_start3A] : memref<51200x32xf32, #tpu.memory_space<hbm>> -> memref<3200x32xf32, #tpu.memory_space<hbm>>
        %dma_start3A_42 = arith.constant 0 : i32
        %dma_start3A_43 = tpu.memref_slice %arg15[%mul3A_30, %dma_start3A_42] : memref<51216x32xf32, #tpu.memory_space<vmem_shared>> -> memref<3200x32xf32, #tpu.memory_space<vmem_shared>>
        tpu.enqueue_dma source(%dma_start3A_43 : memref<3200x32xf32, #tpu.memory_space<vmem_shared>>) target(%dma_start3A_41 : memref<3200x32xf32, #tpu.memory_space<hbm>>) target_semaphore(%run_scoped3A : memref<!tpu.dma_semaphore, #tpu.memory_space<semaphore_mem>>)
        %dma_wait3A_44 = arith.constant 0 : i32
        %dma_wait3A_45 = tpu.memref_slice %arg7[%mul3A_30, %dma_wait3A_44] : memref<51200x32xf32, #tpu.memory_space<hbm>> -> memref<3200x32xf32, #tpu.memory_space<hbm>>
        %dma_wait3A_46 = arith.constant 0 : i32
        %dma_wait3A_47 = tpu.memref_slice %arg15[%mul3A_30, %dma_wait3A_46] : memref<51216x32xf32, #tpu.memory_space<vmem_shared>> -> memref<3200x32xf32, #tpu.memory_space<vmem_shared>>
        tpu.wait_dma2 semaphore(%run_scoped3A : memref<!tpu.dma_semaphore, #tpu.memory_space<semaphore_mem>>) src(%dma_wait3A_47 : memref<3200x32xf32, #tpu.memory_space<vmem_shared>>) dst(%dma_wait3A_45 : memref<3200x32xf32, #tpu.memory_space<hbm>>)
        tpu.yield
      }) : () -> ()
    } else {
    }
    %eq3A_36 = arith.constant 1 : i32
    %eq3A_37 = arith.cmpi eq, %arg0, %eq3A_36 : i32
    %convert_element_type3A_38 = arith.extui %eq3A_37 : i1 to i32
    %cond3A_39 = arith.constant 0 : i32
    %cond3A_40 = arith.cmpi ne, %convert_element_type3A_38, %cond3A_39 : i32
    scf.if %cond3A_40 {
      "tpu.region"() ({
        %run_scoped3A = tpu.sem_alloc : memref<!tpu.dma_semaphore, #tpu.memory_space<semaphore_mem>>
        %dma_start3A = arith.constant 0 : i32
        %dma_start3A_41 = tpu.memref_slice %arg8[%mul3A_30, %dma_start3A] : memref<51200x32xf32, #tpu.memory_space<hbm>> -> memref<3200x32xf32, #tpu.memory_space<hbm>>
        %dma_start3A_42 = arith.constant 0 : i32
        %dma_start3A_43 = tpu.memref_slice %arg15[%mul3A_30, %dma_start3A_42] : memref<51216x32xf32, #tpu.memory_space<vmem_shared>> -> memref<3200x32xf32, #tpu.memory_space<vmem_shared>>
        tpu.enqueue_dma source(%dma_start3A_43 : memref<3200x32xf32, #tpu.memory_space<vmem_shared>>) target(%dma_start3A_41 : memref<3200x32xf32, #tpu.memory_space<hbm>>) target_semaphore(%run_scoped3A : memref<!tpu.dma_semaphore, #tpu.memory_space<semaphore_mem>>)
        %dma_wait3A_44 = arith.constant 0 : i32
        %dma_wait3A_45 = tpu.memref_slice %arg8[%mul3A_30, %dma_wait3A_44] : memref<51200x32xf32, #tpu.memory_space<hbm>> -> memref<3200x32xf32, #tpu.memory_space<hbm>>
        %dma_wait3A_46 = arith.constant 0 : i32
        %dma_wait3A_47 = tpu.memref_slice %arg15[%mul3A_30, %dma_wait3A_46] : memref<51216x32xf32, #tpu.memory_space<vmem_shared>> -> memref<3200x32xf32, #tpu.memory_space<vmem_shared>>
        tpu.wait_dma2 semaphore(%run_scoped3A : memref<!tpu.dma_semaphore, #tpu.memory_space<semaphore_mem>>) src(%dma_wait3A_47 : memref<3200x32xf32, #tpu.memory_space<vmem_shared>>) dst(%dma_wait3A_45 : memref<3200x32xf32, #tpu.memory_space<hbm>>)
        tpu.yield
      }) : () -> ()
    } else {
    }
    return
  }
}

#map = affine_map<(d0, d1) -> (0, 0)>
#map1 = affine_map<(d0, d1) -> (0)>
module attributes {stable_mosaic.version = 14 : i64} {
  func.func @_agg_body(%arg0: i32, %arg1: i32, %arg2: memref<51200x32xf32, #tpu.memory_space<hbm>>, %arg3: memref<51200x32xf32, #tpu.memory_space<hbm>>, %arg4: memref<811008xi32, #tpu.memory_space<hbm>>, %arg5: memref<811008xi32, #tpu.memory_space<hbm>>, %arg6: memref<3200x32xf32, #tpu.memory_space<hbm>>, %arg7: memref<51200x32xf32, #tpu.memory_space<hbm>>, %arg8: memref<51200x32xf32, #tpu.memory_space<hbm>>, %arg9: memref<384xi32, #tpu.memory_space<vmem>>, %arg10: memref<384xi32, #tpu.memory_space<vmem>>, %arg11: memref<384xi32, #tpu.memory_space<vmem>>, %arg12: memref<384xi32, #tpu.memory_space<vmem>>, %arg13: memref<384x32xf32, #tpu.memory_space<vmem>>, %arg14: memref<384x32xf32, #tpu.memory_space<vmem>>, %arg15: memref<51216x32xf32, #tpu.memory_space<vmem_shared>>, %arg16: memref<!tpu.dma_semaphore, #tpu.memory_space<semaphore_mem>>, %arg17: memref<!tpu.dma_semaphore, #tpu.memory_space<semaphore_mem>>, %arg18: memref<!tpu.dma_semaphore, #tpu.memory_space<semaphore_mem>>, %arg19: memref<!tpu.dma_semaphore, #tpu.memory_space<semaphore_mem>>) attributes {dimension_semantics = [#tpu.dimension_semantics<core_parallel>, #tpu.dimension_semantics<subcore_parallel>], iteration_bounds = array<i64: 2, 16>, scalar_prefetch = 0 : i64, scratch_operands = 11 : i64, tpu.core_type = #tpu.core_type<sc_vector_subcore>, window_params = [{transform_indices = #map}, {transform_indices = #map}, {transform_indices = #map1}, {transform_indices = #map1}, {transform_indices = #map}, {transform_indices = #map}, {transform_indices = #map}]} {
    %mul3A = arith.constant 3200 : i32
    %mul3A_0 = arith.muli %arg1, %mul3A : i32
    "tpu.region"() ({
      %run_scoped3A = tpu.sem_alloc : memref<!tpu.dma_semaphore, #tpu.memory_space<semaphore_mem>>
      %dma_start3A = arith.constant 0 : i32
      %dma_start3A_41 = tpu.memref_slice %arg15[%mul3A_0, %dma_start3A] : memref<51216x32xf32, #tpu.memory_space<vmem_shared>> -> memref<3200x32xf32, #tpu.memory_space<vmem_shared>>
      tpu.enqueue_dma source(%arg6 : memref<3200x32xf32, #tpu.memory_space<hbm>>) target(%dma_start3A_41 : memref<3200x32xf32, #tpu.memory_space<vmem_shared>>) target_semaphore(%run_scoped3A : memref<!tpu.dma_semaphore, #tpu.memory_space<semaphore_mem>>)
      %dma_wait3A_42 = arith.constant 0 : i32
      %dma_wait3A_43 = tpu.memref_slice %arg15[%mul3A_0, %dma_wait3A_42] : memref<51216x32xf32, #tpu.memory_space<vmem_shared>> -> memref<3200x32xf32, #tpu.memory_space<vmem_shared>>
      tpu.wait_dma2 semaphore(%run_scoped3A : memref<!tpu.dma_semaphore, #tpu.memory_space<semaphore_mem>>) src(%arg6 : memref<3200x32xf32, #tpu.memory_space<hbm>>) dst(%dma_wait3A_43 : memref<3200x32xf32, #tpu.memory_space<vmem_shared>>)
      tpu.yield
    }) : () -> ()
    %eq3A = arith.constant 0 : i32
    %eq3A_1 = arith.cmpi eq, %arg1, %eq3A : i32
    %convert_element_type3A = arith.extui %eq3A_1 : i1 to i32
    %cond3A = arith.constant 0 : i32
    %cond3A_2 = arith.cmpi ne, %convert_element_type3A, %cond3A : i32
    scf.if %cond3A_2 {
      "tpu.region"() ({
        %run_scoped3A = tpu.sem_alloc : memref<!tpu.dma_semaphore, #tpu.memory_space<semaphore_mem>>
        %dma_start3A = arith.constant 51200 : i32
        %dma_start3A_41 = arith.constant 0 : i32
        %dma_start3A_42 = tpu.memref_slice %arg15[%dma_start3A, %dma_start3A_41] : memref<51216x32xf32, #tpu.memory_space<vmem_shared>> -> memref<16x32xf32, #tpu.memory_space<vmem_shared>>
        %dma_start3A_43 = arith.constant 0 : i32
        %dma_start3A_44 = arith.constant 0 : i32
        %dma_start3A_45 = tpu.memref_slice %arg6[%dma_start3A_43, %dma_start3A_44] : memref<3200x32xf32, #tpu.memory_space<hbm>> -> memref<16x32xf32, #tpu.memory_space<hbm>>
        tpu.enqueue_dma source(%dma_start3A_45 : memref<16x32xf32, #tpu.memory_space<hbm>>) target(%dma_start3A_42 : memref<16x32xf32, #tpu.memory_space<vmem_shared>>) target_semaphore(%run_scoped3A : memref<!tpu.dma_semaphore, #tpu.memory_space<semaphore_mem>>)
        %dma_wait3A_46 = arith.constant 51200 : i32
        %dma_wait3A_47 = arith.constant 0 : i32
        %dma_wait3A_48 = tpu.memref_slice %arg15[%dma_wait3A_46, %dma_wait3A_47] : memref<51216x32xf32, #tpu.memory_space<vmem_shared>> -> memref<16x32xf32, #tpu.memory_space<vmem_shared>>
        %dma_wait3A_49 = arith.constant 0 : i32
        %dma_wait3A_50 = arith.constant 0 : i32
        %dma_wait3A_51 = tpu.memref_slice %arg6[%dma_wait3A_49, %dma_wait3A_50] : memref<3200x32xf32, #tpu.memory_space<hbm>> -> memref<16x32xf32, #tpu.memory_space<hbm>>
        tpu.wait_dma2 semaphore(%run_scoped3A : memref<!tpu.dma_semaphore, #tpu.memory_space<semaphore_mem>>) src(%dma_wait3A_51 : memref<16x32xf32, #tpu.memory_space<hbm>>) dst(%dma_wait3A_48 : memref<16x32xf32, #tpu.memory_space<vmem_shared>>)
        tpu.yield
      }) : () -> ()
    } else {
    }
    %barrier3A = arith.constant 0 : index
    tpu.barrier barrier_id(%barrier3A)
    %mul3A_3 = arith.constant 396 : i32
    %mul3A_4 = arith.muli %arg1, %mul3A_3 : i32
    %add3A = arith.constant 0 : i32
    %add3A_5 = arith.addi %mul3A_4, %add3A : i32
    %mul3A_6 = arith.constant 128 : i32
    %mul3A_7 = arith.muli %add3A_5, %mul3A_6 : i32
    "tpu.region"() ({
      %run_scoped3A = tpu.sem_alloc : memref<!tpu.dma_semaphore, #tpu.memory_space<semaphore_mem>>
      %dma_start3A = tpu.memref_slice %arg4[%mul3A_7] : memref<811008xi32, #tpu.memory_space<hbm>> -> memref<384xi32, #tpu.memory_space<hbm>>
      %dma_start3A_41 = tpu.memref_slice %arg4[%mul3A_7] : memref<811008xi32, #tpu.memory_space<hbm>> -> memref<384xi32, #tpu.memory_space<hbm>>
      tpu.enqueue_dma source(%dma_start3A_41 : memref<384xi32, #tpu.memory_space<hbm>>) target(%arg9 : memref<384xi32, #tpu.memory_space<vmem>>) target_semaphore(%run_scoped3A : memref<!tpu.dma_semaphore, #tpu.memory_space<semaphore_mem>>)
      %dma_wait3A_42 = tpu.memref_slice %arg4[%mul3A_7] : memref<811008xi32, #tpu.memory_space<hbm>> -> memref<384xi32, #tpu.memory_space<hbm>>
      %dma_wait3A_43 = tpu.memref_slice %arg4[%mul3A_7] : memref<811008xi32, #tpu.memory_space<hbm>> -> memref<384xi32, #tpu.memory_space<hbm>>
      tpu.wait_dma2 semaphore(%run_scoped3A : memref<!tpu.dma_semaphore, #tpu.memory_space<semaphore_mem>>) src(%dma_wait3A_43 : memref<384xi32, #tpu.memory_space<hbm>>) dst(%arg9 : memref<384xi32, #tpu.memory_space<vmem>>)
      tpu.yield
    }) : () -> ()
    "tpu.region"() ({
      %run_scoped3A = tpu.sem_alloc : memref<!tpu.dma_semaphore, #tpu.memory_space<semaphore_mem>>
      %dma_start3A = tpu.memref_slice %arg5[%mul3A_7] : memref<811008xi32, #tpu.memory_space<hbm>> -> memref<384xi32, #tpu.memory_space<hbm>>
      %dma_start3A_41 = tpu.memref_slice %arg5[%mul3A_7] : memref<811008xi32, #tpu.memory_space<hbm>> -> memref<384xi32, #tpu.memory_space<hbm>>
      tpu.enqueue_dma source(%dma_start3A_41 : memref<384xi32, #tpu.memory_space<hbm>>) target(%arg11 : memref<384xi32, #tpu.memory_space<vmem>>) target_semaphore(%run_scoped3A : memref<!tpu.dma_semaphore, #tpu.memory_space<semaphore_mem>>)
      %dma_wait3A_42 = tpu.memref_slice %arg5[%mul3A_7] : memref<811008xi32, #tpu.memory_space<hbm>> -> memref<384xi32, #tpu.memory_space<hbm>>
      %dma_wait3A_43 = tpu.memref_slice %arg5[%mul3A_7] : memref<811008xi32, #tpu.memory_space<hbm>> -> memref<384xi32, #tpu.memory_space<hbm>>
      tpu.wait_dma2 semaphore(%run_scoped3A : memref<!tpu.dma_semaphore, #tpu.memory_space<semaphore_mem>>) src(%dma_wait3A_43 : memref<384xi32, #tpu.memory_space<hbm>>) dst(%arg11 : memref<384xi32, #tpu.memory_space<vmem>>)
      tpu.yield
    }) : () -> ()
    %eq3A_8 = arith.constant 0 : i32
    %eq3A_9 = arith.cmpi eq, %arg0, %eq3A_8 : i32
    %convert_element_type3A_10 = arith.extui %eq3A_9 : i1 to i32
    %cond3A_11 = arith.constant 0 : i32
    %cond3A_12 = arith.cmpi ne, %convert_element_type3A_10, %cond3A_11 : i32
    scf.if %cond3A_12 {
      %dma_start3A = arith.constant 0 : i32
      %dma_start3A_41 = arith.constant 0 : i32
      %dma_start3A_42 = tpu.memref_slice %arg2[%dma_start3A, %dma_start3A_41] : memref<51200x32xf32, #tpu.memory_space<hbm>> -> memref<51200x32xf32, #tpu.memory_space<hbm>>
      tpu.enqueue_indirect_dma source(%dma_start3A_42 : memref<51200x32xf32, #tpu.memory_space<hbm>>) target(%arg13 : memref<384x32xf32, #tpu.memory_space<vmem>>) offsets(%arg9 : memref<384xi32, #tpu.memory_space<vmem>>) semaphore(%arg16 : memref<!tpu.dma_semaphore, #tpu.memory_space<semaphore_mem>>)
    } else {
    }
    %eq3A_13 = arith.constant 1 : i32
    %eq3A_14 = arith.cmpi eq, %arg0, %eq3A_13 : i32
    %convert_element_type3A_15 = arith.extui %eq3A_14 : i1 to i32
    %cond3A_16 = arith.constant 0 : i32
    %cond3A_17 = arith.cmpi ne, %convert_element_type3A_15, %cond3A_16 : i32
    scf.if %cond3A_17 {
      %dma_start3A = arith.constant 0 : i32
      %dma_start3A_41 = arith.constant 0 : i32
      %dma_start3A_42 = tpu.memref_slice %arg3[%dma_start3A, %dma_start3A_41] : memref<51200x32xf32, #tpu.memory_space<hbm>> -> memref<51200x32xf32, #tpu.memory_space<hbm>>
      tpu.enqueue_indirect_dma source(%dma_start3A_42 : memref<51200x32xf32, #tpu.memory_space<hbm>>) target(%arg13 : memref<384x32xf32, #tpu.memory_space<vmem>>) offsets(%arg9 : memref<384xi32, #tpu.memory_space<vmem>>) semaphore(%arg16 : memref<!tpu.dma_semaphore, #tpu.memory_space<semaphore_mem>>)
    } else {
    }
    %scan3A = arith.constant 0 : i32
    %scan3A_18 = arith.constant 0 : i32
    %scan3A_19 = arith.constant 66 : i32
    %scan3A_20 = arith.addi %scan3A_18, %scan3A_19 : i32
    %scan3A_21 = arith.constant 1 : i32
    scf.for %scan3A_41 = %scan3A_18 to %scan3A_20 step %scan3A_21  : i32 {
      %mul3A_42 = arith.constant 2 : i32
      %mul3A_43 = arith.muli %mul3A_42, %scan3A_41 : i32
      %add3A_44 = arith.constant 0 : i32
      %add3A_45 = arith.addi %mul3A_43, %add3A_44 : i32
      %dma_wait3A_46 = arith.constant 0 : i32
      %dma_wait3A_47 = arith.constant 0 : i32
      %dma_wait3A_48 = tpu.memref_slice %arg2[%dma_wait3A_46, %dma_wait3A_47] : memref<51200x32xf32, #tpu.memory_space<hbm>> -> memref<384x32xf32, #tpu.memory_space<hbm>>
      %dma_wait3A_49 = arith.constant 0 : i32
      %dma_wait3A_50 = arith.constant 0 : i32
      %dma_wait3A_51 = tpu.memref_slice %arg2[%dma_wait3A_49, %dma_wait3A_50] : memref<51200x32xf32, #tpu.memory_space<hbm>> -> memref<384x32xf32, #tpu.memory_space<hbm>>
      tpu.wait_dma2 semaphore(%arg16 : memref<!tpu.dma_semaphore, #tpu.memory_space<semaphore_mem>>) src(%dma_wait3A_51 : memref<384x32xf32, #tpu.memory_space<hbm>>) dst(%arg13 : memref<384x32xf32, #tpu.memory_space<vmem>>)
      %dma_start3A = arith.constant 0 : i32
      %dma_start3A_52 = arith.constant 0 : i32
      %dma_start3A_53 = tpu.memref_slice %arg15[%dma_start3A, %dma_start3A_52] : memref<51216x32xf32, #tpu.memory_space<vmem_shared>> -> memref<51216x32xf32, #tpu.memory_space<vmem_shared>>
      tpu.enqueue_indirect_dma source(%arg13 : memref<384x32xf32, #tpu.memory_space<vmem>>) target(%dma_start3A_53 : memref<51216x32xf32, #tpu.memory_space<vmem_shared>>) offsets(%arg11 : memref<384xi32, #tpu.memory_space<vmem>>) semaphore(%arg18 : memref<!tpu.dma_semaphore, #tpu.memory_space<semaphore_mem>>) {add = true}
      %gt3A = arith.constant 0 : i32
      %gt3A_54 = arith.cmpi sgt, %add3A_45, %gt3A : i32
      %convert_element_type3A_55 = arith.extui %gt3A_54 : i1 to i32
      %cond3A_56 = arith.constant 0 : i32
      %cond3A_57 = arith.cmpi ne, %convert_element_type3A_55, %cond3A_56 : i32
      scf.if %cond3A_57 {
        %dma_wait3A_89 = arith.constant 0 : i32
        %dma_wait3A_90 = arith.constant 0 : i32
        %dma_wait3A_91 = tpu.memref_slice %arg2[%dma_wait3A_89, %dma_wait3A_90] : memref<51200x32xf32, #tpu.memory_space<hbm>> -> memref<384x32xf32, #tpu.memory_space<hbm>>
        %dma_wait3A_92 = arith.constant 0 : i32
        %dma_wait3A_93 = arith.constant 0 : i32
        %dma_wait3A_94 = tpu.memref_slice %arg2[%dma_wait3A_92, %dma_wait3A_93] : memref<51200x32xf32, #tpu.memory_space<hbm>> -> memref<384x32xf32, #tpu.memory_space<hbm>>
        tpu.wait_dma2 semaphore(%arg19 : memref<!tpu.dma_semaphore, #tpu.memory_space<semaphore_mem>>) src(%dma_wait3A_94 : memref<384x32xf32, #tpu.memory_space<hbm>>) dst(%arg14 : memref<384x32xf32, #tpu.memory_space<vmem>>)
      } else {
      }
      %add3A_58 = arith.constant 1 : i32
      %add3A_59 = arith.addi %add3A_45, %add3A_58 : i32
      %lt3A = arith.constant 132 : i32
      %lt3A_60 = arith.cmpi slt, %add3A_59, %lt3A : i32
      %convert_element_type3A_61 = arith.extui %lt3A_60 : i1 to i32
      %cond3A_62 = arith.constant 0 : i32
      %cond3A_63 = arith.cmpi ne, %convert_element_type3A_61, %cond3A_62 : i32
      scf.if %cond3A_63 {
        %add3A_89 = arith.constant 1 : i32
        %add3A_90 = arith.addi %add3A_45, %add3A_89 : i32
        %mul3A_91 = arith.constant 3 : i32
        %mul3A_92 = arith.muli %add3A_90, %mul3A_91 : i32
        %add3A_93 = arith.addi %mul3A_4, %mul3A_92 : i32
        %mul3A_94 = arith.constant 128 : i32
        %mul3A_95 = arith.muli %add3A_93, %mul3A_94 : i32
        "tpu.region"() ({
          %run_scoped3A = tpu.sem_alloc : memref<!tpu.dma_semaphore, #tpu.memory_space<semaphore_mem>>
          %dma_start3A_106 = tpu.memref_slice %arg4[%mul3A_95] : memref<811008xi32, #tpu.memory_space<hbm>> -> memref<384xi32, #tpu.memory_space<hbm>>
          %dma_start3A_107 = tpu.memref_slice %arg4[%mul3A_95] : memref<811008xi32, #tpu.memory_space<hbm>> -> memref<384xi32, #tpu.memory_space<hbm>>
          tpu.enqueue_dma source(%dma_start3A_107 : memref<384xi32, #tpu.memory_space<hbm>>) target(%arg10 : memref<384xi32, #tpu.memory_space<vmem>>) target_semaphore(%run_scoped3A : memref<!tpu.dma_semaphore, #tpu.memory_space<semaphore_mem>>)
          %dma_wait3A_108 = tpu.memref_slice %arg4[%mul3A_95] : memref<811008xi32, #tpu.memory_space<hbm>> -> memref<384xi32, #tpu.memory_space<hbm>>
          %dma_wait3A_109 = tpu.memref_slice %arg4[%mul3A_95] : memref<811008xi32, #tpu.memory_space<hbm>> -> memref<384xi32, #tpu.memory_space<hbm>>
          tpu.wait_dma2 semaphore(%run_scoped3A : memref<!tpu.dma_semaphore, #tpu.memory_space<semaphore_mem>>) src(%dma_wait3A_109 : memref<384xi32, #tpu.memory_space<hbm>>) dst(%arg10 : memref<384xi32, #tpu.memory_space<vmem>>)
          tpu.yield
        }) : () -> ()
        "tpu.region"() ({
          %run_scoped3A = tpu.sem_alloc : memref<!tpu.dma_semaphore, #tpu.memory_space<semaphore_mem>>
          %dma_start3A_106 = tpu.memref_slice %arg5[%mul3A_95] : memref<811008xi32, #tpu.memory_space<hbm>> -> memref<384xi32, #tpu.memory_space<hbm>>
          %dma_start3A_107 = tpu.memref_slice %arg5[%mul3A_95] : memref<811008xi32, #tpu.memory_space<hbm>> -> memref<384xi32, #tpu.memory_space<hbm>>
          tpu.enqueue_dma source(%dma_start3A_107 : memref<384xi32, #tpu.memory_space<hbm>>) target(%arg12 : memref<384xi32, #tpu.memory_space<vmem>>) target_semaphore(%run_scoped3A : memref<!tpu.dma_semaphore, #tpu.memory_space<semaphore_mem>>)
          %dma_wait3A_108 = tpu.memref_slice %arg5[%mul3A_95] : memref<811008xi32, #tpu.memory_space<hbm>> -> memref<384xi32, #tpu.memory_space<hbm>>
          %dma_wait3A_109 = tpu.memref_slice %arg5[%mul3A_95] : memref<811008xi32, #tpu.memory_space<hbm>> -> memref<384xi32, #tpu.memory_space<hbm>>
          tpu.wait_dma2 semaphore(%run_scoped3A : memref<!tpu.dma_semaphore, #tpu.memory_space<semaphore_mem>>) src(%dma_wait3A_109 : memref<384xi32, #tpu.memory_space<hbm>>) dst(%arg12 : memref<384xi32, #tpu.memory_space<vmem>>)
          tpu.yield
        }) : () -> ()
        %eq3A_96 = arith.constant 0 : i32
        %eq3A_97 = arith.cmpi eq, %arg0, %eq3A_96 : i32
        %convert_element_type3A_98 = arith.extui %eq3A_97 : i1 to i32
        %cond3A_99 = arith.constant 0 : i32
        %cond3A_100 = arith.cmpi ne, %convert_element_type3A_98, %cond3A_99 : i32
        scf.if %cond3A_100 {
          %dma_start3A_106 = arith.constant 0 : i32
          %dma_start3A_107 = arith.constant 0 : i32
          %dma_start3A_108 = tpu.memref_slice %arg2[%dma_start3A_106, %dma_start3A_107] : memref<51200x32xf32, #tpu.memory_space<hbm>> -> memref<51200x32xf32, #tpu.memory_space<hbm>>
          tpu.enqueue_indirect_dma source(%dma_start3A_108 : memref<51200x32xf32, #tpu.memory_space<hbm>>) target(%arg14 : memref<384x32xf32, #tpu.memory_space<vmem>>) offsets(%arg10 : memref<384xi32, #tpu.memory_space<vmem>>) semaphore(%arg17 : memref<!tpu.dma_semaphore, #tpu.memory_space<semaphore_mem>>)
        } else {
        }
        %eq3A_101 = arith.constant 1 : i32
        %eq3A_102 = arith.cmpi eq, %arg0, %eq3A_101 : i32
        %convert_element_type3A_103 = arith.extui %eq3A_102 : i1 to i32
        %cond3A_104 = arith.constant 0 : i32
        %cond3A_105 = arith.cmpi ne, %convert_element_type3A_103, %cond3A_104 : i32
        scf.if %cond3A_105 {
          %dma_start3A_106 = arith.constant 0 : i32
          %dma_start3A_107 = arith.constant 0 : i32
          %dma_start3A_108 = tpu.memref_slice %arg3[%dma_start3A_106, %dma_start3A_107] : memref<51200x32xf32, #tpu.memory_space<hbm>> -> memref<51200x32xf32, #tpu.memory_space<hbm>>
          tpu.enqueue_indirect_dma source(%dma_start3A_108 : memref<51200x32xf32, #tpu.memory_space<hbm>>) target(%arg14 : memref<384x32xf32, #tpu.memory_space<vmem>>) offsets(%arg10 : memref<384xi32, #tpu.memory_space<vmem>>) semaphore(%arg17 : memref<!tpu.dma_semaphore, #tpu.memory_space<semaphore_mem>>)
        } else {
        }
      } else {
      }
      %mul3A_64 = arith.constant 2 : i32
      %mul3A_65 = arith.muli %mul3A_64, %scan3A_41 : i32
      %add3A_66 = arith.constant 1 : i32
      %add3A_67 = arith.addi %mul3A_65, %add3A_66 : i32
      %dma_wait3A_68 = arith.constant 0 : i32
      %dma_wait3A_69 = arith.constant 0 : i32
      %dma_wait3A_70 = tpu.memref_slice %arg2[%dma_wait3A_68, %dma_wait3A_69] : memref<51200x32xf32, #tpu.memory_space<hbm>> -> memref<384x32xf32, #tpu.memory_space<hbm>>
      %dma_wait3A_71 = arith.constant 0 : i32
      %dma_wait3A_72 = arith.constant 0 : i32
      %dma_wait3A_73 = tpu.memref_slice %arg2[%dma_wait3A_71, %dma_wait3A_72] : memref<51200x32xf32, #tpu.memory_space<hbm>> -> memref<384x32xf32, #tpu.memory_space<hbm>>
      tpu.wait_dma2 semaphore(%arg17 : memref<!tpu.dma_semaphore, #tpu.memory_space<semaphore_mem>>) src(%dma_wait3A_73 : memref<384x32xf32, #tpu.memory_space<hbm>>) dst(%arg14 : memref<384x32xf32, #tpu.memory_space<vmem>>)
      %dma_start3A_74 = arith.constant 0 : i32
      %dma_start3A_75 = arith.constant 0 : i32
      %dma_start3A_76 = tpu.memref_slice %arg15[%dma_start3A_74, %dma_start3A_75] : memref<51216x32xf32, #tpu.memory_space<vmem_shared>> -> memref<51216x32xf32, #tpu.memory_space<vmem_shared>>
      tpu.enqueue_indirect_dma source(%arg14 : memref<384x32xf32, #tpu.memory_space<vmem>>) target(%dma_start3A_76 : memref<51216x32xf32, #tpu.memory_space<vmem_shared>>) offsets(%arg12 : memref<384xi32, #tpu.memory_space<vmem>>) semaphore(%arg19 : memref<!tpu.dma_semaphore, #tpu.memory_space<semaphore_mem>>) {add = true}
      %gt3A_77 = arith.constant 0 : i32
      %gt3A_78 = arith.cmpi sgt, %add3A_67, %gt3A_77 : i32
      %convert_element_type3A_79 = arith.extui %gt3A_78 : i1 to i32
      %cond3A_80 = arith.constant 0 : i32
      %cond3A_81 = arith.cmpi ne, %convert_element_type3A_79, %cond3A_80 : i32
      scf.if %cond3A_81 {
        %dma_wait3A_89 = arith.constant 0 : i32
        %dma_wait3A_90 = arith.constant 0 : i32
        %dma_wait3A_91 = tpu.memref_slice %arg2[%dma_wait3A_89, %dma_wait3A_90] : memref<51200x32xf32, #tpu.memory_space<hbm>> -> memref<384x32xf32, #tpu.memory_space<hbm>>
        %dma_wait3A_92 = arith.constant 0 : i32
        %dma_wait3A_93 = arith.constant 0 : i32
        %dma_wait3A_94 = tpu.memref_slice %arg2[%dma_wait3A_92, %dma_wait3A_93] : memref<51200x32xf32, #tpu.memory_space<hbm>> -> memref<384x32xf32, #tpu.memory_space<hbm>>
        tpu.wait_dma2 semaphore(%arg18 : memref<!tpu.dma_semaphore, #tpu.memory_space<semaphore_mem>>) src(%dma_wait3A_94 : memref<384x32xf32, #tpu.memory_space<hbm>>) dst(%arg13 : memref<384x32xf32, #tpu.memory_space<vmem>>)
      } else {
      }
      %add3A_82 = arith.constant 1 : i32
      %add3A_83 = arith.addi %add3A_67, %add3A_82 : i32
      %lt3A_84 = arith.constant 132 : i32
      %lt3A_85 = arith.cmpi slt, %add3A_83, %lt3A_84 : i32
      %convert_element_type3A_86 = arith.extui %lt3A_85 : i1 to i32
      %cond3A_87 = arith.constant 0 : i32
      %cond3A_88 = arith.cmpi ne, %convert_element_type3A_86, %cond3A_87 : i32
      scf.if %cond3A_88 {
        %add3A_89 = arith.constant 1 : i32
        %add3A_90 = arith.addi %add3A_67, %add3A_89 : i32
        %mul3A_91 = arith.constant 3 : i32
        %mul3A_92 = arith.muli %add3A_90, %mul3A_91 : i32
        %add3A_93 = arith.addi %mul3A_4, %mul3A_92 : i32
        %mul3A_94 = arith.constant 128 : i32
        %mul3A_95 = arith.muli %add3A_93, %mul3A_94 : i32
        "tpu.region"() ({
          %run_scoped3A = tpu.sem_alloc : memref<!tpu.dma_semaphore, #tpu.memory_space<semaphore_mem>>
          %dma_start3A_106 = tpu.memref_slice %arg4[%mul3A_95] : memref<811008xi32, #tpu.memory_space<hbm>> -> memref<384xi32, #tpu.memory_space<hbm>>
          %dma_start3A_107 = tpu.memref_slice %arg4[%mul3A_95] : memref<811008xi32, #tpu.memory_space<hbm>> -> memref<384xi32, #tpu.memory_space<hbm>>
          tpu.enqueue_dma source(%dma_start3A_107 : memref<384xi32, #tpu.memory_space<hbm>>) target(%arg9 : memref<384xi32, #tpu.memory_space<vmem>>) target_semaphore(%run_scoped3A : memref<!tpu.dma_semaphore, #tpu.memory_space<semaphore_mem>>)
          %dma_wait3A_108 = tpu.memref_slice %arg4[%mul3A_95] : memref<811008xi32, #tpu.memory_space<hbm>> -> memref<384xi32, #tpu.memory_space<hbm>>
          %dma_wait3A_109 = tpu.memref_slice %arg4[%mul3A_95] : memref<811008xi32, #tpu.memory_space<hbm>> -> memref<384xi32, #tpu.memory_space<hbm>>
          tpu.wait_dma2 semaphore(%run_scoped3A : memref<!tpu.dma_semaphore, #tpu.memory_space<semaphore_mem>>) src(%dma_wait3A_109 : memref<384xi32, #tpu.memory_space<hbm>>) dst(%arg9 : memref<384xi32, #tpu.memory_space<vmem>>)
          tpu.yield
        }) : () -> ()
        "tpu.region"() ({
          %run_scoped3A = tpu.sem_alloc : memref<!tpu.dma_semaphore, #tpu.memory_space<semaphore_mem>>
          %dma_start3A_106 = tpu.memref_slice %arg5[%mul3A_95] : memref<811008xi32, #tpu.memory_space<hbm>> -> memref<384xi32, #tpu.memory_space<hbm>>
          %dma_start3A_107 = tpu.memref_slice %arg5[%mul3A_95] : memref<811008xi32, #tpu.memory_space<hbm>> -> memref<384xi32, #tpu.memory_space<hbm>>
          tpu.enqueue_dma source(%dma_start3A_107 : memref<384xi32, #tpu.memory_space<hbm>>) target(%arg11 : memref<384xi32, #tpu.memory_space<vmem>>) target_semaphore(%run_scoped3A : memref<!tpu.dma_semaphore, #tpu.memory_space<semaphore_mem>>)
          %dma_wait3A_108 = tpu.memref_slice %arg5[%mul3A_95] : memref<811008xi32, #tpu.memory_space<hbm>> -> memref<384xi32, #tpu.memory_space<hbm>>
          %dma_wait3A_109 = tpu.memref_slice %arg5[%mul3A_95] : memref<811008xi32, #tpu.memory_space<hbm>> -> memref<384xi32, #tpu.memory_space<hbm>>
          tpu.wait_dma2 semaphore(%run_scoped3A : memref<!tpu.dma_semaphore, #tpu.memory_space<semaphore_mem>>) src(%dma_wait3A_109 : memref<384xi32, #tpu.memory_space<hbm>>) dst(%arg11 : memref<384xi32, #tpu.memory_space<vmem>>)
          tpu.yield
        }) : () -> ()
        %eq3A_96 = arith.constant 0 : i32
        %eq3A_97 = arith.cmpi eq, %arg0, %eq3A_96 : i32
        %convert_element_type3A_98 = arith.extui %eq3A_97 : i1 to i32
        %cond3A_99 = arith.constant 0 : i32
        %cond3A_100 = arith.cmpi ne, %convert_element_type3A_98, %cond3A_99 : i32
        scf.if %cond3A_100 {
          %dma_start3A_106 = arith.constant 0 : i32
          %dma_start3A_107 = arith.constant 0 : i32
          %dma_start3A_108 = tpu.memref_slice %arg2[%dma_start3A_106, %dma_start3A_107] : memref<51200x32xf32, #tpu.memory_space<hbm>> -> memref<51200x32xf32, #tpu.memory_space<hbm>>
          tpu.enqueue_indirect_dma source(%dma_start3A_108 : memref<51200x32xf32, #tpu.memory_space<hbm>>) target(%arg13 : memref<384x32xf32, #tpu.memory_space<vmem>>) offsets(%arg9 : memref<384xi32, #tpu.memory_space<vmem>>) semaphore(%arg16 : memref<!tpu.dma_semaphore, #tpu.memory_space<semaphore_mem>>)
        } else {
        }
        %eq3A_101 = arith.constant 1 : i32
        %eq3A_102 = arith.cmpi eq, %arg0, %eq3A_101 : i32
        %convert_element_type3A_103 = arith.extui %eq3A_102 : i1 to i32
        %cond3A_104 = arith.constant 0 : i32
        %cond3A_105 = arith.cmpi ne, %convert_element_type3A_103, %cond3A_104 : i32
        scf.if %cond3A_105 {
          %dma_start3A_106 = arith.constant 0 : i32
          %dma_start3A_107 = arith.constant 0 : i32
          %dma_start3A_108 = tpu.memref_slice %arg3[%dma_start3A_106, %dma_start3A_107] : memref<51200x32xf32, #tpu.memory_space<hbm>> -> memref<51200x32xf32, #tpu.memory_space<hbm>>
          tpu.enqueue_indirect_dma source(%dma_start3A_108 : memref<51200x32xf32, #tpu.memory_space<hbm>>) target(%arg13 : memref<384x32xf32, #tpu.memory_space<vmem>>) offsets(%arg9 : memref<384xi32, #tpu.memory_space<vmem>>) semaphore(%arg16 : memref<!tpu.dma_semaphore, #tpu.memory_space<semaphore_mem>>)
        } else {
        }
      } else {
      }
    }
    %scan3A_22 = arith.constant 66 : i32
    %dma_wait3A = arith.constant 0 : i32
    %dma_wait3A_23 = arith.constant 0 : i32
    %dma_wait3A_24 = tpu.memref_slice %arg2[%dma_wait3A, %dma_wait3A_23] : memref<51200x32xf32, #tpu.memory_space<hbm>> -> memref<384x32xf32, #tpu.memory_space<hbm>>
    %dma_wait3A_25 = arith.constant 0 : i32
    %dma_wait3A_26 = arith.constant 0 : i32
    %dma_wait3A_27 = tpu.memref_slice %arg2[%dma_wait3A_25, %dma_wait3A_26] : memref<51200x32xf32, #tpu.memory_space<hbm>> -> memref<384x32xf32, #tpu.memory_space<hbm>>
    tpu.wait_dma2 semaphore(%arg19 : memref<!tpu.dma_semaphore, #tpu.memory_space<semaphore_mem>>) src(%dma_wait3A_27 : memref<384x32xf32, #tpu.memory_space<hbm>>) dst(%arg14 : memref<384x32xf32, #tpu.memory_space<vmem>>)
    %barrier3A_28 = arith.constant 0 : index
    tpu.barrier barrier_id(%barrier3A_28)
    %mul3A_29 = arith.constant 3200 : i32
    %mul3A_30 = arith.muli %arg1, %mul3A_29 : i32
    %eq3A_31 = arith.constant 0 : i32
    %eq3A_32 = arith.cmpi eq, %arg0, %eq3A_31 : i32
    %convert_element_type3A_33 = arith.extui %eq3A_32 : i1 to i32
    %cond3A_34 = arith.constant 0 : i32
    %cond3A_35 = arith.cmpi ne, %convert_element_type3A_33, %cond3A_34 : i32
    scf.if %cond3A_35 {
      "tpu.region"() ({
        %run_scoped3A = tpu.sem_alloc : memref<!tpu.dma_semaphore, #tpu.memory_space<semaphore_mem>>
        %dma_start3A = arith.constant 0 : i32
        %dma_start3A_41 = tpu.memref_slice %arg7[%mul3A_30, %dma_start3A] : memref<51200x32xf32, #tpu.memory_space<hbm>> -> memref<3200x32xf32, #tpu.memory_space<hbm>>
        %dma_start3A_42 = arith.constant 0 : i32
        %dma_start3A_43 = tpu.memref_slice %arg15[%mul3A_30, %dma_start3A_42] : memref<51216x32xf32, #tpu.memory_space<vmem_shared>> -> memref<3200x32xf32, #tpu.memory_space<vmem_shared>>
        tpu.enqueue_dma source(%dma_start3A_43 : memref<3200x32xf32, #tpu.memory_space<vmem_shared>>) target(%dma_start3A_41 : memref<3200x32xf32, #tpu.memory_space<hbm>>) target_semaphore(%run_scoped3A : memref<!tpu.dma_semaphore, #tpu.memory_space<semaphore_mem>>)
        %dma_wait3A_44 = arith.constant 0 : i32
        %dma_wait3A_45 = tpu.memref_slice %arg7[%mul3A_30, %dma_wait3A_44] : memref<51200x32xf32, #tpu.memory_space<hbm>> -> memref<3200x32xf32, #tpu.memory_space<hbm>>
        %dma_wait3A_46 = arith.constant 0 : i32
        %dma_wait3A_47 = tpu.memref_slice %arg15[%mul3A_30, %dma_wait3A_46] : memref<51216x32xf32, #tpu.memory_space<vmem_shared>> -> memref<3200x32xf32, #tpu.memory_space<vmem_shared>>
        tpu.wait_dma2 semaphore(%run_scoped3A : memref<!tpu.dma_semaphore, #tpu.memory_space<semaphore_mem>>) src(%dma_wait3A_47 : memref<3200x32xf32, #tpu.memory_space<vmem_shared>>) dst(%dma_wait3A_45 : memref<3200x32xf32, #tpu.memory_space<hbm>>)
        tpu.yield
      }) : () -> ()
    } else {
    }
    %eq3A_36 = arith.constant 1 : i32
    %eq3A_37 = arith.cmpi eq, %arg0, %eq3A_36 : i32
    %convert_element_type3A_38 = arith.extui %eq3A_37 : i1 to i32
    %cond3A_39 = arith.constant 0 : i32
    %cond3A_40 = arith.cmpi ne, %convert_element_type3A_38, %cond3A_39 : i32
    scf.if %cond3A_40 {
      "tpu.region"() ({
        %run_scoped3A = tpu.sem_alloc : memref<!tpu.dma_semaphore, #tpu.memory_space<semaphore_mem>>
        %dma_start3A = arith.constant 0 : i32
        %dma_start3A_41 = tpu.memref_slice %arg8[%mul3A_30, %dma_start3A] : memref<51200x32xf32, #tpu.memory_space<hbm>> -> memref<3200x32xf32, #tpu.memory_space<hbm>>
        %dma_start3A_42 = arith.constant 0 : i32
        %dma_start3A_43 = tpu.memref_slice %arg15[%mul3A_30, %dma_start3A_42] : memref<51216x32xf32, #tpu.memory_space<vmem_shared>> -> memref<3200x32xf32, #tpu.memory_space<vmem_shared>>
        tpu.enqueue_dma source(%dma_start3A_43 : memref<3200x32xf32, #tpu.memory_space<vmem_shared>>) target(%dma_start3A_41 : memref<3200x32xf32, #tpu.memory_space<hbm>>) target_semaphore(%run_scoped3A : memref<!tpu.dma_semaphore, #tpu.memory_space<semaphore_mem>>)
        %dma_wait3A_44 = arith.constant 0 : i32
        %dma_wait3A_45 = tpu.memref_slice %arg8[%mul3A_30, %dma_wait3A_44] : memref<51200x32xf32, #tpu.memory_space<hbm>> -> memref<3200x32xf32, #tpu.memory_space<hbm>>
        %dma_wait3A_46 = arith.constant 0 : i32
        %dma_wait3A_47 = tpu.memref_slice %arg15[%mul3A_30, %dma_wait3A_46] : memref<51216x32xf32, #tpu.memory_space<vmem_shared>> -> memref<3200x32xf32, #tpu.memory_space<vmem_shared>>
        tpu.wait_dma2 semaphore(%run_scoped3A : memref<!tpu.dma_semaphore, #tpu.memory_space<semaphore_mem>>) src(%dma_wait3A_47 : memref<3200x32xf32, #tpu.memory_space<vmem_shared>>) dst(%dma_wait3A_45 : memref<3200x32xf32, #tpu.memory_space<hbm>>)
        tpu.yield
      }) : () -> ()
    } else {
    }
    return
  }
}

#map = affine_map<(d0, d1) -> (0, 0)>
#map1 = affine_map<(d0, d1) -> (0)>
module attributes {stable_mosaic.version = 14 : i64} {
  func.func @_cnt_body(%arg0: i32, %arg1: i32, %arg2: memref<51200x8xf32, #tpu.memory_space<hbm>>, %arg3: memref<811008xi32, #tpu.memory_space<hbm>>, %arg4: memref<811008xi32, #tpu.memory_space<hbm>>, %arg5: memref<3200x8xf32, #tpu.memory_space<hbm>>, %arg6: memref<51200x8xf32, #tpu.memory_space<hbm>>, %arg7: memref<51200x8xf32, #tpu.memory_space<hbm>>, %arg8: memref<384xi32, #tpu.memory_space<vmem>>, %arg9: memref<384xi32, #tpu.memory_space<vmem>>, %arg10: memref<384xi32, #tpu.memory_space<vmem>>, %arg11: memref<384xi32, #tpu.memory_space<vmem>>, %arg12: memref<384x8xf32, #tpu.memory_space<vmem>>, %arg13: memref<384x8xf32, #tpu.memory_space<vmem>>, %arg14: memref<51216x8xf32, #tpu.memory_space<vmem_shared>>, %arg15: memref<!tpu.dma_semaphore, #tpu.memory_space<semaphore_mem>>, %arg16: memref<!tpu.dma_semaphore, #tpu.memory_space<semaphore_mem>>, %arg17: memref<!tpu.dma_semaphore, #tpu.memory_space<semaphore_mem>>, %arg18: memref<!tpu.dma_semaphore, #tpu.memory_space<semaphore_mem>>) attributes {dimension_semantics = [#tpu.dimension_semantics<core_parallel>, #tpu.dimension_semantics<subcore_parallel>], iteration_bounds = array<i64: 2, 16>, scalar_prefetch = 0 : i64, scratch_operands = 11 : i64, tpu.core_type = #tpu.core_type<sc_vector_subcore>, window_params = [{transform_indices = #map}, {transform_indices = #map1}, {transform_indices = #map1}, {transform_indices = #map}, {transform_indices = #map}, {transform_indices = #map}]} {
    %mul3A = arith.constant 3200 : i32
    %mul3A_0 = arith.muli %arg1, %mul3A : i32
    "tpu.region"() ({
      %run_scoped3A = tpu.sem_alloc : memref<!tpu.dma_semaphore, #tpu.memory_space<semaphore_mem>>
      %dma_start3A_34 = arith.constant 0 : i32
      %dma_start3A_35 = tpu.memref_slice %arg14[%mul3A_0, %dma_start3A_34] : memref<51216x8xf32, #tpu.memory_space<vmem_shared>> -> memref<3200x8xf32, #tpu.memory_space<vmem_shared>>
      tpu.enqueue_dma source(%arg5 : memref<3200x8xf32, #tpu.memory_space<hbm>>) target(%dma_start3A_35 : memref<3200x8xf32, #tpu.memory_space<vmem_shared>>) target_semaphore(%run_scoped3A : memref<!tpu.dma_semaphore, #tpu.memory_space<semaphore_mem>>)
      %dma_wait3A_36 = arith.constant 0 : i32
      %dma_wait3A_37 = tpu.memref_slice %arg14[%mul3A_0, %dma_wait3A_36] : memref<51216x8xf32, #tpu.memory_space<vmem_shared>> -> memref<3200x8xf32, #tpu.memory_space<vmem_shared>>
      tpu.wait_dma2 semaphore(%run_scoped3A : memref<!tpu.dma_semaphore, #tpu.memory_space<semaphore_mem>>) src(%arg5 : memref<3200x8xf32, #tpu.memory_space<hbm>>) dst(%dma_wait3A_37 : memref<3200x8xf32, #tpu.memory_space<vmem_shared>>)
      tpu.yield
    }) : () -> ()
    %eq3A = arith.constant 0 : i32
    %eq3A_1 = arith.cmpi eq, %arg1, %eq3A : i32
    %convert_element_type3A = arith.extui %eq3A_1 : i1 to i32
    %cond3A = arith.constant 0 : i32
    %cond3A_2 = arith.cmpi ne, %convert_element_type3A, %cond3A : i32
    scf.if %cond3A_2 {
      "tpu.region"() ({
        %run_scoped3A = tpu.sem_alloc : memref<!tpu.dma_semaphore, #tpu.memory_space<semaphore_mem>>
        %dma_start3A_34 = arith.constant 51200 : i32
        %dma_start3A_35 = arith.constant 0 : i32
        %dma_start3A_36 = tpu.memref_slice %arg14[%dma_start3A_34, %dma_start3A_35] : memref<51216x8xf32, #tpu.memory_space<vmem_shared>> -> memref<16x8xf32, #tpu.memory_space<vmem_shared>>
        %dma_start3A_37 = arith.constant 0 : i32
        %dma_start3A_38 = arith.constant 0 : i32
        %dma_start3A_39 = tpu.memref_slice %arg5[%dma_start3A_37, %dma_start3A_38] : memref<3200x8xf32, #tpu.memory_space<hbm>> -> memref<16x8xf32, #tpu.memory_space<hbm>>
        tpu.enqueue_dma source(%dma_start3A_39 : memref<16x8xf32, #tpu.memory_space<hbm>>) target(%dma_start3A_36 : memref<16x8xf32, #tpu.memory_space<vmem_shared>>) target_semaphore(%run_scoped3A : memref<!tpu.dma_semaphore, #tpu.memory_space<semaphore_mem>>)
        %dma_wait3A_40 = arith.constant 51200 : i32
        %dma_wait3A_41 = arith.constant 0 : i32
        %dma_wait3A_42 = tpu.memref_slice %arg14[%dma_wait3A_40, %dma_wait3A_41] : memref<51216x8xf32, #tpu.memory_space<vmem_shared>> -> memref<16x8xf32, #tpu.memory_space<vmem_shared>>
        %dma_wait3A_43 = arith.constant 0 : i32
        %dma_wait3A_44 = arith.constant 0 : i32
        %dma_wait3A_45 = tpu.memref_slice %arg5[%dma_wait3A_43, %dma_wait3A_44] : memref<3200x8xf32, #tpu.memory_space<hbm>> -> memref<16x8xf32, #tpu.memory_space<hbm>>
        tpu.wait_dma2 semaphore(%run_scoped3A : memref<!tpu.dma_semaphore, #tpu.memory_space<semaphore_mem>>) src(%dma_wait3A_45 : memref<16x8xf32, #tpu.memory_space<hbm>>) dst(%dma_wait3A_42 : memref<16x8xf32, #tpu.memory_space<vmem_shared>>)
        tpu.yield
      }) : () -> ()
    } else {
    }
    %barrier3A = arith.constant 0 : index
    tpu.barrier barrier_id(%barrier3A)
    %mul3A_3 = arith.constant 16 : i32
    %mul3A_4 = arith.muli %arg0, %mul3A_3 : i32
    %add3A = arith.addi %mul3A_4, %arg1 : i32
    %mul3A_5 = arith.constant 25344 : i32
    %mul3A_6 = arith.muli %add3A, %mul3A_5 : i32
    %add3A_7 = arith.constant 0 : i32
    %add3A_8 = arith.addi %mul3A_6, %add3A_7 : i32
    "tpu.region"() ({
      %run_scoped3A = tpu.sem_alloc : memref<!tpu.dma_semaphore, #tpu.memory_space<semaphore_mem>>
      %dma_start3A_34 = tpu.memref_slice %arg3[%add3A_8] : memref<811008xi32, #tpu.memory_space<hbm>> -> memref<384xi32, #tpu.memory_space<hbm>>
      %dma_start3A_35 = tpu.memref_slice %arg3[%add3A_8] : memref<811008xi32, #tpu.memory_space<hbm>> -> memref<384xi32, #tpu.memory_space<hbm>>
      tpu.enqueue_dma source(%dma_start3A_35 : memref<384xi32, #tpu.memory_space<hbm>>) target(%arg8 : memref<384xi32, #tpu.memory_space<vmem>>) target_semaphore(%run_scoped3A : memref<!tpu.dma_semaphore, #tpu.memory_space<semaphore_mem>>)
      %dma_wait3A_36 = tpu.memref_slice %arg3[%add3A_8] : memref<811008xi32, #tpu.memory_space<hbm>> -> memref<384xi32, #tpu.memory_space<hbm>>
      %dma_wait3A_37 = tpu.memref_slice %arg3[%add3A_8] : memref<811008xi32, #tpu.memory_space<hbm>> -> memref<384xi32, #tpu.memory_space<hbm>>
      tpu.wait_dma2 semaphore(%run_scoped3A : memref<!tpu.dma_semaphore, #tpu.memory_space<semaphore_mem>>) src(%dma_wait3A_37 : memref<384xi32, #tpu.memory_space<hbm>>) dst(%arg8 : memref<384xi32, #tpu.memory_space<vmem>>)
      tpu.yield
    }) : () -> ()
    "tpu.region"() ({
      %run_scoped3A = tpu.sem_alloc : memref<!tpu.dma_semaphore, #tpu.memory_space<semaphore_mem>>
      %dma_start3A_34 = tpu.memref_slice %arg4[%add3A_8] : memref<811008xi32, #tpu.memory_space<hbm>> -> memref<384xi32, #tpu.memory_space<hbm>>
      %dma_start3A_35 = tpu.memref_slice %arg4[%add3A_8] : memref<811008xi32, #tpu.memory_space<hbm>> -> memref<384xi32, #tpu.memory_space<hbm>>
      tpu.enqueue_dma source(%dma_start3A_35 : memref<384xi32, #tpu.memory_space<hbm>>) target(%arg10 : memref<384xi32, #tpu.memory_space<vmem>>) target_semaphore(%run_scoped3A : memref<!tpu.dma_semaphore, #tpu.memory_space<semaphore_mem>>)
      %dma_wait3A_36 = tpu.memref_slice %arg4[%add3A_8] : memref<811008xi32, #tpu.memory_space<hbm>> -> memref<384xi32, #tpu.memory_space<hbm>>
      %dma_wait3A_37 = tpu.memref_slice %arg4[%add3A_8] : memref<811008xi32, #tpu.memory_space<hbm>> -> memref<384xi32, #tpu.memory_space<hbm>>
      tpu.wait_dma2 semaphore(%run_scoped3A : memref<!tpu.dma_semaphore, #tpu.memory_space<semaphore_mem>>) src(%dma_wait3A_37 : memref<384xi32, #tpu.memory_space<hbm>>) dst(%arg10 : memref<384xi32, #tpu.memory_space<vmem>>)
      tpu.yield
    }) : () -> ()
    %dma_start3A = arith.constant 0 : i32
    %dma_start3A_9 = arith.constant 0 : i32
    %dma_start3A_10 = tpu.memref_slice %arg2[%dma_start3A, %dma_start3A_9] : memref<51200x8xf32, #tpu.memory_space<hbm>> -> memref<51200x8xf32, #tpu.memory_space<hbm>>
    tpu.enqueue_indirect_dma source(%dma_start3A_10 : memref<51200x8xf32, #tpu.memory_space<hbm>>) target(%arg12 : memref<384x8xf32, #tpu.memory_space<vmem>>) offsets(%arg8 : memref<384xi32, #tpu.memory_space<vmem>>) semaphore(%arg15 : memref<!tpu.dma_semaphore, #tpu.memory_space<semaphore_mem>>)
    %scan3A = arith.constant 0 : i32
    %scan3A_11 = arith.constant 0 : i32
    %scan3A_12 = arith.constant 33 : i32
    %scan3A_13 = arith.addi %scan3A_11, %scan3A_12 : i32
    %scan3A_14 = arith.constant 1 : i32
    scf.for %scan3A_34 = %scan3A_11 to %scan3A_13 step %scan3A_14  : i32 {
      %mul3A_35 = arith.constant 2 : i32
      %mul3A_36 = arith.muli %mul3A_35, %scan3A_34 : i32
      %add3A_37 = arith.constant 0 : i32
      %add3A_38 = arith.addi %mul3A_36, %add3A_37 : i32
      %dma_wait3A_39 = arith.constant 0 : i32
      %dma_wait3A_40 = arith.constant 0 : i32
      %dma_wait3A_41 = tpu.memref_slice %arg2[%dma_wait3A_39, %dma_wait3A_40] : memref<51200x8xf32, #tpu.memory_space<hbm>> -> memref<384x8xf32, #tpu.memory_space<hbm>>
      %dma_wait3A_42 = arith.constant 0 : i32
      %dma_wait3A_43 = arith.constant 0 : i32
      %dma_wait3A_44 = tpu.memref_slice %arg2[%dma_wait3A_42, %dma_wait3A_43] : memref<51200x8xf32, #tpu.memory_space<hbm>> -> memref<384x8xf32, #tpu.memory_space<hbm>>
      tpu.wait_dma2 semaphore(%arg15 : memref<!tpu.dma_semaphore, #tpu.memory_space<semaphore_mem>>) src(%dma_wait3A_44 : memref<384x8xf32, #tpu.memory_space<hbm>>) dst(%arg12 : memref<384x8xf32, #tpu.memory_space<vmem>>)
      %dma_start3A_45 = arith.constant 0 : i32
      %dma_start3A_46 = arith.constant 0 : i32
      %dma_start3A_47 = tpu.memref_slice %arg14[%dma_start3A_45, %dma_start3A_46] : memref<51216x8xf32, #tpu.memory_space<vmem_shared>> -> memref<51216x8xf32, #tpu.memory_space<vmem_shared>>
      tpu.enqueue_indirect_dma source(%arg12 : memref<384x8xf32, #tpu.memory_space<vmem>>) target(%dma_start3A_47 : memref<51216x8xf32, #tpu.memory_space<vmem_shared>>) offsets(%arg10 : memref<384xi32, #tpu.memory_space<vmem>>) semaphore(%arg17 : memref<!tpu.dma_semaphore, #tpu.memory_space<semaphore_mem>>) {add = true}
      %gt3A = arith.constant 0 : i32
      %gt3A_48 = arith.cmpi sgt, %add3A_38, %gt3A : i32
      %convert_element_type3A_49 = arith.extui %gt3A_48 : i1 to i32
      %cond3A_50 = arith.constant 0 : i32
      %cond3A_51 = arith.cmpi ne, %convert_element_type3A_49, %cond3A_50 : i32
      scf.if %cond3A_51 {
        %dma_wait3A_83 = arith.constant 0 : i32
        %dma_wait3A_84 = arith.constant 0 : i32
        %dma_wait3A_85 = tpu.memref_slice %arg2[%dma_wait3A_83, %dma_wait3A_84] : memref<51200x8xf32, #tpu.memory_space<hbm>> -> memref<384x8xf32, #tpu.memory_space<hbm>>
        %dma_wait3A_86 = arith.constant 0 : i32
        %dma_wait3A_87 = arith.constant 0 : i32
        %dma_wait3A_88 = tpu.memref_slice %arg2[%dma_wait3A_86, %dma_wait3A_87] : memref<51200x8xf32, #tpu.memory_space<hbm>> -> memref<384x8xf32, #tpu.memory_space<hbm>>
        tpu.wait_dma2 semaphore(%arg18 : memref<!tpu.dma_semaphore, #tpu.memory_space<semaphore_mem>>) src(%dma_wait3A_88 : memref<384x8xf32, #tpu.memory_space<hbm>>) dst(%arg13 : memref<384x8xf32, #tpu.memory_space<vmem>>)
      } else {
      }
      %add3A_52 = arith.constant 1 : i32
      %add3A_53 = arith.addi %add3A_38, %add3A_52 : i32
      %lt3A = arith.constant 66 : i32
      %lt3A_54 = arith.cmpi slt, %add3A_53, %lt3A : i32
      %convert_element_type3A_55 = arith.extui %lt3A_54 : i1 to i32
      %cond3A_56 = arith.constant 0 : i32
      %cond3A_57 = arith.cmpi ne, %convert_element_type3A_55, %cond3A_56 : i32
      scf.if %cond3A_57 {
        %add3A_83 = arith.constant 1 : i32
        %add3A_84 = arith.addi %add3A_38, %add3A_83 : i32
        %mul3A_85 = arith.constant 384 : i32
        %mul3A_86 = arith.muli %add3A_84, %mul3A_85 : i32
        %add3A_87 = arith.addi %mul3A_6, %mul3A_86 : i32
        "tpu.region"() ({
          %run_scoped3A = tpu.sem_alloc : memref<!tpu.dma_semaphore, #tpu.memory_space<semaphore_mem>>
          %dma_start3A_91 = tpu.memref_slice %arg3[%add3A_87] : memref<811008xi32, #tpu.memory_space<hbm>> -> memref<384xi32, #tpu.memory_space<hbm>>
          %dma_start3A_92 = tpu.memref_slice %arg3[%add3A_87] : memref<811008xi32, #tpu.memory_space<hbm>> -> memref<384xi32, #tpu.memory_space<hbm>>
          tpu.enqueue_dma source(%dma_start3A_92 : memref<384xi32, #tpu.memory_space<hbm>>) target(%arg9 : memref<384xi32, #tpu.memory_space<vmem>>) target_semaphore(%run_scoped3A : memref<!tpu.dma_semaphore, #tpu.memory_space<semaphore_mem>>)
          %dma_wait3A_93 = tpu.memref_slice %arg3[%add3A_87] : memref<811008xi32, #tpu.memory_space<hbm>> -> memref<384xi32, #tpu.memory_space<hbm>>
          %dma_wait3A_94 = tpu.memref_slice %arg3[%add3A_87] : memref<811008xi32, #tpu.memory_space<hbm>> -> memref<384xi32, #tpu.memory_space<hbm>>
          tpu.wait_dma2 semaphore(%run_scoped3A : memref<!tpu.dma_semaphore, #tpu.memory_space<semaphore_mem>>) src(%dma_wait3A_94 : memref<384xi32, #tpu.memory_space<hbm>>) dst(%arg9 : memref<384xi32, #tpu.memory_space<vmem>>)
          tpu.yield
        }) : () -> ()
        "tpu.region"() ({
          %run_scoped3A = tpu.sem_alloc : memref<!tpu.dma_semaphore, #tpu.memory_space<semaphore_mem>>
          %dma_start3A_91 = tpu.memref_slice %arg4[%add3A_87] : memref<811008xi32, #tpu.memory_space<hbm>> -> memref<384xi32, #tpu.memory_space<hbm>>
          %dma_start3A_92 = tpu.memref_slice %arg4[%add3A_87] : memref<811008xi32, #tpu.memory_space<hbm>> -> memref<384xi32, #tpu.memory_space<hbm>>
          tpu.enqueue_dma source(%dma_start3A_92 : memref<384xi32, #tpu.memory_space<hbm>>) target(%arg11 : memref<384xi32, #tpu.memory_space<vmem>>) target_semaphore(%run_scoped3A : memref<!tpu.dma_semaphore, #tpu.memory_space<semaphore_mem>>)
          %dma_wait3A_93 = tpu.memref_slice %arg4[%add3A_87] : memref<811008xi32, #tpu.memory_space<hbm>> -> memref<384xi32, #tpu.memory_space<hbm>>
          %dma_wait3A_94 = tpu.memref_slice %arg4[%add3A_87] : memref<811008xi32, #tpu.memory_space<hbm>> -> memref<384xi32, #tpu.memory_space<hbm>>
          tpu.wait_dma2 semaphore(%run_scoped3A : memref<!tpu.dma_semaphore, #tpu.memory_space<semaphore_mem>>) src(%dma_wait3A_94 : memref<384xi32, #tpu.memory_space<hbm>>) dst(%arg11 : memref<384xi32, #tpu.memory_space<vmem>>)
          tpu.yield
        }) : () -> ()
        %dma_start3A_88 = arith.constant 0 : i32
        %dma_start3A_89 = arith.constant 0 : i32
        %dma_start3A_90 = tpu.memref_slice %arg2[%dma_start3A_88, %dma_start3A_89] : memref<51200x8xf32, #tpu.memory_space<hbm>> -> memref<51200x8xf32, #tpu.memory_space<hbm>>
        tpu.enqueue_indirect_dma source(%dma_start3A_90 : memref<51200x8xf32, #tpu.memory_space<hbm>>) target(%arg13 : memref<384x8xf32, #tpu.memory_space<vmem>>) offsets(%arg9 : memref<384xi32, #tpu.memory_space<vmem>>) semaphore(%arg16 : memref<!tpu.dma_semaphore, #tpu.memory_space<semaphore_mem>>)
      } else {
      }
      %mul3A_58 = arith.constant 2 : i32
      %mul3A_59 = arith.muli %mul3A_58, %scan3A_34 : i32
      %add3A_60 = arith.constant 1 : i32
      %add3A_61 = arith.addi %mul3A_59, %add3A_60 : i32
      %dma_wait3A_62 = arith.constant 0 : i32
      %dma_wait3A_63 = arith.constant 0 : i32
      %dma_wait3A_64 = tpu.memref_slice %arg2[%dma_wait3A_62, %dma_wait3A_63] : memref<51200x8xf32, #tpu.memory_space<hbm>> -> memref<384x8xf32, #tpu.memory_space<hbm>>
      %dma_wait3A_65 = arith.constant 0 : i32
      %dma_wait3A_66 = arith.constant 0 : i32
      %dma_wait3A_67 = tpu.memref_slice %arg2[%dma_wait3A_65, %dma_wait3A_66] : memref<51200x8xf32, #tpu.memory_space<hbm>> -> memref<384x8xf32, #tpu.memory_space<hbm>>
      tpu.wait_dma2 semaphore(%arg16 : memref<!tpu.dma_semaphore, #tpu.memory_space<semaphore_mem>>) src(%dma_wait3A_67 : memref<384x8xf32, #tpu.memory_space<hbm>>) dst(%arg13 : memref<384x8xf32, #tpu.memory_space<vmem>>)
      %dma_start3A_68 = arith.constant 0 : i32
      %dma_start3A_69 = arith.constant 0 : i32
      %dma_start3A_70 = tpu.memref_slice %arg14[%dma_start3A_68, %dma_start3A_69] : memref<51216x8xf32, #tpu.memory_space<vmem_shared>> -> memref<51216x8xf32, #tpu.memory_space<vmem_shared>>
      tpu.enqueue_indirect_dma source(%arg13 : memref<384x8xf32, #tpu.memory_space<vmem>>) target(%dma_start3A_70 : memref<51216x8xf32, #tpu.memory_space<vmem_shared>>) offsets(%arg11 : memref<384xi32, #tpu.memory_space<vmem>>) semaphore(%arg18 : memref<!tpu.dma_semaphore, #tpu.memory_space<semaphore_mem>>) {add = true}
      %gt3A_71 = arith.constant 0 : i32
      %gt3A_72 = arith.cmpi sgt, %add3A_61, %gt3A_71 : i32
      %convert_element_type3A_73 = arith.extui %gt3A_72 : i1 to i32
      %cond3A_74 = arith.constant 0 : i32
      %cond3A_75 = arith.cmpi ne, %convert_element_type3A_73, %cond3A_74 : i32
      scf.if %cond3A_75 {
        %dma_wait3A_83 = arith.constant 0 : i32
        %dma_wait3A_84 = arith.constant 0 : i32
        %dma_wait3A_85 = tpu.memref_slice %arg2[%dma_wait3A_83, %dma_wait3A_84] : memref<51200x8xf32, #tpu.memory_space<hbm>> -> memref<384x8xf32, #tpu.memory_space<hbm>>
        %dma_wait3A_86 = arith.constant 0 : i32
        %dma_wait3A_87 = arith.constant 0 : i32
        %dma_wait3A_88 = tpu.memref_slice %arg2[%dma_wait3A_86, %dma_wait3A_87] : memref<51200x8xf32, #tpu.memory_space<hbm>> -> memref<384x8xf32, #tpu.memory_space<hbm>>
        tpu.wait_dma2 semaphore(%arg17 : memref<!tpu.dma_semaphore, #tpu.memory_space<semaphore_mem>>) src(%dma_wait3A_88 : memref<384x8xf32, #tpu.memory_space<hbm>>) dst(%arg12 : memref<384x8xf32, #tpu.memory_space<vmem>>)
      } else {
      }
      %add3A_76 = arith.constant 1 : i32
      %add3A_77 = arith.addi %add3A_61, %add3A_76 : i32
      %lt3A_78 = arith.constant 66 : i32
      %lt3A_79 = arith.cmpi slt, %add3A_77, %lt3A_78 : i32
      %convert_element_type3A_80 = arith.extui %lt3A_79 : i1 to i32
      %cond3A_81 = arith.constant 0 : i32
      %cond3A_82 = arith.cmpi ne, %convert_element_type3A_80, %cond3A_81 : i32
      scf.if %cond3A_82 {
        %add3A_83 = arith.constant 1 : i32
        %add3A_84 = arith.addi %add3A_61, %add3A_83 : i32
        %mul3A_85 = arith.constant 384 : i32
        %mul3A_86 = arith.muli %add3A_84, %mul3A_85 : i32
        %add3A_87 = arith.addi %mul3A_6, %mul3A_86 : i32
        "tpu.region"() ({
          %run_scoped3A = tpu.sem_alloc : memref<!tpu.dma_semaphore, #tpu.memory_space<semaphore_mem>>
          %dma_start3A_91 = tpu.memref_slice %arg3[%add3A_87] : memref<811008xi32, #tpu.memory_space<hbm>> -> memref<384xi32, #tpu.memory_space<hbm>>
          %dma_start3A_92 = tpu.memref_slice %arg3[%add3A_87] : memref<811008xi32, #tpu.memory_space<hbm>> -> memref<384xi32, #tpu.memory_space<hbm>>
          tpu.enqueue_dma source(%dma_start3A_92 : memref<384xi32, #tpu.memory_space<hbm>>) target(%arg8 : memref<384xi32, #tpu.memory_space<vmem>>) target_semaphore(%run_scoped3A : memref<!tpu.dma_semaphore, #tpu.memory_space<semaphore_mem>>)
          %dma_wait3A_93 = tpu.memref_slice %arg3[%add3A_87] : memref<811008xi32, #tpu.memory_space<hbm>> -> memref<384xi32, #tpu.memory_space<hbm>>
          %dma_wait3A_94 = tpu.memref_slice %arg3[%add3A_87] : memref<811008xi32, #tpu.memory_space<hbm>> -> memref<384xi32, #tpu.memory_space<hbm>>
          tpu.wait_dma2 semaphore(%run_scoped3A : memref<!tpu.dma_semaphore, #tpu.memory_space<semaphore_mem>>) src(%dma_wait3A_94 : memref<384xi32, #tpu.memory_space<hbm>>) dst(%arg8 : memref<384xi32, #tpu.memory_space<vmem>>)
          tpu.yield
        }) : () -> ()
        "tpu.region"() ({
          %run_scoped3A = tpu.sem_alloc : memref<!tpu.dma_semaphore, #tpu.memory_space<semaphore_mem>>
          %dma_start3A_91 = tpu.memref_slice %arg4[%add3A_87] : memref<811008xi32, #tpu.memory_space<hbm>> -> memref<384xi32, #tpu.memory_space<hbm>>
          %dma_start3A_92 = tpu.memref_slice %arg4[%add3A_87] : memref<811008xi32, #tpu.memory_space<hbm>> -> memref<384xi32, #tpu.memory_space<hbm>>
          tpu.enqueue_dma source(%dma_start3A_92 : memref<384xi32, #tpu.memory_space<hbm>>) target(%arg10 : memref<384xi32, #tpu.memory_space<vmem>>) target_semaphore(%run_scoped3A : memref<!tpu.dma_semaphore, #tpu.memory_space<semaphore_mem>>)
          %dma_wait3A_93 = tpu.memref_slice %arg4[%add3A_87] : memref<811008xi32, #tpu.memory_space<hbm>> -> memref<384xi32, #tpu.memory_space<hbm>>
          %dma_wait3A_94 = tpu.memref_slice %arg4[%add3A_87] : memref<811008xi32, #tpu.memory_space<hbm>> -> memref<384xi32, #tpu.memory_space<hbm>>
          tpu.wait_dma2 semaphore(%run_scoped3A : memref<!tpu.dma_semaphore, #tpu.memory_space<semaphore_mem>>) src(%dma_wait3A_94 : memref<384xi32, #tpu.memory_space<hbm>>) dst(%arg10 : memref<384xi32, #tpu.memory_space<vmem>>)
          tpu.yield
        }) : () -> ()
        %dma_start3A_88 = arith.constant 0 : i32
        %dma_start3A_89 = arith.constant 0 : i32
        %dma_start3A_90 = tpu.memref_slice %arg2[%dma_start3A_88, %dma_start3A_89] : memref<51200x8xf32, #tpu.memory_space<hbm>> -> memref<51200x8xf32, #tpu.memory_space<hbm>>
        tpu.enqueue_indirect_dma source(%dma_start3A_90 : memref<51200x8xf32, #tpu.memory_space<hbm>>) target(%arg12 : memref<384x8xf32, #tpu.memory_space<vmem>>) offsets(%arg8 : memref<384xi32, #tpu.memory_space<vmem>>) semaphore(%arg15 : memref<!tpu.dma_semaphore, #tpu.memory_space<semaphore_mem>>)
      } else {
      }
    }
    %scan3A_15 = arith.constant 33 : i32
    %dma_wait3A = arith.constant 0 : i32
    %dma_wait3A_16 = arith.constant 0 : i32
    %dma_wait3A_17 = tpu.memref_slice %arg2[%dma_wait3A, %dma_wait3A_16] : memref<51200x8xf32, #tpu.memory_space<hbm>> -> memref<384x8xf32, #tpu.memory_space<hbm>>
    %dma_wait3A_18 = arith.constant 0 : i32
    %dma_wait3A_19 = arith.constant 0 : i32
    %dma_wait3A_20 = tpu.memref_slice %arg2[%dma_wait3A_18, %dma_wait3A_19] : memref<51200x8xf32, #tpu.memory_space<hbm>> -> memref<384x8xf32, #tpu.memory_space<hbm>>
    tpu.wait_dma2 semaphore(%arg18 : memref<!tpu.dma_semaphore, #tpu.memory_space<semaphore_mem>>) src(%dma_wait3A_20 : memref<384x8xf32, #tpu.memory_space<hbm>>) dst(%arg13 : memref<384x8xf32, #tpu.memory_space<vmem>>)
    %barrier3A_21 = arith.constant 0 : index
    tpu.barrier barrier_id(%barrier3A_21)
    %mul3A_22 = arith.constant 3200 : i32
    %mul3A_23 = arith.muli %arg1, %mul3A_22 : i32
    %eq3A_24 = arith.constant 0 : i32
    %eq3A_25 = arith.cmpi eq, %arg0, %eq3A_24 : i32
    %convert_element_type3A_26 = arith.extui %eq3A_25 : i1 to i32
    %cond3A_27 = arith.constant 0 : i32
    %cond3A_28 = arith.cmpi ne, %convert_element_type3A_26, %cond3A_27 : i32
    scf.if %cond3A_28 {
      "tpu.region"() ({
        %run_scoped3A = tpu.sem_alloc : memref<!tpu.dma_semaphore, #tpu.memory_space<semaphore_mem>>
        %dma_start3A_34 = arith.constant 0 : i32
        %dma_start3A_35 = tpu.memref_slice %arg6[%mul3A_23, %dma_start3A_34] : memref<51200x8xf32, #tpu.memory_space<hbm>> -> memref<3200x8xf32, #tpu.memory_space<hbm>>
        %dma_start3A_36 = arith.constant 0 : i32
        %dma_start3A_37 = tpu.memref_slice %arg14[%mul3A_23, %dma_start3A_36] : memref<51216x8xf32, #tpu.memory_space<vmem_shared>> -> memref<3200x8xf32, #tpu.memory_space<vmem_shared>>
        tpu.enqueue_dma source(%dma_start3A_37 : memref<3200x8xf32, #tpu.memory_space<vmem_shared>>) target(%dma_start3A_35 : memref<3200x8xf32, #tpu.memory_space<hbm>>) target_semaphore(%run_scoped3A : memref<!tpu.dma_semaphore, #tpu.memory_space<semaphore_mem>>)
        %dma_wait3A_38 = arith.constant 0 : i32
        %dma_wait3A_39 = tpu.memref_slice %arg6[%mul3A_23, %dma_wait3A_38] : memref<51200x8xf32, #tpu.memory_space<hbm>> -> memref<3200x8xf32, #tpu.memory_space<hbm>>
        %dma_wait3A_40 = arith.constant 0 : i32
        %dma_wait3A_41 = tpu.memref_slice %arg14[%mul3A_23, %dma_wait3A_40] : memref<51216x8xf32, #tpu.memory_space<vmem_shared>> -> memref<3200x8xf32, #tpu.memory_space<vmem_shared>>
        tpu.wait_dma2 semaphore(%run_scoped3A : memref<!tpu.dma_semaphore, #tpu.memory_space<semaphore_mem>>) src(%dma_wait3A_41 : memref<3200x8xf32, #tpu.memory_space<vmem_shared>>) dst(%dma_wait3A_39 : memref<3200x8xf32, #tpu.memory_space<hbm>>)
        tpu.yield
      }) : () -> ()
    } else {
    }
    %eq3A_29 = arith.constant 1 : i32
    %eq3A_30 = arith.cmpi eq, %arg0, %eq3A_29 : i32
    %convert_element_type3A_31 = arith.extui %eq3A_30 : i1 to i32
    %cond3A_32 = arith.constant 0 : i32
    %cond3A_33 = arith.cmpi ne, %convert_element_type3A_31, %cond3A_32 : i32
    scf.if %cond3A_33 {
      "tpu.region"() ({
        %run_scoped3A = tpu.sem_alloc : memref<!tpu.dma_semaphore, #tpu.memory_space<semaphore_mem>>
        %dma_start3A_34 = arith.constant 0 : i32
        %dma_start3A_35 = tpu.memref_slice %arg7[%mul3A_23, %dma_start3A_34] : memref<51200x8xf32, #tpu.memory_space<hbm>> -> memref<3200x8xf32, #tpu.memory_space<hbm>>
        %dma_start3A_36 = arith.constant 0 : i32
        %dma_start3A_37 = tpu.memref_slice %arg14[%mul3A_23, %dma_start3A_36] : memref<51216x8xf32, #tpu.memory_space<vmem_shared>> -> memref<3200x8xf32, #tpu.memory_space<vmem_shared>>
        tpu.enqueue_dma source(%dma_start3A_37 : memref<3200x8xf32, #tpu.memory_space<vmem_shared>>) target(%dma_start3A_35 : memref<3200x8xf32, #tpu.memory_space<hbm>>) target_semaphore(%run_scoped3A : memref<!tpu.dma_semaphore, #tpu.memory_space<semaphore_mem>>)
        %dma_wait3A_38 = arith.constant 0 : i32
        %dma_wait3A_39 = tpu.memref_slice %arg7[%mul3A_23, %dma_wait3A_38] : memref<51200x8xf32, #tpu.memory_space<hbm>> -> memref<3200x8xf32, #tpu.memory_space<hbm>>
        %dma_wait3A_40 = arith.constant 0 : i32
        %dma_wait3A_41 = tpu.memref_slice %arg14[%mul3A_23, %dma_wait3A_40] : memref<51216x8xf32, #tpu.memory_space<vmem_shared>> -> memref<3200x8xf32, #tpu.memory_space<vmem_shared>>
        tpu.wait_dma2 semaphore(%run_scoped3A : memref<!tpu.dma_semaphore, #tpu.memory_space<semaphore_mem>>) src(%dma_wait3A_41 : memref<3200x8xf32, #tpu.memory_space<vmem_shared>>) dst(%dma_wait3A_39 : memref<3200x8xf32, #tpu.memory_space<hbm>>)
        tpu.yield
      }) : () -> ()
    } else {
    }
    return
  }
}

#map = affine_map<(d0, d1) -> (0, 0)>
#map1 = affine_map<(d0, d1) -> (0)>
module attributes {stable_mosaic.version = 14 : i64} {
  func.func @_agg_body(%arg0: i32, %arg1: i32, %arg2: memref<51200x32xf32, #tpu.memory_space<hbm>>, %arg3: memref<51200x32xf32, #tpu.memory_space<hbm>>, %arg4: memref<811008xi32, #tpu.memory_space<hbm>>, %arg5: memref<811008xi32, #tpu.memory_space<hbm>>, %arg6: memref<3200x32xf32, #tpu.memory_space<hbm>>, %arg7: memref<51200x32xf32, #tpu.memory_space<hbm>>, %arg8: memref<51200x32xf32, #tpu.memory_space<hbm>>, %arg9: memref<384xi32, #tpu.memory_space<vmem>>, %arg10: memref<384xi32, #tpu.memory_space<vmem>>, %arg11: memref<384xi32, #tpu.memory_space<vmem>>, %arg12: memref<384xi32, #tpu.memory_space<vmem>>, %arg13: memref<384x32xf32, #tpu.memory_space<vmem>>, %arg14: memref<384x32xf32, #tpu.memory_space<vmem>>, %arg15: memref<51216x32xf32, #tpu.memory_space<vmem_shared>>, %arg16: memref<!tpu.dma_semaphore, #tpu.memory_space<semaphore_mem>>, %arg17: memref<!tpu.dma_semaphore, #tpu.memory_space<semaphore_mem>>, %arg18: memref<!tpu.dma_semaphore, #tpu.memory_space<semaphore_mem>>, %arg19: memref<!tpu.dma_semaphore, #tpu.memory_space<semaphore_mem>>) attributes {dimension_semantics = [#tpu.dimension_semantics<core_parallel>, #tpu.dimension_semantics<subcore_parallel>], iteration_bounds = array<i64: 2, 16>, scalar_prefetch = 0 : i64, scratch_operands = 11 : i64, tpu.core_type = #tpu.core_type<sc_vector_subcore>, window_params = [{transform_indices = #map}, {transform_indices = #map}, {transform_indices = #map1}, {transform_indices = #map1}, {transform_indices = #map}, {transform_indices = #map}, {transform_indices = #map}]} {
    %mul3A = arith.constant 3200 : i32
    %mul3A_0 = arith.muli %arg1, %mul3A : i32
    "tpu.region"() ({
      %run_scoped3A = tpu.sem_alloc : memref<!tpu.dma_semaphore, #tpu.memory_space<semaphore_mem>>
      %dma_start3A = arith.constant 0 : i32
      %dma_start3A_41 = tpu.memref_slice %arg15[%mul3A_0, %dma_start3A] : memref<51216x32xf32, #tpu.memory_space<vmem_shared>> -> memref<3200x32xf32, #tpu.memory_space<vmem_shared>>
      tpu.enqueue_dma source(%arg6 : memref<3200x32xf32, #tpu.memory_space<hbm>>) target(%dma_start3A_41 : memref<3200x32xf32, #tpu.memory_space<vmem_shared>>) target_semaphore(%run_scoped3A : memref<!tpu.dma_semaphore, #tpu.memory_space<semaphore_mem>>)
      %dma_wait3A_42 = arith.constant 0 : i32
      %dma_wait3A_43 = tpu.memref_slice %arg15[%mul3A_0, %dma_wait3A_42] : memref<51216x32xf32, #tpu.memory_space<vmem_shared>> -> memref<3200x32xf32, #tpu.memory_space<vmem_shared>>
      tpu.wait_dma2 semaphore(%run_scoped3A : memref<!tpu.dma_semaphore, #tpu.memory_space<semaphore_mem>>) src(%arg6 : memref<3200x32xf32, #tpu.memory_space<hbm>>) dst(%dma_wait3A_43 : memref<3200x32xf32, #tpu.memory_space<vmem_shared>>)
      tpu.yield
    }) : () -> ()
    %eq3A = arith.constant 0 : i32
    %eq3A_1 = arith.cmpi eq, %arg1, %eq3A : i32
    %convert_element_type3A = arith.extui %eq3A_1 : i1 to i32
    %cond3A = arith.constant 0 : i32
    %cond3A_2 = arith.cmpi ne, %convert_element_type3A, %cond3A : i32
    scf.if %cond3A_2 {
      "tpu.region"() ({
        %run_scoped3A = tpu.sem_alloc : memref<!tpu.dma_semaphore, #tpu.memory_space<semaphore_mem>>
        %dma_start3A = arith.constant 51200 : i32
        %dma_start3A_41 = arith.constant 0 : i32
        %dma_start3A_42 = tpu.memref_slice %arg15[%dma_start3A, %dma_start3A_41] : memref<51216x32xf32, #tpu.memory_space<vmem_shared>> -> memref<16x32xf32, #tpu.memory_space<vmem_shared>>
        %dma_start3A_43 = arith.constant 0 : i32
        %dma_start3A_44 = arith.constant 0 : i32
        %dma_start3A_45 = tpu.memref_slice %arg6[%dma_start3A_43, %dma_start3A_44] : memref<3200x32xf32, #tpu.memory_space<hbm>> -> memref<16x32xf32, #tpu.memory_space<hbm>>
        tpu.enqueue_dma source(%dma_start3A_45 : memref<16x32xf32, #tpu.memory_space<hbm>>) target(%dma_start3A_42 : memref<16x32xf32, #tpu.memory_space<vmem_shared>>) target_semaphore(%run_scoped3A : memref<!tpu.dma_semaphore, #tpu.memory_space<semaphore_mem>>)
        %dma_wait3A_46 = arith.constant 51200 : i32
        %dma_wait3A_47 = arith.constant 0 : i32
        %dma_wait3A_48 = tpu.memref_slice %arg15[%dma_wait3A_46, %dma_wait3A_47] : memref<51216x32xf32, #tpu.memory_space<vmem_shared>> -> memref<16x32xf32, #tpu.memory_space<vmem_shared>>
        %dma_wait3A_49 = arith.constant 0 : i32
        %dma_wait3A_50 = arith.constant 0 : i32
        %dma_wait3A_51 = tpu.memref_slice %arg6[%dma_wait3A_49, %dma_wait3A_50] : memref<3200x32xf32, #tpu.memory_space<hbm>> -> memref<16x32xf32, #tpu.memory_space<hbm>>
        tpu.wait_dma2 semaphore(%run_scoped3A : memref<!tpu.dma_semaphore, #tpu.memory_space<semaphore_mem>>) src(%dma_wait3A_51 : memref<16x32xf32, #tpu.memory_space<hbm>>) dst(%dma_wait3A_48 : memref<16x32xf32, #tpu.memory_space<vmem_shared>>)
        tpu.yield
      }) : () -> ()
    } else {
    }
    %barrier3A = arith.constant 0 : index
    tpu.barrier barrier_id(%barrier3A)
    %mul3A_3 = arith.constant 396 : i32
    %mul3A_4 = arith.muli %arg1, %mul3A_3 : i32
    %add3A = arith.constant 0 : i32
    %add3A_5 = arith.addi %mul3A_4, %add3A : i32
    %mul3A_6 = arith.constant 128 : i32
    %mul3A_7 = arith.muli %add3A_5, %mul3A_6 : i32
    "tpu.region"() ({
      %run_scoped3A = tpu.sem_alloc : memref<!tpu.dma_semaphore, #tpu.memory_space<semaphore_mem>>
      %dma_start3A = tpu.memref_slice %arg4[%mul3A_7] : memref<811008xi32, #tpu.memory_space<hbm>> -> memref<384xi32, #tpu.memory_space<hbm>>
      %dma_start3A_41 = tpu.memref_slice %arg4[%mul3A_7] : memref<811008xi32, #tpu.memory_space<hbm>> -> memref<384xi32, #tpu.memory_space<hbm>>
      tpu.enqueue_dma source(%dma_start3A_41 : memref<384xi32, #tpu.memory_space<hbm>>) target(%arg9 : memref<384xi32, #tpu.memory_space<vmem>>) target_semaphore(%run_scoped3A : memref<!tpu.dma_semaphore, #tpu.memory_space<semaphore_mem>>)
      %dma_wait3A_42 = tpu.memref_slice %arg4[%mul3A_7] : memref<811008xi32, #tpu.memory_space<hbm>> -> memref<384xi32, #tpu.memory_space<hbm>>
      %dma_wait3A_43 = tpu.memref_slice %arg4[%mul3A_7] : memref<811008xi32, #tpu.memory_space<hbm>> -> memref<384xi32, #tpu.memory_space<hbm>>
      tpu.wait_dma2 semaphore(%run_scoped3A : memref<!tpu.dma_semaphore, #tpu.memory_space<semaphore_mem>>) src(%dma_wait3A_43 : memref<384xi32, #tpu.memory_space<hbm>>) dst(%arg9 : memref<384xi32, #tpu.memory_space<vmem>>)
      tpu.yield
    }) : () -> ()
    "tpu.region"() ({
      %run_scoped3A = tpu.sem_alloc : memref<!tpu.dma_semaphore, #tpu.memory_space<semaphore_mem>>
      %dma_start3A = tpu.memref_slice %arg5[%mul3A_7] : memref<811008xi32, #tpu.memory_space<hbm>> -> memref<384xi32, #tpu.memory_space<hbm>>
      %dma_start3A_41 = tpu.memref_slice %arg5[%mul3A_7] : memref<811008xi32, #tpu.memory_space<hbm>> -> memref<384xi32, #tpu.memory_space<hbm>>
      tpu.enqueue_dma source(%dma_start3A_41 : memref<384xi32, #tpu.memory_space<hbm>>) target(%arg11 : memref<384xi32, #tpu.memory_space<vmem>>) target_semaphore(%run_scoped3A : memref<!tpu.dma_semaphore, #tpu.memory_space<semaphore_mem>>)
      %dma_wait3A_42 = tpu.memref_slice %arg5[%mul3A_7] : memref<811008xi32, #tpu.memory_space<hbm>> -> memref<384xi32, #tpu.memory_space<hbm>>
      %dma_wait3A_43 = tpu.memref_slice %arg5[%mul3A_7] : memref<811008xi32, #tpu.memory_space<hbm>> -> memref<384xi32, #tpu.memory_space<hbm>>
      tpu.wait_dma2 semaphore(%run_scoped3A : memref<!tpu.dma_semaphore, #tpu.memory_space<semaphore_mem>>) src(%dma_wait3A_43 : memref<384xi32, #tpu.memory_space<hbm>>) dst(%arg11 : memref<384xi32, #tpu.memory_space<vmem>>)
      tpu.yield
    }) : () -> ()
    %eq3A_8 = arith.constant 0 : i32
    %eq3A_9 = arith.cmpi eq, %arg0, %eq3A_8 : i32
    %convert_element_type3A_10 = arith.extui %eq3A_9 : i1 to i32
    %cond3A_11 = arith.constant 0 : i32
    %cond3A_12 = arith.cmpi ne, %convert_element_type3A_10, %cond3A_11 : i32
    scf.if %cond3A_12 {
      %dma_start3A = arith.constant 0 : i32
      %dma_start3A_41 = arith.constant 0 : i32
      %dma_start3A_42 = tpu.memref_slice %arg2[%dma_start3A, %dma_start3A_41] : memref<51200x32xf32, #tpu.memory_space<hbm>> -> memref<51200x32xf32, #tpu.memory_space<hbm>>
      tpu.enqueue_indirect_dma source(%dma_start3A_42 : memref<51200x32xf32, #tpu.memory_space<hbm>>) target(%arg13 : memref<384x32xf32, #tpu.memory_space<vmem>>) offsets(%arg9 : memref<384xi32, #tpu.memory_space<vmem>>) semaphore(%arg16 : memref<!tpu.dma_semaphore, #tpu.memory_space<semaphore_mem>>)
    } else {
    }
    %eq3A_13 = arith.constant 1 : i32
    %eq3A_14 = arith.cmpi eq, %arg0, %eq3A_13 : i32
    %convert_element_type3A_15 = arith.extui %eq3A_14 : i1 to i32
    %cond3A_16 = arith.constant 0 : i32
    %cond3A_17 = arith.cmpi ne, %convert_element_type3A_15, %cond3A_16 : i32
    scf.if %cond3A_17 {
      %dma_start3A = arith.constant 0 : i32
      %dma_start3A_41 = arith.constant 0 : i32
      %dma_start3A_42 = tpu.memref_slice %arg3[%dma_start3A, %dma_start3A_41] : memref<51200x32xf32, #tpu.memory_space<hbm>> -> memref<51200x32xf32, #tpu.memory_space<hbm>>
      tpu.enqueue_indirect_dma source(%dma_start3A_42 : memref<51200x32xf32, #tpu.memory_space<hbm>>) target(%arg13 : memref<384x32xf32, #tpu.memory_space<vmem>>) offsets(%arg9 : memref<384xi32, #tpu.memory_space<vmem>>) semaphore(%arg16 : memref<!tpu.dma_semaphore, #tpu.memory_space<semaphore_mem>>)
    } else {
    }
    %scan3A = arith.constant 0 : i32
    %scan3A_18 = arith.constant 0 : i32
    %scan3A_19 = arith.constant 66 : i32
    %scan3A_20 = arith.addi %scan3A_18, %scan3A_19 : i32
    %scan3A_21 = arith.constant 1 : i32
    scf.for %scan3A_41 = %scan3A_18 to %scan3A_20 step %scan3A_21  : i32 {
      %mul3A_42 = arith.constant 2 : i32
      %mul3A_43 = arith.muli %mul3A_42, %scan3A_41 : i32
      %add3A_44 = arith.constant 0 : i32
      %add3A_45 = arith.addi %mul3A_43, %add3A_44 : i32
      %dma_wait3A_46 = arith.constant 0 : i32
      %dma_wait3A_47 = arith.constant 0 : i32
      %dma_wait3A_48 = tpu.memref_slice %arg2[%dma_wait3A_46, %dma_wait3A_47] : memref<51200x32xf32, #tpu.memory_space<hbm>> -> memref<384x32xf32, #tpu.memory_space<hbm>>
      %dma_wait3A_49 = arith.constant 0 : i32
      %dma_wait3A_50 = arith.constant 0 : i32
      %dma_wait3A_51 = tpu.memref_slice %arg2[%dma_wait3A_49, %dma_wait3A_50] : memref<51200x32xf32, #tpu.memory_space<hbm>> -> memref<384x32xf32, #tpu.memory_space<hbm>>
      tpu.wait_dma2 semaphore(%arg16 : memref<!tpu.dma_semaphore, #tpu.memory_space<semaphore_mem>>) src(%dma_wait3A_51 : memref<384x32xf32, #tpu.memory_space<hbm>>) dst(%arg13 : memref<384x32xf32, #tpu.memory_space<vmem>>)
      %dma_start3A = arith.constant 0 : i32
      %dma_start3A_52 = arith.constant 0 : i32
      %dma_start3A_53 = tpu.memref_slice %arg15[%dma_start3A, %dma_start3A_52] : memref<51216x32xf32, #tpu.memory_space<vmem_shared>> -> memref<51216x32xf32, #tpu.memory_space<vmem_shared>>
      tpu.enqueue_indirect_dma source(%arg13 : memref<384x32xf32, #tpu.memory_space<vmem>>) target(%dma_start3A_53 : memref<51216x32xf32, #tpu.memory_space<vmem_shared>>) offsets(%arg11 : memref<384xi32, #tpu.memory_space<vmem>>) semaphore(%arg18 : memref<!tpu.dma_semaphore, #tpu.memory_space<semaphore_mem>>) {add = true}
      %gt3A = arith.constant 0 : i32
      %gt3A_54 = arith.cmpi sgt, %add3A_45, %gt3A : i32
      %convert_element_type3A_55 = arith.extui %gt3A_54 : i1 to i32
      %cond3A_56 = arith.constant 0 : i32
      %cond3A_57 = arith.cmpi ne, %convert_element_type3A_55, %cond3A_56 : i32
      scf.if %cond3A_57 {
        %dma_wait3A_89 = arith.constant 0 : i32
        %dma_wait3A_90 = arith.constant 0 : i32
        %dma_wait3A_91 = tpu.memref_slice %arg2[%dma_wait3A_89, %dma_wait3A_90] : memref<51200x32xf32, #tpu.memory_space<hbm>> -> memref<384x32xf32, #tpu.memory_space<hbm>>
        %dma_wait3A_92 = arith.constant 0 : i32
        %dma_wait3A_93 = arith.constant 0 : i32
        %dma_wait3A_94 = tpu.memref_slice %arg2[%dma_wait3A_92, %dma_wait3A_93] : memref<51200x32xf32, #tpu.memory_space<hbm>> -> memref<384x32xf32, #tpu.memory_space<hbm>>
        tpu.wait_dma2 semaphore(%arg19 : memref<!tpu.dma_semaphore, #tpu.memory_space<semaphore_mem>>) src(%dma_wait3A_94 : memref<384x32xf32, #tpu.memory_space<hbm>>) dst(%arg14 : memref<384x32xf32, #tpu.memory_space<vmem>>)
      } else {
      }
      %add3A_58 = arith.constant 1 : i32
      %add3A_59 = arith.addi %add3A_45, %add3A_58 : i32
      %lt3A = arith.constant 132 : i32
      %lt3A_60 = arith.cmpi slt, %add3A_59, %lt3A : i32
      %convert_element_type3A_61 = arith.extui %lt3A_60 : i1 to i32
      %cond3A_62 = arith.constant 0 : i32
      %cond3A_63 = arith.cmpi ne, %convert_element_type3A_61, %cond3A_62 : i32
      scf.if %cond3A_63 {
        %add3A_89 = arith.constant 1 : i32
        %add3A_90 = arith.addi %add3A_45, %add3A_89 : i32
        %mul3A_91 = arith.constant 3 : i32
        %mul3A_92 = arith.muli %add3A_90, %mul3A_91 : i32
        %add3A_93 = arith.addi %mul3A_4, %mul3A_92 : i32
        %mul3A_94 = arith.constant 128 : i32
        %mul3A_95 = arith.muli %add3A_93, %mul3A_94 : i32
        "tpu.region"() ({
          %run_scoped3A = tpu.sem_alloc : memref<!tpu.dma_semaphore, #tpu.memory_space<semaphore_mem>>
          %dma_start3A_106 = tpu.memref_slice %arg4[%mul3A_95] : memref<811008xi32, #tpu.memory_space<hbm>> -> memref<384xi32, #tpu.memory_space<hbm>>
          %dma_start3A_107 = tpu.memref_slice %arg4[%mul3A_95] : memref<811008xi32, #tpu.memory_space<hbm>> -> memref<384xi32, #tpu.memory_space<hbm>>
          tpu.enqueue_dma source(%dma_start3A_107 : memref<384xi32, #tpu.memory_space<hbm>>) target(%arg10 : memref<384xi32, #tpu.memory_space<vmem>>) target_semaphore(%run_scoped3A : memref<!tpu.dma_semaphore, #tpu.memory_space<semaphore_mem>>)
          %dma_wait3A_108 = tpu.memref_slice %arg4[%mul3A_95] : memref<811008xi32, #tpu.memory_space<hbm>> -> memref<384xi32, #tpu.memory_space<hbm>>
          %dma_wait3A_109 = tpu.memref_slice %arg4[%mul3A_95] : memref<811008xi32, #tpu.memory_space<hbm>> -> memref<384xi32, #tpu.memory_space<hbm>>
          tpu.wait_dma2 semaphore(%run_scoped3A : memref<!tpu.dma_semaphore, #tpu.memory_space<semaphore_mem>>) src(%dma_wait3A_109 : memref<384xi32, #tpu.memory_space<hbm>>) dst(%arg10 : memref<384xi32, #tpu.memory_space<vmem>>)
          tpu.yield
        }) : () -> ()
        "tpu.region"() ({
          %run_scoped3A = tpu.sem_alloc : memref<!tpu.dma_semaphore, #tpu.memory_space<semaphore_mem>>
          %dma_start3A_106 = tpu.memref_slice %arg5[%mul3A_95] : memref<811008xi32, #tpu.memory_space<hbm>> -> memref<384xi32, #tpu.memory_space<hbm>>
          %dma_start3A_107 = tpu.memref_slice %arg5[%mul3A_95] : memref<811008xi32, #tpu.memory_space<hbm>> -> memref<384xi32, #tpu.memory_space<hbm>>
          tpu.enqueue_dma source(%dma_start3A_107 : memref<384xi32, #tpu.memory_space<hbm>>) target(%arg12 : memref<384xi32, #tpu.memory_space<vmem>>) target_semaphore(%run_scoped3A : memref<!tpu.dma_semaphore, #tpu.memory_space<semaphore_mem>>)
          %dma_wait3A_108 = tpu.memref_slice %arg5[%mul3A_95] : memref<811008xi32, #tpu.memory_space<hbm>> -> memref<384xi32, #tpu.memory_space<hbm>>
          %dma_wait3A_109 = tpu.memref_slice %arg5[%mul3A_95] : memref<811008xi32, #tpu.memory_space<hbm>> -> memref<384xi32, #tpu.memory_space<hbm>>
          tpu.wait_dma2 semaphore(%run_scoped3A : memref<!tpu.dma_semaphore, #tpu.memory_space<semaphore_mem>>) src(%dma_wait3A_109 : memref<384xi32, #tpu.memory_space<hbm>>) dst(%arg12 : memref<384xi32, #tpu.memory_space<vmem>>)
          tpu.yield
        }) : () -> ()
        %eq3A_96 = arith.constant 0 : i32
        %eq3A_97 = arith.cmpi eq, %arg0, %eq3A_96 : i32
        %convert_element_type3A_98 = arith.extui %eq3A_97 : i1 to i32
        %cond3A_99 = arith.constant 0 : i32
        %cond3A_100 = arith.cmpi ne, %convert_element_type3A_98, %cond3A_99 : i32
        scf.if %cond3A_100 {
          %dma_start3A_106 = arith.constant 0 : i32
          %dma_start3A_107 = arith.constant 0 : i32
          %dma_start3A_108 = tpu.memref_slice %arg2[%dma_start3A_106, %dma_start3A_107] : memref<51200x32xf32, #tpu.memory_space<hbm>> -> memref<51200x32xf32, #tpu.memory_space<hbm>>
          tpu.enqueue_indirect_dma source(%dma_start3A_108 : memref<51200x32xf32, #tpu.memory_space<hbm>>) target(%arg14 : memref<384x32xf32, #tpu.memory_space<vmem>>) offsets(%arg10 : memref<384xi32, #tpu.memory_space<vmem>>) semaphore(%arg17 : memref<!tpu.dma_semaphore, #tpu.memory_space<semaphore_mem>>)
        } else {
        }
        %eq3A_101 = arith.constant 1 : i32
        %eq3A_102 = arith.cmpi eq, %arg0, %eq3A_101 : i32
        %convert_element_type3A_103 = arith.extui %eq3A_102 : i1 to i32
        %cond3A_104 = arith.constant 0 : i32
        %cond3A_105 = arith.cmpi ne, %convert_element_type3A_103, %cond3A_104 : i32
        scf.if %cond3A_105 {
          %dma_start3A_106 = arith.constant 0 : i32
          %dma_start3A_107 = arith.constant 0 : i32
          %dma_start3A_108 = tpu.memref_slice %arg3[%dma_start3A_106, %dma_start3A_107] : memref<51200x32xf32, #tpu.memory_space<hbm>> -> memref<51200x32xf32, #tpu.memory_space<hbm>>
          tpu.enqueue_indirect_dma source(%dma_start3A_108 : memref<51200x32xf32, #tpu.memory_space<hbm>>) target(%arg14 : memref<384x32xf32, #tpu.memory_space<vmem>>) offsets(%arg10 : memref<384xi32, #tpu.memory_space<vmem>>) semaphore(%arg17 : memref<!tpu.dma_semaphore, #tpu.memory_space<semaphore_mem>>)
        } else {
        }
      } else {
      }
      %mul3A_64 = arith.constant 2 : i32
      %mul3A_65 = arith.muli %mul3A_64, %scan3A_41 : i32
      %add3A_66 = arith.constant 1 : i32
      %add3A_67 = arith.addi %mul3A_65, %add3A_66 : i32
      %dma_wait3A_68 = arith.constant 0 : i32
      %dma_wait3A_69 = arith.constant 0 : i32
      %dma_wait3A_70 = tpu.memref_slice %arg2[%dma_wait3A_68, %dma_wait3A_69] : memref<51200x32xf32, #tpu.memory_space<hbm>> -> memref<384x32xf32, #tpu.memory_space<hbm>>
      %dma_wait3A_71 = arith.constant 0 : i32
      %dma_wait3A_72 = arith.constant 0 : i32
      %dma_wait3A_73 = tpu.memref_slice %arg2[%dma_wait3A_71, %dma_wait3A_72] : memref<51200x32xf32, #tpu.memory_space<hbm>> -> memref<384x32xf32, #tpu.memory_space<hbm>>
      tpu.wait_dma2 semaphore(%arg17 : memref<!tpu.dma_semaphore, #tpu.memory_space<semaphore_mem>>) src(%dma_wait3A_73 : memref<384x32xf32, #tpu.memory_space<hbm>>) dst(%arg14 : memref<384x32xf32, #tpu.memory_space<vmem>>)
      %dma_start3A_74 = arith.constant 0 : i32
      %dma_start3A_75 = arith.constant 0 : i32
      %dma_start3A_76 = tpu.memref_slice %arg15[%dma_start3A_74, %dma_start3A_75] : memref<51216x32xf32, #tpu.memory_space<vmem_shared>> -> memref<51216x32xf32, #tpu.memory_space<vmem_shared>>
      tpu.enqueue_indirect_dma source(%arg14 : memref<384x32xf32, #tpu.memory_space<vmem>>) target(%dma_start3A_76 : memref<51216x32xf32, #tpu.memory_space<vmem_shared>>) offsets(%arg12 : memref<384xi32, #tpu.memory_space<vmem>>) semaphore(%arg19 : memref<!tpu.dma_semaphore, #tpu.memory_space<semaphore_mem>>) {add = true}
      %gt3A_77 = arith.constant 0 : i32
      %gt3A_78 = arith.cmpi sgt, %add3A_67, %gt3A_77 : i32
      %convert_element_type3A_79 = arith.extui %gt3A_78 : i1 to i32
      %cond3A_80 = arith.constant 0 : i32
      %cond3A_81 = arith.cmpi ne, %convert_element_type3A_79, %cond3A_80 : i32
      scf.if %cond3A_81 {
        %dma_wait3A_89 = arith.constant 0 : i32
        %dma_wait3A_90 = arith.constant 0 : i32
        %dma_wait3A_91 = tpu.memref_slice %arg2[%dma_wait3A_89, %dma_wait3A_90] : memref<51200x32xf32, #tpu.memory_space<hbm>> -> memref<384x32xf32, #tpu.memory_space<hbm>>
        %dma_wait3A_92 = arith.constant 0 : i32
        %dma_wait3A_93 = arith.constant 0 : i32
        %dma_wait3A_94 = tpu.memref_slice %arg2[%dma_wait3A_92, %dma_wait3A_93] : memref<51200x32xf32, #tpu.memory_space<hbm>> -> memref<384x32xf32, #tpu.memory_space<hbm>>
        tpu.wait_dma2 semaphore(%arg18 : memref<!tpu.dma_semaphore, #tpu.memory_space<semaphore_mem>>) src(%dma_wait3A_94 : memref<384x32xf32, #tpu.memory_space<hbm>>) dst(%arg13 : memref<384x32xf32, #tpu.memory_space<vmem>>)
      } else {
      }
      %add3A_82 = arith.constant 1 : i32
      %add3A_83 = arith.addi %add3A_67, %add3A_82 : i32
      %lt3A_84 = arith.constant 132 : i32
      %lt3A_85 = arith.cmpi slt, %add3A_83, %lt3A_84 : i32
      %convert_element_type3A_86 = arith.extui %lt3A_85 : i1 to i32
      %cond3A_87 = arith.constant 0 : i32
      %cond3A_88 = arith.cmpi ne, %convert_element_type3A_86, %cond3A_87 : i32
      scf.if %cond3A_88 {
        %add3A_89 = arith.constant 1 : i32
        %add3A_90 = arith.addi %add3A_67, %add3A_89 : i32
        %mul3A_91 = arith.constant 3 : i32
        %mul3A_92 = arith.muli %add3A_90, %mul3A_91 : i32
        %add3A_93 = arith.addi %mul3A_4, %mul3A_92 : i32
        %mul3A_94 = arith.constant 128 : i32
        %mul3A_95 = arith.muli %add3A_93, %mul3A_94 : i32
        "tpu.region"() ({
          %run_scoped3A = tpu.sem_alloc : memref<!tpu.dma_semaphore, #tpu.memory_space<semaphore_mem>>
          %dma_start3A_106 = tpu.memref_slice %arg4[%mul3A_95] : memref<811008xi32, #tpu.memory_space<hbm>> -> memref<384xi32, #tpu.memory_space<hbm>>
          %dma_start3A_107 = tpu.memref_slice %arg4[%mul3A_95] : memref<811008xi32, #tpu.memory_space<hbm>> -> memref<384xi32, #tpu.memory_space<hbm>>
          tpu.enqueue_dma source(%dma_start3A_107 : memref<384xi32, #tpu.memory_space<hbm>>) target(%arg9 : memref<384xi32, #tpu.memory_space<vmem>>) target_semaphore(%run_scoped3A : memref<!tpu.dma_semaphore, #tpu.memory_space<semaphore_mem>>)
          %dma_wait3A_108 = tpu.memref_slice %arg4[%mul3A_95] : memref<811008xi32, #tpu.memory_space<hbm>> -> memref<384xi32, #tpu.memory_space<hbm>>
          %dma_wait3A_109 = tpu.memref_slice %arg4[%mul3A_95] : memref<811008xi32, #tpu.memory_space<hbm>> -> memref<384xi32, #tpu.memory_space<hbm>>
          tpu.wait_dma2 semaphore(%run_scoped3A : memref<!tpu.dma_semaphore, #tpu.memory_space<semaphore_mem>>) src(%dma_wait3A_109 : memref<384xi32, #tpu.memory_space<hbm>>) dst(%arg9 : memref<384xi32, #tpu.memory_space<vmem>>)
          tpu.yield
        }) : () -> ()
        "tpu.region"() ({
          %run_scoped3A = tpu.sem_alloc : memref<!tpu.dma_semaphore, #tpu.memory_space<semaphore_mem>>
          %dma_start3A_106 = tpu.memref_slice %arg5[%mul3A_95] : memref<811008xi32, #tpu.memory_space<hbm>> -> memref<384xi32, #tpu.memory_space<hbm>>
          %dma_start3A_107 = tpu.memref_slice %arg5[%mul3A_95] : memref<811008xi32, #tpu.memory_space<hbm>> -> memref<384xi32, #tpu.memory_space<hbm>>
          tpu.enqueue_dma source(%dma_start3A_107 : memref<384xi32, #tpu.memory_space<hbm>>) target(%arg11 : memref<384xi32, #tpu.memory_space<vmem>>) target_semaphore(%run_scoped3A : memref<!tpu.dma_semaphore, #tpu.memory_space<semaphore_mem>>)
          %dma_wait3A_108 = tpu.memref_slice %arg5[%mul3A_95] : memref<811008xi32, #tpu.memory_space<hbm>> -> memref<384xi32, #tpu.memory_space<hbm>>
          %dma_wait3A_109 = tpu.memref_slice %arg5[%mul3A_95] : memref<811008xi32, #tpu.memory_space<hbm>> -> memref<384xi32, #tpu.memory_space<hbm>>
          tpu.wait_dma2 semaphore(%run_scoped3A : memref<!tpu.dma_semaphore, #tpu.memory_space<semaphore_mem>>) src(%dma_wait3A_109 : memref<384xi32, #tpu.memory_space<hbm>>) dst(%arg11 : memref<384xi32, #tpu.memory_space<vmem>>)
          tpu.yield
        }) : () -> ()
        %eq3A_96 = arith.constant 0 : i32
        %eq3A_97 = arith.cmpi eq, %arg0, %eq3A_96 : i32
        %convert_element_type3A_98 = arith.extui %eq3A_97 : i1 to i32
        %cond3A_99 = arith.constant 0 : i32
        %cond3A_100 = arith.cmpi ne, %convert_element_type3A_98, %cond3A_99 : i32
        scf.if %cond3A_100 {
          %dma_start3A_106 = arith.constant 0 : i32
          %dma_start3A_107 = arith.constant 0 : i32
          %dma_start3A_108 = tpu.memref_slice %arg2[%dma_start3A_106, %dma_start3A_107] : memref<51200x32xf32, #tpu.memory_space<hbm>> -> memref<51200x32xf32, #tpu.memory_space<hbm>>
          tpu.enqueue_indirect_dma source(%dma_start3A_108 : memref<51200x32xf32, #tpu.memory_space<hbm>>) target(%arg13 : memref<384x32xf32, #tpu.memory_space<vmem>>) offsets(%arg9 : memref<384xi32, #tpu.memory_space<vmem>>) semaphore(%arg16 : memref<!tpu.dma_semaphore, #tpu.memory_space<semaphore_mem>>)
        } else {
        }
        %eq3A_101 = arith.constant 1 : i32
        %eq3A_102 = arith.cmpi eq, %arg0, %eq3A_101 : i32
        %convert_element_type3A_103 = arith.extui %eq3A_102 : i1 to i32
        %cond3A_104 = arith.constant 0 : i32
        %cond3A_105 = arith.cmpi ne, %convert_element_type3A_103, %cond3A_104 : i32
        scf.if %cond3A_105 {
          %dma_start3A_106 = arith.constant 0 : i32
          %dma_start3A_107 = arith.constant 0 : i32
          %dma_start3A_108 = tpu.memref_slice %arg3[%dma_start3A_106, %dma_start3A_107] : memref<51200x32xf32, #tpu.memory_space<hbm>> -> memref<51200x32xf32, #tpu.memory_space<hbm>>
          tpu.enqueue_indirect_dma source(%dma_start3A_108 : memref<51200x32xf32, #tpu.memory_space<hbm>>) target(%arg13 : memref<384x32xf32, #tpu.memory_space<vmem>>) offsets(%arg9 : memref<384xi32, #tpu.memory_space<vmem>>) semaphore(%arg16 : memref<!tpu.dma_semaphore, #tpu.memory_space<semaphore_mem>>)
        } else {
        }
      } else {
      }
    }
    %scan3A_22 = arith.constant 66 : i32
    %dma_wait3A = arith.constant 0 : i32
    %dma_wait3A_23 = arith.constant 0 : i32
    %dma_wait3A_24 = tpu.memref_slice %arg2[%dma_wait3A, %dma_wait3A_23] : memref<51200x32xf32, #tpu.memory_space<hbm>> -> memref<384x32xf32, #tpu.memory_space<hbm>>
    %dma_wait3A_25 = arith.constant 0 : i32
    %dma_wait3A_26 = arith.constant 0 : i32
    %dma_wait3A_27 = tpu.memref_slice %arg2[%dma_wait3A_25, %dma_wait3A_26] : memref<51200x32xf32, #tpu.memory_space<hbm>> -> memref<384x32xf32, #tpu.memory_space<hbm>>
    tpu.wait_dma2 semaphore(%arg19 : memref<!tpu.dma_semaphore, #tpu.memory_space<semaphore_mem>>) src(%dma_wait3A_27 : memref<384x32xf32, #tpu.memory_space<hbm>>) dst(%arg14 : memref<384x32xf32, #tpu.memory_space<vmem>>)
    %barrier3A_28 = arith.constant 0 : index
    tpu.barrier barrier_id(%barrier3A_28)
    %mul3A_29 = arith.constant 3200 : i32
    %mul3A_30 = arith.muli %arg1, %mul3A_29 : i32
    %eq3A_31 = arith.constant 0 : i32
    %eq3A_32 = arith.cmpi eq, %arg0, %eq3A_31 : i32
    %convert_element_type3A_33 = arith.extui %eq3A_32 : i1 to i32
    %cond3A_34 = arith.constant 0 : i32
    %cond3A_35 = arith.cmpi ne, %convert_element_type3A_33, %cond3A_34 : i32
    scf.if %cond3A_35 {
      "tpu.region"() ({
        %run_scoped3A = tpu.sem_alloc : memref<!tpu.dma_semaphore, #tpu.memory_space<semaphore_mem>>
        %dma_start3A = arith.constant 0 : i32
        %dma_start3A_41 = tpu.memref_slice %arg7[%mul3A_30, %dma_start3A] : memref<51200x32xf32, #tpu.memory_space<hbm>> -> memref<3200x32xf32, #tpu.memory_space<hbm>>
        %dma_start3A_42 = arith.constant 0 : i32
        %dma_start3A_43 = tpu.memref_slice %arg15[%mul3A_30, %dma_start3A_42] : memref<51216x32xf32, #tpu.memory_space<vmem_shared>> -> memref<3200x32xf32, #tpu.memory_space<vmem_shared>>
        tpu.enqueue_dma source(%dma_start3A_43 : memref<3200x32xf32, #tpu.memory_space<vmem_shared>>) target(%dma_start3A_41 : memref<3200x32xf32, #tpu.memory_space<hbm>>) target_semaphore(%run_scoped3A : memref<!tpu.dma_semaphore, #tpu.memory_space<semaphore_mem>>)
        %dma_wait3A_44 = arith.constant 0 : i32
        %dma_wait3A_45 = tpu.memref_slice %arg7[%mul3A_30, %dma_wait3A_44] : memref<51200x32xf32, #tpu.memory_space<hbm>> -> memref<3200x32xf32, #tpu.memory_space<hbm>>
        %dma_wait3A_46 = arith.constant 0 : i32
        %dma_wait3A_47 = tpu.memref_slice %arg15[%mul3A_30, %dma_wait3A_46] : memref<51216x32xf32, #tpu.memory_space<vmem_shared>> -> memref<3200x32xf32, #tpu.memory_space<vmem_shared>>
        tpu.wait_dma2 semaphore(%run_scoped3A : memref<!tpu.dma_semaphore, #tpu.memory_space<semaphore_mem>>) src(%dma_wait3A_47 : memref<3200x32xf32, #tpu.memory_space<vmem_shared>>) dst(%dma_wait3A_45 : memref<3200x32xf32, #tpu.memory_space<hbm>>)
        tpu.yield
      }) : () -> ()
    } else {
    }
    %eq3A_36 = arith.constant 1 : i32
    %eq3A_37 = arith.cmpi eq, %arg0, %eq3A_36 : i32
    %convert_element_type3A_38 = arith.extui %eq3A_37 : i1 to i32
    %cond3A_39 = arith.constant 0 : i32
    %cond3A_40 = arith.cmpi ne, %convert_element_type3A_38, %cond3A_39 : i32
    scf.if %cond3A_40 {
      "tpu.region"() ({
        %run_scoped3A = tpu.sem_alloc : memref<!tpu.dma_semaphore, #tpu.memory_space<semaphore_mem>>
        %dma_start3A = arith.constant 0 : i32
        %dma_start3A_41 = tpu.memref_slice %arg8[%mul3A_30, %dma_start3A] : memref<51200x32xf32, #tpu.memory_space<hbm>> -> memref<3200x32xf32, #tpu.memory_space<hbm>>
        %dma_start3A_42 = arith.constant 0 : i32
        %dma_start3A_43 = tpu.memref_slice %arg15[%mul3A_30, %dma_start3A_42] : memref<51216x32xf32, #tpu.memory_space<vmem_shared>> -> memref<3200x32xf32, #tpu.memory_space<vmem_shared>>
        tpu.enqueue_dma source(%dma_start3A_43 : memref<3200x32xf32, #tpu.memory_space<vmem_shared>>) target(%dma_start3A_41 : memref<3200x32xf32, #tpu.memory_space<hbm>>) target_semaphore(%run_scoped3A : memref<!tpu.dma_semaphore, #tpu.memory_space<semaphore_mem>>)
        %dma_wait3A_44 = arith.constant 0 : i32
        %dma_wait3A_45 = tpu.memref_slice %arg8[%mul3A_30, %dma_wait3A_44] : memref<51200x32xf32, #tpu.memory_space<hbm>> -> memref<3200x32xf32, #tpu.memory_space<hbm>>
        %dma_wait3A_46 = arith.constant 0 : i32
        %dma_wait3A_47 = tpu.memref_slice %arg15[%mul3A_30, %dma_wait3A_46] : memref<51216x32xf32, #tpu.memory_space<vmem_shared>> -> memref<3200x32xf32, #tpu.memory_space<vmem_shared>>
        tpu.wait_dma2 semaphore(%run_scoped3A : memref<!tpu.dma_semaphore, #tpu.memory_space<semaphore_mem>>) src(%dma_wait3A_47 : memref<3200x32xf32, #tpu.memory_space<vmem_shared>>) dst(%dma_wait3A_45 : memref<3200x32xf32, #tpu.memory_space<hbm>>)
        tpu.yield
      }) : () -> ()
    } else {
    }
    return
  }
}

#map = affine_map<(d0, d1) -> (0, 0)>
#map1 = affine_map<(d0, d1) -> (0)>
module attributes {stable_mosaic.version = 14 : i64} {
  func.func @_pool_body(%arg0: i32, %arg1: i32, %arg2: memref<51200x64xf32, #tpu.memory_space<hbm>>, %arg3: memref<51200xi32, #tpu.memory_space<hbm>>, %arg4: memref<512xi32, #tpu.memory_space<hbm>>, %arg5: memref<64x64xf32, #tpu.memory_space<hbm>>, %arg6: memref<128x64xf32, #tpu.memory_space<hbm>>, %arg7: memref<512xi32, #tpu.memory_space<vmem>>, %arg8: memref<64xi32, #tpu.memory_space<vmem>>, %arg9: memref<64xi32, #tpu.memory_space<vmem>>, %arg10: memref<64x64xf32, #tpu.memory_space<vmem>>, %arg11: memref<64x64xf32, #tpu.memory_space<vmem_shared>>, %arg12: memref<!tpu.dma_semaphore, #tpu.memory_space<semaphore_mem>>) attributes {dimension_semantics = [#tpu.dimension_semantics<core_parallel>, #tpu.dimension_semantics<subcore_parallel>], iteration_bounds = array<i64: 2, 16>, scalar_prefetch = 0 : i64, scratch_operands = 6 : i64, tpu.core_type = #tpu.core_type<sc_vector_subcore>, window_params = [{transform_indices = #map}, {transform_indices = #map1}, {transform_indices = #map1}, {transform_indices = #map}, {transform_indices = #map}]} {
    %eq3A = arith.constant 0 : i32
    %eq3A_0 = arith.cmpi eq, %arg1, %eq3A : i32
    %convert_element_type3A = arith.extui %eq3A_0 : i1 to i32
    %cond3A = arith.constant 0 : i32
    %cond3A_1 = arith.cmpi ne, %convert_element_type3A, %cond3A : i32
    scf.if %cond3A_1 {
      "tpu.region"() ({
        %run_scoped3A = tpu.sem_alloc : memref<!tpu.dma_semaphore, #tpu.memory_space<semaphore_mem>>
        tpu.enqueue_dma source(%arg5 : memref<64x64xf32, #tpu.memory_space<hbm>>) target(%arg11 : memref<64x64xf32, #tpu.memory_space<vmem_shared>>) target_semaphore(%run_scoped3A : memref<!tpu.dma_semaphore, #tpu.memory_space<semaphore_mem>>)
        tpu.wait_dma2 semaphore(%run_scoped3A : memref<!tpu.dma_semaphore, #tpu.memory_space<semaphore_mem>>) src(%arg5 : memref<64x64xf32, #tpu.memory_space<hbm>>) dst(%arg11 : memref<64x64xf32, #tpu.memory_space<vmem_shared>>)
        tpu.yield
      }) : () -> ()
    } else {
    }
    "tpu.region"() ({
      %run_scoped3A = tpu.sem_alloc : memref<!tpu.dma_semaphore, #tpu.memory_space<semaphore_mem>>
      tpu.enqueue_dma source(%arg4 : memref<512xi32, #tpu.memory_space<hbm>>) target(%arg7 : memref<512xi32, #tpu.memory_space<vmem>>) target_semaphore(%run_scoped3A : memref<!tpu.dma_semaphore, #tpu.memory_space<semaphore_mem>>)
      tpu.wait_dma2 semaphore(%run_scoped3A : memref<!tpu.dma_semaphore, #tpu.memory_space<semaphore_mem>>) src(%arg4 : memref<512xi32, #tpu.memory_space<hbm>>) dst(%arg7 : memref<512xi32, #tpu.memory_space<vmem>>)
      tpu.yield
    }) : () -> ()
    %barrier3A = arith.constant 0 : index
    tpu.barrier barrier_id(%barrier3A)
    %mul3A = arith.constant 16 : i32
    %mul3A_2 = arith.muli %arg0, %mul3A : i32
    %add3A = arith.addi %mul3A_2, %arg1 : i32
    %mul3A_3 = arith.constant 1600 : i32
    %mul3A_4 = arith.muli %add3A, %mul3A_3 : i32
    %scan3A = arith.constant 0 : i32
    %scan3A_5 = arith.constant 0 : i32
    %scan3A_6 = arith.constant 25 : i32
    %scan3A_7 = arith.addi %scan3A_5, %scan3A_6 : i32
    %scan3A_8 = arith.constant 1 : i32
    scf.for %scan3A_16 = %scan3A_5 to %scan3A_7 step %scan3A_8  : i32 {
      %mul3A_17 = arith.constant 64 : i32
      %mul3A_18 = arith.muli %scan3A_16, %mul3A_17 : i32
      %add3A_19 = arith.addi %mul3A_4, %mul3A_18 : i32
      "tpu.region"() ({
        %run_scoped3A = tpu.sem_alloc : memref<!tpu.dma_semaphore, #tpu.memory_space<semaphore_mem>>
        %dma_start3A = arith.constant 0 : i32
        %dma_start3A_37 = tpu.memref_slice %arg2[%add3A_19, %dma_start3A] : memref<51200x64xf32, #tpu.memory_space<hbm>> -> memref<64x64xf32, #tpu.memory_space<hbm>>
        %dma_start3A_38 = arith.constant 0 : i32
        %dma_start3A_39 = tpu.memref_slice %arg2[%add3A_19, %dma_start3A_38] : memref<51200x64xf32, #tpu.memory_space<hbm>> -> memref<64x64xf32, #tpu.memory_space<hbm>>
        tpu.enqueue_dma source(%dma_start3A_39 : memref<64x64xf32, #tpu.memory_space<hbm>>) target(%arg10 : memref<64x64xf32, #tpu.memory_space<vmem>>) target_semaphore(%run_scoped3A : memref<!tpu.dma_semaphore, #tpu.memory_space<semaphore_mem>>)
        %dma_wait3A = arith.constant 0 : i32
        %dma_wait3A_40 = tpu.memref_slice %arg2[%add3A_19, %dma_wait3A] : memref<51200x64xf32, #tpu.memory_space<hbm>> -> memref<64x64xf32, #tpu.memory_space<hbm>>
        %dma_wait3A_41 = arith.constant 0 : i32
        %dma_wait3A_42 = tpu.memref_slice %arg2[%add3A_19, %dma_wait3A_41] : memref<51200x64xf32, #tpu.memory_space<hbm>> -> memref<64x64xf32, #tpu.memory_space<hbm>>
        tpu.wait_dma2 semaphore(%run_scoped3A : memref<!tpu.dma_semaphore, #tpu.memory_space<semaphore_mem>>) src(%dma_wait3A_42 : memref<64x64xf32, #tpu.memory_space<hbm>>) dst(%arg10 : memref<64x64xf32, #tpu.memory_space<vmem>>)
        tpu.yield
      }) : () -> ()
      "tpu.region"() ({
        %run_scoped3A = tpu.sem_alloc : memref<!tpu.dma_semaphore, #tpu.memory_space<semaphore_mem>>
        %dma_start3A = tpu.memref_slice %arg3[%add3A_19] : memref<51200xi32, #tpu.memory_space<hbm>> -> memref<64xi32, #tpu.memory_space<hbm>>
        %dma_start3A_37 = tpu.memref_slice %arg3[%add3A_19] : memref<51200xi32, #tpu.memory_space<hbm>> -> memref<64xi32, #tpu.memory_space<hbm>>
        tpu.enqueue_dma source(%dma_start3A_37 : memref<64xi32, #tpu.memory_space<hbm>>) target(%arg8 : memref<64xi32, #tpu.memory_space<vmem>>) target_semaphore(%run_scoped3A : memref<!tpu.dma_semaphore, #tpu.memory_space<semaphore_mem>>)
        %dma_wait3A = tpu.memref_slice %arg3[%add3A_19] : memref<51200xi32, #tpu.memory_space<hbm>> -> memref<64xi32, #tpu.memory_space<hbm>>
        %dma_wait3A_38 = tpu.memref_slice %arg3[%add3A_19] : memref<51200xi32, #tpu.memory_space<hbm>> -> memref<64xi32, #tpu.memory_space<hbm>>
        tpu.wait_dma2 semaphore(%run_scoped3A : memref<!tpu.dma_semaphore, #tpu.memory_space<semaphore_mem>>) src(%dma_wait3A_38 : memref<64xi32, #tpu.memory_space<hbm>>) dst(%arg8 : memref<64xi32, #tpu.memory_space<vmem>>)
        tpu.yield
      }) : () -> ()
      %get3A = arith.constant 0 : index
      %get3A_20 = tpu.vector_load %arg8[%get3A] {strides = array<i32>} : memref<64xi32, #tpu.memory_space<vmem>>, vector<16xi32>,
      %gather3A = tpu.vector_load_idx %arg7[%get3A_20] : memref<512xi32, #tpu.memory_space<vmem>>[vector<16xi32>], vector<16xi32>,
      %swap3A = arith.constant 0 : index
      %swap3A_21 = tpu.vector_load %arg9[%swap3A] {strides = array<i32>} : memref<64xi32, #tpu.memory_space<vmem>>, vector<16xi32>,
      tpu.vector_store %arg9[%swap3A], %gather3A {strides = array<i32>} : memref<64xi32, #tpu.memory_space<vmem>>, vector<16xi32>,
      %get3A_22 = arith.constant 16 : index
      %get3A_23 = tpu.vector_load %arg8[%get3A_22] {strides = array<i32>} : memref<64xi32, #tpu.memory_space<vmem>>, vector<16xi32>,
      %gather3A_24 = tpu.vector_load_idx %arg7[%get3A_23] : memref<512xi32, #tpu.memory_space<vmem>>[vector<16xi32>], vector<16xi32>,
      %swap3A_25 = arith.constant 16 : index
      %swap3A_26 = tpu.vector_load %arg9[%swap3A_25] {strides = array<i32>} : memref<64xi32, #tpu.memory_space<vmem>>, vector<16xi32>,
      tpu.vector_store %arg9[%swap3A_25], %gather3A_24 {strides = array<i32>} : memref<64xi32, #tpu.memory_space<vmem>>, vector<16xi32>,
      %get3A_27 = arith.constant 32 : index
      %get3A_28 = tpu.vector_load %arg8[%get3A_27] {strides = array<i32>} : memref<64xi32, #tpu.memory_space<vmem>>, vector<16xi32>,
      %gather3A_29 = tpu.vector_load_idx %arg7[%get3A_28] : memref<512xi32, #tpu.memory_space<vmem>>[vector<16xi32>], vector<16xi32>,
      %swap3A_30 = arith.constant 32 : index
      %swap3A_31 = tpu.vector_load %arg9[%swap3A_30] {strides = array<i32>} : memref<64xi32, #tpu.memory_space<vmem>>, vector<16xi32>,
      tpu.vector_store %arg9[%swap3A_30], %gather3A_29 {strides = array<i32>} : memref<64xi32, #tpu.memory_space<vmem>>, vector<16xi32>,
      %get3A_32 = arith.constant 48 : index
      %get3A_33 = tpu.vector_load %arg8[%get3A_32] {strides = array<i32>} : memref<64xi32, #tpu.memory_space<vmem>>, vector<16xi32>,
      %gather3A_34 = tpu.vector_load_idx %arg7[%get3A_33] : memref<512xi32, #tpu.memory_space<vmem>>[vector<16xi32>], vector<16xi32>,
      %swap3A_35 = arith.constant 48 : index
      %swap3A_36 = tpu.vector_load %arg9[%swap3A_35] {strides = array<i32>} : memref<64xi32, #tpu.memory_space<vmem>>, vector<16xi32>,
      tpu.vector_store %arg9[%swap3A_35], %gather3A_34 {strides = array<i32>} : memref<64xi32, #tpu.memory_space<vmem>>, vector<16xi32>,
      "tpu.region"() ({
        %run_scoped3A = tpu.sem_alloc : memref<!tpu.dma_semaphore, #tpu.memory_space<semaphore_mem>>
        %dma_start3A = arith.constant 0 : i32
        %dma_start3A_37 = arith.constant 0 : i32
        %dma_start3A_38 = tpu.memref_slice %arg11[%dma_start3A, %dma_start3A_37] : memref<64x64xf32, #tpu.memory_space<vmem_shared>> -> memref<64x64xf32, #tpu.memory_space<vmem_shared>>
        tpu.enqueue_indirect_dma source(%arg10 : memref<64x64xf32, #tpu.memory_space<vmem>>) target(%dma_start3A_38 : memref<64x64xf32, #tpu.memory_space<vmem_shared>>) offsets(%arg9 : memref<64xi32, #tpu.memory_space<vmem>>) semaphore(%run_scoped3A : memref<!tpu.dma_semaphore, #tpu.memory_space<semaphore_mem>>) {add = true}
        %dma_wait3A = arith.constant 0 : i32
        %dma_wait3A_39 = arith.constant 0 : i32
        %dma_wait3A_40 = tpu.memref_slice %arg11[%dma_wait3A, %dma_wait3A_39] : memref<64x64xf32, #tpu.memory_space<vmem_shared>> -> memref<64x64xf32, #tpu.memory_space<vmem_shared>>
        tpu.wait_indirect_dma semaphore(%run_scoped3A : memref<!tpu.dma_semaphore, #tpu.memory_space<semaphore_mem>>) src(%arg10 : memref<64x64xf32, #tpu.memory_space<vmem>>) dst(%dma_wait3A_40 : memref<64x64xf32, #tpu.memory_space<vmem_shared>>)
        tpu.yield
      }) : () -> ()
    }
    %scan3A_9 = arith.constant 25 : i32
    %barrier3A_10 = arith.constant 0 : index
    tpu.barrier barrier_id(%barrier3A_10)
    %eq3A_11 = arith.constant 0 : i32
    %eq3A_12 = arith.cmpi eq, %arg1, %eq3A_11 : i32
    %convert_element_type3A_13 = arith.extui %eq3A_12 : i1 to i32
    %cond3A_14 = arith.constant 0 : i32
    %cond3A_15 = arith.cmpi ne, %convert_element_type3A_13, %cond3A_14 : i32
    scf.if %cond3A_15 {
      %mul3A_16 = arith.constant 64 : i32
      %mul3A_17 = arith.muli %arg0, %mul3A_16 : i32
      "tpu.region"() ({
        %run_scoped3A = tpu.sem_alloc : memref<!tpu.dma_semaphore, #tpu.memory_space<semaphore_mem>>
        %dma_start3A = arith.constant 0 : i32
        %dma_start3A_18 = tpu.memref_slice %arg6[%mul3A_17, %dma_start3A] : memref<128x64xf32, #tpu.memory_space<hbm>> -> memref<64x64xf32, #tpu.memory_space<hbm>>
        tpu.enqueue_dma source(%arg11 : memref<64x64xf32, #tpu.memory_space<vmem_shared>>) target(%dma_start3A_18 : memref<64x64xf32, #tpu.memory_space<hbm>>) target_semaphore(%run_scoped3A : memref<!tpu.dma_semaphore, #tpu.memory_space<semaphore_mem>>)
        %dma_wait3A = arith.constant 0 : i32
        %dma_wait3A_19 = tpu.memref_slice %arg6[%mul3A_17, %dma_wait3A] : memref<128x64xf32, #tpu.memory_space<hbm>> -> memref<64x64xf32, #tpu.memory_space<hbm>>
        tpu.wait_dma2 semaphore(%run_scoped3A : memref<!tpu.dma_semaphore, #tpu.memory_space<semaphore_mem>>) src(%arg11 : memref<64x64xf32, #tpu.memory_space<vmem_shared>>) dst(%dma_wait3A_19 : memref<64x64xf32, #tpu.memory_space<hbm>>)
        tpu.yield
      }) : () -> ()
    } else {
    }
    return
  }
}

module attributes {stable_mosaic.version = 14 : i64} {
  func.func @_gru0_body(%arg0: i32, %arg1: memref<2048x8xf32, #tpu.memory_space<vmem>>, %arg2: memref<2048x8xf32, #tpu.memory_space<vmem>>, %arg3: memref<2048x1xi32, #tpu.memory_space<vmem>>, %arg4: memref<1x64xf32, #tpu.memory_space<vmem>>, %arg5: memref<64x64xf32, #tpu.memory_space<vmem>>, %arg6: memref<64x64xf32, #tpu.memory_space<vmem>>, %arg7: memref<64x64xf32, #tpu.memory_space<vmem>>, %arg8: memref<64x64xf32, #tpu.memory_space<vmem>>, %arg9: memref<64x64xf32, #tpu.memory_space<vmem>>, %arg10: memref<64x64xf32, #tpu.memory_space<vmem>>, %arg11: memref<64x64xf32, #tpu.memory_space<vmem>>, %arg12: memref<64x64xf32, #tpu.memory_space<vmem>>, %arg13: memref<1x64xf32, #tpu.memory_space<vmem>>, %arg14: memref<1x64xf32, #tpu.memory_space<vmem>>, %arg15: memref<1x64xf32, #tpu.memory_space<vmem>>, %arg16: memref<1x64xf32, #tpu.memory_space<vmem>>, %arg17: memref<1x64xf32, #tpu.memory_space<vmem>>, %arg18: memref<1x64xf32, #tpu.memory_space<vmem>>, %arg19: memref<64x64xf32, #tpu.memory_space<vmem>>, %arg20: memref<64x64xf32, #tpu.memory_space<vmem>>, %arg21: memref<2048x64xf32, #tpu.memory_space<vmem>>, %arg22: memref<2048x32xf32, #tpu.memory_space<vmem>>, %arg23: memref<2048x32xf32, #tpu.memory_space<vmem>>) attributes {dimension_semantics = [#tpu.dimension_semantics<arbitrary>], iteration_bounds = array<i64: 25>, scalar_prefetch = 0 : i64, scratch_operands = 0 : i64, tpu.core_type = #tpu.core_type<tc>, window_params = [{transform_indices = @transform_0, window_bounds = array<i64: 2048, 8>}, {transform_indices = @transform_1, window_bounds = array<i64: 2048, 8>}, {transform_indices = @transform_2, window_bounds = array<i64: 2048, 1>}, {pipeline_mode = #tpu.pipeline_mode<synchronous>, transform_indices = @transform_3, window_bounds = array<i64: 1, 64>}, {pipeline_mode = #tpu.pipeline_mode<synchronous>, transform_indices = @transform_4, window_bounds = array<i64: 64, 64>}, {pipeline_mode = #tpu.pipeline_mode<synchronous>, transform_indices = @transform_5, window_bounds = array<i64: 64, 64>}, {pipeline_mode = #tpu.pipeline_mode<synchronous>, transform_indices = @transform_6, window_bounds = array<i64: 64, 64>}, {pipeline_mode = #tpu.pipeline_mode<synchronous>, transform_indices = @transform_7, window_bounds = array<i64: 64, 64>}, {pipeline_mode = #tpu.pipeline_mode<synchronous>, transform_indices = @transform_8, window_bounds = array<i64: 64, 64>}, {pipeline_mode = #tpu.pipeline_mode<synchronous>, transform_indices = @transform_9, window_bounds = array<i64: 64, 64>}, {pipeline_mode = #tpu.pipeline_mode<synchronous>, transform_indices = @transform_10, window_bounds = array<i64: 64, 64>}, {pipeline_mode = #tpu.pipeline_mode<synchronous>, transform_indices = @transform_11, window_bounds = array<i64: 64, 64>}, {pipeline_mode = #tpu.pipeline_mode<synchronous>, transform_indices = @transform_12, window_bounds = array<i64: 1, 64>}, {pipeline_mode = #tpu.pipeline_mode<synchronous>, transform_indices = @transform_13, window_bounds = array<i64: 1, 64>}, {pipeline_mode = #tpu.pipeline_mode<synchronous>, transform_indices = @transform_14, window_bounds = array<i64: 1, 64>}, {pipeline_mode = #tpu.pipeline_mode<synchronous>, transform_indices = @transform_15, window_bounds = array<i64: 1, 64>}, {pipeline_mode = #tpu.pipeline_mode<synchronous>, transform_indices = @transform_16, window_bounds = array<i64: 1, 64>}, {pipeline_mode = #tpu.pipeline_mode<synchronous>, transform_indices = @transform_17, window_bounds = array<i64: 1, 64>}, {pipeline_mode = #tpu.pipeline_mode<synchronous>, transform_indices = @transform_18, window_bounds = array<i64: 64, 64>}, {pipeline_mode = #tpu.pipeline_mode<synchronous>, transform_indices = @transform_19, window_bounds = array<i64: 64, 64>}, {transform_indices = @transform_20, window_bounds = array<i64: 2048, 64>}, {transform_indices = @transform_21, window_bounds = array<i64: 2048, 32>}, {transform_indices = @transform_22, window_bounds = array<i64: 2048, 32>}]} {
    %get3A = arith.constant 0 : index
    %get3A_0 = arith.constant 0 : index
    %get3A_1 = vector.load %arg7[%get3A, %get3A_0] : memref<64x64xf32, #tpu.memory_space<vmem>>, vector<64x64xf32>
    %get3A_2 = arith.constant 0 : index
    %get3A_3 = arith.constant 0 : index
    %get3A_4 = vector.load %arg8[%get3A_2, %get3A_3] : memref<64x64xf32, #tpu.memory_space<vmem>>, vector<64x64xf32>
    %get3A_5 = arith.constant 0 : index
    %get3A_6 = arith.constant 0 : index
    %get3A_7 = vector.load %arg9[%get3A_5, %get3A_6] : memref<64x64xf32, #tpu.memory_space<vmem>>, vector<64x64xf32>
    %get3A_8 = arith.constant 0 : index
    %get3A_9 = arith.constant 0 : index
    %get3A_10 = vector.load %arg10[%get3A_8, %get3A_9] : memref<64x64xf32, #tpu.memory_space<vmem>>, vector<64x64xf32>
    %get3A_11 = arith.constant 0 : index
    %get3A_12 = arith.constant 0 : index
    %get3A_13 = vector.load %arg11[%get3A_11, %get3A_12] : memref<64x64xf32, #tpu.memory_space<vmem>>, vector<64x64xf32>
    %get3A_14 = arith.constant 0 : index
    %get3A_15 = arith.constant 0 : index
    %get3A_16 = vector.load %arg12[%get3A_14, %get3A_15] : memref<64x64xf32, #tpu.memory_space<vmem>>, vector<64x64xf32>
    %get3A_17 = arith.constant 0 : index
    %get3A_18 = arith.constant 0 : index
    %get3A_19 = vector.load %arg13[%get3A_17, %get3A_18] : memref<1x64xf32, #tpu.memory_space<vmem>>, vector<1x64xf32>
    %get3A_20 = arith.constant 0 : index
    %get3A_21 = arith.constant 0 : index
    %get3A_22 = vector.load %arg14[%get3A_20, %get3A_21] : memref<1x64xf32, #tpu.memory_space<vmem>>, vector<1x64xf32>
    %get3A_23 = arith.constant 0 : index
    %get3A_24 = arith.constant 0 : index
    %get3A_25 = vector.load %arg15[%get3A_23, %get3A_24] : memref<1x64xf32, #tpu.memory_space<vmem>>, vector<1x64xf32>
    %get3A_26 = arith.constant 0 : index
    %get3A_27 = arith.constant 0 : index
    %get3A_28 = vector.load %arg16[%get3A_26, %get3A_27] : memref<1x64xf32, #tpu.memory_space<vmem>>, vector<1x64xf32>
    %get3A_29 = arith.constant 0 : index
    %get3A_30 = arith.constant 0 : index
    %get3A_31 = vector.load %arg17[%get3A_29, %get3A_30] : memref<1x64xf32, #tpu.memory_space<vmem>>, vector<1x64xf32>
    %get3A_32 = arith.constant 0 : index
    %get3A_33 = arith.constant 0 : index
    %get3A_34 = vector.load %arg18[%get3A_32, %get3A_33] : memref<1x64xf32, #tpu.memory_space<vmem>>, vector<1x64xf32>
    %get3A_35 = arith.constant 0 : index
    %get3A_36 = arith.constant 0 : index
    %get3A_37 = vector.load %arg1[%get3A_35, %get3A_36] : memref<2048x8xf32, #tpu.memory_space<vmem>>, vector<2048x8xf32>
    %get3A_38 = arith.constant 0 : index
    %get3A_39 = arith.constant 0 : index
    %get3A_40 = vector.load %arg2[%get3A_38, %get3A_39] : memref<2048x8xf32, #tpu.memory_space<vmem>>, vector<2048x8xf32>
    %add3A = arith.addf %get3A_37, %get3A_40 : vector<2048x8xf32>
    %slice3A = vector.extract_strided_slice %add3A {offsets = [0, 0], sizes = [2048, 1], strides = [1, 1]} : vector<2048x8xf32> to vector<2048x1xf32>
    %slice3A_41 = vector.extract_strided_slice %add3A {offsets = [0, 1], sizes = [2048, 1], strides = [1, 1]} : vector<2048x8xf32> to vector<2048x1xf32>
    %get3A_42 = arith.constant 0 : index
    %get3A_43 = arith.constant 0 : index
    %get3A_44 = vector.load %arg4[%get3A_42, %get3A_43] : memref<1x64xf32, #tpu.memory_space<vmem>>, vector<1x64xf32>
    %get3A_45 = arith.constant 0 : index
    %get3A_46 = arith.constant 0 : index
    %get3A_47 = vector.load %arg5[%get3A_45, %get3A_46] : memref<64x64xf32, #tpu.memory_space<vmem>>, vector<64x64xf32>
    %dot_general3A = arith.constant dense<0.000000e+00> : vector<1x64xf32>
    %dot_general3A_48 = tpu.matmul %get3A_44, %get3A_47, %dot_general3A {dimension_numbers = #tpu.dot_dimension_numbers<[1], [0], [0], [1], [0, 0, 1, 1], [], []>, transpose_lhs_hint = false} : vector<1x64xf32>, vector<64x64xf32>, vector<1x64xf32> -> vector<1x64xf32>
    %get3A_49 = arith.constant 0 : index
    %get3A_50 = arith.constant 0 : index
    %get3A_51 = vector.load %arg6[%get3A_49, %get3A_50] : memref<64x64xf32, #tpu.memory_space<vmem>>, vector<64x64xf32>
    %dot_general3A_52 = arith.constant dense<0.000000e+00> : vector<1x64xf32>
    %dot_general3A_53 = tpu.matmul %get3A_44, %get3A_51, %dot_general3A_52 {dimension_numbers = #tpu.dot_dimension_numbers<[1], [0], [0], [1], [0, 0, 1, 1], [], []>, transpose_lhs_hint = false} : vector<1x64xf32>, vector<64x64xf32>, vector<1x64xf32> -> vector<1x64xf32>
    %sub3A = arith.subf %slice3A, %slice3A_41 : vector<2048x1xf32>
    %mul3A = vector.broadcast %sub3A : vector<2048x1xf32> to vector<2048x64xf32>
    %mul3A_54 = vector.broadcast %dot_general3A_48 : vector<1x64xf32> to vector<2048x64xf32>
    %mul3A_55 = arith.mulf %mul3A, %mul3A_54 : vector<2048x64xf32>
    %mul3A_56 = vector.broadcast %slice3A_41 : vector<2048x1xf32> to vector<2048x64xf32>
    %mul3A_57 = vector.broadcast %dot_general3A_53 : vector<1x64xf32> to vector<2048x64xf32>
    %mul3A_58 = arith.mulf %mul3A_56, %mul3A_57 : vector<2048x64xf32>
    %add3A_59 = arith.addf %mul3A_55, %mul3A_58 : vector<2048x64xf32>
    %broadcast_in_dim3A = vector.shape_cast %get3A_44 : vector<1x64xf32> to vector<1x64xf32>
    %broadcast_in_dim3A_60 = vector.broadcast %broadcast_in_dim3A : vector<1x64xf32> to vector<2048x64xf32>
    %dot_general3A_61 = arith.constant dense<0.000000e+00> : vector<2048x64xf32>
    %dot_general3A_62 = tpu.matmul %add3A_59, %get3A_1, %dot_general3A_61 {dimension_numbers = #tpu.dot_dimension_numbers<[1], [0], [0], [1], [0, 0, 1, 1], [], []>, transpose_lhs_hint = false} : vector<2048x64xf32>, vector<64x64xf32>, vector<2048x64xf32> -> vector<2048x64xf32>
    %add3A_63 = vector.broadcast %get3A_19 : vector<1x64xf32> to vector<2048x64xf32>
    %add3A_64 = arith.addf %dot_general3A_62, %add3A_63 : vector<2048x64xf32>
    %dot_general3A_65 = arith.constant dense<0.000000e+00> : vector<2048x64xf32>
    %dot_general3A_66 = tpu.matmul %broadcast_in_dim3A_60, %get3A_10, %dot_general3A_65 {dimension_numbers = #tpu.dot_dimension_numbers<[1], [0], [0], [1], [0, 0, 1, 1], [], []>, transpose_lhs_hint = false} : vector<2048x64xf32>, vector<64x64xf32>, vector<2048x64xf32> -> vector<2048x64xf32>
    %add3A_67 = arith.addf %add3A_64, %dot_general3A_66 : vector<2048x64xf32>
    %add3A_68 = vector.broadcast %get3A_28 : vector<1x64xf32> to vector<2048x64xf32>
    %add3A_69 = arith.addf %add3A_67, %add3A_68 : vector<2048x64xf32>
    %neg3A = arith.constant 0.000000e+00 : f32
    %neg3A_70 = vector.broadcast %neg3A : f32 to vector<2048x64xf32>
    %neg3A_71 = arith.subf %neg3A_70, %add3A_69 : vector<2048x64xf32>
    %exp3A = math.exp %neg3A_71 : vector<2048x64xf32>
    %add3A_72 = arith.constant 1.000000e+00 : f32
    %add3A_73 = vector.broadcast %add3A_72 : f32 to vector<2048x64xf32>
    %add3A_74 = arith.addf %add3A_73, %exp3A : vector<2048x64xf32>
    %div3A = arith.constant 1.000000e+00 : f32
    %div3A_75 = vector.broadcast %div3A : f32 to vector<2048x64xf32>
    %div3A_76 = arith.divf %div3A_75, %add3A_74 : vector<2048x64xf32>
    %dot_general3A_77 = arith.constant dense<0.000000e+00> : vector<2048x64xf32>
    %dot_general3A_78 = tpu.matmul %add3A_59, %get3A_4, %dot_general3A_77 {dimension_numbers = #tpu.dot_dimension_numbers<[1], [0], [0], [1], [0, 0, 1, 1], [], []>, transpose_lhs_hint = false} : vector<2048x64xf32>, vector<64x64xf32>, vector<2048x64xf32> -> vector<2048x64xf32>
    %add3A_79 = vector.broadcast %get3A_22 : vector<1x64xf32> to vector<2048x64xf32>
    %add3A_80 = arith.addf %dot_general3A_78, %add3A_79 : vector<2048x64xf32>
    %dot_general3A_81 = arith.constant dense<0.000000e+00> : vector<2048x64xf32>
    %dot_general3A_82 = tpu.matmul %broadcast_in_dim3A_60, %get3A_13, %dot_general3A_81 {dimension_numbers = #tpu.dot_dimension_numbers<[1], [0], [0], [1], [0, 0, 1, 1], [], []>, transpose_lhs_hint = false} : vector<2048x64xf32>, vector<64x64xf32>, vector<2048x64xf32> -> vector<2048x64xf32>
    %add3A_83 = arith.addf %add3A_80, %dot_general3A_82 : vector<2048x64xf32>
    %add3A_84 = vector.broadcast %get3A_31 : vector<1x64xf32> to vector<2048x64xf32>
    %add3A_85 = arith.addf %add3A_83, %add3A_84 : vector<2048x64xf32>
    %neg3A_86 = arith.constant 0.000000e+00 : f32
    %neg3A_87 = vector.broadcast %neg3A_86 : f32 to vector<2048x64xf32>
    %neg3A_88 = arith.subf %neg3A_87, %add3A_85 : vector<2048x64xf32>
    %exp3A_89 = math.exp %neg3A_88 : vector<2048x64xf32>
    %add3A_90 = arith.constant 1.000000e+00 : f32
    %add3A_91 = vector.broadcast %add3A_90 : f32 to vector<2048x64xf32>
    %add3A_92 = arith.addf %add3A_91, %exp3A_89 : vector<2048x64xf32>
    %div3A_93 = arith.constant 1.000000e+00 : f32
    %div3A_94 = vector.broadcast %div3A_93 : f32 to vector<2048x64xf32>
    %div3A_95 = arith.divf %div3A_94, %add3A_92 : vector<2048x64xf32>
    %dot_general3A_96 = arith.constant dense<0.000000e+00> : vector<2048x64xf32>
    %dot_general3A_97 = tpu.matmul %add3A_59, %get3A_7, %dot_general3A_96 {dimension_numbers = #tpu.dot_dimension_numbers<[1], [0], [0], [1], [0, 0, 1, 1], [], []>, transpose_lhs_hint = false} : vector<2048x64xf32>, vector<64x64xf32>, vector<2048x64xf32> -> vector<2048x64xf32>
    %add3A_98 = vector.broadcast %get3A_25 : vector<1x64xf32> to vector<2048x64xf32>
    %add3A_99 = arith.addf %dot_general3A_97, %add3A_98 : vector<2048x64xf32>
    %dot_general3A_100 = arith.constant dense<0.000000e+00> : vector<2048x64xf32>
    %dot_general3A_101 = tpu.matmul %broadcast_in_dim3A_60, %get3A_16, %dot_general3A_100 {dimension_numbers = #tpu.dot_dimension_numbers<[1], [0], [0], [1], [0, 0, 1, 1], [], []>, transpose_lhs_hint = false} : vector<2048x64xf32>, vector<64x64xf32>, vector<2048x64xf32> -> vector<2048x64xf32>
    %add3A_102 = vector.broadcast %get3A_34 : vector<1x64xf32> to vector<2048x64xf32>
    %add3A_103 = arith.addf %dot_general3A_101, %add3A_102 : vector<2048x64xf32>
    %mul3A_104 = arith.mulf %div3A_76, %add3A_103 : vector<2048x64xf32>
    %add3A_105 = arith.addf %add3A_99, %mul3A_104 : vector<2048x64xf32>
    %tanh3A = math.tanh %add3A_105 : vector<2048x64xf32>
    %sub3A_106 = arith.constant 1.000000e+00 : f32
    %sub3A_107 = vector.broadcast %sub3A_106 : f32 to vector<2048x64xf32>
    %sub3A_108 = arith.subf %sub3A_107, %div3A_95 : vector<2048x64xf32>
    %mul3A_109 = arith.mulf %sub3A_108, %tanh3A : vector<2048x64xf32>
    %mul3A_110 = arith.mulf %div3A_95, %broadcast_in_dim3A_60 : vector<2048x64xf32>
    %add3A_111 = arith.addf %mul3A_109, %mul3A_110 : vector<2048x64xf32>
    %swap3A = arith.constant 0 : index
    %swap3A_112 = arith.constant 0 : index
    %swap3A_113 = vector.load %arg21[%swap3A, %swap3A_112] : memref<2048x64xf32, #tpu.memory_space<vmem>>, vector<2048x64xf32>
    tpu.vector_store %arg21[%swap3A, %swap3A_112], %add3A_111 {strides = array<i32>} : memref<2048x64xf32, #tpu.memory_space<vmem>>, vector<2048x64xf32>,
    %get3A_114 = arith.constant 0 : index
    %get3A_115 = arith.constant 0 : index
    %get3A_116 = vector.load %arg19[%get3A_114, %get3A_115] : memref<64x64xf32, #tpu.memory_space<vmem>>, vector<64x64xf32>
    %dot_general3A_117 = arith.constant dense<0.000000e+00> : vector<2048x64xf32>
    %dot_general3A_118 = tpu.matmul %add3A_111, %get3A_116, %dot_general3A_117 {dimension_numbers = #tpu.dot_dimension_numbers<[1], [0], [0], [1], [0, 0, 1, 1], [], []>, transpose_lhs_hint = false} : vector<2048x64xf32>, vector<64x64xf32>, vector<2048x64xf32> -> vector<2048x64xf32>
    %get3A_119 = arith.constant 0 : index
    %get3A_120 = arith.constant 0 : index
    %get3A_121 = vector.load %arg20[%get3A_119, %get3A_120] : memref<64x64xf32, #tpu.memory_space<vmem>>, vector<64x64xf32>
    %dot_general3A_122 = arith.constant dense<0.000000e+00> : vector<2048x64xf32>
    %dot_general3A_123 = tpu.matmul %add3A_111, %get3A_121, %dot_general3A_122 {dimension_numbers = #tpu.dot_dimension_numbers<[1], [0], [0], [1], [0, 0, 1, 1], [], []>, transpose_lhs_hint = false} : vector<2048x64xf32>, vector<64x64xf32>, vector<2048x64xf32> -> vector<2048x64xf32>
    %get3A_124 = arith.constant 0 : index
    %get3A_125 = arith.constant 0 : index
    %get3A_126 = vector.load %arg3[%get3A_124, %get3A_125] : memref<2048x1xi32, #tpu.memory_space<vmem>>, vector<2048x1xi32>
    %eq3A = arith.constant 1 : i32
    %eq3A_127 = vector.broadcast %eq3A : i32 to vector<2048x1xi32>
    %eq3A_128 = arith.cmpi eq, %get3A_126, %eq3A_127 : vector<2048x1xi32>
    %broadcast_in_dim3A_129 = vector.shape_cast %eq3A_128 : vector<2048x1xi1> to vector<2048x1xi1>
    %broadcast_in_dim3A_130 = vector.broadcast %broadcast_in_dim3A_129 : vector<2048x1xi1> to vector<2048x64xi1>
    %select_n3A = arith.select %broadcast_in_dim3A_130, %dot_general3A_123, %dot_general3A_118 : vector<2048x64xi1>, vector<2048x64xf32>
    %slice3A_131 = vector.extract_strided_slice %select_n3A {offsets = [0, 0], sizes = [2048, 32], strides = [1, 1]} : vector<2048x64xf32> to vector<2048x32xf32>
    %swap3A_132 = arith.constant 0 : index
    %swap3A_133 = arith.constant 0 : index
    %swap3A_134 = vector.load %arg22[%swap3A_132, %swap3A_133] : memref<2048x32xf32, #tpu.memory_space<vmem>>, vector<2048x32xf32>
    tpu.vector_store %arg22[%swap3A_132, %swap3A_133], %slice3A_131 {strides = array<i32>} : memref<2048x32xf32, #tpu.memory_space<vmem>>, vector<2048x32xf32>,
    %slice3A_135 = vector.extract_strided_slice %select_n3A {offsets = [0, 32], sizes = [2048, 32], strides = [1, 1]} : vector<2048x64xf32> to vector<2048x32xf32>
    %swap3A_136 = arith.constant 0 : index
    %swap3A_137 = arith.constant 0 : index
    %swap3A_138 = vector.load %arg23[%swap3A_136, %swap3A_137] : memref<2048x32xf32, #tpu.memory_space<vmem>>, vector<2048x32xf32>
    tpu.vector_store %arg23[%swap3A_136, %swap3A_137], %slice3A_135 {strides = array<i32>} : memref<2048x32xf32, #tpu.memory_space<vmem>>, vector<2048x32xf32>,
    return
  }
  func.func @transform_0(%arg0: i32) -> (i32, i32) {
    %c0_i32 = arith.constant 0 : i32
    %c0_i32_0 = arith.constant 0 : i32
    return %arg0, %c0_i32 : i32, i32
  }
  func.func @transform_1(%arg0: i32) -> (i32, i32) {
    %c0_i32 = arith.constant 0 : i32
    %c0_i32_0 = arith.constant 0 : i32
    return %arg0, %c0_i32 : i32, i32
  }
  func.func @transform_2(%arg0: i32) -> (i32, i32) {
    %c0_i32 = arith.constant 0 : i32
    %c0_i32_0 = arith.constant 0 : i32
    return %arg0, %c0_i32 : i32, i32
  }
  func.func @transform_3(%arg0: i32) -> (i32, i32) {
    %c0_i32 = arith.constant 0 : i32
    %c0_i32_0 = arith.constant 0 : i32
    %c0_i32_1 = arith.constant 0 : i32
    return %c0_i32, %c0_i32_0 : i32, i32
  }
  func.func @transform_4(%arg0: i32) -> (i32, i32) {
    %c0_i32 = arith.constant 0 : i32
    %c0_i32_0 = arith.constant 0 : i32
    %c0_i32_1 = arith.constant 0 : i32
    return %c0_i32, %c0_i32_0 : i32, i32
  }
  func.func @transform_5(%arg0: i32) -> (i32, i32) {
    %c0_i32 = arith.constant 0 : i32
    %c0_i32_0 = arith.constant 0 : i32
    %c0_i32_1 = arith.constant 0 : i32
    return %c0_i32, %c0_i32_0 : i32, i32
  }
  func.func @transform_6(%arg0: i32) -> (i32, i32) {
    %c0_i32 = arith.constant 0 : i32
    %c0_i32_0 = arith.constant 0 : i32
    %c0_i32_1 = arith.constant 0 : i32
    return %c0_i32, %c0_i32_0 : i32, i32
  }
  func.func @transform_7(%arg0: i32) -> (i32, i32) {
    %c0_i32 = arith.constant 0 : i32
    %c0_i32_0 = arith.constant 0 : i32
    %c0_i32_1 = arith.constant 0 : i32
    return %c0_i32, %c0_i32_0 : i32, i32
  }
  func.func @transform_8(%arg0: i32) -> (i32, i32) {
    %c0_i32 = arith.constant 0 : i32
    %c0_i32_0 = arith.constant 0 : i32
    %c0_i32_1 = arith.constant 0 : i32
    return %c0_i32, %c0_i32_0 : i32, i32
  }
  func.func @transform_9(%arg0: i32) -> (i32, i32) {
    %c0_i32 = arith.constant 0 : i32
    %c0_i32_0 = arith.constant 0 : i32
    %c0_i32_1 = arith.constant 0 : i32
    return %c0_i32, %c0_i32_0 : i32, i32
  }
  func.func @transform_10(%arg0: i32) -> (i32, i32) {
    %c0_i32 = arith.constant 0 : i32
    %c0_i32_0 = arith.constant 0 : i32
    %c0_i32_1 = arith.constant 0 : i32
    return %c0_i32, %c0_i32_0 : i32, i32
  }
  func.func @transform_11(%arg0: i32) -> (i32, i32) {
    %c0_i32 = arith.constant 0 : i32
    %c0_i32_0 = arith.constant 0 : i32
    %c0_i32_1 = arith.constant 0 : i32
    return %c0_i32, %c0_i32_0 : i32, i32
  }
  func.func @transform_12(%arg0: i32) -> (i32, i32) {
    %c0_i32 = arith.constant 0 : i32
    %c0_i32_0 = arith.constant 0 : i32
    %c0_i32_1 = arith.constant 0 : i32
    return %c0_i32, %c0_i32_0 : i32, i32
  }
  func.func @transform_13(%arg0: i32) -> (i32, i32) {
    %c0_i32 = arith.constant 0 : i32
    %c0_i32_0 = arith.constant 0 : i32
    %c0_i32_1 = arith.constant 0 : i32
    return %c0_i32, %c0_i32_0 : i32, i32
  }
  func.func @transform_14(%arg0: i32) -> (i32, i32) {
    %c0_i32 = arith.constant 0 : i32
    %c0_i32_0 = arith.constant 0 : i32
    %c0_i32_1 = arith.constant 0 : i32
    return %c0_i32, %c0_i32_0 : i32, i32
  }
  func.func @transform_15(%arg0: i32) -> (i32, i32) {
    %c0_i32 = arith.constant 0 : i32
    %c0_i32_0 = arith.constant 0 : i32
    %c0_i32_1 = arith.constant 0 : i32
    return %c0_i32, %c0_i32_0 : i32, i32
  }
  func.func @transform_16(%arg0: i32) -> (i32, i32) {
    %c0_i32 = arith.constant 0 : i32
    %c0_i32_0 = arith.constant 0 : i32
    %c0_i32_1 = arith.constant 0 : i32
    return %c0_i32, %c0_i32_0 : i32, i32
  }
  func.func @transform_17(%arg0: i32) -> (i32, i32) {
    %c0_i32 = arith.constant 0 : i32
    %c0_i32_0 = arith.constant 0 : i32
    %c0_i32_1 = arith.constant 0 : i32
    return %c0_i32, %c0_i32_0 : i32, i32
  }
  func.func @transform_18(%arg0: i32) -> (i32, i32) {
    %c0_i32 = arith.constant 0 : i32
    %c0_i32_0 = arith.constant 0 : i32
    %c0_i32_1 = arith.constant 0 : i32
    return %c0_i32, %c0_i32_0 : i32, i32
  }
  func.func @transform_19(%arg0: i32) -> (i32, i32) {
    %c0_i32 = arith.constant 0 : i32
    %c0_i32_0 = arith.constant 0 : i32
    %c0_i32_1 = arith.constant 0 : i32
    return %c0_i32, %c0_i32_0 : i32, i32
  }
  func.func @transform_20(%arg0: i32) -> (i32, i32) {
    %c0_i32 = arith.constant 0 : i32
    %c0_i32_0 = arith.constant 0 : i32
    return %arg0, %c0_i32 : i32, i32
  }
  func.func @transform_21(%arg0: i32) -> (i32, i32) {
    %c0_i32 = arith.constant 0 : i32
    %c0_i32_0 = arith.constant 0 : i32
    return %arg0, %c0_i32 : i32, i32
  }
  func.func @transform_22(%arg0: i32) -> (i32, i32) {
    %c0_i32 = arith.constant 0 : i32
    %c0_i32_0 = arith.constant 0 : i32
    return %arg0, %c0_i32 : i32, i32
  }
}

module attributes {stable_mosaic.version = 14 : i64} {
  func.func @_gru_msg_body(%arg0: i32, %arg1: memref<2048x32xf32, #tpu.memory_space<vmem>>, %arg2: memref<2048x32xf32, #tpu.memory_space<vmem>>, %arg3: memref<2048x64xf32, #tpu.memory_space<vmem>>, %arg4: memref<2048x1xi32, #tpu.memory_space<vmem>>, %arg5: memref<32x64xf32, #tpu.memory_space<vmem>>, %arg6: memref<32x64xf32, #tpu.memory_space<vmem>>, %arg7: memref<32x64xf32, #tpu.memory_space<vmem>>, %arg8: memref<32x64xf32, #tpu.memory_space<vmem>>, %arg9: memref<32x64xf32, #tpu.memory_space<vmem>>, %arg10: memref<32x64xf32, #tpu.memory_space<vmem>>, %arg11: memref<64x64xf32, #tpu.memory_space<vmem>>, %arg12: memref<64x64xf32, #tpu.memory_space<vmem>>, %arg13: memref<64x64xf32, #tpu.memory_space<vmem>>, %arg14: memref<1x64xf32, #tpu.memory_space<vmem>>, %arg15: memref<1x64xf32, #tpu.memory_space<vmem>>, %arg16: memref<1x64xf32, #tpu.memory_space<vmem>>, %arg17: memref<1x64xf32, #tpu.memory_space<vmem>>, %arg18: memref<1x64xf32, #tpu.memory_space<vmem>>, %arg19: memref<1x64xf32, #tpu.memory_space<vmem>>, %arg20: memref<64x64xf32, #tpu.memory_space<vmem>>, %arg21: memref<64x64xf32, #tpu.memory_space<vmem>>, %arg22: memref<2048x64xf32, #tpu.memory_space<vmem>>, %arg23: memref<2048x32xf32, #tpu.memory_space<vmem>>, %arg24: memref<2048x32xf32, #tpu.memory_space<vmem>>) attributes {dimension_semantics = [#tpu.dimension_semantics<arbitrary>], iteration_bounds = array<i64: 25>, scalar_prefetch = 0 : i64, scratch_operands = 0 : i64, tpu.core_type = #tpu.core_type<tc>, window_params = [{transform_indices = @transform_0, window_bounds = array<i64: 2048, 32>}, {transform_indices = @transform_1, window_bounds = array<i64: 2048, 32>}, {transform_indices = @transform_2, window_bounds = array<i64: 2048, 64>}, {transform_indices = @transform_3, window_bounds = array<i64: 2048, 1>}, {pipeline_mode = #tpu.pipeline_mode<synchronous>, transform_indices = @transform_4, window_bounds = array<i64: 32, 64>}, {pipeline_mode = #tpu.pipeline_mode<synchronous>, transform_indices = @transform_5, window_bounds = array<i64: 32, 64>}, {pipeline_mode = #tpu.pipeline_mode<synchronous>, transform_indices = @transform_6, window_bounds = array<i64: 32, 64>}, {pipeline_mode = #tpu.pipeline_mode<synchronous>, transform_indices = @transform_7, window_bounds = array<i64: 32, 64>}, {pipeline_mode = #tpu.pipeline_mode<synchronous>, transform_indices = @transform_8, window_bounds = array<i64: 32, 64>}, {pipeline_mode = #tpu.pipeline_mode<synchronous>, transform_indices = @transform_9, window_bounds = array<i64: 32, 64>}, {pipeline_mode = #tpu.pipeline_mode<synchronous>, transform_indices = @transform_10, window_bounds = array<i64: 64, 64>}, {pipeline_mode = #tpu.pipeline_mode<synchronous>, transform_indices = @transform_11, window_bounds = array<i64: 64, 64>}, {pipeline_mode = #tpu.pipeline_mode<synchronous>, transform_indices = @transform_12, window_bounds = array<i64: 64, 64>}, {pipeline_mode = #tpu.pipeline_mode<synchronous>, transform_indices = @transform_13, window_bounds = array<i64: 1, 64>}, {pipeline_mode = #tpu.pipeline_mode<synchronous>, transform_indices = @transform_14, window_bounds = array<i64: 1, 64>}, {pipeline_mode = #tpu.pipeline_mode<synchronous>, transform_indices = @transform_15, window_bounds = array<i64: 1, 64>}, {pipeline_mode = #tpu.pipeline_mode<synchronous>, transform_indices = @transform_16, window_bounds = array<i64: 1, 64>}, {pipeline_mode = #tpu.pipeline_mode<synchronous>, transform_indices = @transform_17, window_bounds = array<i64: 1, 64>}, {pipeline_mode = #tpu.pipeline_mode<synchronous>, transform_indices = @transform_18, window_bounds = array<i64: 1, 64>}, {pipeline_mode = #tpu.pipeline_mode<synchronous>, transform_indices = @transform_19, window_bounds = array<i64: 64, 64>}, {pipeline_mode = #tpu.pipeline_mode<synchronous>, transform_indices = @transform_20, window_bounds = array<i64: 64, 64>}, {transform_indices = @transform_21, window_bounds = array<i64: 2048, 64>}, {transform_indices = @transform_22, window_bounds = array<i64: 2048, 32>}, {transform_indices = @transform_23, window_bounds = array<i64: 2048, 32>}]} {
    %get3A = arith.constant 0 : index
    %get3A_0 = arith.constant 0 : index
    %get3A_1 = vector.load %arg5[%get3A, %get3A_0] : memref<32x64xf32, #tpu.memory_space<vmem>>, vector<32x64xf32>
    %get3A_2 = arith.constant 0 : index
    %get3A_3 = arith.constant 0 : index
    %get3A_4 = vector.load %arg6[%get3A_2, %get3A_3] : memref<32x64xf32, #tpu.memory_space<vmem>>, vector<32x64xf32>
    %get3A_5 = arith.constant 0 : index
    %get3A_6 = arith.constant 0 : index
    %get3A_7 = vector.load %arg7[%get3A_5, %get3A_6] : memref<32x64xf32, #tpu.memory_space<vmem>>, vector<32x64xf32>
    %get3A_8 = arith.constant 0 : index
    %get3A_9 = arith.constant 0 : index
    %get3A_10 = vector.load %arg8[%get3A_8, %get3A_9] : memref<32x64xf32, #tpu.memory_space<vmem>>, vector<32x64xf32>
    %get3A_11 = arith.constant 0 : index
    %get3A_12 = arith.constant 0 : index
    %get3A_13 = vector.load %arg9[%get3A_11, %get3A_12] : memref<32x64xf32, #tpu.memory_space<vmem>>, vector<32x64xf32>
    %get3A_14 = arith.constant 0 : index
    %get3A_15 = arith.constant 0 : index
    %get3A_16 = vector.load %arg10[%get3A_14, %get3A_15] : memref<32x64xf32, #tpu.memory_space<vmem>>, vector<32x64xf32>
    %get3A_17 = arith.constant 0 : index
    %get3A_18 = arith.constant 0 : index
    %get3A_19 = vector.load %arg11[%get3A_17, %get3A_18] : memref<64x64xf32, #tpu.memory_space<vmem>>, vector<64x64xf32>
    %get3A_20 = arith.constant 0 : index
    %get3A_21 = arith.constant 0 : index
    %get3A_22 = vector.load %arg12[%get3A_20, %get3A_21] : memref<64x64xf32, #tpu.memory_space<vmem>>, vector<64x64xf32>
    %get3A_23 = arith.constant 0 : index
    %get3A_24 = arith.constant 0 : index
    %get3A_25 = vector.load %arg13[%get3A_23, %get3A_24] : memref<64x64xf32, #tpu.memory_space<vmem>>, vector<64x64xf32>
    %get3A_26 = arith.constant 0 : index
    %get3A_27 = arith.constant 0 : index
    %get3A_28 = vector.load %arg14[%get3A_26, %get3A_27] : memref<1x64xf32, #tpu.memory_space<vmem>>, vector<1x64xf32>
    %get3A_29 = arith.constant 0 : index
    %get3A_30 = arith.constant 0 : index
    %get3A_31 = vector.load %arg15[%get3A_29, %get3A_30] : memref<1x64xf32, #tpu.memory_space<vmem>>, vector<1x64xf32>
    %get3A_32 = arith.constant 0 : index
    %get3A_33 = arith.constant 0 : index
    %get3A_34 = vector.load %arg16[%get3A_32, %get3A_33] : memref<1x64xf32, #tpu.memory_space<vmem>>, vector<1x64xf32>
    %get3A_35 = arith.constant 0 : index
    %get3A_36 = arith.constant 0 : index
    %get3A_37 = vector.load %arg17[%get3A_35, %get3A_36] : memref<1x64xf32, #tpu.memory_space<vmem>>, vector<1x64xf32>
    %get3A_38 = arith.constant 0 : index
    %get3A_39 = arith.constant 0 : index
    %get3A_40 = vector.load %arg18[%get3A_38, %get3A_39] : memref<1x64xf32, #tpu.memory_space<vmem>>, vector<1x64xf32>
    %get3A_41 = arith.constant 0 : index
    %get3A_42 = arith.constant 0 : index
    %get3A_43 = vector.load %arg19[%get3A_41, %get3A_42] : memref<1x64xf32, #tpu.memory_space<vmem>>, vector<1x64xf32>
    %get3A_44 = arith.constant 0 : index
    %get3A_45 = arith.constant 0 : index
    %get3A_46 = vector.load %arg1[%get3A_44, %get3A_45] : memref<2048x32xf32, #tpu.memory_space<vmem>>, vector<2048x32xf32>
    %get3A_47 = arith.constant 0 : index
    %get3A_48 = arith.constant 0 : index
    %get3A_49 = vector.load %arg2[%get3A_47, %get3A_48] : memref<2048x32xf32, #tpu.memory_space<vmem>>, vector<2048x32xf32>
    %get3A_50 = arith.constant 0 : index
    %get3A_51 = arith.constant 0 : index
    %get3A_52 = vector.load %arg3[%get3A_50, %get3A_51] : memref<2048x64xf32, #tpu.memory_space<vmem>>, vector<2048x64xf32>
    %dot_general3A = arith.constant dense<0.000000e+00> : vector<2048x64xf32>
    %dot_general3A_53 = tpu.matmul %get3A_46, %get3A_1, %dot_general3A {dimension_numbers = #tpu.dot_dimension_numbers<[1], [0], [0], [1], [0, 0, 1, 1], [], []>, transpose_lhs_hint = false} : vector<2048x32xf32>, vector<32x64xf32>, vector<2048x64xf32> -> vector<2048x64xf32>
    %dot_general3A_54 = arith.constant dense<0.000000e+00> : vector<2048x64xf32>
    %dot_general3A_55 = tpu.matmul %get3A_49, %get3A_4, %dot_general3A_54 {dimension_numbers = #tpu.dot_dimension_numbers<[1], [0], [0], [1], [0, 0, 1, 1], [], []>, transpose_lhs_hint = false} : vector<2048x32xf32>, vector<32x64xf32>, vector<2048x64xf32> -> vector<2048x64xf32>
    %add3A = arith.addf %dot_general3A_53, %dot_general3A_55 : vector<2048x64xf32>
    %add3A_56 = vector.broadcast %get3A_28 : vector<1x64xf32> to vector<2048x64xf32>
    %add3A_57 = arith.addf %add3A, %add3A_56 : vector<2048x64xf32>
    %dot_general3A_58 = arith.constant dense<0.000000e+00> : vector<2048x64xf32>
    %dot_general3A_59 = tpu.matmul %get3A_52, %get3A_19, %dot_general3A_58 {dimension_numbers = #tpu.dot_dimension_numbers<[1], [0], [0], [1], [0, 0, 1, 1], [], []>, transpose_lhs_hint = false} : vector<2048x64xf32>, vector<64x64xf32>, vector<2048x64xf32> -> vector<2048x64xf32>
    %add3A_60 = arith.addf %add3A_57, %dot_general3A_59 : vector<2048x64xf32>
    %add3A_61 = vector.broadcast %get3A_37 : vector<1x64xf32> to vector<2048x64xf32>
    %add3A_62 = arith.addf %add3A_60, %add3A_61 : vector<2048x64xf32>
    %neg3A = arith.constant 0.000000e+00 : f32
    %neg3A_63 = vector.broadcast %neg3A : f32 to vector<2048x64xf32>
    %neg3A_64 = arith.subf %neg3A_63, %add3A_62 : vector<2048x64xf32>
    %exp3A = math.exp %neg3A_64 : vector<2048x64xf32>
    %add3A_65 = arith.constant 1.000000e+00 : f32
    %add3A_66 = vector.broadcast %add3A_65 : f32 to vector<2048x64xf32>
    %add3A_67 = arith.addf %add3A_66, %exp3A : vector<2048x64xf32>
    %div3A = arith.constant 1.000000e+00 : f32
    %div3A_68 = vector.broadcast %div3A : f32 to vector<2048x64xf32>
    %div3A_69 = arith.divf %div3A_68, %add3A_67 : vector<2048x64xf32>
    %dot_general3A_70 = arith.constant dense<0.000000e+00> : vector<2048x64xf32>
    %dot_general3A_71 = tpu.matmul %get3A_46, %get3A_7, %dot_general3A_70 {dimension_numbers = #tpu.dot_dimension_numbers<[1], [0], [0], [1], [0, 0, 1, 1], [], []>, transpose_lhs_hint = false} : vector<2048x32xf32>, vector<32x64xf32>, vector<2048x64xf32> -> vector<2048x64xf32>
    %dot_general3A_72 = arith.constant dense<0.000000e+00> : vector<2048x64xf32>
    %dot_general3A_73 = tpu.matmul %get3A_49, %get3A_10, %dot_general3A_72 {dimension_numbers = #tpu.dot_dimension_numbers<[1], [0], [0], [1], [0, 0, 1, 1], [], []>, transpose_lhs_hint = false} : vector<2048x32xf32>, vector<32x64xf32>, vector<2048x64xf32> -> vector<2048x64xf32>
    %add3A_74 = arith.addf %dot_general3A_71, %dot_general3A_73 : vector<2048x64xf32>
    %add3A_75 = vector.broadcast %get3A_31 : vector<1x64xf32> to vector<2048x64xf32>
    %add3A_76 = arith.addf %add3A_74, %add3A_75 : vector<2048x64xf32>
    %dot_general3A_77 = arith.constant dense<0.000000e+00> : vector<2048x64xf32>
    %dot_general3A_78 = tpu.matmul %get3A_52, %get3A_22, %dot_general3A_77 {dimension_numbers = #tpu.dot_dimension_numbers<[1], [0], [0], [1], [0, 0, 1, 1], [], []>, transpose_lhs_hint = false} : vector<2048x64xf32>, vector<64x64xf32>, vector<2048x64xf32> -> vector<2048x64xf32>
    %add3A_79 = arith.addf %add3A_76, %dot_general3A_78 : vector<2048x64xf32>
    %add3A_80 = vector.broadcast %get3A_40 : vector<1x64xf32> to vector<2048x64xf32>
    %add3A_81 = arith.addf %add3A_79, %add3A_80 : vector<2048x64xf32>
    %neg3A_82 = arith.constant 0.000000e+00 : f32
    %neg3A_83 = vector.broadcast %neg3A_82 : f32 to vector<2048x64xf32>
    %neg3A_84 = arith.subf %neg3A_83, %add3A_81 : vector<2048x64xf32>
    %exp3A_85 = math.exp %neg3A_84 : vector<2048x64xf32>
    %add3A_86 = arith.constant 1.000000e+00 : f32
    %add3A_87 = vector.broadcast %add3A_86 : f32 to vector<2048x64xf32>
    %add3A_88 = arith.addf %add3A_87, %exp3A_85 : vector<2048x64xf32>
    %div3A_89 = arith.constant 1.000000e+00 : f32
    %div3A_90 = vector.broadcast %div3A_89 : f32 to vector<2048x64xf32>
    %div3A_91 = arith.divf %div3A_90, %add3A_88 : vector<2048x64xf32>
    %dot_general3A_92 = arith.constant dense<0.000000e+00> : vector<2048x64xf32>
    %dot_general3A_93 = tpu.matmul %get3A_46, %get3A_13, %dot_general3A_92 {dimension_numbers = #tpu.dot_dimension_numbers<[1], [0], [0], [1], [0, 0, 1, 1], [], []>, transpose_lhs_hint = false} : vector<2048x32xf32>, vector<32x64xf32>, vector<2048x64xf32> -> vector<2048x64xf32>
    %dot_general3A_94 = arith.constant dense<0.000000e+00> : vector<2048x64xf32>
    %dot_general3A_95 = tpu.matmul %get3A_49, %get3A_16, %dot_general3A_94 {dimension_numbers = #tpu.dot_dimension_numbers<[1], [0], [0], [1], [0, 0, 1, 1], [], []>, transpose_lhs_hint = false} : vector<2048x32xf32>, vector<32x64xf32>, vector<2048x64xf32> -> vector<2048x64xf32>
    %add3A_96 = arith.addf %dot_general3A_93, %dot_general3A_95 : vector<2048x64xf32>
    %add3A_97 = vector.broadcast %get3A_34 : vector<1x64xf32> to vector<2048x64xf32>
    %add3A_98 = arith.addf %add3A_96, %add3A_97 : vector<2048x64xf32>
    %dot_general3A_99 = arith.constant dense<0.000000e+00> : vector<2048x64xf32>
    %dot_general3A_100 = tpu.matmul %get3A_52, %get3A_25, %dot_general3A_99 {dimension_numbers = #tpu.dot_dimension_numbers<[1], [0], [0], [1], [0, 0, 1, 1], [], []>, transpose_lhs_hint = false} : vector<2048x64xf32>, vector<64x64xf32>, vector<2048x64xf32> -> vector<2048x64xf32>
    %add3A_101 = vector.broadcast %get3A_43 : vector<1x64xf32> to vector<2048x64xf32>
    %add3A_102 = arith.addf %dot_general3A_100, %add3A_101 : vector<2048x64xf32>
    %mul3A = arith.mulf %div3A_69, %add3A_102 : vector<2048x64xf32>
    %add3A_103 = arith.addf %add3A_98, %mul3A : vector<2048x64xf32>
    %tanh3A = math.tanh %add3A_103 : vector<2048x64xf32>
    %sub3A = arith.constant 1.000000e+00 : f32
    %sub3A_104 = vector.broadcast %sub3A : f32 to vector<2048x64xf32>
    %sub3A_105 = arith.subf %sub3A_104, %div3A_91 : vector<2048x64xf32>
    %mul3A_106 = arith.mulf %sub3A_105, %tanh3A : vector<2048x64xf32>
    %mul3A_107 = arith.mulf %div3A_91, %get3A_52 : vector<2048x64xf32>
    %add3A_108 = arith.addf %mul3A_106, %mul3A_107 : vector<2048x64xf32>
    %swap3A = arith.constant 0 : index
    %swap3A_109 = arith.constant 0 : index
    %swap3A_110 = vector.load %arg22[%swap3A, %swap3A_109] : memref<2048x64xf32, #tpu.memory_space<vmem>>, vector<2048x64xf32>
    tpu.vector_store %arg22[%swap3A, %swap3A_109], %add3A_108 {strides = array<i32>} : memref<2048x64xf32, #tpu.memory_space<vmem>>, vector<2048x64xf32>,
    %get3A_111 = arith.constant 0 : index
    %get3A_112 = arith.constant 0 : index
    %get3A_113 = vector.load %arg20[%get3A_111, %get3A_112] : memref<64x64xf32, #tpu.memory_space<vmem>>, vector<64x64xf32>
    %dot_general3A_114 = arith.constant dense<0.000000e+00> : vector<2048x64xf32>
    %dot_general3A_115 = tpu.matmul %add3A_108, %get3A_113, %dot_general3A_114 {dimension_numbers = #tpu.dot_dimension_numbers<[1], [0], [0], [1], [0, 0, 1, 1], [], []>, transpose_lhs_hint = false} : vector<2048x64xf32>, vector<64x64xf32>, vector<2048x64xf32> -> vector<2048x64xf32>
    %get3A_116 = arith.constant 0 : index
    %get3A_117 = arith.constant 0 : index
    %get3A_118 = vector.load %arg21[%get3A_116, %get3A_117] : memref<64x64xf32, #tpu.memory_space<vmem>>, vector<64x64xf32>
    %dot_general3A_119 = arith.constant dense<0.000000e+00> : vector<2048x64xf32>
    %dot_general3A_120 = tpu.matmul %add3A_108, %get3A_118, %dot_general3A_119 {dimension_numbers = #tpu.dot_dimension_numbers<[1], [0], [0], [1], [0, 0, 1, 1], [], []>, transpose_lhs_hint = false} : vector<2048x64xf32>, vector<64x64xf32>, vector<2048x64xf32> -> vector<2048x64xf32>
    %get3A_121 = arith.constant 0 : index
    %get3A_122 = arith.constant 0 : index
    %get3A_123 = vector.load %arg4[%get3A_121, %get3A_122] : memref<2048x1xi32, #tpu.memory_space<vmem>>, vector<2048x1xi32>
    %eq3A = arith.constant 1 : i32
    %eq3A_124 = vector.broadcast %eq3A : i32 to vector<2048x1xi32>
    %eq3A_125 = arith.cmpi eq, %get3A_123, %eq3A_124 : vector<2048x1xi32>
    %broadcast_in_dim3A = vector.shape_cast %eq3A_125 : vector<2048x1xi1> to vector<2048x1xi1>
    %broadcast_in_dim3A_126 = vector.broadcast %broadcast_in_dim3A : vector<2048x1xi1> to vector<2048x64xi1>
    %select_n3A = arith.select %broadcast_in_dim3A_126, %dot_general3A_120, %dot_general3A_115 : vector<2048x64xi1>, vector<2048x64xf32>
    %slice3A = vector.extract_strided_slice %select_n3A {offsets = [0, 0], sizes = [2048, 32], strides = [1, 1]} : vector<2048x64xf32> to vector<2048x32xf32>
    %swap3A_127 = arith.constant 0 : index
    %swap3A_128 = arith.constant 0 : index
    %swap3A_129 = vector.load %arg23[%swap3A_127, %swap3A_128] : memref<2048x32xf32, #tpu.memory_space<vmem>>, vector<2048x32xf32>
    tpu.vector_store %arg23[%swap3A_127, %swap3A_128], %slice3A {strides = array<i32>} : memref<2048x32xf32, #tpu.memory_space<vmem>>, vector<2048x32xf32>,
    %slice3A_130 = vector.extract_strided_slice %select_n3A {offsets = [0, 32], sizes = [2048, 32], strides = [1, 1]} : vector<2048x64xf32> to vector<2048x32xf32>
    %swap3A_131 = arith.constant 0 : index
    %swap3A_132 = arith.constant 0 : index
    %swap3A_133 = vector.load %arg24[%swap3A_131, %swap3A_132] : memref<2048x32xf32, #tpu.memory_space<vmem>>, vector<2048x32xf32>
    tpu.vector_store %arg24[%swap3A_131, %swap3A_132], %slice3A_130 {strides = array<i32>} : memref<2048x32xf32, #tpu.memory_space<vmem>>, vector<2048x32xf32>,
    return
  }
  func.func @transform_0(%arg0: i32) -> (i32, i32) {
    %c0_i32 = arith.constant 0 : i32
    %c0_i32_0 = arith.constant 0 : i32
    return %arg0, %c0_i32 : i32, i32
  }
  func.func @transform_1(%arg0: i32) -> (i32, i32) {
    %c0_i32 = arith.constant 0 : i32
    %c0_i32_0 = arith.constant 0 : i32
    return %arg0, %c0_i32 : i32, i32
  }
  func.func @transform_2(%arg0: i32) -> (i32, i32) {
    %c0_i32 = arith.constant 0 : i32
    %c0_i32_0 = arith.constant 0 : i32
    return %arg0, %c0_i32 : i32, i32
  }
  func.func @transform_3(%arg0: i32) -> (i32, i32) {
    %c0_i32 = arith.constant 0 : i32
    %c0_i32_0 = arith.constant 0 : i32
    return %arg0, %c0_i32 : i32, i32
  }
  func.func @transform_4(%arg0: i32) -> (i32, i32) {
    %c0_i32 = arith.constant 0 : i32
    %c0_i32_0 = arith.constant 0 : i32
    %c0_i32_1 = arith.constant 0 : i32
    return %c0_i32, %c0_i32_0 : i32, i32
  }
  func.func @transform_5(%arg0: i32) -> (i32, i32) {
    %c0_i32 = arith.constant 0 : i32
    %c0_i32_0 = arith.constant 0 : i32
    %c0_i32_1 = arith.constant 0 : i32
    return %c0_i32, %c0_i32_0 : i32, i32
  }
  func.func @transform_6(%arg0: i32) -> (i32, i32) {
    %c0_i32 = arith.constant 0 : i32
    %c0_i32_0 = arith.constant 0 : i32
    %c0_i32_1 = arith.constant 0 : i32
    return %c0_i32, %c0_i32_0 : i32, i32
  }
  func.func @transform_7(%arg0: i32) -> (i32, i32) {
    %c0_i32 = arith.constant 0 : i32
    %c0_i32_0 = arith.constant 0 : i32
    %c0_i32_1 = arith.constant 0 : i32
    return %c0_i32, %c0_i32_0 : i32, i32
  }
  func.func @transform_8(%arg0: i32) -> (i32, i32) {
    %c0_i32 = arith.constant 0 : i32
    %c0_i32_0 = arith.constant 0 : i32
    %c0_i32_1 = arith.constant 0 : i32
    return %c0_i32, %c0_i32_0 : i32, i32
  }
  func.func @transform_9(%arg0: i32) -> (i32, i32) {
    %c0_i32 = arith.constant 0 : i32
    %c0_i32_0 = arith.constant 0 : i32
    %c0_i32_1 = arith.constant 0 : i32
    return %c0_i32, %c0_i32_0 : i32, i32
  }
  func.func @transform_10(%arg0: i32) -> (i32, i32) {
    %c0_i32 = arith.constant 0 : i32
    %c0_i32_0 = arith.constant 0 : i32
    %c0_i32_1 = arith.constant 0 : i32
    return %c0_i32, %c0_i32_0 : i32, i32
  }
  func.func @transform_11(%arg0: i32) -> (i32, i32) {
    %c0_i32 = arith.constant 0 : i32
    %c0_i32_0 = arith.constant 0 : i32
    %c0_i32_1 = arith.constant 0 : i32
    return %c0_i32, %c0_i32_0 : i32, i32
  }
  func.func @transform_12(%arg0: i32) -> (i32, i32) {
    %c0_i32 = arith.constant 0 : i32
    %c0_i32_0 = arith.constant 0 : i32
    %c0_i32_1 = arith.constant 0 : i32
    return %c0_i32, %c0_i32_0 : i32, i32
  }
  func.func @transform_13(%arg0: i32) -> (i32, i32) {
    %c0_i32 = arith.constant 0 : i32
    %c0_i32_0 = arith.constant 0 : i32
    %c0_i32_1 = arith.constant 0 : i32
    return %c0_i32, %c0_i32_0 : i32, i32
  }
  func.func @transform_14(%arg0: i32) -> (i32, i32) {
    %c0_i32 = arith.constant 0 : i32
    %c0_i32_0 = arith.constant 0 : i32
    %c0_i32_1 = arith.constant 0 : i32
    return %c0_i32, %c0_i32_0 : i32, i32
  }
  func.func @transform_15(%arg0: i32) -> (i32, i32) {
    %c0_i32 = arith.constant 0 : i32
    %c0_i32_0 = arith.constant 0 : i32
    %c0_i32_1 = arith.constant 0 : i32
    return %c0_i32, %c0_i32_0 : i32, i32
  }
  func.func @transform_16(%arg0: i32) -> (i32, i32) {
    %c0_i32 = arith.constant 0 : i32
    %c0_i32_0 = arith.constant 0 : i32
    %c0_i32_1 = arith.constant 0 : i32
    return %c0_i32, %c0_i32_0 : i32, i32
  }
  func.func @transform_17(%arg0: i32) -> (i32, i32) {
    %c0_i32 = arith.constant 0 : i32
    %c0_i32_0 = arith.constant 0 : i32
    %c0_i32_1 = arith.constant 0 : i32
    return %c0_i32, %c0_i32_0 : i32, i32
  }
  func.func @transform_18(%arg0: i32) -> (i32, i32) {
    %c0_i32 = arith.constant 0 : i32
    %c0_i32_0 = arith.constant 0 : i32
    %c0_i32_1 = arith.constant 0 : i32
    return %c0_i32, %c0_i32_0 : i32, i32
  }
  func.func @transform_19(%arg0: i32) -> (i32, i32) {
    %c0_i32 = arith.constant 0 : i32
    %c0_i32_0 = arith.constant 0 : i32
    %c0_i32_1 = arith.constant 0 : i32
    return %c0_i32, %c0_i32_0 : i32, i32
  }
  func.func @transform_20(%arg0: i32) -> (i32, i32) {
    %c0_i32 = arith.constant 0 : i32
    %c0_i32_0 = arith.constant 0 : i32
    %c0_i32_1 = arith.constant 0 : i32
    return %c0_i32, %c0_i32_0 : i32, i32
  }
  func.func @transform_21(%arg0: i32) -> (i32, i32) {
    %c0_i32 = arith.constant 0 : i32
    %c0_i32_0 = arith.constant 0 : i32
    return %arg0, %c0_i32 : i32, i32
  }
  func.func @transform_22(%arg0: i32) -> (i32, i32) {
    %c0_i32 = arith.constant 0 : i32
    %c0_i32_0 = arith.constant 0 : i32
    return %arg0, %c0_i32 : i32, i32
  }
  func.func @transform_23(%arg0: i32) -> (i32, i32) {
    %c0_i32 = arith.constant 0 : i32
    %c0_i32_0 = arith.constant 0 : i32
    return %arg0, %c0_i32 : i32, i32
  }
}

module attributes {stable_mosaic.version = 14 : i64} {
  func.func @_gru_final_body(%arg0: i32, %arg1: memref<2048x32xf32, #tpu.memory_space<vmem>>, %arg2: memref<2048x32xf32, #tpu.memory_space<vmem>>, %arg3: memref<2048x64xf32, #tpu.memory_space<vmem>>, %arg4: memref<32x64xf32, #tpu.memory_space<vmem>>, %arg5: memref<32x64xf32, #tpu.memory_space<vmem>>, %arg6: memref<32x64xf32, #tpu.memory_space<vmem>>, %arg7: memref<32x64xf32, #tpu.memory_space<vmem>>, %arg8: memref<32x64xf32, #tpu.memory_space<vmem>>, %arg9: memref<32x64xf32, #tpu.memory_space<vmem>>, %arg10: memref<64x64xf32, #tpu.memory_space<vmem>>, %arg11: memref<64x64xf32, #tpu.memory_space<vmem>>, %arg12: memref<64x64xf32, #tpu.memory_space<vmem>>, %arg13: memref<1x64xf32, #tpu.memory_space<vmem>>, %arg14: memref<1x64xf32, #tpu.memory_space<vmem>>, %arg15: memref<1x64xf32, #tpu.memory_space<vmem>>, %arg16: memref<1x64xf32, #tpu.memory_space<vmem>>, %arg17: memref<1x64xf32, #tpu.memory_space<vmem>>, %arg18: memref<1x64xf32, #tpu.memory_space<vmem>>, %arg19: memref<2048x64xf32, #tpu.memory_space<vmem>>) attributes {dimension_semantics = [#tpu.dimension_semantics<arbitrary>], iteration_bounds = array<i64: 25>, scalar_prefetch = 0 : i64, scratch_operands = 0 : i64, tpu.core_type = #tpu.core_type<tc>, window_params = [{transform_indices = @transform_0, window_bounds = array<i64: 2048, 32>}, {transform_indices = @transform_1, window_bounds = array<i64: 2048, 32>}, {transform_indices = @transform_2, window_bounds = array<i64: 2048, 64>}, {pipeline_mode = #tpu.pipeline_mode<synchronous>, transform_indices = @transform_3, window_bounds = array<i64: 32, 64>}, {pipeline_mode = #tpu.pipeline_mode<synchronous>, transform_indices = @transform_4, window_bounds = array<i64: 32, 64>}, {pipeline_mode = #tpu.pipeline_mode<synchronous>, transform_indices = @transform_5, window_bounds = array<i64: 32, 64>}, {pipeline_mode = #tpu.pipeline_mode<synchronous>, transform_indices = @transform_6, window_bounds = array<i64: 32, 64>}, {pipeline_mode = #tpu.pipeline_mode<synchronous>, transform_indices = @transform_7, window_bounds = array<i64: 32, 64>}, {pipeline_mode = #tpu.pipeline_mode<synchronous>, transform_indices = @transform_8, window_bounds = array<i64: 32, 64>}, {pipeline_mode = #tpu.pipeline_mode<synchronous>, transform_indices = @transform_9, window_bounds = array<i64: 64, 64>}, {pipeline_mode = #tpu.pipeline_mode<synchronous>, transform_indices = @transform_10, window_bounds = array<i64: 64, 64>}, {pipeline_mode = #tpu.pipeline_mode<synchronous>, transform_indices = @transform_11, window_bounds = array<i64: 64, 64>}, {pipeline_mode = #tpu.pipeline_mode<synchronous>, transform_indices = @transform_12, window_bounds = array<i64: 1, 64>}, {pipeline_mode = #tpu.pipeline_mode<synchronous>, transform_indices = @transform_13, window_bounds = array<i64: 1, 64>}, {pipeline_mode = #tpu.pipeline_mode<synchronous>, transform_indices = @transform_14, window_bounds = array<i64: 1, 64>}, {pipeline_mode = #tpu.pipeline_mode<synchronous>, transform_indices = @transform_15, window_bounds = array<i64: 1, 64>}, {pipeline_mode = #tpu.pipeline_mode<synchronous>, transform_indices = @transform_16, window_bounds = array<i64: 1, 64>}, {pipeline_mode = #tpu.pipeline_mode<synchronous>, transform_indices = @transform_17, window_bounds = array<i64: 1, 64>}, {transform_indices = @transform_18, window_bounds = array<i64: 2048, 64>}]} {
    %get3A = arith.constant 0 : index
    %get3A_0 = arith.constant 0 : index
    %get3A_1 = vector.load %arg4[%get3A, %get3A_0] : memref<32x64xf32, #tpu.memory_space<vmem>>, vector<32x64xf32>
    %get3A_2 = arith.constant 0 : index
    %get3A_3 = arith.constant 0 : index
    %get3A_4 = vector.load %arg5[%get3A_2, %get3A_3] : memref<32x64xf32, #tpu.memory_space<vmem>>, vector<32x64xf32>
    %get3A_5 = arith.constant 0 : index
    %get3A_6 = arith.constant 0 : index
    %get3A_7 = vector.load %arg6[%get3A_5, %get3A_6] : memref<32x64xf32, #tpu.memory_space<vmem>>, vector<32x64xf32>
    %get3A_8 = arith.constant 0 : index
    %get3A_9 = arith.constant 0 : index
    %get3A_10 = vector.load %arg7[%get3A_8, %get3A_9] : memref<32x64xf32, #tpu.memory_space<vmem>>, vector<32x64xf32>
    %get3A_11 = arith.constant 0 : index
    %get3A_12 = arith.constant 0 : index
    %get3A_13 = vector.load %arg8[%get3A_11, %get3A_12] : memref<32x64xf32, #tpu.memory_space<vmem>>, vector<32x64xf32>
    %get3A_14 = arith.constant 0 : index
    %get3A_15 = arith.constant 0 : index
    %get3A_16 = vector.load %arg9[%get3A_14, %get3A_15] : memref<32x64xf32, #tpu.memory_space<vmem>>, vector<32x64xf32>
    %get3A_17 = arith.constant 0 : index
    %get3A_18 = arith.constant 0 : index
    %get3A_19 = vector.load %arg10[%get3A_17, %get3A_18] : memref<64x64xf32, #tpu.memory_space<vmem>>, vector<64x64xf32>
    %get3A_20 = arith.constant 0 : index
    %get3A_21 = arith.constant 0 : index
    %get3A_22 = vector.load %arg11[%get3A_20, %get3A_21] : memref<64x64xf32, #tpu.memory_space<vmem>>, vector<64x64xf32>
    %get3A_23 = arith.constant 0 : index
    %get3A_24 = arith.constant 0 : index
    %get3A_25 = vector.load %arg12[%get3A_23, %get3A_24] : memref<64x64xf32, #tpu.memory_space<vmem>>, vector<64x64xf32>
    %get3A_26 = arith.constant 0 : index
    %get3A_27 = arith.constant 0 : index
    %get3A_28 = vector.load %arg13[%get3A_26, %get3A_27] : memref<1x64xf32, #tpu.memory_space<vmem>>, vector<1x64xf32>
    %get3A_29 = arith.constant 0 : index
    %get3A_30 = arith.constant 0 : index
    %get3A_31 = vector.load %arg14[%get3A_29, %get3A_30] : memref<1x64xf32, #tpu.memory_space<vmem>>, vector<1x64xf32>
    %get3A_32 = arith.constant 0 : index
    %get3A_33 = arith.constant 0 : index
    %get3A_34 = vector.load %arg15[%get3A_32, %get3A_33] : memref<1x64xf32, #tpu.memory_space<vmem>>, vector<1x64xf32>
    %get3A_35 = arith.constant 0 : index
    %get3A_36 = arith.constant 0 : index
    %get3A_37 = vector.load %arg16[%get3A_35, %get3A_36] : memref<1x64xf32, #tpu.memory_space<vmem>>, vector<1x64xf32>
    %get3A_38 = arith.constant 0 : index
    %get3A_39 = arith.constant 0 : index
    %get3A_40 = vector.load %arg17[%get3A_38, %get3A_39] : memref<1x64xf32, #tpu.memory_space<vmem>>, vector<1x64xf32>
    %get3A_41 = arith.constant 0 : index
    %get3A_42 = arith.constant 0 : index
    %get3A_43 = vector.load %arg18[%get3A_41, %get3A_42] : memref<1x64xf32, #tpu.memory_space<vmem>>, vector<1x64xf32>
    %get3A_44 = arith.constant 0 : index
    %get3A_45 = arith.constant 0 : index
    %get3A_46 = vector.load %arg1[%get3A_44, %get3A_45] : memref<2048x32xf32, #tpu.memory_space<vmem>>, vector<2048x32xf32>
    %get3A_47 = arith.constant 0 : index
    %get3A_48 = arith.constant 0 : index
    %get3A_49 = vector.load %arg2[%get3A_47, %get3A_48] : memref<2048x32xf32, #tpu.memory_space<vmem>>, vector<2048x32xf32>
    %get3A_50 = arith.constant 0 : index
    %get3A_51 = arith.constant 0 : index
    %get3A_52 = vector.load %arg3[%get3A_50, %get3A_51] : memref<2048x64xf32, #tpu.memory_space<vmem>>, vector<2048x64xf32>
    %dot_general3A = arith.constant dense<0.000000e+00> : vector<2048x64xf32>
    %dot_general3A_53 = tpu.matmul %get3A_46, %get3A_1, %dot_general3A {dimension_numbers = #tpu.dot_dimension_numbers<[1], [0], [0], [1], [0, 0, 1, 1], [], []>, transpose_lhs_hint = false} : vector<2048x32xf32>, vector<32x64xf32>, vector<2048x64xf32> -> vector<2048x64xf32>
    %dot_general3A_54 = arith.constant dense<0.000000e+00> : vector<2048x64xf32>
    %dot_general3A_55 = tpu.matmul %get3A_49, %get3A_4, %dot_general3A_54 {dimension_numbers = #tpu.dot_dimension_numbers<[1], [0], [0], [1], [0, 0, 1, 1], [], []>, transpose_lhs_hint = false} : vector<2048x32xf32>, vector<32x64xf32>, vector<2048x64xf32> -> vector<2048x64xf32>
    %add3A = arith.addf %dot_general3A_53, %dot_general3A_55 : vector<2048x64xf32>
    %add3A_56 = vector.broadcast %get3A_28 : vector<1x64xf32> to vector<2048x64xf32>
    %add3A_57 = arith.addf %add3A, %add3A_56 : vector<2048x64xf32>
    %dot_general3A_58 = arith.constant dense<0.000000e+00> : vector<2048x64xf32>
    %dot_general3A_59 = tpu.matmul %get3A_52, %get3A_19, %dot_general3A_58 {dimension_numbers = #tpu.dot_dimension_numbers<[1], [0], [0], [1], [0, 0, 1, 1], [], []>, transpose_lhs_hint = false} : vector<2048x64xf32>, vector<64x64xf32>, vector<2048x64xf32> -> vector<2048x64xf32>
    %add3A_60 = arith.addf %add3A_57, %dot_general3A_59 : vector<2048x64xf32>
    %add3A_61 = vector.broadcast %get3A_37 : vector<1x64xf32> to vector<2048x64xf32>
    %add3A_62 = arith.addf %add3A_60, %add3A_61 : vector<2048x64xf32>
    %neg3A = arith.constant 0.000000e+00 : f32
    %neg3A_63 = vector.broadcast %neg3A : f32 to vector<2048x64xf32>
    %neg3A_64 = arith.subf %neg3A_63, %add3A_62 : vector<2048x64xf32>
    %exp3A = math.exp %neg3A_64 : vector<2048x64xf32>
    %add3A_65 = arith.constant 1.000000e+00 : f32
    %add3A_66 = vector.broadcast %add3A_65 : f32 to vector<2048x64xf32>
    %add3A_67 = arith.addf %add3A_66, %exp3A : vector<2048x64xf32>
    %div3A = arith.constant 1.000000e+00 : f32
    %div3A_68 = vector.broadcast %div3A : f32 to vector<2048x64xf32>
    %div3A_69 = arith.divf %div3A_68, %add3A_67 : vector<2048x64xf32>
    %dot_general3A_70 = arith.constant dense<0.000000e+00> : vector<2048x64xf32>
    %dot_general3A_71 = tpu.matmul %get3A_46, %get3A_7, %dot_general3A_70 {dimension_numbers = #tpu.dot_dimension_numbers<[1], [0], [0], [1], [0, 0, 1, 1], [], []>, transpose_lhs_hint = false} : vector<2048x32xf32>, vector<32x64xf32>, vector<2048x64xf32> -> vector<2048x64xf32>
    %dot_general3A_72 = arith.constant dense<0.000000e+00> : vector<2048x64xf32>
    %dot_general3A_73 = tpu.matmul %get3A_49, %get3A_10, %dot_general3A_72 {dimension_numbers = #tpu.dot_dimension_numbers<[1], [0], [0], [1], [0, 0, 1, 1], [], []>, transpose_lhs_hint = false} : vector<2048x32xf32>, vector<32x64xf32>, vector<2048x64xf32> -> vector<2048x64xf32>
    %add3A_74 = arith.addf %dot_general3A_71, %dot_general3A_73 : vector<2048x64xf32>
    %add3A_75 = vector.broadcast %get3A_31 : vector<1x64xf32> to vector<2048x64xf32>
    %add3A_76 = arith.addf %add3A_74, %add3A_75 : vector<2048x64xf32>
    %dot_general3A_77 = arith.constant dense<0.000000e+00> : vector<2048x64xf32>
    %dot_general3A_78 = tpu.matmul %get3A_52, %get3A_22, %dot_general3A_77 {dimension_numbers = #tpu.dot_dimension_numbers<[1], [0], [0], [1], [0, 0, 1, 1], [], []>, transpose_lhs_hint = false} : vector<2048x64xf32>, vector<64x64xf32>, vector<2048x64xf32> -> vector<2048x64xf32>
    %add3A_79 = arith.addf %add3A_76, %dot_general3A_78 : vector<2048x64xf32>
    %add3A_80 = vector.broadcast %get3A_40 : vector<1x64xf32> to vector<2048x64xf32>
    %add3A_81 = arith.addf %add3A_79, %add3A_80 : vector<2048x64xf32>
    %neg3A_82 = arith.constant 0.000000e+00 : f32
    %neg3A_83 = vector.broadcast %neg3A_82 : f32 to vector<2048x64xf32>
    %neg3A_84 = arith.subf %neg3A_83, %add3A_81 : vector<2048x64xf32>
    %exp3A_85 = math.exp %neg3A_84 : vector<2048x64xf32>
    %add3A_86 = arith.constant 1.000000e+00 : f32
    %add3A_87 = vector.broadcast %add3A_86 : f32 to vector<2048x64xf32>
    %add3A_88 = arith.addf %add3A_87, %exp3A_85 : vector<2048x64xf32>
    %div3A_89 = arith.constant 1.000000e+00 : f32
    %div3A_90 = vector.broadcast %div3A_89 : f32 to vector<2048x64xf32>
    %div3A_91 = arith.divf %div3A_90, %add3A_88 : vector<2048x64xf32>
    %dot_general3A_92 = arith.constant dense<0.000000e+00> : vector<2048x64xf32>
    %dot_general3A_93 = tpu.matmul %get3A_46, %get3A_13, %dot_general3A_92 {dimension_numbers = #tpu.dot_dimension_numbers<[1], [0], [0], [1], [0, 0, 1, 1], [], []>, transpose_lhs_hint = false} : vector<2048x32xf32>, vector<32x64xf32>, vector<2048x64xf32> -> vector<2048x64xf32>
    %dot_general3A_94 = arith.constant dense<0.000000e+00> : vector<2048x64xf32>
    %dot_general3A_95 = tpu.matmul %get3A_49, %get3A_16, %dot_general3A_94 {dimension_numbers = #tpu.dot_dimension_numbers<[1], [0], [0], [1], [0, 0, 1, 1], [], []>, transpose_lhs_hint = false} : vector<2048x32xf32>, vector<32x64xf32>, vector<2048x64xf32> -> vector<2048x64xf32>
    %add3A_96 = arith.addf %dot_general3A_93, %dot_general3A_95 : vector<2048x64xf32>
    %add3A_97 = vector.broadcast %get3A_34 : vector<1x64xf32> to vector<2048x64xf32>
    %add3A_98 = arith.addf %add3A_96, %add3A_97 : vector<2048x64xf32>
    %dot_general3A_99 = arith.constant dense<0.000000e+00> : vector<2048x64xf32>
    %dot_general3A_100 = tpu.matmul %get3A_52, %get3A_25, %dot_general3A_99 {dimension_numbers = #tpu.dot_dimension_numbers<[1], [0], [0], [1], [0, 0, 1, 1], [], []>, transpose_lhs_hint = false} : vector<2048x64xf32>, vector<64x64xf32>, vector<2048x64xf32> -> vector<2048x64xf32>
    %add3A_101 = vector.broadcast %get3A_43 : vector<1x64xf32> to vector<2048x64xf32>
    %add3A_102 = arith.addf %dot_general3A_100, %add3A_101 : vector<2048x64xf32>
    %mul3A = arith.mulf %div3A_69, %add3A_102 : vector<2048x64xf32>
    %add3A_103 = arith.addf %add3A_98, %mul3A : vector<2048x64xf32>
    %tanh3A = math.tanh %add3A_103 : vector<2048x64xf32>
    %sub3A = arith.constant 1.000000e+00 : f32
    %sub3A_104 = vector.broadcast %sub3A : f32 to vector<2048x64xf32>
    %sub3A_105 = arith.subf %sub3A_104, %div3A_91 : vector<2048x64xf32>
    %mul3A_106 = arith.mulf %sub3A_105, %tanh3A : vector<2048x64xf32>
    %mul3A_107 = arith.mulf %div3A_91, %get3A_52 : vector<2048x64xf32>
    %add3A_108 = arith.addf %mul3A_106, %mul3A_107 : vector<2048x64xf32>
    %swap3A = arith.constant 0 : index
    %swap3A_109 = arith.constant 0 : index
    %swap3A_110 = vector.load %arg19[%swap3A, %swap3A_109] : memref<2048x64xf32, #tpu.memory_space<vmem>>, vector<2048x64xf32>
    tpu.vector_store %arg19[%swap3A, %swap3A_109], %add3A_108 {strides = array<i32>} : memref<2048x64xf32, #tpu.memory_space<vmem>>, vector<2048x64xf32>,
    return
  }
  func.func @transform_0(%arg0: i32) -> (i32, i32) {
    %c0_i32 = arith.constant 0 : i32
    %c0_i32_0 = arith.constant 0 : i32
    return %arg0, %c0_i32 : i32, i32
  }
  func.func @transform_1(%arg0: i32) -> (i32, i32) {
    %c0_i32 = arith.constant 0 : i32
    %c0_i32_0 = arith.constant 0 : i32
    return %arg0, %c0_i32 : i32, i32
  }
  func.func @transform_2(%arg0: i32) -> (i32, i32) {
    %c0_i32 = arith.constant 0 : i32
    %c0_i32_0 = arith.constant 0 : i32
    return %arg0, %c0_i32 : i32, i32
  }
  func.func @transform_3(%arg0: i32) -> (i32, i32) {
    %c0_i32 = arith.constant 0 : i32
    %c0_i32_0 = arith.constant 0 : i32
    %c0_i32_1 = arith.constant 0 : i32
    return %c0_i32, %c0_i32_0 : i32, i32
  }
  func.func @transform_4(%arg0: i32) -> (i32, i32) {
    %c0_i32 = arith.constant 0 : i32
    %c0_i32_0 = arith.constant 0 : i32
    %c0_i32_1 = arith.constant 0 : i32
    return %c0_i32, %c0_i32_0 : i32, i32
  }
  func.func @transform_5(%arg0: i32) -> (i32, i32) {
    %c0_i32 = arith.constant 0 : i32
    %c0_i32_0 = arith.constant 0 : i32
    %c0_i32_1 = arith.constant 0 : i32
    return %c0_i32, %c0_i32_0 : i32, i32
  }
  func.func @transform_6(%arg0: i32) -> (i32, i32) {
    %c0_i32 = arith.constant 0 : i32
    %c0_i32_0 = arith.constant 0 : i32
    %c0_i32_1 = arith.constant 0 : i32
    return %c0_i32, %c0_i32_0 : i32, i32
  }
  func.func @transform_7(%arg0: i32) -> (i32, i32) {
    %c0_i32 = arith.constant 0 : i32
    %c0_i32_0 = arith.constant 0 : i32
    %c0_i32_1 = arith.constant 0 : i32
    return %c0_i32, %c0_i32_0 : i32, i32
  }
  func.func @transform_8(%arg0: i32) -> (i32, i32) {
    %c0_i32 = arith.constant 0 : i32
    %c0_i32_0 = arith.constant 0 : i32
    %c0_i32_1 = arith.constant 0 : i32
    return %c0_i32, %c0_i32_0 : i32, i32
  }
  func.func @transform_9(%arg0: i32) -> (i32, i32) {
    %c0_i32 = arith.constant 0 : i32
    %c0_i32_0 = arith.constant 0 : i32
    %c0_i32_1 = arith.constant 0 : i32
    return %c0_i32, %c0_i32_0 : i32, i32
  }
  func.func @transform_10(%arg0: i32) -> (i32, i32) {
    %c0_i32 = arith.constant 0 : i32
    %c0_i32_0 = arith.constant 0 : i32
    %c0_i32_1 = arith.constant 0 : i32
    return %c0_i32, %c0_i32_0 : i32, i32
  }
  func.func @transform_11(%arg0: i32) -> (i32, i32) {
    %c0_i32 = arith.constant 0 : i32
    %c0_i32_0 = arith.constant 0 : i32
    %c0_i32_1 = arith.constant 0 : i32
    return %c0_i32, %c0_i32_0 : i32, i32
  }
  func.func @transform_12(%arg0: i32) -> (i32, i32) {
    %c0_i32 = arith.constant 0 : i32
    %c0_i32_0 = arith.constant 0 : i32
    %c0_i32_1 = arith.constant 0 : i32
    return %c0_i32, %c0_i32_0 : i32, i32
  }
  func.func @transform_13(%arg0: i32) -> (i32, i32) {
    %c0_i32 = arith.constant 0 : i32
    %c0_i32_0 = arith.constant 0 : i32
    %c0_i32_1 = arith.constant 0 : i32
    return %c0_i32, %c0_i32_0 : i32, i32
  }
  func.func @transform_14(%arg0: i32) -> (i32, i32) {
    %c0_i32 = arith.constant 0 : i32
    %c0_i32_0 = arith.constant 0 : i32
    %c0_i32_1 = arith.constant 0 : i32
    return %c0_i32, %c0_i32_0 : i32, i32
  }
  func.func @transform_15(%arg0: i32) -> (i32, i32) {
    %c0_i32 = arith.constant 0 : i32
    %c0_i32_0 = arith.constant 0 : i32
    %c0_i32_1 = arith.constant 0 : i32
    return %c0_i32, %c0_i32_0 : i32, i32
  }
  func.func @transform_16(%arg0: i32) -> (i32, i32) {
    %c0_i32 = arith.constant 0 : i32
    %c0_i32_0 = arith.constant 0 : i32
    %c0_i32_1 = arith.constant 0 : i32
    return %c0_i32, %c0_i32_0 : i32, i32
  }
  func.func @transform_17(%arg0: i32) -> (i32, i32) {
    %c0_i32 = arith.constant 0 : i32
    %c0_i32_0 = arith.constant 0 : i32
    %c0_i32_1 = arith.constant 0 : i32
    return %c0_i32, %c0_i32_0 : i32, i32
  }
  func.func @transform_18(%arg0: i32) -> (i32, i32) {
    %c0_i32 = arith.constant 0 : i32
    %c0_i32_0 = arith.constant 0 : i32
    return %arg0, %c0_i32 : i32, i32
  }
}

module attributes {stable_mosaic.version = 14 : i64} {
  func.func @_mlp_body(%arg0: memref<128x64xf32, #tpu.memory_space<vmem>>, %arg1: memref<64x32xf32, #tpu.memory_space<vmem>>, %arg2: memref<1x32xf32, #tpu.memory_space<vmem>>, %arg3: memref<32x16xf32, #tpu.memory_space<vmem>>, %arg4: memref<1x16xf32, #tpu.memory_space<vmem>>, %arg5: memref<16x1xf32, #tpu.memory_space<vmem>>, %arg6: memref<1x1xf32, #tpu.memory_space<vmem>>, %arg7: memref<50x1xf32, #tpu.memory_space<vmem>>) attributes {dimension_semantics = [], scalar_prefetch = 0 : i64, scratch_operands = 0 : i64, tpu.core_type = #tpu.core_type<tc>} {
    %get3A = arith.constant 0 : index
    %get3A_0 = arith.constant 0 : index
    %get3A_1 = vector.load %arg0[%get3A, %get3A_0] : memref<128x64xf32, #tpu.memory_space<vmem>>, vector<128x64xf32>
    %slice3A = vector.extract_strided_slice %get3A_1 {offsets = [0, 0], sizes = [64, 64], strides = [1, 1]} : vector<128x64xf32> to vector<64x64xf32>
    %slice3A_2 = vector.extract_strided_slice %get3A_1 {offsets = [64, 0], sizes = [64, 64], strides = [1, 1]} : vector<128x64xf32> to vector<64x64xf32>
    %add3A = arith.addf %slice3A, %slice3A_2 : vector<64x64xf32>
    %get3A_3 = arith.constant 0 : index
    %get3A_4 = arith.constant 0 : index
    %get3A_5 = vector.load %arg1[%get3A_3, %get3A_4] : memref<64x32xf32, #tpu.memory_space<vmem>>, vector<64x32xf32>
    %dot_general3A = arith.constant dense<0.000000e+00> : vector<64x32xf32>
    %dot_general3A_6 = tpu.matmul %add3A, %get3A_5, %dot_general3A {dimension_numbers = #tpu.dot_dimension_numbers<[1], [0], [0], [1], [0, 0, 1, 1], [], []>, transpose_lhs_hint = false} : vector<64x64xf32>, vector<64x32xf32>, vector<64x32xf32> -> vector<64x32xf32>
    %get3A_7 = arith.constant 0 : index
    %get3A_8 = arith.constant 0 : index
    %get3A_9 = vector.load %arg2[%get3A_7, %get3A_8] : memref<1x32xf32, #tpu.memory_space<vmem>>, vector<1x32xf32>
    %add3A_10 = vector.broadcast %get3A_9 : vector<1x32xf32> to vector<64x32xf32>
    %add3A_11 = arith.addf %dot_general3A_6, %add3A_10 : vector<64x32xf32>
    %gt3A = arith.constant 0.000000e+00 : f32
    %gt3A_12 = vector.broadcast %gt3A : f32 to vector<64x32xf32>
    %gt3A_13 = arith.cmpf ogt, %add3A_11, %gt3A_12 : vector<64x32xf32>
    %min3A = arith.constant 0.000000e+00 : f32
    %min3A_14 = vector.broadcast %min3A : f32 to vector<64x32xf32>
    %min3A_15 = arith.minimumf %add3A_11, %min3A_14 : vector<64x32xf32>
    %exp3A = math.exp %min3A_15 : vector<64x32xf32>
    %sub3A = arith.constant 1.000000e+00 : f32
    %sub3A_16 = vector.broadcast %sub3A : f32 to vector<64x32xf32>
    %sub3A_17 = arith.subf %exp3A, %sub3A_16 : vector<64x32xf32>
    %select_n3A = arith.select %gt3A_13, %add3A_11, %sub3A_17 : vector<64x32xi1>, vector<64x32xf32>
    %get3A_18 = arith.constant 0 : index
    %get3A_19 = arith.constant 0 : index
    %get3A_20 = vector.load %arg3[%get3A_18, %get3A_19] : memref<32x16xf32, #tpu.memory_space<vmem>>, vector<32x16xf32>
    %dot_general3A_21 = arith.constant dense<0.000000e+00> : vector<64x16xf32>
    %dot_general3A_22 = tpu.matmul %select_n3A, %get3A_20, %dot_general3A_21 {dimension_numbers = #tpu.dot_dimension_numbers<[1], [0], [0], [1], [0, 0, 1, 1], [], []>, transpose_lhs_hint = false} : vector<64x32xf32>, vector<32x16xf32>, vector<64x16xf32> -> vector<64x16xf32>
    %get3A_23 = arith.constant 0 : index
    %get3A_24 = arith.constant 0 : index
    %get3A_25 = vector.load %arg4[%get3A_23, %get3A_24] : memref<1x16xf32, #tpu.memory_space<vmem>>, vector<1x16xf32>
    %add3A_26 = vector.broadcast %get3A_25 : vector<1x16xf32> to vector<64x16xf32>
    %add3A_27 = arith.addf %dot_general3A_22, %add3A_26 : vector<64x16xf32>
    %gt3A_28 = arith.constant 0.000000e+00 : f32
    %gt3A_29 = vector.broadcast %gt3A_28 : f32 to vector<64x16xf32>
    %gt3A_30 = arith.cmpf ogt, %add3A_27, %gt3A_29 : vector<64x16xf32>
    %min3A_31 = arith.constant 0.000000e+00 : f32
    %min3A_32 = vector.broadcast %min3A_31 : f32 to vector<64x16xf32>
    %min3A_33 = arith.minimumf %add3A_27, %min3A_32 : vector<64x16xf32>
    %exp3A_34 = math.exp %min3A_33 : vector<64x16xf32>
    %sub3A_35 = arith.constant 1.000000e+00 : f32
    %sub3A_36 = vector.broadcast %sub3A_35 : f32 to vector<64x16xf32>
    %sub3A_37 = arith.subf %exp3A_34, %sub3A_36 : vector<64x16xf32>
    %select_n3A_38 = arith.select %gt3A_30, %add3A_27, %sub3A_37 : vector<64x16xi1>, vector<64x16xf32>
    %get3A_39 = arith.constant 0 : index
    %get3A_40 = arith.constant 0 : index
    %get3A_41 = vector.load %arg5[%get3A_39, %get3A_40] : memref<16x1xf32, #tpu.memory_space<vmem>>, vector<16x1xf32>
    %dot_general3A_42 = arith.constant dense<0.000000e+00> : vector<64x1xf32>
    %dot_general3A_43 = tpu.matmul %select_n3A_38, %get3A_41, %dot_general3A_42 {dimension_numbers = #tpu.dot_dimension_numbers<[1], [0], [0], [1], [0, 0, 1, 1], [], []>, transpose_lhs_hint = false} : vector<64x16xf32>, vector<16x1xf32>, vector<64x1xf32> -> vector<64x1xf32>
    %get3A_44 = arith.constant 0 : index
    %get3A_45 = arith.constant 0 : index
    %get3A_46 = vector.load %arg6[%get3A_44, %get3A_45] : memref<1x1xf32, #tpu.memory_space<vmem>>, vector<1x1xf32>
    %add3A_47 = vector.broadcast %get3A_46 : vector<1x1xf32> to vector<64x1xf32>
    %add3A_48 = arith.addf %dot_general3A_43, %add3A_47 : vector<64x1xf32>
    %slice3A_49 = vector.extract_strided_slice %add3A_48 {offsets = [0, 0], sizes = [50, 1], strides = [1, 1]} : vector<64x1xf32> to vector<50x1xf32>
    %swap3A = arith.constant 0 : index
    %swap3A_50 = arith.constant 0 : index
    %swap3A_51 = vector.load %arg7[%swap3A, %swap3A_50] : memref<50x1xf32, #tpu.memory_space<vmem>>, vector<50x1xf32>
    tpu.vector_store %arg7[%swap3A, %swap3A_50], %slice3A_49 {strides = array<i32>} : memref<50x1xf32, #tpu.memory_space<vmem>>, vector<50x1xf32>,
    return
  }
}

</mosaic_0001>

<sc_bundles>
// kernel: kernel.14.cloned.1.call-start
scs
__scs_entry_jumppad:
0x0: {  	(pc) =	sbr.rel $0x88, $3  }
0x1: {  	(tag) =	ssettag $0x0;
	lr =	simm.s32 $0x1  }
0x2: {  	[smem:$0x3F91] =	sst lr;
	_ =	strace $0xD0000000  }
0x3: {  	_ = 	snop  }
0x4: {  	_ = 	snop  }
0x5: {  	_ = 	snop  }
0x6: {  	_ = 	snop  }
0x7: {  	_ = 	snop  }
__scs_overlays_trampoline_lowered:
0x8: {  	[smem:$0x3FA0] =	sst s0  }
0x9: {  	[smem:$0x3FA1] =	sst s1  }
0xa: {  	[smem:$0x3FA2] =	sst s2  }
0xb: {  	[smem:$0x3FA3] =	sst s3  }
0xc: {  	[smem:$0x3FA4] =	sst s4  }
0xd: {  	[smem:$0x3FA5] =	sst s5  }
0xe: {  	[smem:$0x3FA6] =	sst s6  }
0xf: {  	[smem:$0x3FA7] =	sst s7  }
0x10: {  	[smem:$0x3FA8] =	sst s8  }
0x11: {  	[smem:$0x3FA9] =	sst s9;
	s0 =	simm.s32 @!p0 $0x0  }
0x12: {  	s1 =	sld [smem:$0x3F8F];
	s0 =	simm.s32 @p0 $0x1  }
0x13: {  	[smem:$0x3FAA] =	sst s0;
	s0 =	simm.s32 @!p1 $0x0  }
0x14: {  	s2 =	sld [smem:$0x3F8E];
	s0 =	simm.s32 @p1 $0x1  }
0x15: {  	[smem:$0x3FAB] =	sst s0;
	s0 =	simm.s32 @!p2 $0x0  }
0x16: {  	s3 =	sld [smem:$0x3FDB];
	s0 =	simm.s32 @p2 $0x1  }
0x17: {  	s4 =	simm.s32 $0x1BF5;
	[smem:$0x3FAD] =	sst s0  }
0x18: {  	s0 =	sld [smem:$0x3F90];
	_ =	swait.ge [sflag:s4], $0x0  }
0x19: {  	s7 =	sld [smem:$0x3F91]  }
0x1a: {  	s8 =	sadd.s32 $0xFFFFE003, lr  }
0x1b: {  	s9 =	sadd.s32 $0xFFFFFEF7, lr;
	s5 =	simm.s32 $0xFFFFFFFF;
	p2 =	slt.u32 s8, $0xFFFFF086  }
0x1c: {  	p1 =	slt.u32 s9, $0xF7A;
	s5 =	simm.s32 @!p2 $0x0  }
0x1d: {  	s5 =	simm.s32 @p1 $0x1;
	p0 =	seq.s32 s7, s2  }
0x1e: {  	s7 =	smul.u32 @!p0 $0xF7A, s2;
	p2 =	seq.s32 @!p0 s5, $0x0  }
0x1f: {  	s9 =	smul.u32 $0xF7A, s1;
	s8 =	simm.s32 @!p0 $0x1BF5;
	p2 =	por !p2, p0  }
0x20: {  	[sflag:s8] =	ssyncset.s32 @!p0 $0xFFFFF086;
	s6 =	sadd.s32 @!p0 s3, s7;
	s7 =	simm.s32 @!p0 $0x108  }
0x21: {  	s3 =	sadd.s32 s3, s9;
	s6 =	sadd.s32 @!p0 $0x88, s6;
	s7 =	simm.s32 @p2 $0x1082  }
0x22: {  	[simem:s7], [sflag:s8] =	dma.local @!p0 [hbm:s6], $0xF7A  }
0x23: {  	s9 =	sor.u32 $0xD0000000, s2;
	s6 =	simm.s32 $0x108;
	_ =	swait.ge @!p0 [sflag:s8], $0x0  }
0x24: {  	s3 =	sadd.s32 $0x88, s3;
	s6 =	simm.s32 @!p1 $0x1082;
	[sflag:s4] =	ssyncset.s32 $0xFFFFF086  }
0x25: {  	[simem:s6], [sflag:s4] =	dma.local [hbm:s3], $0xF7A  }
0x26: {  	[smem:$0x3F91] =	sst s1;
	(tag) =	ssettag s2;
	_ =	strace s9  }
0x27: {  	s1 =	sld [smem:$0x3FA1]  }
0x28: {  	s2 =	sld [smem:$0x3FA2]  }
0x29: {  	s4 =	sld [smem:$0x3FA4]  }
0x2a: {  	p0 =	seq.s32 s5, $0x0;
	s5 =	sld [smem:$0x3FA5]  }
0x2b: {  	s6 =	sld [smem:$0x3FA6]  }
0x2c: {  	s7 =	sld [smem:$0x3FA7]  }
0x2d: {  	s3 =	simm.s32 $0x108;
	s8 =	sld [smem:$0x3FA8]  }
0x2e: {  	s3 =	simm.s32 @!p0 $0x1082;
	s9 =	sld [smem:$0x3FA9]  }
0x2f: {  	lr =	sadd.s32 s0, s3;
	s0 =	sld [smem:$0x3FA0]  }
0x30: {  	s3 =	sld [smem:$0x3FA3]  }
0x31: {  	[smem:$0x3FAC] =	sst s10  }
0x32: {  	s10 =	sld [smem:$0x3FAA];
	_ =	sdelay $0x3  }
0x33: {  	p0 =	seq.s32 s10, $0x1;
	s10 =	sld [smem:$0x3FAC];
	_ =	sdelay $0x3  }
0x34: {  	[smem:$0x3FAC] =	sst s10  }
0x35: {  	s10 =	sld [smem:$0x3FAB];
	_ =	sdelay $0x3  }
0x36: {  	p1 =	seq.s32 s10, $0x1;
	s10 =	sld [smem:$0x3FAC];
	_ =	sdelay $0x3  }
0x37: {  	[smem:$0x3FAC] =	sst s10  }
0x38: {  	s10 =	sld [smem:$0x3FAD]  }
0x39: {  	_ = 	snop;
	(pc) =	sbr.ind lr, $3  }
0x3a: {  	_ = 	snop  }
0x3b: {  	_ = 	snop  }
0x3c: {  	p2 =	seq.s32 s10, $0x1;
	s10 =	sld [smem:$0x3FAC]  }
0x3d: {  	_ =	shalt  }
0x3e: {  	_ =	shalt  }
0x3f: {  	_ =	shalt  }
0x40: {  	_ =	shalt  }
0x41: {  	_ =	shalt  }
0x42: {  	_ =	shalt  }
0x43: {  	_ =	shalt  }
0x44: {  	_ =	shalt  }
0x45: {  	_ =	shalt  }
0x46: {  	_ =	shalt  }
0x47: {  	_ =	shalt  }
0x48: {  	_ =	shalt  }
0x49: {  	_ =	shalt  }
0x4a: {  	_ =	shalt  }
0x4b: {  	_ =	shalt  }
0x4c: {  	_ =	shalt  }
0x4d: {  	_ =	shalt  }
0x4e: {  	_ =	shalt  }
0x4f: {  	_ =	shalt  }
0x50: {  	_ =	shalt  }
0x51: {  	_ =	shalt  }
0x52: {  	_ =	shalt  }
0x53: {  	_ =	shalt  }
0x54: {  	_ =	shalt  }
0x55: {  	_ =	shalt  }
0x56: {  	_ =	shalt  }
0x57: {  	_ =	shalt  }
0x58: {  	_ =	shalt  }
0x59: {  	_ =	shalt  }
0x5a: {  	_ =	shalt  }
0x5b: {  	_ =	shalt  }
0x5c: {  	_ =	shalt  }
0x5d: {  	_ =	shalt  }
0x5e: {  	_ =	shalt  }
0x5f: {  	_ =	shalt  }
0x60: {  	_ =	shalt  }
0x61: {  	_ =	shalt  }
0x62: {  	_ =	shalt  }
0x63: {  	_ =	shalt  }
0x64: {  	_ =	shalt  }
0x65: {  	_ =	shalt  }
0x66: {  	_ =	shalt  }
0x67: {  	_ =	shalt  }
0x68: {  	_ =	shalt  }
0x69: {  	_ =	shalt  }
0x6a: {  	_ =	shalt  }
0x6b: {  	_ =	shalt  }
0x6c: {  	_ =	shalt  }
0x6d: {  	_ =	shalt  }
0x6e: {  	_ =	shalt  }
0x6f: {  	_ =	shalt  }
0x70: {  	_ =	shalt  }
0x71: {  	_ =	shalt  }
0x72: {  	_ =	shalt  }
0x73: {  	_ =	shalt  }
0x74: {  	_ =	shalt  }
0x75: {  	_ =	shalt  }
0x76: {  	_ =	shalt  }
0x77: {  	_ =	shalt  }
0x78: {  	_ =	shalt  }
0x79: {  	_ =	shalt  }
0x7a: {  	_ =	shalt  }
0x7b: {  	_ =	shalt  }
0x7c: {  	_ =	shalt  }
0x7d: {  	_ =	shalt  }
0x7e: {  	_ =	shalt  }
0x7f: {  	_ =	shalt  }
0x80: {  	_ =	shalt  }
0x81: {  	_ =	shalt  }
0x82: {  	_ =	shalt  }
0x83: {  	_ =	shalt  }
0x84: {  	_ =	shalt  }
0x85: {  	_ =	shalt  }
0x86: {  	_ =	shalt  }
0x87: {  	_ =	shalt  }
.Lfunc_end0:
.L_simem_size_0:
called_computation_lowered:
.L_overlay_start_0:
0x88: {  	s2 =	sld [smem:$0x3FD9]  }
0x89: {  	s3 =	sld [smem:$0x3FFE];
	_ =	sdelay $0x1  }
0x8a: {  	s1 =	srdreg.scid  }
0x8b: {  	s0 =	sand.u32 $0x1, s1  }
0x8c: {  	s16 =	sshll.u32 s0, $0xA;
	s2 =	sadd.s32 s3, s2  }
0x8d: {  	s2 =	sadd.s32 s2, s16  }
0x8e: {  	[smem:$0x3FB8] =	sst s2  }
0x8f: {  	_ = 	snop  }
0x90: {  	(tm) =	ssettm $0x1  }
0x91: {  	s17 =	sld [smem:$0x3FFB];
	_ =	sdelay $0x3  }
0x92: {  	_ =	strace s17  }
0x93: {  	s2 =	sld [smem:$0x3FFC];
	_ =	sdelay $0x3  }
0x94: {  	_ =	strace s2  }
0x95: {  	s2 =	sld [smem:$0x3FFD];
	_ =	sdelay $0x3  }
0x96: {  	_ =	strace s2  }
0x97: {  	_ =	strace $0x8FFFFFFF  }
0x98: {  	s18 =	sld [smem:$0x3FDB];
	_ =	sdelay $0x1  }
0x99: {  	s19 =	simm.s32 $_scs_section_size  }
0x9a: {  	s4 =	simm.s32 $_size__tile_overlayer_lowered;
	s5 =	simm.s32 $_tile_overlayer_lowered  }
0x9b: {  	s22 =	simm.s32 $0x1BFF;
	s21 =	sshll.u32 s5, $0x1;
	s2 =	sadd.s32 s19, s18  }
0x9c: {  	s6 =	simm.s32 $0x0;
	s20 =	sshll.u32 s4, $0x1;
	s4 =	sadd.s32 s21, s2  }
0x9d: {  	[timem:s6], [sflag:s22] =	dma.local [hbm:s4], s20  }
0x9e: {  	_ =	swait.ge [sflag:s22], s20  }
0x9f: {  	s3 =	ssub.s32 $0x0, s20;
	[sflag:s22] =	ssyncset.done $0x0  }
0xa0: {  	[sflag:s22] =	ssyncadd.s32 s3;
	_ =	sdelay $0x1  }
0xa1: {  	s23 =	simm.s32 $0x1B8B  }
0xa2: {  	_ =	swait.ge [sflag:s23], $0x1  }
0xa3: {  	[sflag:s23] =	ssyncset.done $0x0  }
0xa4: {  	s25 =	simm.s32 $0x1B8E;
	s24 =	sld [smem:$0x3FFE];
	[sflag:s23] =	ssyncadd.s32 $0xFFFFFFFF  }
0xa5: {  	s26 =	simm.s32 $execute0_lowered;
	[smem:$0x3FD2] =	sst s25  }
0xa6: {  	s4 =	sshll.u32 s26, $0x1;
	_ =	strace $0x80000046;
	[dreg:$0x1] =	wrdreg $0xFFFFFFFF  }
0xa7: {  	s28 =	simm.s32 $_size_execute0_lowered;
	s2 =	sadd.s32 s2, s4;
	[dreg:$0x0] =	wrdreg $0x0  }
0xa8: {  	s4 =	sshll.u32 s28, $0x1;
	[dreg:$0x2] =	wrdreg s2  }
0xa9: {  	[dreg:$0x3] =	wrdreg s4  }
0xaa: {  	[dreg:$0x4] =	wrdreg $0xC0  }
0xab: {  	_ =	task [dreg:s6], $0x5FFFF  }
0xac: {  	[dreg:$0x1] =	wrdreg $0xFFFFFFFF  }
0xad: {  	[dreg:$0x0] =	wrdreg $0x60  }
0xae: {  	[dreg:$0x2] =	wrdreg s24  }
0xaf: {  	[dreg:$0x3] =	wrdreg $0x1E000  }
0xb0: {  	[dreg:$0x4] =	wrdreg $0x9  }
0xb1: {  	_ =	task.clear_ibuf [dreg:s6], $0x5FFFF;
	_ =	strace $0x90000046  }
0xb2: {  	s29 =	simm.s32 $0x9;
	_ =	strace $0x80000048  }
0xb3: {  	_ =	swait.ge [sflag:s29], $0x1  }
0xb4: {  	[sflag:s29] =	ssyncadd.s32 $0xFFFFFFFF  }
0xb5: {  	_ =	strace $0x90000048  }
0xb6: {  	_ =	sfence  }
0xb7: {  	s30 =	sld [smem:$0x0];
	_ =	sdelay $0x2  }
0xb8: {  	s31 =	sshll.u32 s1, $0xD;
	s1 =	sshrl.u32 s1, $0x2  }
0xb9: {  	s3 =	sand.u32 $0x4000, s31;
	s1 =	sadd.s32 s1, s30  }
0xba: {  	s0 =	sor.u32 s3, s0;
	s1 =	sshll.u32 s1, $0x11  }
0xbb: {  	s0 =	sor.u32 s1, s0  }
0xbc: {  	s0 =	sadd.s32 $0x8F2B, s0  }
0xbd: {  	[sflag:s0] =	ssyncadd.remote.s32 $0x1  }
0xbe: {  	_ =	sfence.sel $0xFFFF  }
0xbf: {  	[dreg:$0x0] =	wrdreg $0xFFFFFFFF;
	(pc) =	sbr.abs _section_cstart, $3  }
0xc0: {  	[dreg:$0x1] =	wrdreg $0xFFFFFFFF  }
0xc1: {  	_ =	task.clear_ibuf [dreg:s6], $0x2FFFF;
	_ =	strace $0x9FFFFFFF  }
0xc2: {  	(tm) =	ssettm $0x7FFFFFFF  }
0xc3: {  	_ =	shalt  }
tec
execute0_lowered:
.L_overlay_start_1:
0x0: {  	(tag) =	ssettag $0x1  }
0x1: {  	s0 =	rddreg [dreg:$0x0]  }
0x2: {  	s1 =	rddreg [dreg:$0x1];
	s2 =	simm.s32 $0x0  }
0x3: {  	s4 =	srdreg.scid;
	s19 =	stileid.u32;
	s18 =	simm.s32 $0x49200  }
0x4: {  	s28 =	simm.s32 $0x2;
	s29 =	simm.s32 $0x3;
	s30 =	simm.s32 $0x4  }
0x5: {  	s31 =	simm.s32 $0x0;
	[smem:$0x7FF] =	sst s2;
	s3 =	sadd.s32 $0xA400, s0  }
0x6: {  	s5 =	sadd.s32 $0x2F800, s0;
	s9 =	sand.u32 $0x1, s4;
	s17 =	sadd.s32 $0x16C00, s0  }
0x7: {  	s10 =	smul.u32 $0x6400, s19;
	s22 =	sshll.u32 s19, $0x6;
	s20 =	sadd.s32 $0x64000, s1  }
0x8: {  	s16 =	smul.u32 $0x6300, s19;
	_ =	strace $0x80000047;
	s4 =	sshll.u32 s9, $0x4  }
0x9: {  	s6 =	ssub.s32 $0x2, s9;
	p0 =	seq.s32 s9, $0x1;
	s15 =	smul.u32 $0x63000, s9  }
0xa: {  	s7 =	sor.u32 s19, s4;
	s4 =	sadd.s32 $0x48400, s0;
	s8 =	sshrl.u32 s6, $0x1  }
0xb: {  	s21 =	sadd.s32 s10, s1;
	s14 =	sshrl.u32 s10, $0x3;
	s18 =	simm.s32 @!p0 $0x55A00  }
0xc: {  	p0 =	sne.s32 s19, $0x0;
	s19 =	simm.s32 $0x5;
	s7 =	smul.u32 $0x6300, s7  }
0xd: {  	s11 =	ssub.s32 s6, s8;
	[dreg:$0x3] =	wrdreg s21;
	s6 =	sor.u32 $0x1C05, s22  }
0xe: {  	s15 =	sadd.s32 s16, s15;
	s0 =	sadd.s32 s18, s0;
	s20 =	sshrl.u32 @!p0 s20, $0x3  }
0xf: {  	s21 =	simm.s32 $0x300;
	s22 =	simm.s32 $0x180;
	s9 =	smax.u32 s11, $0x1  }
0x10: {  	s16 =	sadd.s32 $0x600, s15;
	s14 =	sadd.s32 s0, s14;
	s25 =	sadd.s32 $0x480, s15  }
0x11: {  	s12 =	sshrl.u32 s7, $0x3;
	s24 =	sshrl.u32 s16, $0x3;
	s26 =	sshrl.u32 s25, $0x3  }
0x12: {  	s25 =	simm.s32 $0x480;
	s7 =	sadd.s32 s5, s12;
	s8 =	sadd.s32 s17, s12  }
.Ltmp0:
0x13: {  	s13 =	sadd.s32 $0x30, s12;
	s23 =	sadd.s32 $0x60, s12;
	(pc) =	sbr.rel .LBB2_1-.Ltmp0, $4  }
0x14: {  	s15 =	sadd.s32 s24, s17;
	s16 =	sadd.s32 s24, s5;
	s18 =	sadd.s32 s26, s5  }
0x15: {  	s24 =	simm.s32 $0x1;
	[dreg:$0x4] =	wrdreg s7;
	s10 =	sadd.s32 s5, s13  }
0x16: {  	s11 =	sadd.s32 s17, s13;
	s12 =	sadd.s32 s5, s23;
	s13 =	sadd.s32 s17, s23  }
0x17: {  	s17 =	sadd.s32 s26, s17;
	s23 =	simm.s32 $0x600;
	s26 =	simm.s32 $0x1200  }
.LBB2_4:
0x18: {  	_ =	swait.ge [sflag:s30], $0xC00  }
0x19: {  	s31 =	sadd.s32 $0x1, s31;
	[sflag:s30] =	ssyncset.done $0x0  }
0x1a: {  	p1 =	sne.s32 s31, s9;
	[sflag:s30] =	ssyncadd.s32 $0xFFFFF400  }
.Ltmp1:
0x1b: {  	[bflag:$0x0] =	sbarrier.arrive $0xFFFF;
	(pc) =	sbr.rel @!p1 .LBB2_5-.Ltmp1, $4  }
0x1c: {  	[hbm:s14], [sflag:s6] =	dma.local [spmem:s0], $0xC80  }
0x1d: {  	_ =	swait.ge [sflag:s19], $0xC80  }
0x1e: {  	[sflag:s19] =	ssyncset.done $0x0  }
0x1f: {  	[sflag:s19] =	ssyncadd.s32 $0xFFFFF380  }
.LBB2_1:
0x20: {  	s0 =	rddreg [dreg:$0x3]  }
0x21: {  	s0 =	sshrl.u32 s0, $0x3  }
0x22: {  	[spmem:s0], [sflag:s6] =	dma.local [hbm:s4], $0xC80  }
0x23: {  	_ =	swait.ge [sflag:s19], $0xC80  }
0x24: {  	[sflag:s19] =	ssyncset.done $0x0  }
0x25: {  	s5 =	simm.s32 @!p0 $0x5;
	[sflag:s19] =	ssyncadd.s32 $0xFFFFF380  }
0x26: {  	[spmem:s20], [sflag:s6] =	dma.local @!p0 [hbm:s4], $0x10  }
0x27: {  	_ =	swait.ge @!p0 [sflag:s5], $0x10  }
0x28: {  	[sflag:s5] =	ssyncset.done @!p0 $0x0  }
0x29: {  	[sflag:s5] =	ssyncadd.s32 @!p0 $0xFFFFFFF0  }
0x2a: {  	[bflag:$0x0] =	sbarrier.arrive $0xFFFF  }
0x2b: {  	s7 =	rddreg [dreg:$0x4]  }
0x2c: {  	[tilespmem:s2], [sflag:$0x5] =	stream.linear.gather [hbm4b:s7+s2], $0x180, $0x38;
	[tilespmem:$0x8208] =	vst v63  }
0x2d: {  	_ =	swait.ge [sflag:s19], $0x180  }
0x2e: {  	[sflag:s19] =	ssyncset.done $0x0  }
0x2f: {  	[sflag:s19] =	ssyncadd.s32 $0xFFFFFE80  }
0x30: {  	[tilespmem:s21], [sflag:$0x5] =	stream.linear.gather [hbm4b:s8+s2], $0x180, $0x38;
	[tilespmem:$0x8208] =	vst v63  }
0x31: {  	_ =	swait.ge [sflag:s19], $0x180  }
0x32: {  	[sflag:s19] =	ssyncset.done $0x0  }
0x33: {  	[sflag:s19] =	ssyncadd.s32 $0xFFFFFE80  }
0x34: {  	[tilespmem:s23], [sflag:$0x1] =	stream.indirect.gather [hbm4b:s3+s22], $0x8, s2, s22, $0xb8;
	[tilespmem:$0x8208] =	vst v63  }
0x35: {  	_ =	swait.ge [sflag:s24], $0xC00  }
0x36: {  	[sflag:s24] =	ssyncset.done $0x0  }
0x37: {  	[sflag:s24] =	ssyncadd.s32 $0xFFFFF400  }
0x38: {  	[spmem:s1] =	stream.indirect.scatter.add.f32 [tilespmem:s23], [sflag:$0x3], $0x8, s21, s22, $0xb8;
	[tilespmem:$0x8208] =	vst v63  }
0x39: {  	_ = 	snop  }
0x3a: {  	[tilespmem:s22], [sflag:$0x5] =	stream.linear.gather [hbm4b:s10+s2], $0x180, $0x38;
	[tilespmem:$0x8208] =	vst v63  }
0x3b: {  	_ =	swait.ge [sflag:s19], $0x180  }
0x3c: {  	[sflag:s19] =	ssyncset.done $0x0  }
0x3d: {  	[sflag:s19] =	ssyncadd.s32 $0xFFFFFE80  }
0x3e: {  	[tilespmem:s25], [sflag:$0x5] =	stream.linear.gather [hbm4b:s11+s2], $0x180, $0x38;
	[tilespmem:$0x8208] =	vst v63  }
0x3f: {  	_ =	swait.ge [sflag:s19], $0x180  }
0x40: {  	[sflag:s19] =	ssyncset.done $0x0  }
0x41: {  	[sflag:s19] =	ssyncadd.s32 $0xFFFFFE80  }
0x42: {  	[tilespmem:s26], [sflag:$0x2] =	stream.indirect.gather [hbm4b:s3+s22], $0x8, s22, s22, $0xb8;
	[tilespmem:$0x8208] =	vst v63  }
0x43: {  	_ =	swait.ge [sflag:s28], $0xC00  }
0x44: {  	[sflag:s28] =	ssyncset.done $0x0  }
0x45: {  	[sflag:s28] =	ssyncadd.s32 $0xFFFFF400  }
0x46: {  	[spmem:s1] =	stream.indirect.scatter.add.f32 [tilespmem:s26], [sflag:$0x4], $0x8, s25, s22, $0xb8;
	[tilespmem:$0x8208] =	vst v63  }
0x47: {  	_ =	swait.ge [sflag:s29], $0xC00  }
0x48: {  	[sflag:s29] =	ssyncset.done $0x0  }
0x49: {  	[sflag:s29] =	ssyncadd.s32 $0xFFFFF400  }
0x4a: {  	[tilespmem:s2], [sflag:$0x5] =	stream.linear.gather [hbm4b:s12+s2], $0x180, $0x38;
	[tilespmem:$0x8208] =	vst v63  }
0x4b: {  	_ =	swait.ge [sflag:s19], $0x180  }
0x4c: {  	[sflag:s19] =	ssyncset.done $0x0  }
0x4d: {  	[sflag:s19] =	ssyncadd.s32 $0xFFFFFE80  }
0x4e: {  	[tilespmem:s21], [sflag:$0x5] =	stream.linear.gather [hbm4b:s13+s2], $0x180, $0x38;
	[tilespmem:$0x8208] =	vst v63  }
0x4f: {  	_ =	swait.ge [sflag:s19], $0x180  }
0x50: {  	[sflag:s19] =	ssyncset.done $0x0  }
0x51: {  	s5 =	simm.s32 $0x0;
	[sflag:s19] =	ssyncadd.s32 $0xFFFFFE80  }
0x52: {  	[tilespmem:s23], [sflag:$0x1] =	stream.indirect.gather [hbm4b:s3+s22], $0x8, s2, s22, $0xb8;
	[tilespmem:$0x8208] =	vst v63  }
.LBB2_2:
0x53: {  	_ =	swait.ge [sflag:s24], $0xC00  }
0x54: {  	[sflag:s24] =	ssyncset.done $0x0  }
0x55: {  	[sflag:s24] =	ssyncadd.s32 $0xFFFFF400  }
0x56: {  	[spmem:s1] =	stream.indirect.scatter.add.f32 [tilespmem:s23], [sflag:$0x3], $0x8, s21, s22, $0xb8;
	[tilespmem:$0x8208] =	vst v63  }
0x57: {  	_ =	swait.ge [sflag:s30], $0xC00  }
0x58: {  	[sflag:s30] =	ssyncset.done $0x0  }
0x59: {  	s7 =	sadd.s32 s5, s18;
	[sflag:s30] =	ssyncadd.s32 $0xFFFFF400  }
0x5a: {  	[tilespmem:s22], [sflag:$0x5] =	stream.linear.gather [hbm4b:s7+s2], $0x180, $0x38;
	[tilespmem:$0x8208] =	vst v63  }
0x5b: {  	_ =	swait.ge [sflag:s19], $0x180  }
0x5c: {  	[sflag:s19] =	ssyncset.done $0x0  }
0x5d: {  	s7 =	sadd.s32 s5, s17;
	[sflag:s19] =	ssyncadd.s32 $0xFFFFFE80  }
0x5e: {  	[tilespmem:s25], [sflag:$0x5] =	stream.linear.gather [hbm4b:s7+s2], $0x180, $0x38;
	[tilespmem:$0x8208] =	vst v63  }
0x5f: {  	_ =	swait.ge [sflag:s19], $0x180  }
0x60: {  	[sflag:s19] =	ssyncset.done $0x0  }
0x61: {  	[sflag:s19] =	ssyncadd.s32 $0xFFFFFE80  }
0x62: {  	[tilespmem:s26], [sflag:$0x2] =	stream.indirect.gather [hbm4b:s3+s22], $0x8, s22, s22, $0xb8;
	[tilespmem:$0x8208] =	vst v63  }
0x63: {  	_ =	swait.ge [sflag:s28], $0xC00  }
0x64: {  	p1 =	seq.s32 s5, $0xBA0;
	[sflag:s28] =	ssyncset.done $0x0  }
.Ltmp2:
0x65: {  	[sflag:s28] =	ssyncadd.s32 $0xFFFFF400;
	(pc) =	sbr.rel @p1 .LBB2_4-.Ltmp2, $4  }
0x66: {  	[spmem:s1] =	stream.indirect.scatter.add.f32 [tilespmem:s26], [sflag:$0x4], $0x8, s25, s22, $0xb8;
	[tilespmem:$0x8208] =	vst v63  }
0x67: {  	_ =	swait.ge [sflag:s29], $0xC00  }
0x68: {  	[sflag:s29] =	ssyncset.done $0x0  }
0x69: {  	[sflag:s29] =	ssyncadd.s32 $0xFFFFF400  }
0x6a: {  	s7 =	sadd.s32 s5, s16  }
0x6b: {  	[tilespmem:s2], [sflag:$0x5] =	stream.linear.gather [hbm4b:s7+s2], $0x180, $0x38;
	[tilespmem:$0x8208] =	vst v63  }
0x6c: {  	_ =	swait.ge [sflag:s19], $0x180  }
0x6d: {  	[sflag:s19] =	ssyncset.done $0x0  }
0x6e: {  	s7 =	sadd.s32 s5, s15;
	[sflag:s19] =	ssyncadd.s32 $0xFFFFFE80  }
0x6f: {  	[tilespmem:s21], [sflag:$0x5] =	stream.linear.gather [hbm4b:s7+s2], $0x180, $0x38;
	[tilespmem:$0x8208] =	vst v63  }
.Ltmp3:
0x70: {  	_ = 	snop;
	(pc) =	sbr.rel .LBB2_2-.Ltmp3, $4  }
0x71: {  	_ =	swait.ge [sflag:s19], $0x180  }
0x72: {  	[sflag:s19] =	ssyncset.done $0x0  }
0x73: {  	s5 =	sadd.s32 $0x60, s5;
	[sflag:s19] =	ssyncadd.s32 $0xFFFFFE80  }
0x74: {  	[tilespmem:s23], [sflag:$0x1] =	stream.indirect.gather [hbm4b:s3+s22], $0x8, s2, s22, $0xb8;
	[tilespmem:$0x8208] =	vst v63  }
.LBB2_5:
0x75: {  	_ =	sfence.sel $0x180000  }
0x76: {  	[bflag:$0x0] =	sbarrier.arrive $0xFFFF  }
0x77: {  	_ =	strace $0x90000047  }
0x78: {  	[bflag:$0x2] =	sbarrier.arrive $0xFFFF  }
0x79: {  	s0 =	rddreg [dreg:$0x2]  }
0x7a: {  	s0 =	sadd.s32 @!p0 $0x100000, s0  }
0x7b: {  	[sflag:s0] =	ssyncadd.tile.s32 @!p0 $0x1;
	_ =	shalt  }
.Lfunc_end2:
_tile_overlayer_lowered:
.L_overlay_start_2:
0x7c: {  	(tag) =	ssettag $0x2  }
0x7d: {  	s0 =	rddreg [dreg:$0x0];
	s2 =	stileid.u32  }
0x7e: {  	s1 =	rddreg [dreg:$0x1];
	p0 =	sne.s32 s2, $0x0  }
0x7f: {  	s3 =	rddreg [dreg:$0x2];
	[bflag:$0x3] =	sbarrier.arrive $0xFFFF;
	s2 =	simm.s32 @!p0 $0x1C05  }
0x80: {  	[timem:s3], [sflag:s2] =	dma.local @!p0 [hbm:s0], s1  }
0x81: {  	s0 =	simm.s32 @!p0 $0x5  }
0x82: {  	_ =	swait.ge @!p0 [sflag:s0], s1  }
0x83: {  	s1 =	ssub.s32 @!p0 $0x0, s1;
	[sflag:s0] =	ssyncset.done @!p0 $0x0  }
0x84: {  	[sflag:s0] =	ssyncadd.s32 @!p0 s1  }
0x85: {  	[bflag:$0x3] =	sbarrier.arrive $0xFFFF  }
0x86: {  	_ =	shalt  }

// kernel: kernel.17.cloned.1.call-start
scs
__scs_entry_jumppad:
0x0: {  	(pc) =	sbr.rel $0x88, $3  }
0x1: {  	(tag) =	ssettag $0x0;
	lr =	simm.s32 $0x1  }
0x2: {  	[smem:$0x3F91] =	sst lr;
	_ =	strace $0xD0000000  }
0x3: {  	_ = 	snop  }
0x4: {  	_ = 	snop  }
0x5: {  	_ = 	snop  }
0x6: {  	_ = 	snop  }
0x7: {  	_ = 	snop  }
__scs_overlays_trampoline_lowered:
0x8: {  	[smem:$0x3FA0] =	sst s0  }
0x9: {  	[smem:$0x3FA1] =	sst s1  }
0xa: {  	[smem:$0x3FA2] =	sst s2  }
0xb: {  	[smem:$0x3FA3] =	sst s3  }
0xc: {  	[smem:$0x3FA4] =	sst s4  }
0xd: {  	[smem:$0x3FA5] =	sst s5  }
0xe: {  	[smem:$0x3FA6] =	sst s6  }
0xf: {  	[smem:$0x3FA7] =	sst s7  }
0x10: {  	[smem:$0x3FA8] =	sst s8  }
0x11: {  	[smem:$0x3FA9] =	sst s9;
	s0 =	simm.s32 @!p0 $0x0  }
0x12: {  	s1 =	sld [smem:$0x3F8F];
	s0 =	simm.s32 @p0 $0x1  }
0x13: {  	[smem:$0x3FAA] =	sst s0;
	s0 =	simm.s32 @!p1 $0x0  }
0x14: {  	s2 =	sld [smem:$0x3F8E];
	s0 =	simm.s32 @p1 $0x1  }
0x15: {  	[smem:$0x3FAB] =	sst s0;
	s0 =	simm.s32 @!p2 $0x0  }
0x16: {  	s3 =	sld [smem:$0x3FDB];
	s0 =	simm.s32 @p2 $0x1  }
0x17: {  	s4 =	simm.s32 $0x1BF5;
	[smem:$0x3FAD] =	sst s0  }
0x18: {  	s0 =	sld [smem:$0x3F90];
	_ =	swait.ge [sflag:s4], $0x0  }
0x19: {  	s7 =	sld [smem:$0x3F91]  }
0x1a: {  	s8 =	sadd.s32 $0xFFFFE003, lr  }
0x1b: {  	s9 =	sadd.s32 $0xFFFFFEF7, lr;
	s5 =	simm.s32 $0xFFFFFFFF;
	p2 =	slt.u32 s8, $0xFFFFF086  }
0x1c: {  	p1 =	slt.u32 s9, $0xF7A;
	s5 =	simm.s32 @!p2 $0x0  }
0x1d: {  	s5 =	simm.s32 @p1 $0x1;
	p0 =	seq.s32 s7, s2  }
0x1e: {  	s7 =	smul.u32 @!p0 $0xF7A, s2;
	p2 =	seq.s32 @!p0 s5, $0x0  }
0x1f: {  	s9 =	smul.u32 $0xF7A, s1;
	s8 =	simm.s32 @!p0 $0x1BF5;
	p2 =	por !p2, p0  }
0x20: {  	[sflag:s8] =	ssyncset.s32 @!p0 $0xFFFFF086;
	s6 =	sadd.s32 @!p0 s3, s7;
	s7 =	simm.s32 @!p0 $0x108  }
0x21: {  	s3 =	sadd.s32 s3, s9;
	s6 =	sadd.s32 @!p0 $0x88, s6;
	s7 =	simm.s32 @p2 $0x1082  }
0x22: {  	[simem:s7], [sflag:s8] =	dma.local @!p0 [hbm:s6], $0xF7A  }
0x23: {  	s9 =	sor.u32 $0xD0000000, s2;
	s6 =	simm.s32 $0x108;
	_ =	swait.ge @!p0 [sflag:s8], $0x0  }
0x24: {  	s3 =	sadd.s32 $0x88, s3;
	s6 =	simm.s32 @!p1 $0x1082;
	[sflag:s4] =	ssyncset.s32 $0xFFFFF086  }
0x25: {  	[simem:s6], [sflag:s4] =	dma.local [hbm:s3], $0xF7A  }
0x26: {  	[smem:$0x3F91] =	sst s1;
	(tag) =	ssettag s2;
	_ =	strace s9  }
0x27: {  	s1 =	sld [smem:$0x3FA1]  }
0x28: {  	s2 =	sld [smem:$0x3FA2]  }
0x29: {  	s4 =	sld [smem:$0x3FA4]  }
0x2a: {  	p0 =	seq.s32 s5, $0x0;
	s5 =	sld [smem:$0x3FA5]  }
0x2b: {  	s6 =	sld [smem:$0x3FA6]  }
0x2c: {  	s7 =	sld [smem:$0x3FA7]  }
0x2d: {  	s3 =	simm.s32 $0x108;
	s8 =	sld [smem:$0x3FA8]  }
0x2e: {  	s3 =	simm.s32 @!p0 $0x1082;
	s9 =	sld [smem:$0x3FA9]  }
0x2f: {  	lr =	sadd.s32 s0, s3;
	s0 =	sld [smem:$0x3FA0]  }
0x30: {  	s3 =	sld [smem:$0x3FA3]  }
0x31: {  	[smem:$0x3FAC] =	sst s10  }
0x32: {  	s10 =	sld [smem:$0x3FAA];
	_ =	sdelay $0x3  }
0x33: {  	p0 =	seq.s32 s10, $0x1;
	s10 =	sld [smem:$0x3FAC];
	_ =	sdelay $0x3  }
0x34: {  	[smem:$0x3FAC] =	sst s10  }
0x35: {  	s10 =	sld [smem:$0x3FAB];
	_ =	sdelay $0x3  }
0x36: {  	p1 =	seq.s32 s10, $0x1;
	s10 =	sld [smem:$0x3FAC];
	_ =	sdelay $0x3  }
0x37: {  	[smem:$0x3FAC] =	sst s10  }
0x38: {  	s10 =	sld [smem:$0x3FAD]  }
0x39: {  	_ = 	snop;
	(pc) =	sbr.ind lr, $3  }
0x3a: {  	_ = 	snop  }
0x3b: {  	_ = 	snop  }
0x3c: {  	p2 =	seq.s32 s10, $0x1;
	s10 =	sld [smem:$0x3FAC]  }
0x3d: {  	_ =	shalt  }
0x3e: {  	_ =	shalt  }
0x3f: {  	_ =	shalt  }
0x40: {  	_ =	shalt  }
0x41: {  	_ =	shalt  }
0x42: {  	_ =	shalt  }
0x43: {  	_ =	shalt  }
0x44: {  	_ =	shalt  }
0x45: {  	_ =	shalt  }
0x46: {  	_ =	shalt  }
0x47: {  	_ =	shalt  }
0x48: {  	_ =	shalt  }
0x49: {  	_ =	shalt  }
0x4a: {  	_ =	shalt  }
0x4b: {  	_ =	shalt  }
0x4c: {  	_ =	shalt  }
0x4d: {  	_ =	shalt  }
0x4e: {  	_ =	shalt  }
0x4f: {  	_ =	shalt  }
0x50: {  	_ =	shalt  }
0x51: {  	_ =	shalt  }
0x52: {  	_ =	shalt  }
0x53: {  	_ =	shalt  }
0x54: {  	_ =	shalt  }
0x55: {  	_ =	shalt  }
0x56: {  	_ =	shalt  }
0x57: {  	_ =	shalt  }
0x58: {  	_ =	shalt  }
0x59: {  	_ =	shalt  }
0x5a: {  	_ =	shalt  }
0x5b: {  	_ =	shalt  }
0x5c: {  	_ =	shalt  }
0x5d: {  	_ =	shalt  }
0x5e: {  	_ =	shalt  }
0x5f: {  	_ =	shalt  }
0x60: {  	_ =	shalt  }
0x61: {  	_ =	shalt  }
0x62: {  	_ =	shalt  }
0x63: {  	_ =	shalt  }
0x64: {  	_ =	shalt  }
0x65: {  	_ =	shalt  }
0x66: {  	_ =	shalt  }
0x67: {  	_ =	shalt  }
0x68: {  	_ =	shalt  }
0x69: {  	_ =	shalt  }
0x6a: {  	_ =	shalt  }
0x6b: {  	_ =	shalt  }
0x6c: {  	_ =	shalt  }
0x6d: {  	_ =	shalt  }
0x6e: {  	_ =	shalt  }
0x6f: {  	_ =	shalt  }
0x70: {  	_ =	shalt  }
0x71: {  	_ =	shalt  }
0x72: {  	_ =	shalt  }
0x73: {  	_ =	shalt  }
0x74: {  	_ =	shalt  }
0x75: {  	_ =	shalt  }
0x76: {  	_ =	shalt  }
0x77: {  	_ =	shalt  }
0x78: {  	_ =	shalt  }
0x79: {  	_ =	shalt  }
0x7a: {  	_ =	shalt  }
0x7b: {  	_ =	shalt  }
0x7c: {  	_ =	shalt  }
0x7d: {  	_ =	shalt  }
0x7e: {  	_ =	shalt  }
0x7f: {  	_ =	shalt  }
0x80: {  	_ =	shalt  }
0x81: {  	_ =	shalt  }
0x82: {  	_ =	shalt  }
0x83: {  	_ =	shalt  }
0x84: {  	_ =	shalt  }
0x85: {  	_ =	shalt  }
0x86: {  	_ =	shalt  }
0x87: {  	_ =	shalt  }
.Lfunc_end0:
.L_simem_size_0:
called_computation.1_lowered:
.L_overlay_start_0:
0x88: {  	s2 =	sld [smem:$0x3FD9]  }
0x89: {  	s3 =	sld [smem:$0x3FFE];
	_ =	sdelay $0x1  }
0x8a: {  	s1 =	srdreg.scid  }
0x8b: {  	s0 =	sand.u32 $0x1, s1  }
0x8c: {  	s16 =	sshll.u32 s0, $0xA;
	s2 =	sadd.s32 s3, s2  }
0x8d: {  	s2 =	sadd.s32 s2, s16  }
0x8e: {  	[smem:$0x3FB8] =	sst s2  }
0x8f: {  	_ = 	snop  }
0x90: {  	(tm) =	ssettm $0x1  }
0x91: {  	s17 =	sld [smem:$0x3FFB];
	_ =	sdelay $0x3  }
0x92: {  	_ =	strace s17  }
0x93: {  	s2 =	sld [smem:$0x3FFC];
	_ =	sdelay $0x3  }
0x94: {  	_ =	strace s2  }
0x95: {  	s2 =	sld [smem:$0x3FFD];
	_ =	sdelay $0x3  }
0x96: {  	_ =	strace s2  }
0x97: {  	_ =	strace $0x8FFFFFFF  }
0x98: {  	s18 =	sld [smem:$0x3FDB];
	_ =	sdelay $0x1  }
0x99: {  	s19 =	simm.s32 $_scs_section_size  }
0x9a: {  	s4 =	simm.s32 $_size__tile_overlayer_lowered;
	s5 =	simm.s32 $_tile_overlayer_lowered  }
0x9b: {  	s22 =	simm.s32 $0x1BFF;
	s21 =	sshll.u32 s5, $0x1;
	s2 =	sadd.s32 s19, s18  }
0x9c: {  	s6 =	simm.s32 $0x0;
	s20 =	sshll.u32 s4, $0x1;
	s4 =	sadd.s32 s21, s2  }
0x9d: {  	[timem:s6], [sflag:s22] =	dma.local [hbm:s4], s20  }
0x9e: {  	_ =	swait.ge [sflag:s22], s20  }
0x9f: {  	s3 =	ssub.s32 $0x0, s20;
	[sflag:s22] =	ssyncset.done $0x0  }
0xa0: {  	[sflag:s22] =	ssyncadd.s32 s3;
	_ =	sdelay $0x1  }
0xa1: {  	s23 =	simm.s32 $0x1B8B  }
0xa2: {  	_ =	swait.ge [sflag:s23], $0x1  }
0xa3: {  	[sflag:s23] =	ssyncset.done $0x0  }
0xa4: {  	s25 =	simm.s32 $0x1B8E;
	s24 =	sld [smem:$0x3FFE];
	[sflag:s23] =	ssyncadd.s32 $0xFFFFFFFF  }
0xa5: {  	s26 =	simm.s32 $execute0_lowered;
	[smem:$0x3FD2] =	sst s25  }
0xa6: {  	s4 =	sshll.u32 s26, $0x1;
	_ =	strace $0x80000049;
	[dreg:$0x1] =	wrdreg $0xFFFFFFFF  }
0xa7: {  	s28 =	simm.s32 $_size_execute0_lowered;
	s2 =	sadd.s32 s2, s4;
	[dreg:$0x0] =	wrdreg $0x0  }
0xa8: {  	s4 =	sshll.u32 s28, $0x1;
	[dreg:$0x2] =	wrdreg s2  }
0xa9: {  	[dreg:$0x3] =	wrdreg s4  }
0xaa: {  	[dreg:$0x4] =	wrdreg $0xC0  }
0xab: {  	_ =	task [dreg:s6], $0x5FFFF  }
0xac: {  	[dreg:$0x1] =	wrdreg $0xFFFFFFFF  }
0xad: {  	[dreg:$0x0] =	wrdreg $0x60  }
0xae: {  	[dreg:$0x2] =	wrdreg s24  }
0xaf: {  	[dreg:$0x3] =	wrdreg $0x66000  }
0xb0: {  	[dreg:$0x4] =	wrdreg $0x9  }
0xb1: {  	_ =	task.clear_ibuf [dreg:s6], $0x5FFFF;
	_ =	strace $0x90000049  }
0xb2: {  	s29 =	simm.s32 $0x9;
	_ =	strace $0x8000004B  }
0xb3: {  	_ =	swait.ge [sflag:s29], $0x1  }
0xb4: {  	[sflag:s29] =	ssyncadd.s32 $0xFFFFFFFF  }
0xb5: {  	_ =	strace $0x9000004B  }
0xb6: {  	_ =	sfence  }
0xb7: {  	s30 =	sld [smem:$0x0];
	_ =	sdelay $0x2  }
0xb8: {  	s31 =	sshll.u32 s1, $0xD;
	s1 =	sshrl.u32 s1, $0x2  }
0xb9: {  	s3 =	sand.u32 $0x4000, s31;
	s1 =	sadd.s32 s1, s30  }
0xba: {  	s0 =	sor.u32 s3, s0;
	s1 =	sshll.u32 s1, $0x11  }
0xbb: {  	s0 =	sor.u32 s1, s0  }
0xbc: {  	s0 =	sadd.s32 $0x8F2B, s0  }
0xbd: {  	[sflag:s0] =	ssyncadd.remote.s32 $0x1  }
0xbe: {  	_ =	sfence.sel $0xFFFF  }
0xbf: {  	[dreg:$0x0] =	wrdreg $0xFFFFFFFF;
	(pc) =	sbr.abs _section_cstart, $3  }
0xc0: {  	[dreg:$0x1] =	wrdreg $0xFFFFFFFF  }
0xc1: {  	_ =	task.clear_ibuf [dreg:s6], $0x2FFFF;
	_ =	strace $0x9FFFFFFF  }
0xc2: {  	(tm) =	ssettm $0x7FFFFFFF  }
0xc3: {  	_ =	shalt  }
tec
execute0_lowered:
.L_overlay_start_1:
0x0: {  	(tag) =	ssettag $0x1  }
0x1: {  	s5 =	rddreg [dreg:$0x0]  }
0x2: {  	s1 =	rddreg [dreg:$0x1]  }
0x3: {  	s0 =	rddreg [dreg:$0x2]  }
0x4: {  	s2 =	simm.s32 $0x0;
	s6 =	srdreg.scid;
	s14 =	stileid.u32  }
0x5: {  	s22 =	simm.s32 $0x3600;
	s23 =	simm.s32 $0x2;
	s24 =	simm.s32 $0x3  }
0x6: {  	s25 =	simm.s32 $0x4;
	s26 =	simm.s32 $0x0;
	s13 =	sadd.s32 $0x160800, s5  }
0x7: {  	[smem:$0x7FF] =	sst s2;
	s3 =	sadd.s32 $0x12E800, s5;
	s11 =	sadd.s32 $0x2F800, s5  }
0x8: {  	s12 =	sadd.s32 $0x16C00, s5;
	s4 =	sadd.s32 $0xA400, s5;
	s15 =	sadd.s32 $0x1C4800, s5  }
0x9: {  	s8 =	sand.u32 $0x1, s6;
	s9 =	smul.u32 $0x19000, s14;
	s16 =	sadd.s32 $0x192800, s5  }
0xa: {  	s10 =	smul.u32 $0x18C0, s14;
	s30 =	sshll.u32 s14, $0x6;
	s19 =	sadd.s32 $0x190000, s1  }
0xb: {  	_ =	strace $0x8000004A;
	s6 =	ssub.s32 $0x2, s8;
	s5 =	sor.u32 $0x1C05, s30  }
0xc: {  	p0 =	seq.s32 s8, $0x0;
	s29 =	sshrl.u32 s6, $0x1;
	s18 =	sadd.s32 s9, s1  }
0xd: {  	s7 =	sadd.s32 s12, s10;
	s20 =	sshrl.u32 s9, $0x3;
	s31 =	sor.u32 $0x30, s10  }
0xe: {  	s21 =	sadd.s32 $0x60, s10;
	s3 =	smov.u32 @p0 s13;
	s16 =	smov.u32 @p0 s15  }
0xf: {  	p0 =	sne.s32 s14, $0x0;
	s15 =	simm.s32 $0x5;
	s17 =	ssub.s32 s6, s29  }
.Ltmp0:
0x10: {  	s6 =	sadd.s32 s11, s10;
	s9 =	sadd.s32 s11, s31;
	(pc) =	sbr.rel .LBB2_1-.Ltmp0, $4  }
0x11: {  	s10 =	sadd.s32 s12, s31;
	s11 =	sadd.s32 s11, s21;
	s12 =	sadd.s32 s12, s21  }
0x12: {  	s13 =	sadd.s32 s16, s20;
	s14 =	sshrl.u32 s18, $0x3;
	s16 =	sshrl.u32 @!p0 s19, $0x3  }
0x13: {  	s18 =	simm.s32 $0x180;
	s19 =	simm.s32 $0x600;
	s20 =	simm.s32 $0x1  }
0x14: {  	s21 =	simm.s32 $0x480;
	s8 =	smax.u32 s17, $0x1;
	s17 =	simm.s32 $0x300  }
.LBB2_4:
0x15: {  	_ =	swait.ge [sflag:s25], $0x3000  }
0x16: {  	s26 =	sadd.s32 $0x1, s26;
	[sflag:s25] =	ssyncset.done $0x0  }
0x17: {  	p1 =	sne.s32 s26, s8;
	[sflag:s25] =	ssyncadd.s32 $0xFFFFD000  }
.Ltmp1:
0x18: {  	[bflag:$0x0] =	sbarrier.arrive $0xFFFF;
	(pc) =	sbr.rel @!p1 .LBB2_5-.Ltmp1, $4  }
0x19: {  	[hbm:s13], [sflag:s5] =	dma.local [spmem:s14], $0x3200  }
0x1a: {  	_ =	swait.ge [sflag:s15], $0x3200  }
0x1b: {  	[sflag:s15] =	ssyncset.done $0x0  }
0x1c: {  	[sflag:s15] =	ssyncadd.s32 $0xFFFFCE00  }
.LBB2_1:
0x1d: {  	[spmem:s14], [sflag:s5] =	dma.local [hbm:s4], $0x3200  }
0x1e: {  	_ =	swait.ge [sflag:s15], $0x3200  }
0x1f: {  	[sflag:s15] =	ssyncset.done $0x0  }
0x20: {  	s28 =	simm.s32 @!p0 $0x5;
	[sflag:s15] =	ssyncadd.s32 $0xFFFFCE00  }
0x21: {  	[spmem:s16], [sflag:s5] =	dma.local @!p0 [hbm:s4], $0x40  }
0x22: {  	_ =	swait.ge @!p0 [sflag:s28], $0x40  }
0x23: {  	[sflag:s28] =	ssyncset.done @!p0 $0x0  }
0x24: {  	[sflag:s28] =	ssyncadd.s32 @!p0 $0xFFFFFFC0  }
0x25: {  	[bflag:$0x0] =	sbarrier.arrive $0xFFFF  }
0x26: {  	[tilespmem:s2], [sflag:$0x5] =	stream.linear.gather [hbm4b:s6+s2], $0x180, $0x38;
	[tilespmem:$0x1F620] =	vst v63  }
0x27: {  	_ =	swait.ge [sflag:s15], $0x180  }
0x28: {  	[sflag:s15] =	ssyncset.done $0x0  }
0x29: {  	[sflag:s15] =	ssyncadd.s32 $0xFFFFFE80  }
0x2a: {  	[tilespmem:s17], [sflag:$0x5] =	stream.linear.gather [hbm4b:s7+s2], $0x180, $0x38;
	[tilespmem:$0x1F620] =	vst v63  }
0x2b: {  	_ =	swait.ge [sflag:s15], $0x180  }
0x2c: {  	[sflag:s15] =	ssyncset.done $0x0  }
0x2d: {  	[sflag:s15] =	ssyncadd.s32 $0xFFFFFE80  }
0x2e: {  	[tilespmem:s19], [sflag:$0x1] =	stream.indirect.gather [hbm4b:s3+s18], $0x20, s2, s18, $0xb8;
	[tilespmem:$0x1F620] =	vst v63  }
0x2f: {  	_ =	swait.ge [sflag:s20], $0x3000  }
0x30: {  	[sflag:s20] =	ssyncset.done $0x0  }
0x31: {  	[sflag:s20] =	ssyncadd.s32 $0xFFFFD000  }
0x32: {  	[spmem:s1] =	stream.indirect.scatter.add.f32 [tilespmem:s19], [sflag:$0x3], $0x20, s17, s18, $0xb8;
	[tilespmem:$0x1F620] =	vst v63  }
0x33: {  	_ = 	snop  }
0x34: {  	[tilespmem:s18], [sflag:$0x5] =	stream.linear.gather [hbm4b:s9+s2], $0x180, $0x38;
	[tilespmem:$0x1F620] =	vst v63  }
0x35: {  	_ =	swait.ge [sflag:s15], $0x180  }
0x36: {  	[sflag:s15] =	ssyncset.done $0x0  }
0x37: {  	[sflag:s15] =	ssyncadd.s32 $0xFFFFFE80  }
0x38: {  	[tilespmem:s21], [sflag:$0x5] =	stream.linear.gather [hbm4b:s10+s2], $0x180, $0x38;
	[tilespmem:$0x1F620] =	vst v63  }
0x39: {  	_ =	swait.ge [sflag:s15], $0x180  }
0x3a: {  	[sflag:s15] =	ssyncset.done $0x0  }
0x3b: {  	[sflag:s15] =	ssyncadd.s32 $0xFFFFFE80  }
0x3c: {  	[tilespmem:s22], [sflag:$0x2] =	stream.indirect.gather [hbm4b:s3+s18], $0x20, s18, s18, $0xb8;
	[tilespmem:$0x1F620] =	vst v63  }
0x3d: {  	_ =	swait.ge [sflag:s23], $0x3000  }
0x3e: {  	[sflag:s23] =	ssyncset.done $0x0  }
0x3f: {  	[sflag:s23] =	ssyncadd.s32 $0xFFFFD000  }
0x40: {  	[spmem:s1] =	stream.indirect.scatter.add.f32 [tilespmem:s22], [sflag:$0x4], $0x20, s21, s18, $0xb8;
	[tilespmem:$0x1F620] =	vst v63  }
0x41: {  	_ =	swait.ge [sflag:s24], $0x3000  }
0x42: {  	[sflag:s24] =	ssyncset.done $0x0  }
0x43: {  	[sflag:s24] =	ssyncadd.s32 $0xFFFFD000  }
0x44: {  	[tilespmem:s2], [sflag:$0x5] =	stream.linear.gather [hbm4b:s11+s2], $0x180, $0x38;
	[tilespmem:$0x1F620] =	vst v63  }
0x45: {  	_ =	swait.ge [sflag:s15], $0x180  }
0x46: {  	[sflag:s15] =	ssyncset.done $0x0  }
0x47: {  	[sflag:s15] =	ssyncadd.s32 $0xFFFFFE80  }
0x48: {  	[tilespmem:s17], [sflag:$0x5] =	stream.linear.gather [hbm4b:s12+s2], $0x180, $0x38;
	[tilespmem:$0x1F620] =	vst v63  }
0x49: {  	_ =	swait.ge [sflag:s15], $0x180  }
0x4a: {  	[sflag:s15] =	ssyncset.done $0x0  }
0x4b: {  	s28 =	simm.s32 $0xFFFFE800;
	[sflag:s15] =	ssyncadd.s32 $0xFFFFFE80  }
0x4c: {  	[tilespmem:s19], [sflag:$0x1] =	stream.indirect.gather [hbm4b:s3+s18], $0x20, s2, s18, $0xb8;
	[tilespmem:$0x1F620] =	vst v63  }
.LBB2_2:
0x4d: {  	_ =	swait.ge [sflag:s20], $0x3000  }
0x4e: {  	[sflag:s20] =	ssyncset.done $0x0  }
0x4f: {  	[sflag:s20] =	ssyncadd.s32 $0xFFFFD000  }
0x50: {  	[spmem:s1] =	stream.indirect.scatter.add.f32 [tilespmem:s19], [sflag:$0x3], $0x20, s17, s18, $0xb8;
	[tilespmem:$0x1F620] =	vst v63  }
0x51: {  	_ =	swait.ge [sflag:s25], $0x3000  }
0x52: {  	s29 =	sadd.s32 s28, s6;
	[sflag:s25] =	ssyncset.done $0x0  }
0x53: {  	s30 =	sadd.s32 $0x1890, s29;
	[sflag:s25] =	ssyncadd.s32 $0xFFFFD000  }
0x54: {  	[tilespmem:s18], [sflag:$0x5] =	stream.linear.gather [hbm4b:s30+s2], $0x180, $0x38;
	[tilespmem:$0x1F620] =	vst v63  }
0x55: {  	_ =	swait.ge [sflag:s15], $0x180  }
0x56: {  	s30 =	sadd.s32 s28, s7;
	[sflag:s15] =	ssyncset.done $0x0  }
0x57: {  	s31 =	sadd.s32 $0x1890, s30;
	[sflag:s15] =	ssyncadd.s32 $0xFFFFFE80  }
0x58: {  	[tilespmem:s21], [sflag:$0x5] =	stream.linear.gather [hbm4b:s31+s2], $0x180, $0x38;
	[tilespmem:$0x1F620] =	vst v63  }
0x59: {  	_ =	swait.ge [sflag:s15], $0x180  }
0x5a: {  	[sflag:s15] =	ssyncset.done $0x0  }
0x5b: {  	[sflag:s15] =	ssyncadd.s32 $0xFFFFFE80  }
0x5c: {  	[tilespmem:s22], [sflag:$0x2] =	stream.indirect.gather [hbm4b:s3+s18], $0x20, s18, s18, $0xb8;
	[tilespmem:$0x1F620] =	vst v63  }
0x5d: {  	_ =	swait.ge [sflag:s23], $0x3000  }
0x5e: {  	p1 =	seq.s32 s28, $0x0;
	[sflag:s23] =	ssyncset.done $0x0  }
.Ltmp2:
0x5f: {  	[sflag:s23] =	ssyncadd.s32 $0xFFFFD000;
	(pc) =	sbr.rel @p1 .LBB2_4-.Ltmp2, $4  }
0x60: {  	[spmem:s1] =	stream.indirect.scatter.add.f32 [tilespmem:s22], [sflag:$0x4], $0x20, s21, s18, $0xb8;
	[tilespmem:$0x1F620] =	vst v63  }
0x61: {  	_ =	swait.ge [sflag:s24], $0x3000  }
0x62: {  	[sflag:s24] =	ssyncset.done $0x0  }
0x63: {  	[sflag:s24] =	ssyncadd.s32 $0xFFFFD000  }
0x64: {  	s29 =	sadd.s32 $0x18C0, s29  }
0x65: {  	[tilespmem:s2], [sflag:$0x5] =	stream.linear.gather [hbm4b:s29+s2], $0x180, $0x38;
	[tilespmem:$0x1F620] =	vst v63  }
0x66: {  	_ =	swait.ge [sflag:s15], $0x180  }
0x67: {  	[sflag:s15] =	ssyncset.done $0x0  }
0x68: {  	s31 =	sadd.s32 $0x18C0, s30;
	[sflag:s15] =	ssyncadd.s32 $0xFFFFFE80  }
0x69: {  	[tilespmem:s17], [sflag:$0x5] =	stream.linear.gather [hbm4b:s31+s2], $0x180, $0x38;
	[tilespmem:$0x1F620] =	vst v63  }
.Ltmp3:
0x6a: {  	_ = 	snop;
	(pc) =	sbr.rel .LBB2_2-.Ltmp3, $4  }
0x6b: {  	_ =	swait.ge [sflag:s15], $0x180  }
0x6c: {  	[sflag:s15] =	ssyncset.done $0x0  }
0x6d: {  	s28 =	sadd.s32 $0x60, s28;
	[sflag:s15] =	ssyncadd.s32 $0xFFFFFE80  }
0x6e: {  	[tilespmem:s19], [sflag:$0x1] =	stream.indirect.gather [hbm4b:s3+s18], $0x20, s2, s18, $0xb8;
	[tilespmem:$0x1F620] =	vst v63  }
.LBB2_5:
0x6f: {  	_ =	sfence.sel $0x180000  }
0x70: {  	[bflag:$0x0] =	sbarrier.arrive $0xFFFF  }
0x71: {  	_ =	strace $0x9000004A  }
0x72: {  	s0 =	sadd.s32 @!p0 $0x100000, s0;
	[bflag:$0x2] =	sbarrier.arrive $0xFFFF  }
0x73: {  	[sflag:s0] =	ssyncadd.tile.s32 @!p0 $0x1;
	_ =	shalt  }
.Lfunc_end2:
_tile_overlayer_lowered:
.L_overlay_start_2:
0x74: {  	(tag) =	ssettag $0x2  }
0x75: {  	s0 =	rddreg [dreg:$0x0];
	s2 =	stileid.u32  }
0x76: {  	s1 =	rddreg [dreg:$0x1];
	p0 =	sne.s32 s2, $0x0  }
0x77: {  	s3 =	rddreg [dreg:$0x2];
	[bflag:$0x3] =	sbarrier.arrive $0xFFFF;
	s2 =	simm.s32 @!p0 $0x1C05  }
0x78: {  	[timem:s3], [sflag:s2] =	dma.local @!p0 [hbm:s0], s1  }
0x79: {  	s0 =	simm.s32 @!p0 $0x5  }
0x7a: {  	_ =	swait.ge @!p0 [sflag:s0], s1  }
0x7b: {  	s1 =	ssub.s32 @!p0 $0x0, s1;
	[sflag:s0] =	ssyncset.done @!p0 $0x0  }
0x7c: {  	[sflag:s0] =	ssyncadd.s32 @!p0 s1  }
0x7d: {  	[bflag:$0x3] =	sbarrier.arrive $0xFFFF  }
0x7e: {  	_ =	shalt  }

// kernel: kernel.20.cloned.1.call-start
scs
__scs_entry_jumppad:
0x0: {  	(pc) =	sbr.rel $0x88, $3  }
0x1: {  	(tag) =	ssettag $0x0;
	lr =	simm.s32 $0x1  }
0x2: {  	[smem:$0x3F91] =	sst lr;
	_ =	strace $0xD0000000  }
0x3: {  	_ = 	snop  }
0x4: {  	_ = 	snop  }
0x5: {  	_ = 	snop  }
0x6: {  	_ = 	snop  }
0x7: {  	_ = 	snop  }
__scs_overlays_trampoline_lowered:
0x8: {  	[smem:$0x3FA0] =	sst s0  }
0x9: {  	[smem:$0x3FA1] =	sst s1  }
0xa: {  	[smem:$0x3FA2] =	sst s2  }
0xb: {  	[smem:$0x3FA3] =	sst s3  }
0xc: {  	[smem:$0x3FA4] =	sst s4  }
0xd: {  	[smem:$0x3FA5] =	sst s5  }
0xe: {  	[smem:$0x3FA6] =	sst s6  }
0xf: {  	[smem:$0x3FA7] =	sst s7  }
0x10: {  	[smem:$0x3FA8] =	sst s8  }
0x11: {  	[smem:$0x3FA9] =	sst s9;
	s0 =	simm.s32 @!p0 $0x0  }
0x12: {  	s1 =	sld [smem:$0x3F8F];
	s0 =	simm.s32 @p0 $0x1  }
0x13: {  	[smem:$0x3FAA] =	sst s0;
	s0 =	simm.s32 @!p1 $0x0  }
0x14: {  	s2 =	sld [smem:$0x3F8E];
	s0 =	simm.s32 @p1 $0x1  }
0x15: {  	[smem:$0x3FAB] =	sst s0;
	s0 =	simm.s32 @!p2 $0x0  }
0x16: {  	s3 =	sld [smem:$0x3FDB];
	s0 =	simm.s32 @p2 $0x1  }
0x17: {  	s4 =	simm.s32 $0x1BF5;
	[smem:$0x3FAD] =	sst s0  }
0x18: {  	s0 =	sld [smem:$0x3F90];
	_ =	swait.ge [sflag:s4], $0x0  }
0x19: {  	s7 =	sld [smem:$0x3F91]  }
0x1a: {  	s8 =	sadd.s32 $0xFFFFE003, lr  }
0x1b: {  	s9 =	sadd.s32 $0xFFFFFEF7, lr;
	s5 =	simm.s32 $0xFFFFFFFF;
	p2 =	slt.u32 s8, $0xFFFFF086  }
0x1c: {  	p1 =	slt.u32 s9, $0xF7A;
	s5 =	simm.s32 @!p2 $0x0  }
0x1d: {  	s5 =	simm.s32 @p1 $0x1;
	p0 =	seq.s32 s7, s2  }
0x1e: {  	s7 =	smul.u32 @!p0 $0xF7A, s2;
	p2 =	seq.s32 @!p0 s5, $0x0  }
0x1f: {  	s9 =	smul.u32 $0xF7A, s1;
	s8 =	simm.s32 @!p0 $0x1BF5;
	p2 =	por !p2, p0  }
0x20: {  	[sflag:s8] =	ssyncset.s32 @!p0 $0xFFFFF086;
	s6 =	sadd.s32 @!p0 s3, s7;
	s7 =	simm.s32 @!p0 $0x108  }
0x21: {  	s3 =	sadd.s32 s3, s9;
	s6 =	sadd.s32 @!p0 $0x88, s6;
	s7 =	simm.s32 @p2 $0x1082  }
0x22: {  	[simem:s7], [sflag:s8] =	dma.local @!p0 [hbm:s6], $0xF7A  }
0x23: {  	s9 =	sor.u32 $0xD0000000, s2;
	s6 =	simm.s32 $0x108;
	_ =	swait.ge @!p0 [sflag:s8], $0x0  }
0x24: {  	s3 =	sadd.s32 $0x88, s3;
	s6 =	simm.s32 @!p1 $0x1082;
	[sflag:s4] =	ssyncset.s32 $0xFFFFF086  }
0x25: {  	[simem:s6], [sflag:s4] =	dma.local [hbm:s3], $0xF7A  }
0x26: {  	[smem:$0x3F91] =	sst s1;
	(tag) =	ssettag s2;
	_ =	strace s9  }
0x27: {  	s1 =	sld [smem:$0x3FA1]  }
0x28: {  	s2 =	sld [smem:$0x3FA2]  }
0x29: {  	s4 =	sld [smem:$0x3FA4]  }
0x2a: {  	p0 =	seq.s32 s5, $0x0;
	s5 =	sld [smem:$0x3FA5]  }
0x2b: {  	s6 =	sld [smem:$0x3FA6]  }
0x2c: {  	s7 =	sld [smem:$0x3FA7]  }
0x2d: {  	s3 =	simm.s32 $0x108;
	s8 =	sld [smem:$0x3FA8]  }
0x2e: {  	s3 =	simm.s32 @!p0 $0x1082;
	s9 =	sld [smem:$0x3FA9]  }
0x2f: {  	lr =	sadd.s32 s0, s3;
	s0 =	sld [smem:$0x3FA0]  }
0x30: {  	s3 =	sld [smem:$0x3FA3]  }
0x31: {  	[smem:$0x3FAC] =	sst s10  }
0x32: {  	s10 =	sld [smem:$0x3FAA];
	_ =	sdelay $0x3  }
0x33: {  	p0 =	seq.s32 s10, $0x1;
	s10 =	sld [smem:$0x3FAC];
	_ =	sdelay $0x3  }
0x34: {  	[smem:$0x3FAC] =	sst s10  }
0x35: {  	s10 =	sld [smem:$0x3FAB];
	_ =	sdelay $0x3  }
0x36: {  	p1 =	seq.s32 s10, $0x1;
	s10 =	sld [smem:$0x3FAC];
	_ =	sdelay $0x3  }
0x37: {  	[smem:$0x3FAC] =	sst s10  }
0x38: {  	s10 =	sld [smem:$0x3FAD]  }
0x39: {  	_ = 	snop;
	(pc) =	sbr.ind lr, $3  }
0x3a: {  	_ = 	snop  }
0x3b: {  	_ = 	snop  }
0x3c: {  	p2 =	seq.s32 s10, $0x1;
	s10 =	sld [smem:$0x3FAC]  }
0x3d: {  	_ =	shalt  }
0x3e: {  	_ =	shalt  }
0x3f: {  	_ =	shalt  }
0x40: {  	_ =	shalt  }
0x41: {  	_ =	shalt  }
0x42: {  	_ =	shalt  }
0x43: {  	_ =	shalt  }
0x44: {  	_ =	shalt  }
0x45: {  	_ =	shalt  }
0x46: {  	_ =	shalt  }
0x47: {  	_ =	shalt  }
0x48: {  	_ =	shalt  }
0x49: {  	_ =	shalt  }
0x4a: {  	_ =	shalt  }
0x4b: {  	_ =	shalt  }
0x4c: {  	_ =	shalt  }
0x4d: {  	_ =	shalt  }
0x4e: {  	_ =	shalt  }
0x4f: {  	_ =	shalt  }
0x50: {  	_ =	shalt  }
0x51: {  	_ =	shalt  }
0x52: {  	_ =	shalt  }
0x53: {  	_ =	shalt  }
0x54: {  	_ =	shalt  }
0x55: {  	_ =	shalt  }
0x56: {  	_ =	shalt  }
0x57: {  	_ =	shalt  }
0x58: {  	_ =	shalt  }
0x59: {  	_ =	shalt  }
0x5a: {  	_ =	shalt  }
0x5b: {  	_ =	shalt  }
0x5c: {  	_ =	shalt  }
0x5d: {  	_ =	shalt  }
0x5e: {  	_ =	shalt  }
0x5f: {  	_ =	shalt  }
0x60: {  	_ =	shalt  }
0x61: {  	_ =	shalt  }
0x62: {  	_ =	shalt  }
0x63: {  	_ =	shalt  }
0x64: {  	_ =	shalt  }
0x65: {  	_ =	shalt  }
0x66: {  	_ =	shalt  }
0x67: {  	_ =	shalt  }
0x68: {  	_ =	shalt  }
0x69: {  	_ =	shalt  }
0x6a: {  	_ =	shalt  }
0x6b: {  	_ =	shalt  }
0x6c: {  	_ =	shalt  }
0x6d: {  	_ =	shalt  }
0x6e: {  	_ =	shalt  }
0x6f: {  	_ =	shalt  }
0x70: {  	_ =	shalt  }
0x71: {  	_ =	shalt  }
0x72: {  	_ =	shalt  }
0x73: {  	_ =	shalt  }
0x74: {  	_ =	shalt  }
0x75: {  	_ =	shalt  }
0x76: {  	_ =	shalt  }
0x77: {  	_ =	shalt  }
0x78: {  	_ =	shalt  }
0x79: {  	_ =	shalt  }
0x7a: {  	_ =	shalt  }
0x7b: {  	_ =	shalt  }
0x7c: {  	_ =	shalt  }
0x7d: {  	_ =	shalt  }
0x7e: {  	_ =	shalt  }
0x7f: {  	_ =	shalt  }
0x80: {  	_ =	shalt  }
0x81: {  	_ =	shalt  }
0x82: {  	_ =	shalt  }
0x83: {  	_ =	shalt  }
0x84: {  	_ =	shalt  }
0x85: {  	_ =	shalt  }
0x86: {  	_ =	shalt  }
0x87: {  	_ =	shalt  }
.Lfunc_end0:
.L_simem_size_0:
called_computation.2_lowered:
.L_overlay_start_0:
0x88: {  	s2 =	sld [smem:$0x3FD9]  }
0x89: {  	s3 =	sld [smem:$0x3FFE];
	_ =	sdelay $0x1  }
0x8a: {  	s1 =	srdreg.scid  }
0x8b: {  	s0 =	sand.u32 $0x1, s1  }
0x8c: {  	s16 =	sshll.u32 s0, $0xA;
	s2 =	sadd.s32 s3, s2  }
0x8d: {  	s2 =	sadd.s32 s2, s16  }
0x8e: {  	[smem:$0x3FB8] =	sst s2  }
0x8f: {  	_ = 	snop  }
0x90: {  	(tm) =	ssettm $0x1  }
0x91: {  	s17 =	sld [smem:$0x3FFB];
	_ =	sdelay $0x3  }
0x92: {  	_ =	strace s17  }
0x93: {  	s2 =	sld [smem:$0x3FFC];
	_ =	sdelay $0x3  }
0x94: {  	_ =	strace s2  }
0x95: {  	s2 =	sld [smem:$0x3FFD];
	_ =	sdelay $0x3  }
0x96: {  	_ =	strace s2  }
0x97: {  	_ =	strace $0x8FFFFFFF  }
0x98: {  	s18 =	sld [smem:$0x3FDB];
	_ =	sdelay $0x1  }
0x99: {  	s19 =	simm.s32 $_scs_section_size  }
0x9a: {  	s4 =	simm.s32 $_size__tile_overlayer_lowered;
	s5 =	simm.s32 $_tile_overlayer_lowered  }
0x9b: {  	s22 =	simm.s32 $0x1BFF;
	s21 =	sshll.u32 s5, $0x1;
	s2 =	sadd.s32 s19, s18  }
0x9c: {  	s6 =	simm.s32 $0x0;
	s20 =	sshll.u32 s4, $0x1;
	s4 =	sadd.s32 s21, s2  }
0x9d: {  	[timem:s6], [sflag:s22] =	dma.local [hbm:s4], s20  }
0x9e: {  	_ =	swait.ge [sflag:s22], s20  }
0x9f: {  	s3 =	ssub.s32 $0x0, s20;
	[sflag:s22] =	ssyncset.done $0x0  }
0xa0: {  	[sflag:s22] =	ssyncadd.s32 s3;
	_ =	sdelay $0x1  }
0xa1: {  	s23 =	simm.s32 $0x1B8B  }
0xa2: {  	_ =	swait.ge [sflag:s23], $0x1  }
0xa3: {  	[sflag:s23] =	ssyncset.done $0x0  }
0xa4: {  	s25 =	simm.s32 $0x1B8E;
	s24 =	sld [smem:$0x3FFE];
	[sflag:s23] =	ssyncadd.s32 $0xFFFFFFFF  }
0xa5: {  	s26 =	simm.s32 $execute0_lowered;
	[smem:$0x3FD2] =	sst s25  }
0xa6: {  	s4 =	sshll.u32 s26, $0x1;
	_ =	strace $0x8000004C;
	[dreg:$0x1] =	wrdreg $0xFFFFFFFF  }
0xa7: {  	s28 =	simm.s32 $_size_execute0_lowered;
	s2 =	sadd.s32 s2, s4;
	[dreg:$0x0] =	wrdreg $0x0  }
0xa8: {  	s4 =	sshll.u32 s28, $0x1;
	[dreg:$0x2] =	wrdreg s2  }
0xa9: {  	[dreg:$0x3] =	wrdreg s4  }
0xaa: {  	[dreg:$0x4] =	wrdreg $0xC0  }
0xab: {  	_ =	task [dreg:s6], $0x5FFFF  }
0xac: {  	[dreg:$0x1] =	wrdreg $0xFFFFFFFF  }
0xad: {  	[dreg:$0x0] =	wrdreg $0x60  }
0xae: {  	[dreg:$0x2] =	wrdreg s24  }
0xaf: {  	[dreg:$0x3] =	wrdreg $0x66000  }
0xb0: {  	[dreg:$0x4] =	wrdreg $0x9  }
0xb1: {  	_ =	task.clear_ibuf [dreg:s6], $0x5FFFF;
	_ =	strace $0x9000004C  }
0xb2: {  	s29 =	simm.s32 $0x9;
	_ =	strace $0x8000004E  }
0xb3: {  	_ =	swait.ge [sflag:s29], $0x1  }
0xb4: {  	[sflag:s29] =	ssyncadd.s32 $0xFFFFFFFF  }
0xb5: {  	_ =	strace $0x9000004E  }
0xb6: {  	_ =	sfence  }
0xb7: {  	s30 =	sld [smem:$0x0];
	_ =	sdelay $0x2  }
0xb8: {  	s31 =	sshll.u32 s1, $0xD;
	s1 =	sshrl.u32 s1, $0x2  }
0xb9: {  	s3 =	sand.u32 $0x4000, s31;
	s1 =	sadd.s32 s1, s30  }
0xba: {  	s0 =	sor.u32 s3, s0;
	s1 =	sshll.u32 s1, $0x11  }
0xbb: {  	s0 =	sor.u32 s1, s0  }
0xbc: {  	s0 =	sadd.s32 $0x8F2B, s0  }
0xbd: {  	[sflag:s0] =	ssyncadd.remote.s32 $0x1  }
0xbe: {  	_ =	sfence.sel $0xFFFF  }
0xbf: {  	[dreg:$0x0] =	wrdreg $0xFFFFFFFF;
	(pc) =	sbr.abs _section_cstart, $3  }
0xc0: {  	[dreg:$0x1] =	wrdreg $0xFFFFFFFF  }
0xc1: {  	_ =	task.clear_ibuf [dreg:s6], $0x2FFFF;
	_ =	strace $0x9FFFFFFF  }
0xc2: {  	(tm) =	ssettm $0x7FFFFFFF  }
0xc3: {  	_ =	shalt  }
tec
execute0_lowered:
.L_overlay_start_1:
0x0: {  	(tag) =	ssettag $0x1  }
0x1: {  	s5 =	rddreg [dreg:$0x0]  }
0x2: {  	s1 =	rddreg [dreg:$0x1]  }
0x3: {  	s0 =	rddreg [dreg:$0x2]  }
0x4: {  	s2 =	simm.s32 $0x0;
	s6 =	srdreg.scid;
	s14 =	stileid.u32  }
0x5: {  	s22 =	simm.s32 $0x3600;
	s23 =	simm.s32 $0x2;
	s24 =	simm.s32 $0x3  }
0x6: {  	s25 =	simm.s32 $0x4;
	s26 =	simm.s32 $0x0;
	s13 =	sadd.s32 $0x480800, s5  }
0x7: {  	[smem:$0x7FF] =	sst s2;
	s3 =	sadd.s32 $0x44E800, s5;
	s11 =	sadd.s32 $0x2F800, s5  }
0x8: {  	s12 =	sadd.s32 $0x16C00, s5;
	s4 =	sadd.s32 $0xA400, s5;
	s15 =	sadd.s32 $0x4E4800, s5  }
0x9: {  	s8 =	sand.u32 $0x1, s6;
	s9 =	smul.u32 $0x19000, s14;
	s16 =	sadd.s32 $0x4B2800, s5  }
0xa: {  	s10 =	smul.u32 $0x18C0, s14;
	s30 =	sshll.u32 s14, $0x6;
	s19 =	sadd.s32 $0x190000, s1  }
0xb: {  	_ =	strace $0x8000004D;
	s6 =	ssub.s32 $0x2, s8;
	s5 =	sor.u32 $0x1C05, s30  }
0xc: {  	p0 =	seq.s32 s8, $0x0;
	s29 =	sshrl.u32 s6, $0x1;
	s18 =	sadd.s32 s9, s1  }
0xd: {  	s7 =	sadd.s32 s12, s10;
	s20 =	sshrl.u32 s9, $0x3;
	s31 =	sor.u32 $0x30, s10  }
0xe: {  	s21 =	sadd.s32 $0x60, s10;
	s3 =	smov.u32 @p0 s13;
	s16 =	smov.u32 @p0 s15  }
0xf: {  	p0 =	sne.s32 s14, $0x0;
	s15 =	simm.s32 $0x5;
	s17 =	ssub.s32 s6, s29  }
.Ltmp0:
0x10: {  	s6 =	sadd.s32 s11, s10;
	s9 =	sadd.s32 s11, s31;
	(pc) =	sbr.rel .LBB2_1-.Ltmp0, $4  }
0x11: {  	s10 =	sadd.s32 s12, s31;
	s11 =	sadd.s32 s11, s21;
	s12 =	sadd.s32 s12, s21  }
0x12: {  	s13 =	sadd.s32 s16, s20;
	s14 =	sshrl.u32 s18, $0x3;
	s16 =	sshrl.u32 @!p0 s19, $0x3  }
0x13: {  	s18 =	simm.s32 $0x180;
	s19 =	simm.s32 $0x600;
	s20 =	simm.s32 $0x1  }
0x14: {  	s21 =	simm.s32 $0x480;
	s8 =	smax.u32 s17, $0x1;
	s17 =	simm.s32 $0x300  }
.LBB2_4:
0x15: {  	_ =	swait.ge [sflag:s25], $0x3000  }
0x16: {  	s26 =	sadd.s32 $0x1, s26;
	[sflag:s25] =	ssyncset.done $0x0  }
0x17: {  	p1 =	sne.s32 s26, s8;
	[sflag:s25] =	ssyncadd.s32 $0xFFFFD000  }
.Ltmp1:
0x18: {  	[bflag:$0x0] =	sbarrier.arrive $0xFFFF;
	(pc) =	sbr.rel @!p1 .LBB2_5-.Ltmp1, $4  }
0x19: {  	[hbm:s13], [sflag:s5] =	dma.local [spmem:s14], $0x3200  }
0x1a: {  	_ =	swait.ge [sflag:s15], $0x3200  }
0x1b: {  	[sflag:s15] =	ssyncset.done $0x0  }
0x1c: {  	[sflag:s15] =	ssyncadd.s32 $0xFFFFCE00  }
.LBB2_1:
0x1d: {  	[spmem:s14], [sflag:s5] =	dma.local [hbm:s4], $0x3200  }
0x1e: {  	_ =	swait.ge [sflag:s15], $0x3200  }
0x1f: {  	[sflag:s15] =	ssyncset.done $0x0  }
0x20: {  	s28 =	simm.s32 @!p0 $0x5;
	[sflag:s15] =	ssyncadd.s32 $0xFFFFCE00  }
0x21: {  	[spmem:s16], [sflag:s5] =	dma.local @!p0 [hbm:s4], $0x40  }
0x22: {  	_ =	swait.ge @!p0 [sflag:s28], $0x40  }
0x23: {  	[sflag:s28] =	ssyncset.done @!p0 $0x0  }
0x24: {  	[sflag:s28] =	ssyncadd.s32 @!p0 $0xFFFFFFC0  }
0x25: {  	[bflag:$0x0] =	sbarrier.arrive $0xFFFF  }
0x26: {  	[tilespmem:s2], [sflag:$0x5] =	stream.linear.gather [hbm4b:s6+s2], $0x180, $0x38;
	[tilespmem:$0x1F620] =	vst v63  }
0x27: {  	_ =	swait.ge [sflag:s15], $0x180  }
0x28: {  	[sflag:s15] =	ssyncset.done $0x0  }
0x29: {  	[sflag:s15] =	ssyncadd.s32 $0xFFFFFE80  }
0x2a: {  	[tilespmem:s17], [sflag:$0x5] =	stream.linear.gather [hbm4b:s7+s2], $0x180, $0x38;
	[tilespmem:$0x1F620] =	vst v63  }
0x2b: {  	_ =	swait.ge [sflag:s15], $0x180  }
0x2c: {  	[sflag:s15] =	ssyncset.done $0x0  }
0x2d: {  	[sflag:s15] =	ssyncadd.s32 $0xFFFFFE80  }
0x2e: {  	[tilespmem:s19], [sflag:$0x1] =	stream.indirect.gather [hbm4b:s3+s18], $0x20, s2, s18, $0xb8;
	[tilespmem:$0x1F620] =	vst v63  }
0x2f: {  	_ =	swait.ge [sflag:s20], $0x3000  }
0x30: {  	[sflag:s20] =	ssyncset.done $0x0  }
0x31: {  	[sflag:s20] =	ssyncadd.s32 $0xFFFFD000  }
0x32: {  	[spmem:s1] =	stream.indirect.scatter.add.f32 [tilespmem:s19], [sflag:$0x3], $0x20, s17, s18, $0xb8;
	[tilespmem:$0x1F620] =	vst v63  }
0x33: {  	_ = 	snop  }
0x34: {  	[tilespmem:s18], [sflag:$0x5] =	stream.linear.gather [hbm4b:s9+s2], $0x180, $0x38;
	[tilespmem:$0x1F620] =	vst v63  }
0x35: {  	_ =	swait.ge [sflag:s15], $0x180  }
0x36: {  	[sflag:s15] =	ssyncset.done $0x0  }
0x37: {  	[sflag:s15] =	ssyncadd.s32 $0xFFFFFE80  }
0x38: {  	[tilespmem:s21], [sflag:$0x5] =	stream.linear.gather [hbm4b:s10+s2], $0x180, $0x38;
	[tilespmem:$0x1F620] =	vst v63  }
0x39: {  	_ =	swait.ge [sflag:s15], $0x180  }
0x3a: {  	[sflag:s15] =	ssyncset.done $0x0  }
0x3b: {  	[sflag:s15] =	ssyncadd.s32 $0xFFFFFE80  }
0x3c: {  	[tilespmem:s22], [sflag:$0x2] =	stream.indirect.gather [hbm4b:s3+s18], $0x20, s18, s18, $0xb8;
	[tilespmem:$0x1F620] =	vst v63  }
0x3d: {  	_ =	swait.ge [sflag:s23], $0x3000  }
0x3e: {  	[sflag:s23] =	ssyncset.done $0x0  }
0x3f: {  	[sflag:s23] =	ssyncadd.s32 $0xFFFFD000  }
0x40: {  	[spmem:s1] =	stream.indirect.scatter.add.f32 [tilespmem:s22], [sflag:$0x4], $0x20, s21, s18, $0xb8;
	[tilespmem:$0x1F620] =	vst v63  }
0x41: {  	_ =	swait.ge [sflag:s24], $0x3000  }
0x42: {  	[sflag:s24] =	ssyncset.done $0x0  }
0x43: {  	[sflag:s24] =	ssyncadd.s32 $0xFFFFD000  }
0x44: {  	[tilespmem:s2], [sflag:$0x5] =	stream.linear.gather [hbm4b:s11+s2], $0x180, $0x38;
	[tilespmem:$0x1F620] =	vst v63  }
0x45: {  	_ =	swait.ge [sflag:s15], $0x180  }
0x46: {  	[sflag:s15] =	ssyncset.done $0x0  }
0x47: {  	[sflag:s15] =	ssyncadd.s32 $0xFFFFFE80  }
0x48: {  	[tilespmem:s17], [sflag:$0x5] =	stream.linear.gather [hbm4b:s12+s2], $0x180, $0x38;
	[tilespmem:$0x1F620] =	vst v63  }
0x49: {  	_ =	swait.ge [sflag:s15], $0x180  }
0x4a: {  	[sflag:s15] =	ssyncset.done $0x0  }
0x4b: {  	s28 =	simm.s32 $0xFFFFE800;
	[sflag:s15] =	ssyncadd.s32 $0xFFFFFE80  }
0x4c: {  	[tilespmem:s19], [sflag:$0x1] =	stream.indirect.gather [hbm4b:s3+s18], $0x20, s2, s18, $0xb8;
	[tilespmem:$0x1F620] =	vst v63  }
.LBB2_2:
0x4d: {  	_ =	swait.ge [sflag:s20], $0x3000  }
0x4e: {  	[sflag:s20] =	ssyncset.done $0x0  }
0x4f: {  	[sflag:s20] =	ssyncadd.s32 $0xFFFFD000  }
0x50: {  	[spmem:s1] =	stream.indirect.scatter.add.f32 [tilespmem:s19], [sflag:$0x3], $0x20, s17, s18, $0xb8;
	[tilespmem:$0x1F620] =	vst v63  }
0x51: {  	_ =	swait.ge [sflag:s25], $0x3000  }
0x52: {  	s29 =	sadd.s32 s28, s6;
	[sflag:s25] =	ssyncset.done $0x0  }
0x53: {  	s30 =	sadd.s32 $0x1890, s29;
	[sflag:s25] =	ssyncadd.s32 $0xFFFFD000  }
0x54: {  	[tilespmem:s18], [sflag:$0x5] =	stream.linear.gather [hbm4b:s30+s2], $0x180, $0x38;
	[tilespmem:$0x1F620] =	vst v63  }
0x55: {  	_ =	swait.ge [sflag:s15], $0x180  }
0x56: {  	s30 =	sadd.s32 s28, s7;
	[sflag:s15] =	ssyncset.done $0x0  }
0x57: {  	s31 =	sadd.s32 $0x1890, s30;
	[sflag:s15] =	ssyncadd.s32 $0xFFFFFE80  }
0x58: {  	[tilespmem:s21], [sflag:$0x5] =	stream.linear.gather [hbm4b:s31+s2], $0x180, $0x38;
	[tilespmem:$0x1F620] =	vst v63  }
0x59: {  	_ =	swait.ge [sflag:s15], $0x180  }
0x5a: {  	[sflag:s15] =	ssyncset.done $0x0  }
0x5b: {  	[sflag:s15] =	ssyncadd.s32 $0xFFFFFE80  }
0x5c: {  	[tilespmem:s22], [sflag:$0x2] =	stream.indirect.gather [hbm4b:s3+s18], $0x20, s18, s18, $0xb8;
	[tilespmem:$0x1F620] =	vst v63  }
0x5d: {  	_ =	swait.ge [sflag:s23], $0x3000  }
0x5e: {  	p1 =	seq.s32 s28, $0x0;
	[sflag:s23] =	ssyncset.done $0x0  }
.Ltmp2:
0x5f: {  	[sflag:s23] =	ssyncadd.s32 $0xFFFFD000;
	(pc) =	sbr.rel @p1 .LBB2_4-.Ltmp2, $4  }
0x60: {  	[spmem:s1] =	stream.indirect.scatter.add.f32 [tilespmem:s22], [sflag:$0x4], $0x20, s21, s18, $0xb8;
	[tilespmem:$0x1F620] =	vst v63  }
0x61: {  	_ =	swait.ge [sflag:s24], $0x3000  }
0x62: {  	[sflag:s24] =	ssyncset.done $0x0  }
0x63: {  	[sflag:s24] =	ssyncadd.s32 $0xFFFFD000  }
0x64: {  	s29 =	sadd.s32 $0x18C0, s29  }
0x65: {  	[tilespmem:s2], [sflag:$0x5] =	stream.linear.gather [hbm4b:s29+s2], $0x180, $0x38;
	[tilespmem:$0x1F620] =	vst v63  }
0x66: {  	_ =	swait.ge [sflag:s15], $0x180  }
0x67: {  	[sflag:s15] =	ssyncset.done $0x0  }
0x68: {  	s31 =	sadd.s32 $0x18C0, s30;
	[sflag:s15] =	ssyncadd.s32 $0xFFFFFE80  }
0x69: {  	[tilespmem:s17], [sflag:$0x5] =	stream.linear.gather [hbm4b:s31+s2], $0x180, $0x38;
	[tilespmem:$0x1F620] =	vst v63  }
.Ltmp3:
0x6a: {  	_ = 	snop;
	(pc) =	sbr.rel .LBB2_2-.Ltmp3, $4  }
0x6b: {  	_ =	swait.ge [sflag:s15], $0x180  }
0x6c: {  	[sflag:s15] =	ssyncset.done $0x0  }
0x6d: {  	s28 =	sadd.s32 $0x60, s28;
	[sflag:s15] =	ssyncadd.s32 $0xFFFFFE80  }
0x6e: {  	[tilespmem:s19], [sflag:$0x1] =	stream.indirect.gather [hbm4b:s3+s18], $0x20, s2, s18, $0xb8;
	[tilespmem:$0x1F620] =	vst v63  }
.LBB2_5:
0x6f: {  	_ =	sfence.sel $0x180000  }
0x70: {  	[bflag:$0x0] =	sbarrier.arrive $0xFFFF  }
0x71: {  	_ =	strace $0x9000004D  }
0x72: {  	s0 =	sadd.s32 @!p0 $0x100000, s0;
	[bflag:$0x2] =	sbarrier.arrive $0xFFFF  }
0x73: {  	[sflag:s0] =	ssyncadd.tile.s32 @!p0 $0x1;
	_ =	shalt  }
.Lfunc_end2:
_tile_overlayer_lowered:
.L_overlay_start_2:
0x74: {  	(tag) =	ssettag $0x2  }
0x75: {  	s0 =	rddreg [dreg:$0x0];
	s2 =	stileid.u32  }
0x76: {  	s1 =	rddreg [dreg:$0x1];
	p0 =	sne.s32 s2, $0x0  }
0x77: {  	s3 =	rddreg [dreg:$0x2];
	[bflag:$0x3] =	sbarrier.arrive $0xFFFF;
	s2 =	simm.s32 @!p0 $0x1C05  }
0x78: {  	[timem:s3], [sflag:s2] =	dma.local @!p0 [hbm:s0], s1  }
0x79: {  	s0 =	simm.s32 @!p0 $0x5  }
0x7a: {  	_ =	swait.ge @!p0 [sflag:s0], s1  }
0x7b: {  	s1 =	ssub.s32 @!p0 $0x0, s1;
	[sflag:s0] =	ssyncset.done @!p0 $0x0  }
0x7c: {  	[sflag:s0] =	ssyncadd.s32 @!p0 s1  }
0x7d: {  	[bflag:$0x3] =	sbarrier.arrive $0xFFFF  }
0x7e: {  	_ =	shalt  }

// kernel: kernel.23.cloned.1.call-start
scs
__scs_entry_jumppad:
0x0: {  	(pc) =	sbr.rel $0x88, $3  }
0x1: {  	(tag) =	ssettag $0x0;
	lr =	simm.s32 $0x1  }
0x2: {  	[smem:$0x3F91] =	sst lr;
	_ =	strace $0xD0000000  }
0x3: {  	_ = 	snop  }
0x4: {  	_ = 	snop  }
0x5: {  	_ = 	snop  }
0x6: {  	_ = 	snop  }
0x7: {  	_ = 	snop  }
__scs_overlays_trampoline_lowered:
0x8: {  	[smem:$0x3FA0] =	sst s0  }
0x9: {  	[smem:$0x3FA1] =	sst s1  }
0xa: {  	[smem:$0x3FA2] =	sst s2  }
0xb: {  	[smem:$0x3FA3] =	sst s3  }
0xc: {  	[smem:$0x3FA4] =	sst s4  }
0xd: {  	[smem:$0x3FA5] =	sst s5  }
0xe: {  	[smem:$0x3FA6] =	sst s6  }
0xf: {  	[smem:$0x3FA7] =	sst s7  }
0x10: {  	[smem:$0x3FA8] =	sst s8  }
0x11: {  	[smem:$0x3FA9] =	sst s9;
	s0 =	simm.s32 @!p0 $0x0  }
0x12: {  	s1 =	sld [smem:$0x3F8F];
	s0 =	simm.s32 @p0 $0x1  }
0x13: {  	[smem:$0x3FAA] =	sst s0;
	s0 =	simm.s32 @!p1 $0x0  }
0x14: {  	s2 =	sld [smem:$0x3F8E];
	s0 =	simm.s32 @p1 $0x1  }
0x15: {  	[smem:$0x3FAB] =	sst s0;
	s0 =	simm.s32 @!p2 $0x0  }
0x16: {  	s3 =	sld [smem:$0x3FDB];
	s0 =	simm.s32 @p2 $0x1  }
0x17: {  	s4 =	simm.s32 $0x1BF5;
	[smem:$0x3FAD] =	sst s0  }
0x18: {  	s0 =	sld [smem:$0x3F90];
	_ =	swait.ge [sflag:s4], $0x0  }
0x19: {  	s7 =	sld [smem:$0x3F91]  }
0x1a: {  	s8 =	sadd.s32 $0xFFFFE003, lr  }
0x1b: {  	s9 =	sadd.s32 $0xFFFFFEF7, lr;
	s5 =	simm.s32 $0xFFFFFFFF;
	p2 =	slt.u32 s8, $0xFFFFF086  }
0x1c: {  	p1 =	slt.u32 s9, $0xF7A;
	s5 =	simm.s32 @!p2 $0x0  }
0x1d: {  	s5 =	simm.s32 @p1 $0x1;
	p0 =	seq.s32 s7, s2  }
0x1e: {  	s7 =	smul.u32 @!p0 $0xF7A, s2;
	p2 =	seq.s32 @!p0 s5, $0x0  }
0x1f: {  	s9 =	smul.u32 $0xF7A, s1;
	s8 =	simm.s32 @!p0 $0x1BF5;
	p2 =	por !p2, p0  }
0x20: {  	[sflag:s8] =	ssyncset.s32 @!p0 $0xFFFFF086;
	s6 =	sadd.s32 @!p0 s3, s7;
	s7 =	simm.s32 @!p0 $0x108  }
0x21: {  	s3 =	sadd.s32 s3, s9;
	s6 =	sadd.s32 @!p0 $0x88, s6;
	s7 =	simm.s32 @p2 $0x1082  }
0x22: {  	[simem:s7], [sflag:s8] =	dma.local @!p0 [hbm:s6], $0xF7A  }
0x23: {  	s9 =	sor.u32 $0xD0000000, s2;
	s6 =	simm.s32 $0x108;
	_ =	swait.ge @!p0 [sflag:s8], $0x0  }
0x24: {  	s3 =	sadd.s32 $0x88, s3;
	s6 =	simm.s32 @!p1 $0x1082;
	[sflag:s4] =	ssyncset.s32 $0xFFFFF086  }
0x25: {  	[simem:s6], [sflag:s4] =	dma.local [hbm:s3], $0xF7A  }
0x26: {  	[smem:$0x3F91] =	sst s1;
	(tag) =	ssettag s2;
	_ =	strace s9  }
0x27: {  	s1 =	sld [smem:$0x3FA1]  }
0x28: {  	s2 =	sld [smem:$0x3FA2]  }
0x29: {  	s4 =	sld [smem:$0x3FA4]  }
0x2a: {  	p0 =	seq.s32 s5, $0x0;
	s5 =	sld [smem:$0x3FA5]  }
0x2b: {  	s6 =	sld [smem:$0x3FA6]  }
0x2c: {  	s7 =	sld [smem:$0x3FA7]  }
0x2d: {  	s3 =	simm.s32 $0x108;
	s8 =	sld [smem:$0x3FA8]  }
0x2e: {  	s3 =	simm.s32 @!p0 $0x1082;
	s9 =	sld [smem:$0x3FA9]  }
0x2f: {  	lr =	sadd.s32 s0, s3;
	s0 =	sld [smem:$0x3FA0]  }
0x30: {  	s3 =	sld [smem:$0x3FA3]  }
0x31: {  	[smem:$0x3FAC] =	sst s10  }
0x32: {  	s10 =	sld [smem:$0x3FAA];
	_ =	sdelay $0x3  }
0x33: {  	p0 =	seq.s32 s10, $0x1;
	s10 =	sld [smem:$0x3FAC];
	_ =	sdelay $0x3  }
0x34: {  	[smem:$0x3FAC] =	sst s10  }
0x35: {  	s10 =	sld [smem:$0x3FAB];
	_ =	sdelay $0x3  }
0x36: {  	p1 =	seq.s32 s10, $0x1;
	s10 =	sld [smem:$0x3FAC];
	_ =	sdelay $0x3  }
0x37: {  	[smem:$0x3FAC] =	sst s10  }
0x38: {  	s10 =	sld [smem:$0x3FAD]  }
0x39: {  	_ = 	snop;
	(pc) =	sbr.ind lr, $3  }
0x3a: {  	_ = 	snop  }
0x3b: {  	_ = 	snop  }
0x3c: {  	p2 =	seq.s32 s10, $0x1;
	s10 =	sld [smem:$0x3FAC]  }
0x3d: {  	_ =	shalt  }
0x3e: {  	_ =	shalt  }
0x3f: {  	_ =	shalt  }
0x40: {  	_ =	shalt  }
0x41: {  	_ =	shalt  }
0x42: {  	_ =	shalt  }
0x43: {  	_ =	shalt  }
0x44: {  	_ =	shalt  }
0x45: {  	_ =	shalt  }
0x46: {  	_ =	shalt  }
0x47: {  	_ =	shalt  }
0x48: {  	_ =	shalt  }
0x49: {  	_ =	shalt  }
0x4a: {  	_ =	shalt  }
0x4b: {  	_ =	shalt  }
0x4c: {  	_ =	shalt  }
0x4d: {  	_ =	shalt  }
0x4e: {  	_ =	shalt  }
0x4f: {  	_ =	shalt  }
0x50: {  	_ =	shalt  }
0x51: {  	_ =	shalt  }
0x52: {  	_ =	shalt  }
0x53: {  	_ =	shalt  }
0x54: {  	_ =	shalt  }
0x55: {  	_ =	shalt  }
0x56: {  	_ =	shalt  }
0x57: {  	_ =	shalt  }
0x58: {  	_ =	shalt  }
0x59: {  	_ =	shalt  }
0x5a: {  	_ =	shalt  }
0x5b: {  	_ =	shalt  }
0x5c: {  	_ =	shalt  }
0x5d: {  	_ =	shalt  }
0x5e: {  	_ =	shalt  }
0x5f: {  	_ =	shalt  }
0x60: {  	_ =	shalt  }
0x61: {  	_ =	shalt  }
0x62: {  	_ =	shalt  }
0x63: {  	_ =	shalt  }
0x64: {  	_ =	shalt  }
0x65: {  	_ =	shalt  }
0x66: {  	_ =	shalt  }
0x67: {  	_ =	shalt  }
0x68: {  	_ =	shalt  }
0x69: {  	_ =	shalt  }
0x6a: {  	_ =	shalt  }
0x6b: {  	_ =	shalt  }
0x6c: {  	_ =	shalt  }
0x6d: {  	_ =	shalt  }
0x6e: {  	_ =	shalt  }
0x6f: {  	_ =	shalt  }
0x70: {  	_ =	shalt  }
0x71: {  	_ =	shalt  }
0x72: {  	_ =	shalt  }
0x73: {  	_ =	shalt  }
0x74: {  	_ =	shalt  }
0x75: {  	_ =	shalt  }
0x76: {  	_ =	shalt  }
0x77: {  	_ =	shalt  }
0x78: {  	_ =	shalt  }
0x79: {  	_ =	shalt  }
0x7a: {  	_ =	shalt  }
0x7b: {  	_ =	shalt  }
0x7c: {  	_ =	shalt  }
0x7d: {  	_ =	shalt  }
0x7e: {  	_ =	shalt  }
0x7f: {  	_ =	shalt  }
0x80: {  	_ =	shalt  }
0x81: {  	_ =	shalt  }
0x82: {  	_ =	shalt  }
0x83: {  	_ =	shalt  }
0x84: {  	_ =	shalt  }
0x85: {  	_ =	shalt  }
0x86: {  	_ =	shalt  }
0x87: {  	_ =	shalt  }
.Lfunc_end0:
.L_simem_size_0:
called_computation.3_lowered:
.L_overlay_start_0:
0x88: {  	s2 =	sld [smem:$0x3FD9]  }
0x89: {  	s3 =	sld [smem:$0x3FFE];
	_ =	sdelay $0x1  }
0x8a: {  	s1 =	srdreg.scid  }
0x8b: {  	s0 =	sand.u32 $0x1, s1  }
0x8c: {  	s16 =	sshll.u32 s0, $0xA;
	s2 =	sadd.s32 s3, s2  }
0x8d: {  	s2 =	sadd.s32 s2, s16  }
0x8e: {  	[smem:$0x3FB8] =	sst s2  }
0x8f: {  	_ = 	snop  }
0x90: {  	(tm) =	ssettm $0x1  }
0x91: {  	s17 =	sld [smem:$0x3FFB];
	_ =	sdelay $0x3  }
0x92: {  	_ =	strace s17  }
0x93: {  	s2 =	sld [smem:$0x3FFC];
	_ =	sdelay $0x3  }
0x94: {  	_ =	strace s2  }
0x95: {  	s2 =	sld [smem:$0x3FFD];
	_ =	sdelay $0x3  }
0x96: {  	_ =	strace s2  }
0x97: {  	_ =	strace $0x8FFFFFFF  }
0x98: {  	s18 =	sld [smem:$0x3FDB];
	_ =	sdelay $0x1  }
0x99: {  	s19 =	simm.s32 $_scs_section_size  }
0x9a: {  	s4 =	simm.s32 $_size__tile_overlayer_lowered;
	s5 =	simm.s32 $_tile_overlayer_lowered  }
0x9b: {  	s22 =	simm.s32 $0x1BFF;
	s21 =	sshll.u32 s5, $0x1;
	s2 =	sadd.s32 s19, s18  }
0x9c: {  	s6 =	simm.s32 $0x0;
	s20 =	sshll.u32 s4, $0x1;
	s4 =	sadd.s32 s21, s2  }
0x9d: {  	[timem:s6], [sflag:s22] =	dma.local [hbm:s4], s20  }
0x9e: {  	_ =	swait.ge [sflag:s22], s20  }
0x9f: {  	s3 =	ssub.s32 $0x0, s20;
	[sflag:s22] =	ssyncset.done $0x0  }
0xa0: {  	[sflag:s22] =	ssyncadd.s32 s3;
	_ =	sdelay $0x1  }
0xa1: {  	s23 =	simm.s32 $0x1B8B  }
0xa2: {  	_ =	swait.ge [sflag:s23], $0x1  }
0xa3: {  	[sflag:s23] =	ssyncset.done $0x0  }
0xa4: {  	s25 =	simm.s32 $0x1B8E;
	s24 =	sld [smem:$0x3FFE];
	[sflag:s23] =	ssyncadd.s32 $0xFFFFFFFF  }
0xa5: {  	s26 =	simm.s32 $execute0_lowered;
	[smem:$0x3FD2] =	sst s25  }
0xa6: {  	s4 =	sshll.u32 s26, $0x1;
	_ =	strace $0x8000004F;
	[dreg:$0x1] =	wrdreg $0xFFFFFFFF  }
0xa7: {  	s28 =	simm.s32 $_size_execute0_lowered;
	s2 =	sadd.s32 s2, s4;
	[dreg:$0x0] =	wrdreg $0x0  }
0xa8: {  	s4 =	sshll.u32 s28, $0x1;
	[dreg:$0x2] =	wrdreg s2  }
0xa9: {  	[dreg:$0x3] =	wrdreg s4  }
0xaa: {  	[dreg:$0x4] =	wrdreg $0xC0  }
0xab: {  	_ =	task [dreg:s6], $0x5FFFF  }
0xac: {  	[dreg:$0x1] =	wrdreg $0xFFFFFFFF  }
0xad: {  	[dreg:$0x0] =	wrdreg $0x60  }
0xae: {  	[dreg:$0x2] =	wrdreg s24  }
0xaf: {  	[dreg:$0x3] =	wrdreg $0x66000  }
0xb0: {  	[dreg:$0x4] =	wrdreg $0x9  }
0xb1: {  	_ =	task.clear_ibuf [dreg:s6], $0x5FFFF;
	_ =	strace $0x9000004F  }
0xb2: {  	s29 =	simm.s32 $0x9;
	_ =	strace $0x80000051  }
0xb3: {  	_ =	swait.ge [sflag:s29], $0x1  }
0xb4: {  	[sflag:s29] =	ssyncadd.s32 $0xFFFFFFFF  }
0xb5: {  	_ =	strace $0x90000051  }
0xb6: {  	_ =	sfence  }
0xb7: {  	s30 =	sld [smem:$0x0];
	_ =	sdelay $0x2  }
0xb8: {  	s31 =	sshll.u32 s1, $0xD;
	s1 =	sshrl.u32 s1, $0x2  }
0xb9: {  	s3 =	sand.u32 $0x4000, s31;
	s1 =	sadd.s32 s1, s30  }
0xba: {  	s0 =	sor.u32 s3, s0;
	s1 =	sshll.u32 s1, $0x11  }
0xbb: {  	s0 =	sor.u32 s1, s0  }
0xbc: {  	s0 =	sadd.s32 $0x8F2B, s0  }
0xbd: {  	[sflag:s0] =	ssyncadd.remote.s32 $0x1  }
0xbe: {  	_ =	sfence.sel $0xFFFF  }
0xbf: {  	[dreg:$0x0] =	wrdreg $0xFFFFFFFF;
	(pc) =	sbr.abs _section_cstart, $3  }
0xc0: {  	[dreg:$0x1] =	wrdreg $0xFFFFFFFF  }
0xc1: {  	_ =	task.clear_ibuf [dreg:s6], $0x2FFFF;
	_ =	strace $0x9FFFFFFF  }
0xc2: {  	(tm) =	ssettm $0x7FFFFFFF  }
0xc3: {  	_ =	shalt  }
tec
execute0_lowered:
.L_overlay_start_1:
0x0: {  	(tag) =	ssettag $0x1  }
0x1: {  	s5 =	rddreg [dreg:$0x0]  }
0x2: {  	s1 =	rddreg [dreg:$0x1]  }
0x3: {  	s0 =	rddreg [dreg:$0x2]  }
0x4: {  	s2 =	simm.s32 $0x0;
	s6 =	srdreg.scid;
	s14 =	stileid.u32  }
0x5: {  	s22 =	simm.s32 $0x3600;
	s23 =	simm.s32 $0x2;
	s24 =	simm.s32 $0x3  }
0x6: {  	s25 =	simm.s32 $0x4;
	s26 =	simm.s32 $0x0;
	s13 =	sadd.s32 $0x160800, s5  }
0x7: {  	[smem:$0x7FF] =	sst s2;
	s3 =	sadd.s32 $0x12E800, s5;
	s11 =	sadd.s32 $0x2F800, s5  }
0x8: {  	s12 =	sadd.s32 $0x16C00, s5;
	s4 =	sadd.s32 $0xA400, s5;
	s15 =	sadd.s32 $0x1C4800, s5  }
0x9: {  	s8 =	sand.u32 $0x1, s6;
	s9 =	smul.u32 $0x19000, s14;
	s16 =	sadd.s32 $0x192800, s5  }
0xa: {  	s10 =	smul.u32 $0x18C0, s14;
	s30 =	sshll.u32 s14, $0x6;
	s19 =	sadd.s32 $0x190000, s1  }
0xb: {  	_ =	strace $0x80000050;
	s6 =	ssub.s32 $0x2, s8;
	s5 =	sor.u32 $0x1C05, s30  }
0xc: {  	p0 =	seq.s32 s8, $0x0;
	s29 =	sshrl.u32 s6, $0x1;
	s18 =	sadd.s32 s9, s1  }
0xd: {  	s7 =	sadd.s32 s12, s10;
	s20 =	sshrl.u32 s9, $0x3;
	s31 =	sor.u32 $0x30, s10  }
0xe: {  	s21 =	sadd.s32 $0x60, s10;
	s3 =	smov.u32 @p0 s13;
	s16 =	smov.u32 @p0 s15  }
0xf: {  	p0 =	sne.s32 s14, $0x0;
	s15 =	simm.s32 $0x5;
	s17 =	ssub.s32 s6, s29  }
.Ltmp0:
0x10: {  	s6 =	sadd.s32 s11, s10;
	s9 =	sadd.s32 s11, s31;
	(pc) =	sbr.rel .LBB2_1-.Ltmp0, $4  }
0x11: {  	s10 =	sadd.s32 s12, s31;
	s11 =	sadd.s32 s11, s21;
	s12 =	sadd.s32 s12, s21  }
0x12: {  	s13 =	sadd.s32 s16, s20;
	s14 =	sshrl.u32 s18, $0x3;
	s16 =	sshrl.u32 @!p0 s19, $0x3  }
0x13: {  	s18 =	simm.s32 $0x180;
	s19 =	simm.s32 $0x600;
	s20 =	simm.s32 $0x1  }
0x14: {  	s21 =	simm.s32 $0x480;
	s8 =	smax.u32 s17, $0x1;
	s17 =	simm.s32 $0x300  }
.LBB2_4:
0x15: {  	_ =	swait.ge [sflag:s25], $0x3000  }
0x16: {  	s26 =	sadd.s32 $0x1, s26;
	[sflag:s25] =	ssyncset.done $0x0  }
0x17: {  	p1 =	sne.s32 s26, s8;
	[sflag:s25] =	ssyncadd.s32 $0xFFFFD000  }
.Ltmp1:
0x18: {  	[bflag:$0x0] =	sbarrier.arrive $0xFFFF;
	(pc) =	sbr.rel @!p1 .LBB2_5-.Ltmp1, $4  }
0x19: {  	[hbm:s13], [sflag:s5] =	dma.local [spmem:s14], $0x3200  }
0x1a: {  	_ =	swait.ge [sflag:s15], $0x3200  }
0x1b: {  	[sflag:s15] =	ssyncset.done $0x0  }
0x1c: {  	[sflag:s15] =	ssyncadd.s32 $0xFFFFCE00  }
.LBB2_1:
0x1d: {  	[spmem:s14], [sflag:s5] =	dma.local [hbm:s4], $0x3200  }
0x1e: {  	_ =	swait.ge [sflag:s15], $0x3200  }
0x1f: {  	[sflag:s15] =	ssyncset.done $0x0  }
0x20: {  	s28 =	simm.s32 @!p0 $0x5;
	[sflag:s15] =	ssyncadd.s32 $0xFFFFCE00  }
0x21: {  	[spmem:s16], [sflag:s5] =	dma.local @!p0 [hbm:s4], $0x40  }
0x22: {  	_ =	swait.ge @!p0 [sflag:s28], $0x40  }
0x23: {  	[sflag:s28] =	ssyncset.done @!p0 $0x0  }
0x24: {  	[sflag:s28] =	ssyncadd.s32 @!p0 $0xFFFFFFC0  }
0x25: {  	[bflag:$0x0] =	sbarrier.arrive $0xFFFF  }
0x26: {  	[tilespmem:s2], [sflag:$0x5] =	stream.linear.gather [hbm4b:s6+s2], $0x180, $0x38;
	[tilespmem:$0x1F620] =	vst v63  }
0x27: {  	_ =	swait.ge [sflag:s15], $0x180  }
0x28: {  	[sflag:s15] =	ssyncset.done $0x0  }
0x29: {  	[sflag:s15] =	ssyncadd.s32 $0xFFFFFE80  }
0x2a: {  	[tilespmem:s17], [sflag:$0x5] =	stream.linear.gather [hbm4b:s7+s2], $0x180, $0x38;
	[tilespmem:$0x1F620] =	vst v63  }
0x2b: {  	_ =	swait.ge [sflag:s15], $0x180  }
0x2c: {  	[sflag:s15] =	ssyncset.done $0x0  }
0x2d: {  	[sflag:s15] =	ssyncadd.s32 $0xFFFFFE80  }
0x2e: {  	[tilespmem:s19], [sflag:$0x1] =	stream.indirect.gather [hbm4b:s3+s18], $0x20, s2, s18, $0xb8;
	[tilespmem:$0x1F620] =	vst v63  }
0x2f: {  	_ =	swait.ge [sflag:s20], $0x3000  }
0x30: {  	[sflag:s20] =	ssyncset.done $0x0  }
0x31: {  	[sflag:s20] =	ssyncadd.s32 $0xFFFFD000  }
0x32: {  	[spmem:s1] =	stream.indirect.scatter.add.f32 [tilespmem:s19], [sflag:$0x3], $0x20, s17, s18, $0xb8;
	[tilespmem:$0x1F620] =	vst v63  }
0x33: {  	_ = 	snop  }
0x34: {  	[tilespmem:s18], [sflag:$0x5] =	stream.linear.gather [hbm4b:s9+s2], $0x180, $0x38;
	[tilespmem:$0x1F620] =	vst v63  }
0x35: {  	_ =	swait.ge [sflag:s15], $0x180  }
0x36: {  	[sflag:s15] =	ssyncset.done $0x0  }
0x37: {  	[sflag:s15] =	ssyncadd.s32 $0xFFFFFE80  }
0x38: {  	[tilespmem:s21], [sflag:$0x5] =	stream.linear.gather [hbm4b:s10+s2], $0x180, $0x38;
	[tilespmem:$0x1F620] =	vst v63  }
0x39: {  	_ =	swait.ge [sflag:s15], $0x180  }
0x3a: {  	[sflag:s15] =	ssyncset.done $0x0  }
0x3b: {  	[sflag:s15] =	ssyncadd.s32 $0xFFFFFE80  }
0x3c: {  	[tilespmem:s22], [sflag:$0x2] =	stream.indirect.gather [hbm4b:s3+s18], $0x20, s18, s18, $0xb8;
	[tilespmem:$0x1F620] =	vst v63  }
0x3d: {  	_ =	swait.ge [sflag:s23], $0x3000  }
0x3e: {  	[sflag:s23] =	ssyncset.done $0x0  }
0x3f: {  	[sflag:s23] =	ssyncadd.s32 $0xFFFFD000  }
0x40: {  	[spmem:s1] =	stream.indirect.scatter.add.f32 [tilespmem:s22], [sflag:$0x4], $0x20, s21, s18, $0xb8;
	[tilespmem:$0x1F620] =	vst v63  }
0x41: {  	_ =	swait.ge [sflag:s24], $0x3000  }
0x42: {  	[sflag:s24] =	ssyncset.done $0x0  }
0x43: {  	[sflag:s24] =	ssyncadd.s32 $0xFFFFD000  }
0x44: {  	[tilespmem:s2], [sflag:$0x5] =	stream.linear.gather [hbm4b:s11+s2], $0x180, $0x38;
	[tilespmem:$0x1F620] =	vst v63  }
0x45: {  	_ =	swait.ge [sflag:s15], $0x180  }
0x46: {  	[sflag:s15] =	ssyncset.done $0x0  }
0x47: {  	[sflag:s15] =	ssyncadd.s32 $0xFFFFFE80  }
0x48: {  	[tilespmem:s17], [sflag:$0x5] =	stream.linear.gather [hbm4b:s12+s2], $0x180, $0x38;
	[tilespmem:$0x1F620] =	vst v63  }
0x49: {  	_ =	swait.ge [sflag:s15], $0x180  }
0x4a: {  	[sflag:s15] =	ssyncset.done $0x0  }
0x4b: {  	s28 =	simm.s32 $0xFFFFE800;
	[sflag:s15] =	ssyncadd.s32 $0xFFFFFE80  }
0x4c: {  	[tilespmem:s19], [sflag:$0x1] =	stream.indirect.gather [hbm4b:s3+s18], $0x20, s2, s18, $0xb8;
	[tilespmem:$0x1F620] =	vst v63  }
.LBB2_2:
0x4d: {  	_ =	swait.ge [sflag:s20], $0x3000  }
0x4e: {  	[sflag:s20] =	ssyncset.done $0x0  }
0x4f: {  	[sflag:s20] =	ssyncadd.s32 $0xFFFFD000  }
0x50: {  	[spmem:s1] =	stream.indirect.scatter.add.f32 [tilespmem:s19], [sflag:$0x3], $0x20, s17, s18, $0xb8;
	[tilespmem:$0x1F620] =	vst v63  }
0x51: {  	_ =	swait.ge [sflag:s25], $0x3000  }
0x52: {  	s29 =	sadd.s32 s28, s6;
	[sflag:s25] =	ssyncset.done $0x0  }
0x53: {  	s30 =	sadd.s32 $0x1890, s29;
	[sflag:s25] =	ssyncadd.s32 $0xFFFFD000  }
0x54: {  	[tilespmem:s18], [sflag:$0x5] =	stream.linear.gather [hbm4b:s30+s2], $0x180, $0x38;
	[tilespmem:$0x1F620] =	vst v63  }
0x55: {  	_ =	swait.ge [sflag:s15], $0x180  }
0x56: {  	s30 =	sadd.s32 s28, s7;
	[sflag:s15] =	ssyncset.done $0x0  }
0x57: {  	s31 =	sadd.s32 $0x1890, s30;
	[sflag:s15] =	ssyncadd.s32 $0xFFFFFE80  }
0x58: {  	[tilespmem:s21], [sflag:$0x5] =	stream.linear.gather [hbm4b:s31+s2], $0x180, $0x38;
	[tilespmem:$0x1F620] =	vst v63  }
0x59: {  	_ =	swait.ge [sflag:s15], $0x180  }
0x5a: {  	[sflag:s15] =	ssyncset.done $0x0  }
0x5b: {  	[sflag:s15] =	ssyncadd.s32 $0xFFFFFE80  }
0x5c: {  	[tilespmem:s22], [sflag:$0x2] =	stream.indirect.gather [hbm4b:s3+s18], $0x20, s18, s18, $0xb8;
	[tilespmem:$0x1F620] =	vst v63  }
0x5d: {  	_ =	swait.ge [sflag:s23], $0x3000  }
0x5e: {  	p1 =	seq.s32 s28, $0x0;
	[sflag:s23] =	ssyncset.done $0x0  }
.Ltmp2:
0x5f: {  	[sflag:s23] =	ssyncadd.s32 $0xFFFFD000;
	(pc) =	sbr.rel @p1 .LBB2_4-.Ltmp2, $4  }
0x60: {  	[spmem:s1] =	stream.indirect.scatter.add.f32 [tilespmem:s22], [sflag:$0x4], $0x20, s21, s18, $0xb8;
	[tilespmem:$0x1F620] =	vst v63  }
0x61: {  	_ =	swait.ge [sflag:s24], $0x3000  }
0x62: {  	[sflag:s24] =	ssyncset.done $0x0  }
0x63: {  	[sflag:s24] =	ssyncadd.s32 $0xFFFFD000  }
0x64: {  	s29 =	sadd.s32 $0x18C0, s29  }
0x65: {  	[tilespmem:s2], [sflag:$0x5] =	stream.linear.gather [hbm4b:s29+s2], $0x180, $0x38;
	[tilespmem:$0x1F620] =	vst v63  }
0x66: {  	_ =	swait.ge [sflag:s15], $0x180  }
0x67: {  	[sflag:s15] =	ssyncset.done $0x0  }
0x68: {  	s31 =	sadd.s32 $0x18C0, s30;
	[sflag:s15] =	ssyncadd.s32 $0xFFFFFE80  }
0x69: {  	[tilespmem:s17], [sflag:$0x5] =	stream.linear.gather [hbm4b:s31+s2], $0x180, $0x38;
	[tilespmem:$0x1F620] =	vst v63  }
.Ltmp3:
0x6a: {  	_ = 	snop;
	(pc) =	sbr.rel .LBB2_2-.Ltmp3, $4  }
0x6b: {  	_ =	swait.ge [sflag:s15], $0x180  }
0x6c: {  	[sflag:s15] =	ssyncset.done $0x0  }
0x6d: {  	s28 =	sadd.s32 $0x60, s28;
	[sflag:s15] =	ssyncadd.s32 $0xFFFFFE80  }
0x6e: {  	[tilespmem:s19], [sflag:$0x1] =	stream.indirect.gather [hbm4b:s3+s18], $0x20, s2, s18, $0xb8;
	[tilespmem:$0x1F620] =	vst v63  }
.LBB2_5:
0x6f: {  	_ =	sfence.sel $0x180000  }
0x70: {  	[bflag:$0x0] =	sbarrier.arrive $0xFFFF  }
0x71: {  	_ =	strace $0x90000050  }
0x72: {  	s0 =	sadd.s32 @!p0 $0x100000, s0;
	[bflag:$0x2] =	sbarrier.arrive $0xFFFF  }
0x73: {  	[sflag:s0] =	ssyncadd.tile.s32 @!p0 $0x1;
	_ =	shalt  }
.Lfunc_end2:
_tile_overlayer_lowered:
.L_overlay_start_2:
0x74: {  	(tag) =	ssettag $0x2  }
0x75: {  	s0 =	rddreg [dreg:$0x0];
	s2 =	stileid.u32  }
0x76: {  	s1 =	rddreg [dreg:$0x1];
	p0 =	sne.s32 s2, $0x0  }
0x77: {  	s3 =	rddreg [dreg:$0x2];
	[bflag:$0x3] =	sbarrier.arrive $0xFFFF;
	s2 =	simm.s32 @!p0 $0x1C05  }
0x78: {  	[timem:s3], [sflag:s2] =	dma.local @!p0 [hbm:s0], s1  }
0x79: {  	s0 =	simm.s32 @!p0 $0x5  }
0x7a: {  	_ =	swait.ge @!p0 [sflag:s0], s1  }
0x7b: {  	s1 =	ssub.s32 @!p0 $0x0, s1;
	[sflag:s0] =	ssyncset.done @!p0 $0x0  }
0x7c: {  	[sflag:s0] =	ssyncadd.s32 @!p0 s1  }
0x7d: {  	[bflag:$0x3] =	sbarrier.arrive $0xFFFF  }
0x7e: {  	_ =	shalt  }

// kernel: kernel.26.cloned.1.call-start
scs
__scs_entry_jumppad:
0x0: {  	(pc) =	sbr.rel $0x88, $3  }
0x1: {  	(tag) =	ssettag $0x0;
	lr =	simm.s32 $0x1  }
0x2: {  	[smem:$0x3F91] =	sst lr;
	_ =	strace $0xD0000000  }
0x3: {  	_ = 	snop  }
0x4: {  	_ = 	snop  }
0x5: {  	_ = 	snop  }
0x6: {  	_ = 	snop  }
0x7: {  	_ = 	snop  }
__scs_overlays_trampoline_lowered:
0x8: {  	[smem:$0x3FA0] =	sst s0  }
0x9: {  	[smem:$0x3FA1] =	sst s1  }
0xa: {  	[smem:$0x3FA2] =	sst s2  }
0xb: {  	[smem:$0x3FA3] =	sst s3  }
0xc: {  	[smem:$0x3FA4] =	sst s4  }
0xd: {  	[smem:$0x3FA5] =	sst s5  }
0xe: {  	[smem:$0x3FA6] =	sst s6  }
0xf: {  	[smem:$0x3FA7] =	sst s7  }
0x10: {  	[smem:$0x3FA8] =	sst s8  }
0x11: {  	[smem:$0x3FA9] =	sst s9;
	s0 =	simm.s32 @!p0 $0x0  }
0x12: {  	s1 =	sld [smem:$0x3F8F];
	s0 =	simm.s32 @p0 $0x1  }
0x13: {  	[smem:$0x3FAA] =	sst s0;
	s0 =	simm.s32 @!p1 $0x0  }
0x14: {  	s2 =	sld [smem:$0x3F8E];
	s0 =	simm.s32 @p1 $0x1  }
0x15: {  	[smem:$0x3FAB] =	sst s0;
	s0 =	simm.s32 @!p2 $0x0  }
0x16: {  	s3 =	sld [smem:$0x3FDB];
	s0 =	simm.s32 @p2 $0x1  }
0x17: {  	s4 =	simm.s32 $0x1BF5;
	[smem:$0x3FAD] =	sst s0  }
0x18: {  	s0 =	sld [smem:$0x3F90];
	_ =	swait.ge [sflag:s4], $0x0  }
0x19: {  	s7 =	sld [smem:$0x3F91]  }
0x1a: {  	s8 =	sadd.s32 $0xFFFFE003, lr  }
0x1b: {  	s9 =	sadd.s32 $0xFFFFFEF7, lr;
	s5 =	simm.s32 $0xFFFFFFFF;
	p2 =	slt.u32 s8, $0xFFFFF086  }
0x1c: {  	p1 =	slt.u32 s9, $0xF7A;
	s5 =	simm.s32 @!p2 $0x0  }
0x1d: {  	s5 =	simm.s32 @p1 $0x1;
	p0 =	seq.s32 s7, s2  }
0x1e: {  	s7 =	smul.u32 @!p0 $0xF7A, s2;
	p2 =	seq.s32 @!p0 s5, $0x0  }
0x1f: {  	s9 =	smul.u32 $0xF7A, s1;
	s8 =	simm.s32 @!p0 $0x1BF5;
	p2 =	por !p2, p0  }
0x20: {  	[sflag:s8] =	ssyncset.s32 @!p0 $0xFFFFF086;
	s6 =	sadd.s32 @!p0 s3, s7;
	s7 =	simm.s32 @!p0 $0x108  }
0x21: {  	s3 =	sadd.s32 s3, s9;
	s6 =	sadd.s32 @!p0 $0x88, s6;
	s7 =	simm.s32 @p2 $0x1082  }
0x22: {  	[simem:s7], [sflag:s8] =	dma.local @!p0 [hbm:s6], $0xF7A  }
0x23: {  	s9 =	sor.u32 $0xD0000000, s2;
	s6 =	simm.s32 $0x108;
	_ =	swait.ge @!p0 [sflag:s8], $0x0  }
0x24: {  	s3 =	sadd.s32 $0x88, s3;
	s6 =	simm.s32 @!p1 $0x1082;
	[sflag:s4] =	ssyncset.s32 $0xFFFFF086  }
0x25: {  	[simem:s6], [sflag:s4] =	dma.local [hbm:s3], $0xF7A  }
0x26: {  	[smem:$0x3F91] =	sst s1;
	(tag) =	ssettag s2;
	_ =	strace s9  }
0x27: {  	s1 =	sld [smem:$0x3FA1]  }
0x28: {  	s2 =	sld [smem:$0x3FA2]  }
0x29: {  	s4 =	sld [smem:$0x3FA4]  }
0x2a: {  	p0 =	seq.s32 s5, $0x0;
	s5 =	sld [smem:$0x3FA5]  }
0x2b: {  	s6 =	sld [smem:$0x3FA6]  }
0x2c: {  	s7 =	sld [smem:$0x3FA7]  }
0x2d: {  	s3 =	simm.s32 $0x108;
	s8 =	sld [smem:$0x3FA8]  }
0x2e: {  	s3 =	simm.s32 @!p0 $0x1082;
	s9 =	sld [smem:$0x3FA9]  }
0x2f: {  	lr =	sadd.s32 s0, s3;
	s0 =	sld [smem:$0x3FA0]  }
0x30: {  	s3 =	sld [smem:$0x3FA3]  }
0x31: {  	[smem:$0x3FAC] =	sst s10  }
0x32: {  	s10 =	sld [smem:$0x3FAA];
	_ =	sdelay $0x3  }
0x33: {  	p0 =	seq.s32 s10, $0x1;
	s10 =	sld [smem:$0x3FAC];
	_ =	sdelay $0x3  }
0x34: {  	[smem:$0x3FAC] =	sst s10  }
0x35: {  	s10 =	sld [smem:$0x3FAB];
	_ =	sdelay $0x3  }
0x36: {  	p1 =	seq.s32 s10, $0x1;
	s10 =	sld [smem:$0x3FAC];
	_ =	sdelay $0x3  }
0x37: {  	[smem:$0x3FAC] =	sst s10  }
0x38: {  	s10 =	sld [smem:$0x3FAD]  }
0x39: {  	_ = 	snop;
	(pc) =	sbr.ind lr, $3  }
0x3a: {  	_ = 	snop  }
0x3b: {  	_ = 	snop  }
0x3c: {  	p2 =	seq.s32 s10, $0x1;
	s10 =	sld [smem:$0x3FAC]  }
0x3d: {  	_ =	shalt  }
0x3e: {  	_ =	shalt  }
0x3f: {  	_ =	shalt  }
0x40: {  	_ =	shalt  }
0x41: {  	_ =	shalt  }
0x42: {  	_ =	shalt  }
0x43: {  	_ =	shalt  }
0x44: {  	_ =	shalt  }
0x45: {  	_ =	shalt  }
0x46: {  	_ =	shalt  }
0x47: {  	_ =	shalt  }
0x48: {  	_ =	shalt  }
0x49: {  	_ =	shalt  }
0x4a: {  	_ =	shalt  }
0x4b: {  	_ =	shalt  }
0x4c: {  	_ =	shalt  }
0x4d: {  	_ =	shalt  }
0x4e: {  	_ =	shalt  }
0x4f: {  	_ =	shalt  }
0x50: {  	_ =	shalt  }
0x51: {  	_ =	shalt  }
0x52: {  	_ =	shalt  }
0x53: {  	_ =	shalt  }
0x54: {  	_ =	shalt  }
0x55: {  	_ =	shalt  }
0x56: {  	_ =	shalt  }
0x57: {  	_ =	shalt  }
0x58: {  	_ =	shalt  }
0x59: {  	_ =	shalt  }
0x5a: {  	_ =	shalt  }
0x5b: {  	_ =	shalt  }
0x5c: {  	_ =	shalt  }
0x5d: {  	_ =	shalt  }
0x5e: {  	_ =	shalt  }
0x5f: {  	_ =	shalt  }
0x60: {  	_ =	shalt  }
0x61: {  	_ =	shalt  }
0x62: {  	_ =	shalt  }
0x63: {  	_ =	shalt  }
0x64: {  	_ =	shalt  }
0x65: {  	_ =	shalt  }
0x66: {  	_ =	shalt  }
0x67: {  	_ =	shalt  }
0x68: {  	_ =	shalt  }
0x69: {  	_ =	shalt  }
0x6a: {  	_ =	shalt  }
0x6b: {  	_ =	shalt  }
0x6c: {  	_ =	shalt  }
0x6d: {  	_ =	shalt  }
0x6e: {  	_ =	shalt  }
0x6f: {  	_ =	shalt  }
0x70: {  	_ =	shalt  }
0x71: {  	_ =	shalt  }
0x72: {  	_ =	shalt  }
0x73: {  	_ =	shalt  }
0x74: {  	_ =	shalt  }
0x75: {  	_ =	shalt  }
0x76: {  	_ =	shalt  }
0x77: {  	_ =	shalt  }
0x78: {  	_ =	shalt  }
0x79: {  	_ =	shalt  }
0x7a: {  	_ =	shalt  }
0x7b: {  	_ =	shalt  }
0x7c: {  	_ =	shalt  }
0x7d: {  	_ =	shalt  }
0x7e: {  	_ =	shalt  }
0x7f: {  	_ =	shalt  }
0x80: {  	_ =	shalt  }
0x81: {  	_ =	shalt  }
0x82: {  	_ =	shalt  }
0x83: {  	_ =	shalt  }
0x84: {  	_ =	shalt  }
0x85: {  	_ =	shalt  }
0x86: {  	_ =	shalt  }
0x87: {  	_ =	shalt  }
.Lfunc_end0:
.L_simem_size_0:
called_computation.4_lowered:
.L_overlay_start_0:
0x88: {  	s2 =	sld [smem:$0x3FD9]  }
0x89: {  	s3 =	sld [smem:$0x3FFE];
	_ =	sdelay $0x1  }
0x8a: {  	s1 =	srdreg.scid  }
0x8b: {  	s0 =	sand.u32 $0x1, s1  }
0x8c: {  	s16 =	sshll.u32 s0, $0xA;
	s2 =	sadd.s32 s3, s2  }
0x8d: {  	s2 =	sadd.s32 s2, s16  }
0x8e: {  	[smem:$0x3FB8] =	sst s2  }
0x8f: {  	_ = 	snop  }
0x90: {  	(tm) =	ssettm $0x1  }
0x91: {  	s17 =	sld [smem:$0x3FFB];
	_ =	sdelay $0x3  }
0x92: {  	_ =	strace s17  }
0x93: {  	s2 =	sld [smem:$0x3FFC];
	_ =	sdelay $0x3  }
0x94: {  	_ =	strace s2  }
0x95: {  	s2 =	sld [smem:$0x3FFD];
	_ =	sdelay $0x3  }
0x96: {  	_ =	strace s2  }
0x97: {  	_ =	strace $0x8FFFFFFF  }
0x98: {  	s18 =	sld [smem:$0x3FDB];
	_ =	sdelay $0x1  }
0x99: {  	s19 =	simm.s32 $_scs_section_size  }
0x9a: {  	s4 =	simm.s32 $_size__tile_overlayer_lowered;
	s5 =	simm.s32 $_tile_overlayer_lowered  }
0x9b: {  	s22 =	simm.s32 $0x1BFF;
	s21 =	sshll.u32 s5, $0x1;
	s2 =	sadd.s32 s19, s18  }
0x9c: {  	s6 =	simm.s32 $0x0;
	s20 =	sshll.u32 s4, $0x1;
	s4 =	sadd.s32 s21, s2  }
0x9d: {  	[timem:s6], [sflag:s22] =	dma.local [hbm:s4], s20  }
0x9e: {  	_ =	swait.ge [sflag:s22], s20  }
0x9f: {  	s3 =	ssub.s32 $0x0, s20;
	[sflag:s22] =	ssyncset.done $0x0  }
0xa0: {  	[sflag:s22] =	ssyncadd.s32 s3;
	_ =	sdelay $0x1  }
0xa1: {  	s23 =	simm.s32 $0x1B8B  }
0xa2: {  	_ =	swait.ge [sflag:s23], $0x1  }
0xa3: {  	[sflag:s23] =	ssyncset.done $0x0  }
0xa4: {  	s25 =	simm.s32 $0x1B8E;
	s24 =	sld [smem:$0x3FFE];
	[sflag:s23] =	ssyncadd.s32 $0xFFFFFFFF  }
0xa5: {  	s26 =	simm.s32 $execute0_lowered;
	[smem:$0x3FD2] =	sst s25  }
0xa6: {  	s4 =	sshll.u32 s26, $0x1;
	_ =	strace $0x80000052;
	[dreg:$0x1] =	wrdreg $0xFFFFFFFF  }
0xa7: {  	s28 =	simm.s32 $_size_execute0_lowered;
	s2 =	sadd.s32 s2, s4;
	[dreg:$0x0] =	wrdreg $0x0  }
0xa8: {  	s4 =	sshll.u32 s28, $0x1;
	[dreg:$0x2] =	wrdreg s2  }
0xa9: {  	[dreg:$0x3] =	wrdreg s4  }
0xaa: {  	[dreg:$0x4] =	wrdreg $0xC0  }
0xab: {  	_ =	task [dreg:s6], $0x5FFFF  }
0xac: {  	[dreg:$0x1] =	wrdreg $0xFFFFFFFF  }
0xad: {  	[dreg:$0x0] =	wrdreg $0x60  }
0xae: {  	[dreg:$0x2] =	wrdreg s24  }
0xaf: {  	[dreg:$0x3] =	wrdreg $0x66000  }
0xb0: {  	[dreg:$0x4] =	wrdreg $0x9  }
0xb1: {  	_ =	task.clear_ibuf [dreg:s6], $0x5FFFF;
	_ =	strace $0x90000052  }
0xb2: {  	s29 =	simm.s32 $0x9;
	_ =	strace $0x80000054  }
0xb3: {  	_ =	swait.ge [sflag:s29], $0x1  }
0xb4: {  	[sflag:s29] =	ssyncadd.s32 $0xFFFFFFFF  }
0xb5: {  	_ =	strace $0x90000054  }
0xb6: {  	_ =	sfence  }
0xb7: {  	s30 =	sld [smem:$0x0];
	_ =	sdelay $0x2  }
0xb8: {  	s31 =	sshll.u32 s1, $0xD;
	s1 =	sshrl.u32 s1, $0x2  }
0xb9: {  	s3 =	sand.u32 $0x4000, s31;
	s1 =	sadd.s32 s1, s30  }
0xba: {  	s0 =	sor.u32 s3, s0;
	s1 =	sshll.u32 s1, $0x11  }
0xbb: {  	s0 =	sor.u32 s1, s0  }
0xbc: {  	s0 =	sadd.s32 $0x8F2B, s0  }
0xbd: {  	[sflag:s0] =	ssyncadd.remote.s32 $0x1  }
0xbe: {  	_ =	sfence.sel $0xFFFF  }
0xbf: {  	[dreg:$0x0] =	wrdreg $0xFFFFFFFF;
	(pc) =	sbr.abs _section_cstart, $3  }
0xc0: {  	[dreg:$0x1] =	wrdreg $0xFFFFFFFF  }
0xc1: {  	_ =	task.clear_ibuf [dreg:s6], $0x2FFFF;
	_ =	strace $0x9FFFFFFF  }
0xc2: {  	(tm) =	ssettm $0x7FFFFFFF  }
0xc3: {  	_ =	shalt  }
tec
execute0_lowered:
.L_overlay_start_1:
0x0: {  	(tag) =	ssettag $0x1  }
0x1: {  	s5 =	rddreg [dreg:$0x0]  }
0x2: {  	s1 =	rddreg [dreg:$0x1]  }
0x3: {  	s0 =	rddreg [dreg:$0x2]  }
0x4: {  	s2 =	simm.s32 $0x0;
	s6 =	srdreg.scid;
	s14 =	stileid.u32  }
0x5: {  	s22 =	simm.s32 $0x3600;
	s23 =	simm.s32 $0x2;
	s24 =	simm.s32 $0x3  }
0x6: {  	s25 =	simm.s32 $0x4;
	s26 =	simm.s32 $0x0;
	s13 =	sadd.s32 $0x480800, s5  }
0x7: {  	[smem:$0x7FF] =	sst s2;
	s3 =	sadd.s32 $0x44E800, s5;
	s11 =	sadd.s32 $0x2F800, s5  }
0x8: {  	s12 =	sadd.s32 $0x16C00, s5;
	s4 =	sadd.s32 $0xA400, s5;
	s15 =	sadd.s32 $0x4E4800, s5  }
0x9: {  	s8 =	sand.u32 $0x1, s6;
	s9 =	smul.u32 $0x19000, s14;
	s16 =	sadd.s32 $0x4B2800, s5  }
0xa: {  	s10 =	smul.u32 $0x18C0, s14;
	s30 =	sshll.u32 s14, $0x6;
	s19 =	sadd.s32 $0x190000, s1  }
0xb: {  	_ =	strace $0x80000053;
	s6 =	ssub.s32 $0x2, s8;
	s5 =	sor.u32 $0x1C05, s30  }
0xc: {  	p0 =	seq.s32 s8, $0x0;
	s29 =	sshrl.u32 s6, $0x1;
	s18 =	sadd.s32 s9, s1  }
0xd: {  	s7 =	sadd.s32 s12, s10;
	s20 =	sshrl.u32 s9, $0x3;
	s31 =	sor.u32 $0x30, s10  }
0xe: {  	s21 =	sadd.s32 $0x60, s10;
	s3 =	smov.u32 @p0 s13;
	s16 =	smov.u32 @p0 s15  }
0xf: {  	p0 =	sne.s32 s14, $0x0;
	s15 =	simm.s32 $0x5;
	s17 =	ssub.s32 s6, s29  }
.Ltmp0:
0x10: {  	s6 =	sadd.s32 s11, s10;
	s9 =	sadd.s32 s11, s31;
	(pc) =	sbr.rel .LBB2_1-.Ltmp0, $4  }
0x11: {  	s10 =	sadd.s32 s12, s31;
	s11 =	sadd.s32 s11, s21;
	s12 =	sadd.s32 s12, s21  }
0x12: {  	s13 =	sadd.s32 s16, s20;
	s14 =	sshrl.u32 s18, $0x3;
	s16 =	sshrl.u32 @!p0 s19, $0x3  }
0x13: {  	s18 =	simm.s32 $0x180;
	s19 =	simm.s32 $0x600;
	s20 =	simm.s32 $0x1  }
0x14: {  	s21 =	simm.s32 $0x480;
	s8 =	smax.u32 s17, $0x1;
	s17 =	simm.s32 $0x300  }
.LBB2_4:
0x15: {  	_ =	swait.ge [sflag:s25], $0x3000  }
0x16: {  	s26 =	sadd.s32 $0x1, s26;
	[sflag:s25] =	ssyncset.done $0x0  }
0x17: {  	p1 =	sne.s32 s26, s8;
	[sflag:s25] =	ssyncadd.s32 $0xFFFFD000  }
.Ltmp1:
0x18: {  	[bflag:$0x0] =	sbarrier.arrive $0xFFFF;
	(pc) =	sbr.rel @!p1 .LBB2_5-.Ltmp1, $4  }
0x19: {  	[hbm:s13], [sflag:s5] =	dma.local [spmem:s14], $0x3200  }
0x1a: {  	_ =	swait.ge [sflag:s15], $0x3200  }
0x1b: {  	[sflag:s15] =	ssyncset.done $0x0  }
0x1c: {  	[sflag:s15] =	ssyncadd.s32 $0xFFFFCE00  }
.LBB2_1:
0x1d: {  	[spmem:s14], [sflag:s5] =	dma.local [hbm:s4], $0x3200  }
0x1e: {  	_ =	swait.ge [sflag:s15], $0x3200  }
0x1f: {  	[sflag:s15] =	ssyncset.done $0x0  }
0x20: {  	s28 =	simm.s32 @!p0 $0x5;
	[sflag:s15] =	ssyncadd.s32 $0xFFFFCE00  }
0x21: {  	[spmem:s16], [sflag:s5] =	dma.local @!p0 [hbm:s4], $0x40  }
0x22: {  	_ =	swait.ge @!p0 [sflag:s28], $0x40  }
0x23: {  	[sflag:s28] =	ssyncset.done @!p0 $0x0  }
0x24: {  	[sflag:s28] =	ssyncadd.s32 @!p0 $0xFFFFFFC0  }
0x25: {  	[bflag:$0x0] =	sbarrier.arrive $0xFFFF  }
0x26: {  	[tilespmem:s2], [sflag:$0x5] =	stream.linear.gather [hbm4b:s6+s2], $0x180, $0x38;
	[tilespmem:$0x1F620] =	vst v63  }
0x27: {  	_ =	swait.ge [sflag:s15], $0x180  }
0x28: {  	[sflag:s15] =	ssyncset.done $0x0  }
0x29: {  	[sflag:s15] =	ssyncadd.s32 $0xFFFFFE80  }
0x2a: {  	[tilespmem:s17], [sflag:$0x5] =	stream.linear.gather [hbm4b:s7+s2], $0x180, $0x38;
	[tilespmem:$0x1F620] =	vst v63  }
0x2b: {  	_ =	swait.ge [sflag:s15], $0x180  }
0x2c: {  	[sflag:s15] =	ssyncset.done $0x0  }
0x2d: {  	[sflag:s15] =	ssyncadd.s32 $0xFFFFFE80  }
0x2e: {  	[tilespmem:s19], [sflag:$0x1] =	stream.indirect.gather [hbm4b:s3+s18], $0x20, s2, s18, $0xb8;
	[tilespmem:$0x1F620] =	vst v63  }
0x2f: {  	_ =	swait.ge [sflag:s20], $0x3000  }
0x30: {  	[sflag:s20] =	ssyncset.done $0x0  }
0x31: {  	[sflag:s20] =	ssyncadd.s32 $0xFFFFD000  }
0x32: {  	[spmem:s1] =	stream.indirect.scatter.add.f32 [tilespmem:s19], [sflag:$0x3], $0x20, s17, s18, $0xb8;
	[tilespmem:$0x1F620] =	vst v63  }
0x33: {  	_ = 	snop  }
0x34: {  	[tilespmem:s18], [sflag:$0x5] =	stream.linear.gather [hbm4b:s9+s2], $0x180, $0x38;
	[tilespmem:$0x1F620] =	vst v63  }
0x35: {  	_ =	swait.ge [sflag:s15], $0x180  }
0x36: {  	[sflag:s15] =	ssyncset.done $0x0  }
0x37: {  	[sflag:s15] =	ssyncadd.s32 $0xFFFFFE80  }
0x38: {  	[tilespmem:s21], [sflag:$0x5] =	stream.linear.gather [hbm4b:s10+s2], $0x180, $0x38;
	[tilespmem:$0x1F620] =	vst v63  }
0x39: {  	_ =	swait.ge [sflag:s15], $0x180  }
0x3a: {  	[sflag:s15] =	ssyncset.done $0x0  }
0x3b: {  	[sflag:s15] =	ssyncadd.s32 $0xFFFFFE80  }
0x3c: {  	[tilespmem:s22], [sflag:$0x2] =	stream.indirect.gather [hbm4b:s3+s18], $0x20, s18, s18, $0xb8;
	[tilespmem:$0x1F620] =	vst v63  }
0x3d: {  	_ =	swait.ge [sflag:s23], $0x3000  }
0x3e: {  	[sflag:s23] =	ssyncset.done $0x0  }
0x3f: {  	[sflag:s23] =	ssyncadd.s32 $0xFFFFD000  }
0x40: {  	[spmem:s1] =	stream.indirect.scatter.add.f32 [tilespmem:s22], [sflag:$0x4], $0x20, s21, s18, $0xb8;
	[tilespmem:$0x1F620] =	vst v63  }
0x41: {  	_ =	swait.ge [sflag:s24], $0x3000  }
0x42: {  	[sflag:s24] =	ssyncset.done $0x0  }
0x43: {  	[sflag:s24] =	ssyncadd.s32 $0xFFFFD000  }
0x44: {  	[tilespmem:s2], [sflag:$0x5] =	stream.linear.gather [hbm4b:s11+s2], $0x180, $0x38;
	[tilespmem:$0x1F620] =	vst v63  }
0x45: {  	_ =	swait.ge [sflag:s15], $0x180  }
0x46: {  	[sflag:s15] =	ssyncset.done $0x0  }
0x47: {  	[sflag:s15] =	ssyncadd.s32 $0xFFFFFE80  }
0x48: {  	[tilespmem:s17], [sflag:$0x5] =	stream.linear.gather [hbm4b:s12+s2], $0x180, $0x38;
	[tilespmem:$0x1F620] =	vst v63  }
0x49: {  	_ =	swait.ge [sflag:s15], $0x180  }
0x4a: {  	[sflag:s15] =	ssyncset.done $0x0  }
0x4b: {  	s28 =	simm.s32 $0xFFFFE800;
	[sflag:s15] =	ssyncadd.s32 $0xFFFFFE80  }
0x4c: {  	[tilespmem:s19], [sflag:$0x1] =	stream.indirect.gather [hbm4b:s3+s18], $0x20, s2, s18, $0xb8;
	[tilespmem:$0x1F620] =	vst v63  }
.LBB2_2:
0x4d: {  	_ =	swait.ge [sflag:s20], $0x3000  }
0x4e: {  	[sflag:s20] =	ssyncset.done $0x0  }
0x4f: {  	[sflag:s20] =	ssyncadd.s32 $0xFFFFD000  }
0x50: {  	[spmem:s1] =	stream.indirect.scatter.add.f32 [tilespmem:s19], [sflag:$0x3], $0x20, s17, s18, $0xb8;
	[tilespmem:$0x1F620] =	vst v63  }
0x51: {  	_ =	swait.ge [sflag:s25], $0x3000  }
0x52: {  	s29 =	sadd.s32 s28, s6;
	[sflag:s25] =	ssyncset.done $0x0  }
0x53: {  	s30 =	sadd.s32 $0x1890, s29;
	[sflag:s25] =	ssyncadd.s32 $0xFFFFD000  }
0x54: {  	[tilespmem:s18], [sflag:$0x5] =	stream.linear.gather [hbm4b:s30+s2], $0x180, $0x38;
	[tilespmem:$0x1F620] =	vst v63  }
0x55: {  	_ =	swait.ge [sflag:s15], $0x180  }
0x56: {  	s30 =	sadd.s32 s28, s7;
	[sflag:s15] =	ssyncset.done $0x0  }
0x57: {  	s31 =	sadd.s32 $0x1890, s30;
	[sflag:s15] =	ssyncadd.s32 $0xFFFFFE80  }
0x58: {  	[tilespmem:s21], [sflag:$0x5] =	stream.linear.gather [hbm4b:s31+s2], $0x180, $0x38;
	[tilespmem:$0x1F620] =	vst v63  }
0x59: {  	_ =	swait.ge [sflag:s15], $0x180  }
0x5a: {  	[sflag:s15] =	ssyncset.done $0x0  }
0x5b: {  	[sflag:s15] =	ssyncadd.s32 $0xFFFFFE80  }
0x5c: {  	[tilespmem:s22], [sflag:$0x2] =	stream.indirect.gather [hbm4b:s3+s18], $0x20, s18, s18, $0xb8;
	[tilespmem:$0x1F620] =	vst v63  }
0x5d: {  	_ =	swait.ge [sflag:s23], $0x3000  }
0x5e: {  	p1 =	seq.s32 s28, $0x0;
	[sflag:s23] =	ssyncset.done $0x0  }
.Ltmp2:
0x5f: {  	[sflag:s23] =	ssyncadd.s32 $0xFFFFD000;
	(pc) =	sbr.rel @p1 .LBB2_4-.Ltmp2, $4  }
0x60: {  	[spmem:s1] =	stream.indirect.scatter.add.f32 [tilespmem:s22], [sflag:$0x4], $0x20, s21, s18, $0xb8;
	[tilespmem:$0x1F620] =	vst v63  }
0x61: {  	_ =	swait.ge [sflag:s24], $0x3000  }
0x62: {  	[sflag:s24] =	ssyncset.done $0x0  }
0x63: {  	[sflag:s24] =	ssyncadd.s32 $0xFFFFD000  }
0x64: {  	s29 =	sadd.s32 $0x18C0, s29  }
0x65: {  	[tilespmem:s2], [sflag:$0x5] =	stream.linear.gather [hbm4b:s29+s2], $0x180, $0x38;
	[tilespmem:$0x1F620] =	vst v63  }
0x66: {  	_ =	swait.ge [sflag:s15], $0x180  }
0x67: {  	[sflag:s15] =	ssyncset.done $0x0  }
0x68: {  	s31 =	sadd.s32 $0x18C0, s30;
	[sflag:s15] =	ssyncadd.s32 $0xFFFFFE80  }
0x69: {  	[tilespmem:s17], [sflag:$0x5] =	stream.linear.gather [hbm4b:s31+s2], $0x180, $0x38;
	[tilespmem:$0x1F620] =	vst v63  }
.Ltmp3:
0x6a: {  	_ = 	snop;
	(pc) =	sbr.rel .LBB2_2-.Ltmp3, $4  }
0x6b: {  	_ =	swait.ge [sflag:s15], $0x180  }
0x6c: {  	[sflag:s15] =	ssyncset.done $0x0  }
0x6d: {  	s28 =	sadd.s32 $0x60, s28;
	[sflag:s15] =	ssyncadd.s32 $0xFFFFFE80  }
0x6e: {  	[tilespmem:s19], [sflag:$0x1] =	stream.indirect.gather [hbm4b:s3+s18], $0x20, s2, s18, $0xb8;
	[tilespmem:$0x1F620] =	vst v63  }
.LBB2_5:
0x6f: {  	_ =	sfence.sel $0x180000  }
0x70: {  	[bflag:$0x0] =	sbarrier.arrive $0xFFFF  }
0x71: {  	_ =	strace $0x90000053  }
0x72: {  	s0 =	sadd.s32 @!p0 $0x100000, s0;
	[bflag:$0x2] =	sbarrier.arrive $0xFFFF  }
0x73: {  	[sflag:s0] =	ssyncadd.tile.s32 @!p0 $0x1;
	_ =	shalt  }
.Lfunc_end2:
_tile_overlayer_lowered:
.L_overlay_start_2:
0x74: {  	(tag) =	ssettag $0x2  }
0x75: {  	s0 =	rddreg [dreg:$0x0];
	s2 =	stileid.u32  }
0x76: {  	s1 =	rddreg [dreg:$0x1];
	p0 =	sne.s32 s2, $0x0  }
0x77: {  	s3 =	rddreg [dreg:$0x2];
	[bflag:$0x3] =	sbarrier.arrive $0xFFFF;
	s2 =	simm.s32 @!p0 $0x1C05  }
0x78: {  	[timem:s3], [sflag:s2] =	dma.local @!p0 [hbm:s0], s1  }
0x79: {  	s0 =	simm.s32 @!p0 $0x5  }
0x7a: {  	_ =	swait.ge @!p0 [sflag:s0], s1  }
0x7b: {  	s1 =	ssub.s32 @!p0 $0x0, s1;
	[sflag:s0] =	ssyncset.done @!p0 $0x0  }
0x7c: {  	[sflag:s0] =	ssyncadd.s32 @!p0 s1  }
0x7d: {  	[bflag:$0x3] =	sbarrier.arrive $0xFFFF  }
0x7e: {  	_ =	shalt  }

// kernel: kernel.29.cloned.1.call-start
scs
__scs_entry_jumppad:
0x0: {  	(pc) =	sbr.rel $0x88, $3  }
0x1: {  	(tag) =	ssettag $0x0;
	lr =	simm.s32 $0x1  }
0x2: {  	[smem:$0x3F91] =	sst lr;
	_ =	strace $0xD0000000  }
0x3: {  	_ = 	snop  }
0x4: {  	_ = 	snop  }
0x5: {  	_ = 	snop  }
0x6: {  	_ = 	snop  }
0x7: {  	_ = 	snop  }
__scs_overlays_trampoline_lowered:
0x8: {  	[smem:$0x3FA0] =	sst s0  }
0x9: {  	[smem:$0x3FA1] =	sst s1  }
0xa: {  	[smem:$0x3FA2] =	sst s2  }
0xb: {  	[smem:$0x3FA3] =	sst s3  }
0xc: {  	[smem:$0x3FA4] =	sst s4  }
0xd: {  	[smem:$0x3FA5] =	sst s5  }
0xe: {  	[smem:$0x3FA6] =	sst s6  }
0xf: {  	[smem:$0x3FA7] =	sst s7  }
0x10: {  	[smem:$0x3FA8] =	sst s8  }
0x11: {  	[smem:$0x3FA9] =	sst s9;
	s0 =	simm.s32 @!p0 $0x0  }
0x12: {  	s1 =	sld [smem:$0x3F8F];
	s0 =	simm.s32 @p0 $0x1  }
0x13: {  	[smem:$0x3FAA] =	sst s0;
	s0 =	simm.s32 @!p1 $0x0  }
0x14: {  	s2 =	sld [smem:$0x3F8E];
	s0 =	simm.s32 @p1 $0x1  }
0x15: {  	[smem:$0x3FAB] =	sst s0;
	s0 =	simm.s32 @!p2 $0x0  }
0x16: {  	s3 =	sld [smem:$0x3FDB];
	s0 =	simm.s32 @p2 $0x1  }
0x17: {  	s4 =	simm.s32 $0x1BF5;
	[smem:$0x3FAD] =	sst s0  }
0x18: {  	s0 =	sld [smem:$0x3F90];
	_ =	swait.ge [sflag:s4], $0x0  }
0x19: {  	s7 =	sld [smem:$0x3F91]  }
0x1a: {  	s8 =	sadd.s32 $0xFFFFE003, lr  }
0x1b: {  	s9 =	sadd.s32 $0xFFFFFEF7, lr;
	s5 =	simm.s32 $0xFFFFFFFF;
	p2 =	slt.u32 s8, $0xFFFFF086  }
0x1c: {  	p1 =	slt.u32 s9, $0xF7A;
	s5 =	simm.s32 @!p2 $0x0  }
0x1d: {  	s5 =	simm.s32 @p1 $0x1;
	p0 =	seq.s32 s7, s2  }
0x1e: {  	s7 =	smul.u32 @!p0 $0xF7A, s2;
	p2 =	seq.s32 @!p0 s5, $0x0  }
0x1f: {  	s9 =	smul.u32 $0xF7A, s1;
	s8 =	simm.s32 @!p0 $0x1BF5;
	p2 =	por !p2, p0  }
0x20: {  	[sflag:s8] =	ssyncset.s32 @!p0 $0xFFFFF086;
	s6 =	sadd.s32 @!p0 s3, s7;
	s7 =	simm.s32 @!p0 $0x108  }
0x21: {  	s3 =	sadd.s32 s3, s9;
	s6 =	sadd.s32 @!p0 $0x88, s6;
	s7 =	simm.s32 @p2 $0x1082  }
0x22: {  	[simem:s7], [sflag:s8] =	dma.local @!p0 [hbm:s6], $0xF7A  }
0x23: {  	s9 =	sor.u32 $0xD0000000, s2;
	s6 =	simm.s32 $0x108;
	_ =	swait.ge @!p0 [sflag:s8], $0x0  }
0x24: {  	s3 =	sadd.s32 $0x88, s3;
	s6 =	simm.s32 @!p1 $0x1082;
	[sflag:s4] =	ssyncset.s32 $0xFFFFF086  }
0x25: {  	[simem:s6], [sflag:s4] =	dma.local [hbm:s3], $0xF7A  }
0x26: {  	[smem:$0x3F91] =	sst s1;
	(tag) =	ssettag s2;
	_ =	strace s9  }
0x27: {  	s1 =	sld [smem:$0x3FA1]  }
0x28: {  	s2 =	sld [smem:$0x3FA2]  }
0x29: {  	s4 =	sld [smem:$0x3FA4]  }
0x2a: {  	p0 =	seq.s32 s5, $0x0;
	s5 =	sld [smem:$0x3FA5]  }
0x2b: {  	s6 =	sld [smem:$0x3FA6]  }
0x2c: {  	s7 =	sld [smem:$0x3FA7]  }
0x2d: {  	s3 =	simm.s32 $0x108;
	s8 =	sld [smem:$0x3FA8]  }
0x2e: {  	s3 =	simm.s32 @!p0 $0x1082;
	s9 =	sld [smem:$0x3FA9]  }
0x2f: {  	lr =	sadd.s32 s0, s3;
	s0 =	sld [smem:$0x3FA0]  }
0x30: {  	s3 =	sld [smem:$0x3FA3]  }
0x31: {  	[smem:$0x3FAC] =	sst s10  }
0x32: {  	s10 =	sld [smem:$0x3FAA];
	_ =	sdelay $0x3  }
0x33: {  	p0 =	seq.s32 s10, $0x1;
	s10 =	sld [smem:$0x3FAC];
	_ =	sdelay $0x3  }
0x34: {  	[smem:$0x3FAC] =	sst s10  }
0x35: {  	s10 =	sld [smem:$0x3FAB];
	_ =	sdelay $0x3  }
0x36: {  	p1 =	seq.s32 s10, $0x1;
	s10 =	sld [smem:$0x3FAC];
	_ =	sdelay $0x3  }
0x37: {  	[smem:$0x3FAC] =	sst s10  }
0x38: {  	s10 =	sld [smem:$0x3FAD]  }
0x39: {  	_ = 	snop;
	(pc) =	sbr.ind lr, $3  }
0x3a: {  	_ = 	snop  }
0x3b: {  	_ = 	snop  }
0x3c: {  	p2 =	seq.s32 s10, $0x1;
	s10 =	sld [smem:$0x3FAC]  }
0x3d: {  	_ =	shalt  }
0x3e: {  	_ =	shalt  }
0x3f: {  	_ =	shalt  }
0x40: {  	_ =	shalt  }
0x41: {  	_ =	shalt  }
0x42: {  	_ =	shalt  }
0x43: {  	_ =	shalt  }
0x44: {  	_ =	shalt  }
0x45: {  	_ =	shalt  }
0x46: {  	_ =	shalt  }
0x47: {  	_ =	shalt  }
0x48: {  	_ =	shalt  }
0x49: {  	_ =	shalt  }
0x4a: {  	_ =	shalt  }
0x4b: {  	_ =	shalt  }
0x4c: {  	_ =	shalt  }
0x4d: {  	_ =	shalt  }
0x4e: {  	_ =	shalt  }
0x4f: {  	_ =	shalt  }
0x50: {  	_ =	shalt  }
0x51: {  	_ =	shalt  }
0x52: {  	_ =	shalt  }
0x53: {  	_ =	shalt  }
0x54: {  	_ =	shalt  }
0x55: {  	_ =	shalt  }
0x56: {  	_ =	shalt  }
0x57: {  	_ =	shalt  }
0x58: {  	_ =	shalt  }
0x59: {  	_ =	shalt  }
0x5a: {  	_ =	shalt  }
0x5b: {  	_ =	shalt  }
0x5c: {  	_ =	shalt  }
0x5d: {  	_ =	shalt  }
0x5e: {  	_ =	shalt  }
0x5f: {  	_ =	shalt  }
0x60: {  	_ =	shalt  }
0x61: {  	_ =	shalt  }
0x62: {  	_ =	shalt  }
0x63: {  	_ =	shalt  }
0x64: {  	_ =	shalt  }
0x65: {  	_ =	shalt  }
0x66: {  	_ =	shalt  }
0x67: {  	_ =	shalt  }
0x68: {  	_ =	shalt  }
0x69: {  	_ =	shalt  }
0x6a: {  	_ =	shalt  }
0x6b: {  	_ =	shalt  }
0x6c: {  	_ =	shalt  }
0x6d: {  	_ =	shalt  }
0x6e: {  	_ =	shalt  }
0x6f: {  	_ =	shalt  }
0x70: {  	_ =	shalt  }
0x71: {  	_ =	shalt  }
0x72: {  	_ =	shalt  }
0x73: {  	_ =	shalt  }
0x74: {  	_ =	shalt  }
0x75: {  	_ =	shalt  }
0x76: {  	_ =	shalt  }
0x77: {  	_ =	shalt  }
0x78: {  	_ =	shalt  }
0x79: {  	_ =	shalt  }
0x7a: {  	_ =	shalt  }
0x7b: {  	_ =	shalt  }
0x7c: {  	_ =	shalt  }
0x7d: {  	_ =	shalt  }
0x7e: {  	_ =	shalt  }
0x7f: {  	_ =	shalt  }
0x80: {  	_ =	shalt  }
0x81: {  	_ =	shalt  }
0x82: {  	_ =	shalt  }
0x83: {  	_ =	shalt  }
0x84: {  	_ =	shalt  }
0x85: {  	_ =	shalt  }
0x86: {  	_ =	shalt  }
0x87: {  	_ =	shalt  }
.Lfunc_end0:
.L_simem_size_0:
called_computation.5_lowered:
.L_overlay_start_0:
0x88: {  	s2 =	sld [smem:$0x3FD9]  }
0x89: {  	s3 =	sld [smem:$0x3FFE];
	_ =	sdelay $0x1  }
0x8a: {  	s1 =	srdreg.scid  }
0x8b: {  	s0 =	sand.u32 $0x1, s1  }
0x8c: {  	s16 =	sshll.u32 s0, $0xA;
	s2 =	sadd.s32 s3, s2  }
0x8d: {  	s2 =	sadd.s32 s2, s16  }
0x8e: {  	[smem:$0x3FB8] =	sst s2  }
0x8f: {  	_ = 	snop  }
0x90: {  	(tm) =	ssettm $0x1  }
0x91: {  	s17 =	sld [smem:$0x3FFB];
	_ =	sdelay $0x3  }
0x92: {  	_ =	strace s17  }
0x93: {  	s2 =	sld [smem:$0x3FFC];
	_ =	sdelay $0x3  }
0x94: {  	_ =	strace s2  }
0x95: {  	s2 =	sld [smem:$0x3FFD];
	_ =	sdelay $0x3  }
0x96: {  	_ =	strace s2  }
0x97: {  	_ =	strace $0x8FFFFFFF  }
0x98: {  	s18 =	sld [smem:$0x3FDB];
	_ =	sdelay $0x1  }
0x99: {  	s19 =	simm.s32 $_scs_section_size  }
0x9a: {  	s4 =	simm.s32 $_size__tile_overlayer_lowered;
	s5 =	simm.s32 $_tile_overlayer_lowered  }
0x9b: {  	s22 =	simm.s32 $0x1BFF;
	s21 =	sshll.u32 s5, $0x1;
	s2 =	sadd.s32 s19, s18  }
0x9c: {  	s6 =	simm.s32 $0x0;
	s20 =	sshll.u32 s4, $0x1;
	s4 =	sadd.s32 s21, s2  }
0x9d: {  	[timem:s6], [sflag:s22] =	dma.local [hbm:s4], s20  }
0x9e: {  	_ =	swait.ge [sflag:s22], s20  }
0x9f: {  	s3 =	ssub.s32 $0x0, s20;
	[sflag:s22] =	ssyncset.done $0x0  }
0xa0: {  	[sflag:s22] =	ssyncadd.s32 s3;
	_ =	sdelay $0x1  }
0xa1: {  	s23 =	simm.s32 $0x1B8B  }
0xa2: {  	_ =	swait.ge [sflag:s23], $0x1  }
0xa3: {  	[sflag:s23] =	ssyncset.done $0x0  }
0xa4: {  	s25 =	simm.s32 $0x1B8E;
	s24 =	sld [smem:$0x3FFE];
	[sflag:s23] =	ssyncadd.s32 $0xFFFFFFFF  }
0xa5: {  	s26 =	simm.s32 $execute0_lowered;
	[smem:$0x3FD2] =	sst s25  }
0xa6: {  	s4 =	sshll.u32 s26, $0x1;
	_ =	strace $0x80000055;
	[dreg:$0x1] =	wrdreg $0xFFFFFFFF  }
0xa7: {  	s28 =	simm.s32 $_size_execute0_lowered;
	s2 =	sadd.s32 s2, s4;
	[dreg:$0x0] =	wrdreg $0x0  }
0xa8: {  	s4 =	sshll.u32 s28, $0x1;
	[dreg:$0x2] =	wrdreg s2  }
0xa9: {  	[dreg:$0x3] =	wrdreg s4  }
0xaa: {  	[dreg:$0x4] =	wrdreg $0xC0  }
0xab: {  	_ =	task [dreg:s6], $0x5FFFF  }
0xac: {  	[dreg:$0x1] =	wrdreg $0xFFFFFFFF  }
0xad: {  	[dreg:$0x0] =	wrdreg $0x60  }
0xae: {  	[dreg:$0x2] =	wrdreg s24  }
0xaf: {  	[dreg:$0x3] =	wrdreg $0x12800  }
0xb0: {  	[dreg:$0x4] =	wrdreg $0x9  }
0xb1: {  	_ =	task.clear_ibuf [dreg:s6], $0x5FFFF;
	_ =	strace $0x90000055  }
0xb2: {  	s29 =	simm.s32 $0x9;
	_ =	strace $0x80000057  }
0xb3: {  	_ =	swait.ge [sflag:s29], $0x1  }
0xb4: {  	[sflag:s29] =	ssyncadd.s32 $0xFFFFFFFF  }
0xb5: {  	_ =	strace $0x90000057  }
0xb6: {  	_ =	sfence  }
0xb7: {  	s30 =	sld [smem:$0x0];
	_ =	sdelay $0x2  }
0xb8: {  	s31 =	sshll.u32 s1, $0xD;
	s1 =	sshrl.u32 s1, $0x2  }
0xb9: {  	s3 =	sand.u32 $0x4000, s31;
	s1 =	sadd.s32 s1, s30  }
0xba: {  	s0 =	sor.u32 s3, s0;
	s1 =	sshll.u32 s1, $0x11  }
0xbb: {  	s0 =	sor.u32 s1, s0  }
0xbc: {  	s0 =	sadd.s32 $0x8F2B, s0  }
0xbd: {  	[sflag:s0] =	ssyncadd.remote.s32 $0x1  }
0xbe: {  	_ =	sfence.sel $0xFFFF  }
0xbf: {  	[dreg:$0x0] =	wrdreg $0xFFFFFFFF;
	(pc) =	sbr.abs _section_cstart, $3  }
0xc0: {  	[dreg:$0x1] =	wrdreg $0xFFFFFFFF  }
0xc1: {  	_ =	task.clear_ibuf [dreg:s6], $0x2FFFF;
	_ =	strace $0x9FFFFFFF  }
0xc2: {  	(tm) =	ssettm $0x7FFFFFFF  }
0xc3: {  	_ =	shalt  }
tec
execute0_lowered:
.L_overlay_start_1:
0x0: {  	(tag) =	ssettag $0x1  }
0x1: {  	s0 =	srdreg.scid;
	s4 =	rddreg [dreg:$0x0]  }
0x2: {  	s7 =	stileid.u32;
	s1 =	rddreg [dreg:$0x1]  }
0x3: {  	s2 =	simm.s32 $0x0;
	s12 =	simm.s32 $0x200;
	s13 =	simm.s32 $0x40  }
0x4: {  	s14 =	simm.s32 $0x240;
	s15 =	simm.s32 $0x0;
	s6 =	smul.u32 $0x640, s7  }
0x5: {  	s5 =	sand.u32 $0x1, s0;
	s0 =	rddreg [dreg:$0x2];
	s11 =	smul.u32 $0x3200, s7  }
0x6: {  	[smem:$0x7FF] =	sst s2;
	p0 =	sne.s32 s7, $0x0;
	s3 =	smul.u32 $0x6400, s5  }
0x7: {  	s8 =	smul.u32 $0x32000, s5;
	s31 =	sshll.u32 s5, $0x9;
	s5 =	ssub.s32 $0x2, s5  }
0x8: {  	_ =	strace $0x80000056;
	s10 =	sshrl.u32 s5, $0x1;
	s3 =	sadd.s32 s6, s3  }
0x9: {  	s8 =	sadd.s32 s8, s4;
	s6 =	sadd.s32 s31, s4;
	s10 =	ssub.s32 s5, s10  }
0xa: {  	s3 =	sshrl.u32 s3, $0x3;
	s5 =	sadd.s32 $0xA600, s6;
	s6 =	smax.u32 s10, $0x1  }
0xb: {  	s8 =	sadd.s32 s11, s8;
	s10 =	simm.s32 $0x1;
	s11 =	simm.s32 $0x280  }
0xc: {  	s9 =	sadd.s32 s3, s4;
	s3 =	sadd.s32 $0x12A800, s4;
	s4 =	sadd.s32 $0xA400, s4  }
0xd: {  	s8 =	sadd.s32 $0x12AA00, s8;
	s7 =	sadd.s32 $0xD600, s9;
	s9 =	sshrl.u32 @!p0 s1, $0x3  }
.LBB2_1:
0xe: {  	s16 =	simm.s32 @!p0 $0x1C01  }
0xf: {  	[spmem:s9], [sflag:s16] =	dma.local @!p0 [hbm:s4], $0x200  }
0x10: {  	s16 =	simm.s32 @!p0 $0x1  }
0x11: {  	_ =	swait.ge @!p0 [sflag:s16], $0x200  }
0x12: {  	[sflag:s16] =	ssyncset.done @!p0 $0x0  }
0x13: {  	[sflag:s16] =	ssyncadd.s32 @!p0 $0xFFFFFE00  }
0x14: {  	[tilespmem:s2], [sflag:$0x1] =	stream.linear.gather [hbm4b:s3+s2], $0x200, $0x38;
	[tilespmem:$0x1380] =	vst v63  }
0x15: {  	_ =	swait.ge [sflag:s10], $0x200  }
0x16: {  	[sflag:s10] =	ssyncset.done $0x0  }
0x17: {  	[sflag:s10] =	ssyncadd.s32 $0xFFFFFE00  }
0x18: {  	[bflag:$0x0] =	sbarrier.arrive $0xFFFF  }
0x19: {  	[tilespmem:s11], [sflag:$0x1] =	stream.linear.gather [hbm4b:s8+s2], $0x1000, $0x38;
	[tilespmem:$0x1380] =	vst v63  }
0x1a: {  	_ =	swait.ge [sflag:s10], $0x1000  }
0x1b: {  	[sflag:s10] =	ssyncset.done $0x0  }
0x1c: {  	s31 =	sadd.s32 $0x0, s7;
	[sflag:s10] =	ssyncadd.s32 $0xFFFFF000  }
0x1d: {  	[tilespmem:s12], [sflag:$0x1] =	stream.linear.gather [hbm4b:s31+s2], $0x40, $0x38;
	[tilespmem:$0x1380] =	vst v63  }
0x1e: {  	_ =	swait.ge [sflag:s10], $0x40  }
0x1f: {  	[sflag:s10] =	ssyncset.done $0x0  }
0x20: {  	[sflag:s10] =	ssyncadd.s32 $0xFFFFFFC0  }
0x21: {  	v0 =	vld [tilespmem:$0x200];
	_ =	sdelay $0x5  }
0x22: {  	v1 =	vld [tilespmem:$0x210];
	_ =	sdelay $0x1  }
0x23: {  	v0 =	vld.idx.msk [tilespmem:v0+s2+$0x0], $0xffff;
	_ =	sdelay $0x3  }
0x24: {  	v2 =	vld [tilespmem:$0x220]  }
0x25: {  	[tilespmem:$0x240] =	vst v0  }
0x26: {  	v0 =	vld.idx.msk [tilespmem:v1+s2+$0x0], $0xffff;
	_ =	sdelay $0x3  }
0x27: {  	v63 =	vld [tilespmem:$0x230]  }
0x28: {  	[tilespmem:$0x250] =	vst v0  }
0x29: {  	v0 =	vld.idx.msk [tilespmem:v2+s2+$0x0], $0xffff;
	_ =	sdelay $0x4  }
0x2a: {  	[tilespmem:$0x260] =	vst v0  }
0x2b: {  	v0 =	vld.idx.msk [tilespmem:v63+s2+$0x0], $0xffff;
	_ =	sdelay $0x4  }
0x2c: {  	[tilespmem:$0x270] =	vst v0  }
0x2d: {  	[spmem:s1] =	stream.indirect.scatter.add.f32 [tilespmem:s11], [sflag:$0x1], $0x40, s14, s13, $0xb8;
	[tilespmem:$0x1380] =	vst v63  }
0x2e: {  	_ =	swait.ge [sflag:s10], $0x1000  }
0x2f: {  	s17 =	smov.u32 s8;
	s16 =	simm.s32 $0x8;
	[sflag:s10] =	ssyncset.done $0x0  }
.LBB2_2:
0x30: {  	p1 =	sne.s32 s16, $0xC0;
	[sflag:s10] =	ssyncadd.s32 $0xFFFFF000;
	s17 =	sadd.s32 $0x200, s17  }
0x31: {  	[tilespmem:s11], [sflag:$0x1] =	stream.linear.gather [hbm4b:s17+s2], $0x1000, $0x38;
	[tilespmem:$0x1380] =	vst v63  }
0x32: {  	s18 =	smov.u32 s16;
	s16 =	sadd.s32 $0x8, s16;
	_ =	swait.ge [sflag:s10], $0x1000  }
0x33: {  	[sflag:s10] =	ssyncset.done $0x0  }
0x34: {  	s18 =	sadd.s32 s18, s7;
	[sflag:s10] =	ssyncadd.s32 $0xFFFFF000  }
0x35: {  	[tilespmem:s12], [sflag:$0x1] =	stream.linear.gather [hbm4b:s18+s2], $0x40, $0x38;
	[tilespmem:$0x1380] =	vst v63  }
0x36: {  	_ =	swait.ge [sflag:s10], $0x40  }
0x37: {  	[sflag:s10] =	ssyncset.done $0x0  }
0x38: {  	[sflag:s10] =	ssyncadd.s32 $0xFFFFFFC0  }
0x39: {  	v0 =	vld [tilespmem:$0x200];
	_ =	sdelay $0x6  }
0x3a: {  	v1 =	vld [tilespmem:$0x210]  }
0x3b: {  	v0 =	vld.idx.msk [tilespmem:v0+s2+$0x0], $0xffff;
	_ =	sdelay $0x5  }
0x3c: {  	[tilespmem:$0x240] =	vst v0;
	v0 =	vld [tilespmem:$0x220]  }
0x3d: {  	v1 =	vld.idx.msk [tilespmem:v1+s2+$0x0], $0xffff;
	_ =	sdelay $0x5  }
0x3e: {  	[tilespmem:$0x250] =	vst v1;
	v1 =	vld [tilespmem:$0x230]  }
0x3f: {  	v0 =	vld.idx.msk [tilespmem:v0+s2+$0x0], $0xffff;
	_ =	sdelay $0x5  }
0x40: {  	[tilespmem:$0x260] =	vst v0  }
0x41: {  	v0 =	vld.idx.msk [tilespmem:v1+s2+$0x0], $0xffff;
	_ =	sdelay $0x4  }
.Ltmp0:
0x42: {  	(pc) =	sbr.rel @p1 .LBB2_2-.Ltmp0, $4  }
0x43: {  	[tilespmem:$0x270] =	vst v0  }
0x44: {  	[spmem:s1] =	stream.indirect.scatter.add.f32 [tilespmem:s11], [sflag:$0x1], $0x40, s14, s13, $0xb8;
	[tilespmem:$0x1380] =	vst v63  }
0x45: {  	_ =	swait.ge [sflag:s10], $0x1000  }
0x46: {  	[sflag:s10] =	ssyncset.done $0x0  }
0x47: {  	[sflag:s10] =	ssyncadd.s32 $0xFFFFF000;
	s15 =	sadd.s32 $0x1, s15  }
0x48: {  	s16 =	simm.s32 @!p0 $0x1C01;
	[bflag:$0x0] =	sbarrier.arrive $0xFFFF;
	p1 =	sne.s32 s15, s6  }
0x49: {  	[hbm:s5], [sflag:s16] =	dma.local @!p0 [spmem:s9], $0x200  }
.Ltmp1:
0x4a: {  	_ = 	snop;
	(pc) =	sbr.rel @p1 .LBB2_1-.Ltmp1, $4  }
0x4b: {  	s16 =	simm.s32 @!p0 $0x1  }
0x4c: {  	_ =	swait.ge @!p0 [sflag:s16], $0x200  }
0x4d: {  	[sflag:s16] =	ssyncset.done @!p0 $0x0  }
0x4e: {  	[sflag:s16] =	ssyncadd.s32 @!p0 $0xFFFFFE00  }
0x4f: {  	_ =	sfence.sel $0x180000  }
0x50: {  	[bflag:$0x0] =	sbarrier.arrive $0xFFFF  }
0x51: {  	_ =	strace $0x90000056  }
0x52: {  	s0 =	sadd.s32 @!p0 $0x100000, s0;
	[bflag:$0x2] =	sbarrier.arrive $0xFFFF  }
0x53: {  	[sflag:s0] =	ssyncadd.tile.s32 @!p0 $0x1;
	_ =	shalt  }
.Lfunc_end2:
_tile_overlayer_lowered:
.L_overlay_start_2:
0x54: {  	(tag) =	ssettag $0x2  }
0x55: {  	s0 =	rddreg [dreg:$0x0];
	s2 =	stileid.u32  }
0x56: {  	s1 =	rddreg [dreg:$0x1];
	p0 =	sne.s32 s2, $0x0  }
0x57: {  	s3 =	rddreg [dreg:$0x2];
	[bflag:$0x3] =	sbarrier.arrive $0xFFFF;
	s2 =	simm.s32 @!p0 $0x1C01  }
0x58: {  	[timem:s3], [sflag:s2] =	dma.local @!p0 [hbm:s0], s1  }
0x59: {  	s0 =	simm.s32 @!p0 $0x1  }
0x5a: {  	_ =	swait.ge @!p0 [sflag:s0], s1  }
0x5b: {  	s1 =	ssub.s32 @!p0 $0x0, s1;
	[sflag:s0] =	ssyncset.done @!p0 $0x0  }
0x5c: {  	[sflag:s0] =	ssyncadd.s32 @!p0 s1  }
0x5d: {  	[bflag:$0x3] =	sbarrier.arrive $0xFFFF  }
0x5e: {  	_ =	shalt  }

</sc_bundles>
